<compile_context>
chip_gen: v7x
topology: tpu7x:2x2x1
jax: 0.10.2.dev20260603
libtpu: 0.0.44.dev20260713+nightly
codegen_flags: <defaults>
</compile_context>

<pallas_src>
import functools

import jax
import jax.numpy as jnp
from jax import lax
from jax.experimental import pallas as pl
from jax.experimental.pallas import tpu as pltpu
from jax.experimental.pallas import tpu_sc as plsc

_LANES = 16
_CHUNK = 1280
_IDX_ROWS = 10
_IDX_COLS = 128
_BLK_UNROLL = 5


def _newton_sqrt(x):
    i = lax.bitcast_convert_type(x, jnp.int32)
    i = jnp.int32(0x5F3759DF) - (i >> 1)
    y = lax.bitcast_convert_type(i, jnp.float32)
    half_x = x * jnp.float32(0.5)
    for _ in range(2):
        y = y * (jnp.float32(1.5) - half_x * y * y)
    return x * y


def _make_sc_kernel(num_edges, num_chunks):
    info = plsc.get_sparse_core_info()
    num_cores, num_subcores = info.num_cores, info.num_subcores
    num_workers = num_cores * num_subcores
    steps = -(-num_chunks // num_workers)
    steps += steps % 2
    blocks = _CHUNK // _LANES

    mesh = plsc.VectorSubcoreMesh(core_axis_name="c", subcore_axis_name="s")

    @functools.partial(
        pl.kernel,
        mesh=mesh,
        compiler_params=pltpu.CompilerParams(needs_layout_passes=False,
                                             use_tc_tiling_on_sc=False),
        out_type=jax.ShapeDtypeStruct((num_edges,), jnp.float32),
        scratch_types=[
            [pltpu.VMEM((_IDX_ROWS, _IDX_COLS), jnp.int32)
             for _ in range(2)],
            [pltpu.VMEM((_IDX_ROWS, _IDX_COLS), jnp.int32)
             for _ in range(2)],
            [pltpu.VMEM((_CHUNK, _LANES), jnp.float32)
             for _ in range(2)],
            [pltpu.VMEM((_CHUNK, _LANES), jnp.float32)
             for _ in range(2)],
            [pltpu.VMEM((_CHUNK,), jnp.float32)
             for _ in range(2)],
            [pltpu.SemaphoreType.DMA for _ in range(2)],
            [pltpu.SemaphoreType.DMA for _ in range(2)],
            [pltpu.SemaphoreType.DMA for _ in range(2)],
        ],
    )
    def ldm_kernel(edge_hbm, emb_hbm, out_hbm, idx_i, idx_j, rows_i,
                   rows_j, out_v, sem_g, sem_x, sem_o):
        wid = lax.axis_index("s") * num_cores + lax.axis_index("c")
        lane_iota = lax.iota(jnp.int32, _LANES)

        def chunk_of(t):
            return wid + t * num_workers

        def copy_ids(t, s):
            c = chunk_of(t)
            pltpu.async_copy(edge_hbm.at[0, c], idx_i[s], sem_x[s])
            pltpu.async_copy(edge_hbm.at[1, c], idx_j[s], sem_x[s])

        def wait_ids(s):
            pltpu.make_async_copy(edge_hbm.at[0, 0], idx_i[s], sem_x[s]).wait()
            pltpu.make_async_copy(edge_hbm.at[0, 0], idx_j[s], sem_x[s]).wait()

        def fire_gathers(s):
            for j in range(_IDX_ROWS):
                sl = pl.ds(j * _IDX_COLS, _IDX_COLS)
                pltpu.async_copy(emb_hbm.at[idx_i[s].at[j]],
                                 rows_i[s].at[sl], sem_g[s])
                pltpu.async_copy(emb_hbm.at[idx_j[s].at[j]],
                                 rows_j[s].at[sl], sem_g[s])

        def wait_out(s):
            pltpu.make_async_copy(
                out_hbm.at[pl.ds(0, _CHUNK)], out_v[s], sem_o[s]).wait()

        def wait_gathers(s):
            dummy = emb_hbm.at[pl.ds(0, _CHUNK)]
            pltpu.make_async_copy(dummy, rows_i[s], sem_g[s]).wait()
            pltpu.make_async_copy(dummy, rows_j[s], sem_g[s]).wait()

        def compute(t, s):
            c = chunk_of(t)

            def blk(b, bcarry):
                for u in range(_BLK_UNROLL):
                    base = pl.multiple_of(
                        (b * _BLK_UNROLL + u) * _LANES, _LANES)
                    eids = base + lane_iota
                    accs = [jnp.zeros((_LANES,), jnp.float32)
                            for _ in range(4)]
                    for d in range(_LANES):
                        dvec = (lane_iota + d) & (_LANES - 1)
                        gi = plsc.load_gather(rows_i[s], [eids, dvec])
                        gj = plsc.load_gather(rows_j[s], [eids, dvec])
                        df = gi - gj
                        accs[d % 4] = accs[d % 4] + df * df
                    acc = (accs[0] + accs[1]) + (accs[2] + accs[3])
                    out_v[s][pl.ds(base, _LANES)] = _newton_sqrt(acc)
                return bcarry

            lax.fori_loop(0, blocks // _BLK_UNROLL, blk, 0)
            pltpu.async_copy(
                out_v[s],
                out_hbm.at[pl.ds(pl.multiple_of(c * _CHUNK, _CHUNK), _CHUNK)],
                sem_o[s])

        copy_ids(0, 0)
        wait_ids(0)
        fire_gathers(0)
        copy_ids(1, 1)

        def phase(t, s):
            @pl.when(chunk_of(t + 1) < num_chunks)
            def _():
                wait_ids(1 - s)
                fire_gathers(1 - s)

            @pl.when(chunk_of(t) < num_chunks)
            def _():
                wait_gathers(s)

            @pl.when(chunk_of(t + 2) < num_chunks)
            def _():
                copy_ids(t + 2, s)

            @pl.when(jnp.logical_and(t >= 2, chunk_of(t) < num_chunks))
            def _():
                wait_out(s)

            @pl.when(chunk_of(t) < num_chunks)
            def _():
                compute(t, s)

        def pair(p, carry):
            t0 = p * 2
            phase(t0, 0)
            phase(t0 + 1, 1)
            return carry

        lax.fori_loop(0, steps // 2, pair, 0)
        wait_out(0)
        wait_out(1)

    return ldm_kernel


def kernel(edge_index, embeddings):
    num_edges = edge_index.shape[1]
    assert num_edges % _CHUNK == 0
    num_chunks = num_edges // _CHUNK
    edge_blocks = edge_index.astype(jnp.int32).reshape(
        2, num_chunks, _IDX_ROWS, _IDX_COLS)
    sc_kernel = _make_sc_kernel(num_edges, num_chunks)
    return sc_kernel(edge_blocks, embeddings)

# --- scband reference (transcript-rebuilt; emitter-appended) ---
"""Pipeline reference for scband-latent-distance-model-75256416961156 (READ-ONLY COPY).

The authoritative reference and input builder live on the scoring server;
editing this copy changes nothing except your own understanding.
"""

import jax, jax.numpy as jnp
import numpy as np

NUM_NODES = 100000
EMBED_DIM = 16
NUM_EDGES = 3200000


def setup_inputs(seed: int = 0) -> dict:
    key = jax.random.key(seed)
    k1, k2 = jax.random.split(key)
    edge_index = jax.random.randint(k1, (2, NUM_EDGES), 0, NUM_NODES, dtype=jnp.int64 if jax.config.jax_enable_x64 else jnp.int32)
    embeddings = jax.random.normal(k2, (NUM_NODES, EMBED_DIM), dtype=jnp.float32)
    return {"edge_index": edge_index, "embeddings": embeddings}


def reference(edge_index, embeddings):
    # z_i = self.embeddings(edge_index[0]); z_j = self.embeddings(edge_index[1])
    z_i = jnp.take(embeddings, edge_index[0], axis=0)
    z_j = jnp.take(embeddings, edge_index[1], axis=0)
    # torch.norm(z_i - z_j, dim=1) -> L2 norm over feature dim
    diff = z_i - z_j
    distance = jnp.sqrt(jnp.sum(diff * diff, axis=1))
    return distance

if __name__ == "__main__":
    import jax
    _d = setup_inputs()
    print(jax.jit(kernel)(*tuple(_d.values())))

</pallas_src>

<mosaic_0001>
#map = affine_map<(d0, d1) -> (0, 0, 0, 0)>
#map1 = affine_map<(d0, d1) -> (0, 0)>
#map2 = affine_map<(d0, d1) -> (0)>
module attributes {stable_mosaic.version = 14 : i64} {
  func.func @ldm_kernel(%arg0: i32, %arg1: i32, %arg2: memref<2x2500x10x128xi32, #tpu.memory_space<hbm>>, %arg3: memref<100000x16xf32, #tpu.memory_space<hbm>>, %arg4: memref<3200000xf32, #tpu.memory_space<hbm>>, %arg5: memref<10x128xi32, #tpu.memory_space<vmem>>, %arg6: memref<10x128xi32, #tpu.memory_space<vmem>>, %arg7: memref<10x128xi32, #tpu.memory_space<vmem>>, %arg8: memref<10x128xi32, #tpu.memory_space<vmem>>, %arg9: memref<1280x16xf32, #tpu.memory_space<vmem>>, %arg10: memref<1280x16xf32, #tpu.memory_space<vmem>>, %arg11: memref<1280x16xf32, #tpu.memory_space<vmem>>, %arg12: memref<1280x16xf32, #tpu.memory_space<vmem>>, %arg13: memref<1280xf32, #tpu.memory_space<vmem>>, %arg14: memref<1280xf32, #tpu.memory_space<vmem>>, %arg15: memref<!tpu.dma_semaphore, #tpu.memory_space<semaphore_mem>>, %arg16: memref<!tpu.dma_semaphore, #tpu.memory_space<semaphore_mem>>, %arg17: memref<!tpu.dma_semaphore, #tpu.memory_space<semaphore_mem>>, %arg18: memref<!tpu.dma_semaphore, #tpu.memory_space<semaphore_mem>>, %arg19: memref<!tpu.dma_semaphore, #tpu.memory_space<semaphore_mem>>, %arg20: memref<!tpu.dma_semaphore, #tpu.memory_space<semaphore_mem>>) attributes {dimension_semantics = [#tpu.dimension_semantics<core_parallel>, #tpu.dimension_semantics<subcore_parallel>], iteration_bounds = array<i64: 2, 16>, scalar_prefetch = 0 : i64, scratch_operands = 16 : i64, tpu.core_type = #tpu.core_type<sc_vector_subcore>, window_params = [{transform_indices = #map}, {transform_indices = #map1}, {transform_indices = #map2}]} {
    %mul3A = arith.constant 2 : i32
    %mul3A_0 = arith.muli %arg1, %mul3A : i32
    %add3A = arith.addi %mul3A_0, %arg0 : i32
    %iota3A = tpu.iota {dimensions = array<i32: 0>} : vector<16xi32>
    %add3A_1 = arith.constant 0 : i32
    %add3A_2 = arith.addi %add3A, %add3A_1 : i32
    %dma_start3A = arith.constant 0 : i32
    %dma_start3A_3 = arith.constant 0 : i32
    %dma_start3A_4 = arith.constant 0 : i32
    %dma_start3A_5 = tpu.memref_slice %arg2[%dma_start3A, %add3A_2, %dma_start3A_3, %dma_start3A_4] : memref<2x2500x10x128xi32, #tpu.memory_space<hbm>> -> memref<1x1x10x128xi32, #tpu.memory_space<hbm>>
    %dma_start3A_6 = tpu.memref_squeeze %dma_start3A_5 : memref<1x1x10x128xi32, #tpu.memory_space<hbm>> -> memref<10x128xi32, #tpu.memory_space<hbm>>
    %dma_start3A_7 = arith.constant 0 : i32
    %dma_start3A_8 = arith.constant 0 : i32
    %dma_start3A_9 = tpu.memref_slice %arg2[%dma_start3A, %add3A_2, %dma_start3A_7, %dma_start3A_8] : memref<2x2500x10x128xi32, #tpu.memory_space<hbm>> -> memref<1x1x10x128xi32, #tpu.memory_space<hbm>>
    %dma_start3A_10 = tpu.memref_squeeze %dma_start3A_9 : memref<1x1x10x128xi32, #tpu.memory_space<hbm>> -> memref<10x128xi32, #tpu.memory_space<hbm>>
    tpu.enqueue_dma source(%dma_start3A_10 : memref<10x128xi32, #tpu.memory_space<hbm>>) target(%arg5 : memref<10x128xi32, #tpu.memory_space<vmem>>) target_semaphore(%arg17 : memref<!tpu.dma_semaphore, #tpu.memory_space<semaphore_mem>>)
    %dma_start3A_11 = arith.constant 1 : i32
    %dma_start3A_12 = arith.constant 0 : i32
    %dma_start3A_13 = arith.constant 0 : i32
    %dma_start3A_14 = tpu.memref_slice %arg2[%dma_start3A_11, %add3A_2, %dma_start3A_12, %dma_start3A_13] : memref<2x2500x10x128xi32, #tpu.memory_space<hbm>> -> memref<1x1x10x128xi32, #tpu.memory_space<hbm>>
    %dma_start3A_15 = tpu.memref_squeeze %dma_start3A_14 : memref<1x1x10x128xi32, #tpu.memory_space<hbm>> -> memref<10x128xi32, #tpu.memory_space<hbm>>
    %dma_start3A_16 = arith.constant 0 : i32
    %dma_start3A_17 = arith.constant 0 : i32
    %dma_start3A_18 = tpu.memref_slice %arg2[%dma_start3A_11, %add3A_2, %dma_start3A_16, %dma_start3A_17] : memref<2x2500x10x128xi32, #tpu.memory_space<hbm>> -> memref<1x1x10x128xi32, #tpu.memory_space<hbm>>
    %dma_start3A_19 = tpu.memref_squeeze %dma_start3A_18 : memref<1x1x10x128xi32, #tpu.memory_space<hbm>> -> memref<10x128xi32, #tpu.memory_space<hbm>>
    tpu.enqueue_dma source(%dma_start3A_19 : memref<10x128xi32, #tpu.memory_space<hbm>>) target(%arg7 : memref<10x128xi32, #tpu.memory_space<vmem>>) target_semaphore(%arg17 : memref<!tpu.dma_semaphore, #tpu.memory_space<semaphore_mem>>)
    %dma_wait3A = arith.constant 0 : i32
    %dma_wait3A_20 = arith.constant 0 : i32
    %dma_wait3A_21 = arith.constant 0 : i32
    %dma_wait3A_22 = arith.constant 0 : i32
    %dma_wait3A_23 = tpu.memref_slice %arg2[%dma_wait3A, %dma_wait3A_20, %dma_wait3A_21, %dma_wait3A_22] : memref<2x2500x10x128xi32, #tpu.memory_space<hbm>> -> memref<1x1x10x128xi32, #tpu.memory_space<hbm>>
    %dma_wait3A_24 = tpu.memref_squeeze %dma_wait3A_23 : memref<1x1x10x128xi32, #tpu.memory_space<hbm>> -> memref<10x128xi32, #tpu.memory_space<hbm>>
    %dma_wait3A_25 = arith.constant 0 : i32
    %dma_wait3A_26 = arith.constant 0 : i32
    %dma_wait3A_27 = tpu.memref_slice %arg2[%dma_wait3A, %dma_wait3A_20, %dma_wait3A_25, %dma_wait3A_26] : memref<2x2500x10x128xi32, #tpu.memory_space<hbm>> -> memref<1x1x10x128xi32, #tpu.memory_space<hbm>>
    %dma_wait3A_28 = tpu.memref_squeeze %dma_wait3A_27 : memref<1x1x10x128xi32, #tpu.memory_space<hbm>> -> memref<10x128xi32, #tpu.memory_space<hbm>>
    tpu.wait_dma2 semaphore(%arg17 : memref<!tpu.dma_semaphore, #tpu.memory_space<semaphore_mem>>) src(%dma_wait3A_28 : memref<10x128xi32, #tpu.memory_space<hbm>>) dst(%arg5 : memref<10x128xi32, #tpu.memory_space<vmem>>)
    %dma_wait3A_29 = arith.constant 0 : i32
    %dma_wait3A_30 = arith.constant 0 : i32
    %dma_wait3A_31 = arith.constant 0 : i32
    %dma_wait3A_32 = arith.constant 0 : i32
    %dma_wait3A_33 = tpu.memref_slice %arg2[%dma_wait3A_29, %dma_wait3A_30, %dma_wait3A_31, %dma_wait3A_32] : memref<2x2500x10x128xi32, #tpu.memory_space<hbm>> -> memref<1x1x10x128xi32, #tpu.memory_space<hbm>>
    %dma_wait3A_34 = tpu.memref_squeeze %dma_wait3A_33 : memref<1x1x10x128xi32, #tpu.memory_space<hbm>> -> memref<10x128xi32, #tpu.memory_space<hbm>>
    %dma_wait3A_35 = arith.constant 0 : i32
    %dma_wait3A_36 = arith.constant 0 : i32
    %dma_wait3A_37 = tpu.memref_slice %arg2[%dma_wait3A_29, %dma_wait3A_30, %dma_wait3A_35, %dma_wait3A_36] : memref<2x2500x10x128xi32, #tpu.memory_space<hbm>> -> memref<1x1x10x128xi32, #tpu.memory_space<hbm>>
    %dma_wait3A_38 = tpu.memref_squeeze %dma_wait3A_37 : memref<1x1x10x128xi32, #tpu.memory_space<hbm>> -> memref<10x128xi32, #tpu.memory_space<hbm>>
    tpu.wait_dma2 semaphore(%arg17 : memref<!tpu.dma_semaphore, #tpu.memory_space<semaphore_mem>>) src(%dma_wait3A_38 : memref<10x128xi32, #tpu.memory_space<hbm>>) dst(%arg7 : memref<10x128xi32, #tpu.memory_space<vmem>>)
    %dma_start3A_39 = arith.constant 0 : i32
    %dma_start3A_40 = arith.constant 0 : i32
    %dma_start3A_41 = arith.constant 0 : i32
    %dma_start3A_42 = tpu.memref_slice %arg9[%dma_start3A_40, %dma_start3A_41] : memref<1280x16xf32, #tpu.memory_space<vmem>> -> memref<128x16xf32, #tpu.memory_space<vmem>>
    %dma_start3A_43 = arith.constant 0 : i32
    %dma_start3A_44 = tpu.memref_slice %arg5[%dma_start3A_39, %dma_start3A_43] : memref<10x128xi32, #tpu.memory_space<vmem>> -> memref<1x128xi32, #tpu.memory_space<vmem>>
    %dma_start3A_45 = tpu.memref_squeeze %dma_start3A_44 : memref<1x128xi32, #tpu.memory_space<vmem>> -> memref<128xi32, #tpu.memory_space<vmem>>
    %dma_start3A_46 = arith.constant 0 : i32
    %dma_start3A_47 = arith.constant 0 : i32
    %dma_start3A_48 = tpu.memref_slice %arg3[%dma_start3A_46, %dma_start3A_47] : memref<100000x16xf32, #tpu.memory_space<hbm>> -> memref<100000x16xf32, #tpu.memory_space<hbm>>
    tpu.enqueue_indirect_dma source(%dma_start3A_48 : memref<100000x16xf32, #tpu.memory_space<hbm>>) target(%dma_start3A_42 : memref<128x16xf32, #tpu.memory_space<vmem>>) offsets(%dma_start3A_45 : memref<128xi32, #tpu.memory_space<vmem>>) semaphore(%arg15 : memref<!tpu.dma_semaphore, #tpu.memory_space<semaphore_mem>>)
    %dma_start3A_49 = arith.constant 0 : i32
    %dma_start3A_50 = arith.constant 0 : i32
    %dma_start3A_51 = arith.constant 0 : i32
    %dma_start3A_52 = tpu.memref_slice %arg11[%dma_start3A_50, %dma_start3A_51] : memref<1280x16xf32, #tpu.memory_space<vmem>> -> memref<128x16xf32, #tpu.memory_space<vmem>>
    %dma_start3A_53 = arith.constant 0 : i32
    %dma_start3A_54 = tpu.memref_slice %arg7[%dma_start3A_49, %dma_start3A_53] : memref<10x128xi32, #tpu.memory_space<vmem>> -> memref<1x128xi32, #tpu.memory_space<vmem>>
    %dma_start3A_55 = tpu.memref_squeeze %dma_start3A_54 : memref<1x128xi32, #tpu.memory_space<vmem>> -> memref<128xi32, #tpu.memory_space<vmem>>
    %dma_start3A_56 = arith.constant 0 : i32
    %dma_start3A_57 = arith.constant 0 : i32
    %dma_start3A_58 = tpu.memref_slice %arg3[%dma_start3A_56, %dma_start3A_57] : memref<100000x16xf32, #tpu.memory_space<hbm>> -> memref<100000x16xf32, #tpu.memory_space<hbm>>
    tpu.enqueue_indirect_dma source(%dma_start3A_58 : memref<100000x16xf32, #tpu.memory_space<hbm>>) target(%dma_start3A_52 : memref<128x16xf32, #tpu.memory_space<vmem>>) offsets(%dma_start3A_55 : memref<128xi32, #tpu.memory_space<vmem>>) semaphore(%arg15 : memref<!tpu.dma_semaphore, #tpu.memory_space<semaphore_mem>>)
    %dma_start3A_59 = arith.constant 1 : i32
    %dma_start3A_60 = arith.constant 128 : i32
    %dma_start3A_61 = arith.constant 0 : i32
    %dma_start3A_62 = tpu.memref_slice %arg9[%dma_start3A_60, %dma_start3A_61] : memref<1280x16xf32, #tpu.memory_space<vmem>> -> memref<128x16xf32, #tpu.memory_space<vmem>>
    %dma_start3A_63 = arith.constant 0 : i32
    %dma_start3A_64 = tpu.memref_slice %arg5[%dma_start3A_59, %dma_start3A_63] : memref<10x128xi32, #tpu.memory_space<vmem>> -> memref<1x128xi32, #tpu.memory_space<vmem>>
    %dma_start3A_65 = tpu.memref_squeeze %dma_start3A_64 : memref<1x128xi32, #tpu.memory_space<vmem>> -> memref<128xi32, #tpu.memory_space<vmem>>
    %dma_start3A_66 = arith.constant 0 : i32
    %dma_start3A_67 = arith.constant 0 : i32
    %dma_start3A_68 = tpu.memref_slice %arg3[%dma_start3A_66, %dma_start3A_67] : memref<100000x16xf32, #tpu.memory_space<hbm>> -> memref<100000x16xf32, #tpu.memory_space<hbm>>
    tpu.enqueue_indirect_dma source(%dma_start3A_68 : memref<100000x16xf32, #tpu.memory_space<hbm>>) target(%dma_start3A_62 : memref<128x16xf32, #tpu.memory_space<vmem>>) offsets(%dma_start3A_65 : memref<128xi32, #tpu.memory_space<vmem>>) semaphore(%arg15 : memref<!tpu.dma_semaphore, #tpu.memory_space<semaphore_mem>>)
    %dma_start3A_69 = arith.constant 1 : i32
    %dma_start3A_70 = arith.constant 128 : i32
    %dma_start3A_71 = arith.constant 0 : i32
    %dma_start3A_72 = tpu.memref_slice %arg11[%dma_start3A_70, %dma_start3A_71] : memref<1280x16xf32, #tpu.memory_space<vmem>> -> memref<128x16xf32, #tpu.memory_space<vmem>>
    %dma_start3A_73 = arith.constant 0 : i32
    %dma_start3A_74 = tpu.memref_slice %arg7[%dma_start3A_69, %dma_start3A_73] : memref<10x128xi32, #tpu.memory_space<vmem>> -> memref<1x128xi32, #tpu.memory_space<vmem>>
    %dma_start3A_75 = tpu.memref_squeeze %dma_start3A_74 : memref<1x128xi32, #tpu.memory_space<vmem>> -> memref<128xi32, #tpu.memory_space<vmem>>
    %dma_start3A_76 = arith.constant 0 : i32
    %dma_start3A_77 = arith.constant 0 : i32
    %dma_start3A_78 = tpu.memref_slice %arg3[%dma_start3A_76, %dma_start3A_77] : memref<100000x16xf32, #tpu.memory_space<hbm>> -> memref<100000x16xf32, #tpu.memory_space<hbm>>
    tpu.enqueue_indirect_dma source(%dma_start3A_78 : memref<100000x16xf32, #tpu.memory_space<hbm>>) target(%dma_start3A_72 : memref<128x16xf32, #tpu.memory_space<vmem>>) offsets(%dma_start3A_75 : memref<128xi32, #tpu.memory_space<vmem>>) semaphore(%arg15 : memref<!tpu.dma_semaphore, #tpu.memory_space<semaphore_mem>>)
    %dma_start3A_79 = arith.constant 2 : i32
    %dma_start3A_80 = arith.constant 256 : i32
    %dma_start3A_81 = arith.constant 0 : i32
    %dma_start3A_82 = tpu.memref_slice %arg9[%dma_start3A_80, %dma_start3A_81] : memref<1280x16xf32, #tpu.memory_space<vmem>> -> memref<128x16xf32, #tpu.memory_space<vmem>>
    %dma_start3A_83 = arith.constant 0 : i32
    %dma_start3A_84 = tpu.memref_slice %arg5[%dma_start3A_79, %dma_start3A_83] : memref<10x128xi32, #tpu.memory_space<vmem>> -> memref<1x128xi32, #tpu.memory_space<vmem>>
    %dma_start3A_85 = tpu.memref_squeeze %dma_start3A_84 : memref<1x128xi32, #tpu.memory_space<vmem>> -> memref<128xi32, #tpu.memory_space<vmem>>
    %dma_start3A_86 = arith.constant 0 : i32
    %dma_start3A_87 = arith.constant 0 : i32
    %dma_start3A_88 = tpu.memref_slice %arg3[%dma_start3A_86, %dma_start3A_87] : memref<100000x16xf32, #tpu.memory_space<hbm>> -> memref<100000x16xf32, #tpu.memory_space<hbm>>
    tpu.enqueue_indirect_dma source(%dma_start3A_88 : memref<100000x16xf32, #tpu.memory_space<hbm>>) target(%dma_start3A_82 : memref<128x16xf32, #tpu.memory_space<vmem>>) offsets(%dma_start3A_85 : memref<128xi32, #tpu.memory_space<vmem>>) semaphore(%arg15 : memref<!tpu.dma_semaphore, #tpu.memory_space<semaphore_mem>>)
    %dma_start3A_89 = arith.constant 2 : i32
    %dma_start3A_90 = arith.constant 256 : i32
    %dma_start3A_91 = arith.constant 0 : i32
    %dma_start3A_92 = tpu.memref_slice %arg11[%dma_start3A_90, %dma_start3A_91] : memref<1280x16xf32, #tpu.memory_space<vmem>> -> memref<128x16xf32, #tpu.memory_space<vmem>>
    %dma_start3A_93 = arith.constant 0 : i32
    %dma_start3A_94 = tpu.memref_slice %arg7[%dma_start3A_89, %dma_start3A_93] : memref<10x128xi32, #tpu.memory_space<vmem>> -> memref<1x128xi32, #tpu.memory_space<vmem>>
    %dma_start3A_95 = tpu.memref_squeeze %dma_start3A_94 : memref<1x128xi32, #tpu.memory_space<vmem>> -> memref<128xi32, #tpu.memory_space<vmem>>
    %dma_start3A_96 = arith.constant 0 : i32
    %dma_start3A_97 = arith.constant 0 : i32
    %dma_start3A_98 = tpu.memref_slice %arg3[%dma_start3A_96, %dma_start3A_97] : memref<100000x16xf32, #tpu.memory_space<hbm>> -> memref<100000x16xf32, #tpu.memory_space<hbm>>
    tpu.enqueue_indirect_dma source(%dma_start3A_98 : memref<100000x16xf32, #tpu.memory_space<hbm>>) target(%dma_start3A_92 : memref<128x16xf32, #tpu.memory_space<vmem>>) offsets(%dma_start3A_95 : memref<128xi32, #tpu.memory_space<vmem>>) semaphore(%arg15 : memref<!tpu.dma_semaphore, #tpu.memory_space<semaphore_mem>>)
    %dma_start3A_99 = arith.constant 3 : i32
    %dma_start3A_100 = arith.constant 384 : i32
    %dma_start3A_101 = arith.constant 0 : i32
    %dma_start3A_102 = tpu.memref_slice %arg9[%dma_start3A_100, %dma_start3A_101] : memref<1280x16xf32, #tpu.memory_space<vmem>> -> memref<128x16xf32, #tpu.memory_space<vmem>>
    %dma_start3A_103 = arith.constant 0 : i32
    %dma_start3A_104 = tpu.memref_slice %arg5[%dma_start3A_99, %dma_start3A_103] : memref<10x128xi32, #tpu.memory_space<vmem>> -> memref<1x128xi32, #tpu.memory_space<vmem>>
    %dma_start3A_105 = tpu.memref_squeeze %dma_start3A_104 : memref<1x128xi32, #tpu.memory_space<vmem>> -> memref<128xi32, #tpu.memory_space<vmem>>
    %dma_start3A_106 = arith.constant 0 : i32
    %dma_start3A_107 = arith.constant 0 : i32
    %dma_start3A_108 = tpu.memref_slice %arg3[%dma_start3A_106, %dma_start3A_107] : memref<100000x16xf32, #tpu.memory_space<hbm>> -> memref<100000x16xf32, #tpu.memory_space<hbm>>
    tpu.enqueue_indirect_dma source(%dma_start3A_108 : memref<100000x16xf32, #tpu.memory_space<hbm>>) target(%dma_start3A_102 : memref<128x16xf32, #tpu.memory_space<vmem>>) offsets(%dma_start3A_105 : memref<128xi32, #tpu.memory_space<vmem>>) semaphore(%arg15 : memref<!tpu.dma_semaphore, #tpu.memory_space<semaphore_mem>>)
    %dma_start3A_109 = arith.constant 3 : i32
    %dma_start3A_110 = arith.constant 384 : i32
    %dma_start3A_111 = arith.constant 0 : i32
    %dma_start3A_112 = tpu.memref_slice %arg11[%dma_start3A_110, %dma_start3A_111] : memref<1280x16xf32, #tpu.memory_space<vmem>> -> memref<128x16xf32, #tpu.memory_space<vmem>>
    %dma_start3A_113 = arith.constant 0 : i32
    %dma_start3A_114 = tpu.memref_slice %arg7[%dma_start3A_109, %dma_start3A_113] : memref<10x128xi32, #tpu.memory_space<vmem>> -> memref<1x128xi32, #tpu.memory_space<vmem>>
    %dma_start3A_115 = tpu.memref_squeeze %dma_start3A_114 : memref<1x128xi32, #tpu.memory_space<vmem>> -> memref<128xi32, #tpu.memory_space<vmem>>
    %dma_start3A_116 = arith.constant 0 : i32
    %dma_start3A_117 = arith.constant 0 : i32
    %dma_start3A_118 = tpu.memref_slice %arg3[%dma_start3A_116, %dma_start3A_117] : memref<100000x16xf32, #tpu.memory_space<hbm>> -> memref<100000x16xf32, #tpu.memory_space<hbm>>
    tpu.enqueue_indirect_dma source(%dma_start3A_118 : memref<100000x16xf32, #tpu.memory_space<hbm>>) target(%dma_start3A_112 : memref<128x16xf32, #tpu.memory_space<vmem>>) offsets(%dma_start3A_115 : memref<128xi32, #tpu.memory_space<vmem>>) semaphore(%arg15 : memref<!tpu.dma_semaphore, #tpu.memory_space<semaphore_mem>>)
    %dma_start3A_119 = arith.constant 4 : i32
    %dma_start3A_120 = arith.constant 512 : i32
    %dma_start3A_121 = arith.constant 0 : i32
    %dma_start3A_122 = tpu.memref_slice %arg9[%dma_start3A_120, %dma_start3A_121] : memref<1280x16xf32, #tpu.memory_space<vmem>> -> memref<128x16xf32, #tpu.memory_space<vmem>>
    %dma_start3A_123 = arith.constant 0 : i32
    %dma_start3A_124 = tpu.memref_slice %arg5[%dma_start3A_119, %dma_start3A_123] : memref<10x128xi32, #tpu.memory_space<vmem>> -> memref<1x128xi32, #tpu.memory_space<vmem>>
    %dma_start3A_125 = tpu.memref_squeeze %dma_start3A_124 : memref<1x128xi32, #tpu.memory_space<vmem>> -> memref<128xi32, #tpu.memory_space<vmem>>
    %dma_start3A_126 = arith.constant 0 : i32
    %dma_start3A_127 = arith.constant 0 : i32
    %dma_start3A_128 = tpu.memref_slice %arg3[%dma_start3A_126, %dma_start3A_127] : memref<100000x16xf32, #tpu.memory_space<hbm>> -> memref<100000x16xf32, #tpu.memory_space<hbm>>
    tpu.enqueue_indirect_dma source(%dma_start3A_128 : memref<100000x16xf32, #tpu.memory_space<hbm>>) target(%dma_start3A_122 : memref<128x16xf32, #tpu.memory_space<vmem>>) offsets(%dma_start3A_125 : memref<128xi32, #tpu.memory_space<vmem>>) semaphore(%arg15 : memref<!tpu.dma_semaphore, #tpu.memory_space<semaphore_mem>>)
    %dma_start3A_129 = arith.constant 4 : i32
    %dma_start3A_130 = arith.constant 512 : i32
    %dma_start3A_131 = arith.constant 0 : i32
    %dma_start3A_132 = tpu.memref_slice %arg11[%dma_start3A_130, %dma_start3A_131] : memref<1280x16xf32, #tpu.memory_space<vmem>> -> memref<128x16xf32, #tpu.memory_space<vmem>>
    %dma_start3A_133 = arith.constant 0 : i32
    %dma_start3A_134 = tpu.memref_slice %arg7[%dma_start3A_129, %dma_start3A_133] : memref<10x128xi32, #tpu.memory_space<vmem>> -> memref<1x128xi32, #tpu.memory_space<vmem>>
    %dma_start3A_135 = tpu.memref_squeeze %dma_start3A_134 : memref<1x128xi32, #tpu.memory_space<vmem>> -> memref<128xi32, #tpu.memory_space<vmem>>
    %dma_start3A_136 = arith.constant 0 : i32
    %dma_start3A_137 = arith.constant 0 : i32
    %dma_start3A_138 = tpu.memref_slice %arg3[%dma_start3A_136, %dma_start3A_137] : memref<100000x16xf32, #tpu.memory_space<hbm>> -> memref<100000x16xf32, #tpu.memory_space<hbm>>
    tpu.enqueue_indirect_dma source(%dma_start3A_138 : memref<100000x16xf32, #tpu.memory_space<hbm>>) target(%dma_start3A_132 : memref<128x16xf32, #tpu.memory_space<vmem>>) offsets(%dma_start3A_135 : memref<128xi32, #tpu.memory_space<vmem>>) semaphore(%arg15 : memref<!tpu.dma_semaphore, #tpu.memory_space<semaphore_mem>>)
    %dma_start3A_139 = arith.constant 5 : i32
    %dma_start3A_140 = arith.constant 640 : i32
    %dma_start3A_141 = arith.constant 0 : i32
    %dma_start3A_142 = tpu.memref_slice %arg9[%dma_start3A_140, %dma_start3A_141] : memref<1280x16xf32, #tpu.memory_space<vmem>> -> memref<128x16xf32, #tpu.memory_space<vmem>>
    %dma_start3A_143 = arith.constant 0 : i32
    %dma_start3A_144 = tpu.memref_slice %arg5[%dma_start3A_139, %dma_start3A_143] : memref<10x128xi32, #tpu.memory_space<vmem>> -> memref<1x128xi32, #tpu.memory_space<vmem>>
    %dma_start3A_145 = tpu.memref_squeeze %dma_start3A_144 : memref<1x128xi32, #tpu.memory_space<vmem>> -> memref<128xi32, #tpu.memory_space<vmem>>
    %dma_start3A_146 = arith.constant 0 : i32
    %dma_start3A_147 = arith.constant 0 : i32
    %dma_start3A_148 = tpu.memref_slice %arg3[%dma_start3A_146, %dma_start3A_147] : memref<100000x16xf32, #tpu.memory_space<hbm>> -> memref<100000x16xf32, #tpu.memory_space<hbm>>
    tpu.enqueue_indirect_dma source(%dma_start3A_148 : memref<100000x16xf32, #tpu.memory_space<hbm>>) target(%dma_start3A_142 : memref<128x16xf32, #tpu.memory_space<vmem>>) offsets(%dma_start3A_145 : memref<128xi32, #tpu.memory_space<vmem>>) semaphore(%arg15 : memref<!tpu.dma_semaphore, #tpu.memory_space<semaphore_mem>>)
    %dma_start3A_149 = arith.constant 5 : i32
    %dma_start3A_150 = arith.constant 640 : i32
    %dma_start3A_151 = arith.constant 0 : i32
    %dma_start3A_152 = tpu.memref_slice %arg11[%dma_start3A_150, %dma_start3A_151] : memref<1280x16xf32, #tpu.memory_space<vmem>> -> memref<128x16xf32, #tpu.memory_space<vmem>>
    %dma_start3A_153 = arith.constant 0 : i32
    %dma_start3A_154 = tpu.memref_slice %arg7[%dma_start3A_149, %dma_start3A_153] : memref<10x128xi32, #tpu.memory_space<vmem>> -> memref<1x128xi32, #tpu.memory_space<vmem>>
    %dma_start3A_155 = tpu.memref_squeeze %dma_start3A_154 : memref<1x128xi32, #tpu.memory_space<vmem>> -> memref<128xi32, #tpu.memory_space<vmem>>
    %dma_start3A_156 = arith.constant 0 : i32
    %dma_start3A_157 = arith.constant 0 : i32
    %dma_start3A_158 = tpu.memref_slice %arg3[%dma_start3A_156, %dma_start3A_157] : memref<100000x16xf32, #tpu.memory_space<hbm>> -> memref<100000x16xf32, #tpu.memory_space<hbm>>
    tpu.enqueue_indirect_dma source(%dma_start3A_158 : memref<100000x16xf32, #tpu.memory_space<hbm>>) target(%dma_start3A_152 : memref<128x16xf32, #tpu.memory_space<vmem>>) offsets(%dma_start3A_155 : memref<128xi32, #tpu.memory_space<vmem>>) semaphore(%arg15 : memref<!tpu.dma_semaphore, #tpu.memory_space<semaphore_mem>>)
    %dma_start3A_159 = arith.constant 6 : i32
    %dma_start3A_160 = arith.constant 768 : i32
    %dma_start3A_161 = arith.constant 0 : i32
    %dma_start3A_162 = tpu.memref_slice %arg9[%dma_start3A_160, %dma_start3A_161] : memref<1280x16xf32, #tpu.memory_space<vmem>> -> memref<128x16xf32, #tpu.memory_space<vmem>>
    %dma_start3A_163 = arith.constant 0 : i32
    %dma_start3A_164 = tpu.memref_slice %arg5[%dma_start3A_159, %dma_start3A_163] : memref<10x128xi32, #tpu.memory_space<vmem>> -> memref<1x128xi32, #tpu.memory_space<vmem>>
    %dma_start3A_165 = tpu.memref_squeeze %dma_start3A_164 : memref<1x128xi32, #tpu.memory_space<vmem>> -> memref<128xi32, #tpu.memory_space<vmem>>
    %dma_start3A_166 = arith.constant 0 : i32
    %dma_start3A_167 = arith.constant 0 : i32
    %dma_start3A_168 = tpu.memref_slice %arg3[%dma_start3A_166, %dma_start3A_167] : memref<100000x16xf32, #tpu.memory_space<hbm>> -> memref<100000x16xf32, #tpu.memory_space<hbm>>
    tpu.enqueue_indirect_dma source(%dma_start3A_168 : memref<100000x16xf32, #tpu.memory_space<hbm>>) target(%dma_start3A_162 : memref<128x16xf32, #tpu.memory_space<vmem>>) offsets(%dma_start3A_165 : memref<128xi32, #tpu.memory_space<vmem>>) semaphore(%arg15 : memref<!tpu.dma_semaphore, #tpu.memory_space<semaphore_mem>>)
    %dma_start3A_169 = arith.constant 6 : i32
    %dma_start3A_170 = arith.constant 768 : i32
    %dma_start3A_171 = arith.constant 0 : i32
    %dma_start3A_172 = tpu.memref_slice %arg11[%dma_start3A_170, %dma_start3A_171] : memref<1280x16xf32, #tpu.memory_space<vmem>> -> memref<128x16xf32, #tpu.memory_space<vmem>>
    %dma_start3A_173 = arith.constant 0 : i32
    %dma_start3A_174 = tpu.memref_slice %arg7[%dma_start3A_169, %dma_start3A_173] : memref<10x128xi32, #tpu.memory_space<vmem>> -> memref<1x128xi32, #tpu.memory_space<vmem>>
    %dma_start3A_175 = tpu.memref_squeeze %dma_start3A_174 : memref<1x128xi32, #tpu.memory_space<vmem>> -> memref<128xi32, #tpu.memory_space<vmem>>
    %dma_start3A_176 = arith.constant 0 : i32
    %dma_start3A_177 = arith.constant 0 : i32
    %dma_start3A_178 = tpu.memref_slice %arg3[%dma_start3A_176, %dma_start3A_177] : memref<100000x16xf32, #tpu.memory_space<hbm>> -> memref<100000x16xf32, #tpu.memory_space<hbm>>
    tpu.enqueue_indirect_dma source(%dma_start3A_178 : memref<100000x16xf32, #tpu.memory_space<hbm>>) target(%dma_start3A_172 : memref<128x16xf32, #tpu.memory_space<vmem>>) offsets(%dma_start3A_175 : memref<128xi32, #tpu.memory_space<vmem>>) semaphore(%arg15 : memref<!tpu.dma_semaphore, #tpu.memory_space<semaphore_mem>>)
    %dma_start3A_179 = arith.constant 7 : i32
    %dma_start3A_180 = arith.constant 896 : i32
    %dma_start3A_181 = arith.constant 0 : i32
    %dma_start3A_182 = tpu.memref_slice %arg9[%dma_start3A_180, %dma_start3A_181] : memref<1280x16xf32, #tpu.memory_space<vmem>> -> memref<128x16xf32, #tpu.memory_space<vmem>>
    %dma_start3A_183 = arith.constant 0 : i32
    %dma_start3A_184 = tpu.memref_slice %arg5[%dma_start3A_179, %dma_start3A_183] : memref<10x128xi32, #tpu.memory_space<vmem>> -> memref<1x128xi32, #tpu.memory_space<vmem>>
    %dma_start3A_185 = tpu.memref_squeeze %dma_start3A_184 : memref<1x128xi32, #tpu.memory_space<vmem>> -> memref<128xi32, #tpu.memory_space<vmem>>
    %dma_start3A_186 = arith.constant 0 : i32
    %dma_start3A_187 = arith.constant 0 : i32
    %dma_start3A_188 = tpu.memref_slice %arg3[%dma_start3A_186, %dma_start3A_187] : memref<100000x16xf32, #tpu.memory_space<hbm>> -> memref<100000x16xf32, #tpu.memory_space<hbm>>
    tpu.enqueue_indirect_dma source(%dma_start3A_188 : memref<100000x16xf32, #tpu.memory_space<hbm>>) target(%dma_start3A_182 : memref<128x16xf32, #tpu.memory_space<vmem>>) offsets(%dma_start3A_185 : memref<128xi32, #tpu.memory_space<vmem>>) semaphore(%arg15 : memref<!tpu.dma_semaphore, #tpu.memory_space<semaphore_mem>>)
    %dma_start3A_189 = arith.constant 7 : i32
    %dma_start3A_190 = arith.constant 896 : i32
    %dma_start3A_191 = arith.constant 0 : i32
    %dma_start3A_192 = tpu.memref_slice %arg11[%dma_start3A_190, %dma_start3A_191] : memref<1280x16xf32, #tpu.memory_space<vmem>> -> memref<128x16xf32, #tpu.memory_space<vmem>>
    %dma_start3A_193 = arith.constant 0 : i32
    %dma_start3A_194 = tpu.memref_slice %arg7[%dma_start3A_189, %dma_start3A_193] : memref<10x128xi32, #tpu.memory_space<vmem>> -> memref<1x128xi32, #tpu.memory_space<vmem>>
    %dma_start3A_195 = tpu.memref_squeeze %dma_start3A_194 : memref<1x128xi32, #tpu.memory_space<vmem>> -> memref<128xi32, #tpu.memory_space<vmem>>
    %dma_start3A_196 = arith.constant 0 : i32
    %dma_start3A_197 = arith.constant 0 : i32
    %dma_start3A_198 = tpu.memref_slice %arg3[%dma_start3A_196, %dma_start3A_197] : memref<100000x16xf32, #tpu.memory_space<hbm>> -> memref<100000x16xf32, #tpu.memory_space<hbm>>
    tpu.enqueue_indirect_dma source(%dma_start3A_198 : memref<100000x16xf32, #tpu.memory_space<hbm>>) target(%dma_start3A_192 : memref<128x16xf32, #tpu.memory_space<vmem>>) offsets(%dma_start3A_195 : memref<128xi32, #tpu.memory_space<vmem>>) semaphore(%arg15 : memref<!tpu.dma_semaphore, #tpu.memory_space<semaphore_mem>>)
    %dma_start3A_199 = arith.constant 8 : i32
    %dma_start3A_200 = arith.constant 1024 : i32
    %dma_start3A_201 = arith.constant 0 : i32
    %dma_start3A_202 = tpu.memref_slice %arg9[%dma_start3A_200, %dma_start3A_201] : memref<1280x16xf32, #tpu.memory_space<vmem>> -> memref<128x16xf32, #tpu.memory_space<vmem>>
    %dma_start3A_203 = arith.constant 0 : i32
    %dma_start3A_204 = tpu.memref_slice %arg5[%dma_start3A_199, %dma_start3A_203] : memref<10x128xi32, #tpu.memory_space<vmem>> -> memref<1x128xi32, #tpu.memory_space<vmem>>
    %dma_start3A_205 = tpu.memref_squeeze %dma_start3A_204 : memref<1x128xi32, #tpu.memory_space<vmem>> -> memref<128xi32, #tpu.memory_space<vmem>>
    %dma_start3A_206 = arith.constant 0 : i32
    %dma_start3A_207 = arith.constant 0 : i32
    %dma_start3A_208 = tpu.memref_slice %arg3[%dma_start3A_206, %dma_start3A_207] : memref<100000x16xf32, #tpu.memory_space<hbm>> -> memref<100000x16xf32, #tpu.memory_space<hbm>>
    tpu.enqueue_indirect_dma source(%dma_start3A_208 : memref<100000x16xf32, #tpu.memory_space<hbm>>) target(%dma_start3A_202 : memref<128x16xf32, #tpu.memory_space<vmem>>) offsets(%dma_start3A_205 : memref<128xi32, #tpu.memory_space<vmem>>) semaphore(%arg15 : memref<!tpu.dma_semaphore, #tpu.memory_space<semaphore_mem>>)
    %dma_start3A_209 = arith.constant 8 : i32
    %dma_start3A_210 = arith.constant 1024 : i32
    %dma_start3A_211 = arith.constant 0 : i32
    %dma_start3A_212 = tpu.memref_slice %arg11[%dma_start3A_210, %dma_start3A_211] : memref<1280x16xf32, #tpu.memory_space<vmem>> -> memref<128x16xf32, #tpu.memory_space<vmem>>
    %dma_start3A_213 = arith.constant 0 : i32
    %dma_start3A_214 = tpu.memref_slice %arg7[%dma_start3A_209, %dma_start3A_213] : memref<10x128xi32, #tpu.memory_space<vmem>> -> memref<1x128xi32, #tpu.memory_space<vmem>>
    %dma_start3A_215 = tpu.memref_squeeze %dma_start3A_214 : memref<1x128xi32, #tpu.memory_space<vmem>> -> memref<128xi32, #tpu.memory_space<vmem>>
    %dma_start3A_216 = arith.constant 0 : i32
    %dma_start3A_217 = arith.constant 0 : i32
    %dma_start3A_218 = tpu.memref_slice %arg3[%dma_start3A_216, %dma_start3A_217] : memref<100000x16xf32, #tpu.memory_space<hbm>> -> memref<100000x16xf32, #tpu.memory_space<hbm>>
    tpu.enqueue_indirect_dma source(%dma_start3A_218 : memref<100000x16xf32, #tpu.memory_space<hbm>>) target(%dma_start3A_212 : memref<128x16xf32, #tpu.memory_space<vmem>>) offsets(%dma_start3A_215 : memref<128xi32, #tpu.memory_space<vmem>>) semaphore(%arg15 : memref<!tpu.dma_semaphore, #tpu.memory_space<semaphore_mem>>)
    %dma_start3A_219 = arith.constant 9 : i32
    %dma_start3A_220 = arith.constant 1152 : i32
    %dma_start3A_221 = arith.constant 0 : i32
    %dma_start3A_222 = tpu.memref_slice %arg9[%dma_start3A_220, %dma_start3A_221] : memref<1280x16xf32, #tpu.memory_space<vmem>> -> memref<128x16xf32, #tpu.memory_space<vmem>>
    %dma_start3A_223 = arith.constant 0 : i32
    %dma_start3A_224 = tpu.memref_slice %arg5[%dma_start3A_219, %dma_start3A_223] : memref<10x128xi32, #tpu.memory_space<vmem>> -> memref<1x128xi32, #tpu.memory_space<vmem>>
    %dma_start3A_225 = tpu.memref_squeeze %dma_start3A_224 : memref<1x128xi32, #tpu.memory_space<vmem>> -> memref<128xi32, #tpu.memory_space<vmem>>
    %dma_start3A_226 = arith.constant 0 : i32
    %dma_start3A_227 = arith.constant 0 : i32
    %dma_start3A_228 = tpu.memref_slice %arg3[%dma_start3A_226, %dma_start3A_227] : memref<100000x16xf32, #tpu.memory_space<hbm>> -> memref<100000x16xf32, #tpu.memory_space<hbm>>
    tpu.enqueue_indirect_dma source(%dma_start3A_228 : memref<100000x16xf32, #tpu.memory_space<hbm>>) target(%dma_start3A_222 : memref<128x16xf32, #tpu.memory_space<vmem>>) offsets(%dma_start3A_225 : memref<128xi32, #tpu.memory_space<vmem>>) semaphore(%arg15 : memref<!tpu.dma_semaphore, #tpu.memory_space<semaphore_mem>>)
    %dma_start3A_229 = arith.constant 9 : i32
    %dma_start3A_230 = arith.constant 1152 : i32
    %dma_start3A_231 = arith.constant 0 : i32
    %dma_start3A_232 = tpu.memref_slice %arg11[%dma_start3A_230, %dma_start3A_231] : memref<1280x16xf32, #tpu.memory_space<vmem>> -> memref<128x16xf32, #tpu.memory_space<vmem>>
    %dma_start3A_233 = arith.constant 0 : i32
    %dma_start3A_234 = tpu.memref_slice %arg7[%dma_start3A_229, %dma_start3A_233] : memref<10x128xi32, #tpu.memory_space<vmem>> -> memref<1x128xi32, #tpu.memory_space<vmem>>
    %dma_start3A_235 = tpu.memref_squeeze %dma_start3A_234 : memref<1x128xi32, #tpu.memory_space<vmem>> -> memref<128xi32, #tpu.memory_space<vmem>>
    %dma_start3A_236 = arith.constant 0 : i32
    %dma_start3A_237 = arith.constant 0 : i32
    %dma_start3A_238 = tpu.memref_slice %arg3[%dma_start3A_236, %dma_start3A_237] : memref<100000x16xf32, #tpu.memory_space<hbm>> -> memref<100000x16xf32, #tpu.memory_space<hbm>>
    tpu.enqueue_indirect_dma source(%dma_start3A_238 : memref<100000x16xf32, #tpu.memory_space<hbm>>) target(%dma_start3A_232 : memref<128x16xf32, #tpu.memory_space<vmem>>) offsets(%dma_start3A_235 : memref<128xi32, #tpu.memory_space<vmem>>) semaphore(%arg15 : memref<!tpu.dma_semaphore, #tpu.memory_space<semaphore_mem>>)
    %add3A_239 = arith.constant 32 : i32
    %add3A_240 = arith.addi %add3A, %add3A_239 : i32
    %dma_start3A_241 = arith.constant 0 : i32
    %dma_start3A_242 = arith.constant 0 : i32
    %dma_start3A_243 = arith.constant 0 : i32
    %dma_start3A_244 = tpu.memref_slice %arg2[%dma_start3A_241, %add3A_240, %dma_start3A_242, %dma_start3A_243] : memref<2x2500x10x128xi32, #tpu.memory_space<hbm>> -> memref<1x1x10x128xi32, #tpu.memory_space<hbm>>
    %dma_start3A_245 = tpu.memref_squeeze %dma_start3A_244 : memref<1x1x10x128xi32, #tpu.memory_space<hbm>> -> memref<10x128xi32, #tpu.memory_space<hbm>>
    %dma_start3A_246 = arith.constant 0 : i32
    %dma_start3A_247 = arith.constant 0 : i32
    %dma_start3A_248 = tpu.memref_slice %arg2[%dma_start3A_241, %add3A_240, %dma_start3A_246, %dma_start3A_247] : memref<2x2500x10x128xi32, #tpu.memory_space<hbm>> -> memref<1x1x10x128xi32, #tpu.memory_space<hbm>>
    %dma_start3A_249 = tpu.memref_squeeze %dma_start3A_248 : memref<1x1x10x128xi32, #tpu.memory_space<hbm>> -> memref<10x128xi32, #tpu.memory_space<hbm>>
    tpu.enqueue_dma source(%dma_start3A_249 : memref<10x128xi32, #tpu.memory_space<hbm>>) target(%arg6 : memref<10x128xi32, #tpu.memory_space<vmem>>) target_semaphore(%arg18 : memref<!tpu.dma_semaphore, #tpu.memory_space<semaphore_mem>>)
    %dma_start3A_250 = arith.constant 1 : i32
    %dma_start3A_251 = arith.constant 0 : i32
    %dma_start3A_252 = arith.constant 0 : i32
    %dma_start3A_253 = tpu.memref_slice %arg2[%dma_start3A_250, %add3A_240, %dma_start3A_251, %dma_start3A_252] : memref<2x2500x10x128xi32, #tpu.memory_space<hbm>> -> memref<1x1x10x128xi32, #tpu.memory_space<hbm>>
    %dma_start3A_254 = tpu.memref_squeeze %dma_start3A_253 : memref<1x1x10x128xi32, #tpu.memory_space<hbm>> -> memref<10x128xi32, #tpu.memory_space<hbm>>
    %dma_start3A_255 = arith.constant 0 : i32
    %dma_start3A_256 = arith.constant 0 : i32
    %dma_start3A_257 = tpu.memref_slice %arg2[%dma_start3A_250, %add3A_240, %dma_start3A_255, %dma_start3A_256] : memref<2x2500x10x128xi32, #tpu.memory_space<hbm>> -> memref<1x1x10x128xi32, #tpu.memory_space<hbm>>
    %dma_start3A_258 = tpu.memref_squeeze %dma_start3A_257 : memref<1x1x10x128xi32, #tpu.memory_space<hbm>> -> memref<10x128xi32, #tpu.memory_space<hbm>>
    tpu.enqueue_dma source(%dma_start3A_258 : memref<10x128xi32, #tpu.memory_space<hbm>>) target(%arg8 : memref<10x128xi32, #tpu.memory_space<vmem>>) target_semaphore(%arg18 : memref<!tpu.dma_semaphore, #tpu.memory_space<semaphore_mem>>)
    %scan3A = arith.constant 0 : i32
    %scan3A_259 = arith.constant 0 : i32
    %scan3A_260 = arith.constant 40 : i32
    %scan3A_261 = arith.addi %scan3A_259, %scan3A_260 : i32
    %scan3A_262 = arith.constant 1 : i32
    scf.for %scan3A_272 = %scan3A_259 to %scan3A_261 step %scan3A_262  : i32 {
      %mul3A_273 = arith.constant 2 : i32
      %mul3A_274 = arith.muli %scan3A_272, %mul3A_273 : i32
      %add3A_275 = arith.constant 1 : i32
      %add3A_276 = arith.addi %mul3A_274, %add3A_275 : i32
      %mul3A_277 = arith.constant 32 : i32
      %mul3A_278 = arith.muli %add3A_276, %mul3A_277 : i32
      %add3A_279 = arith.addi %add3A, %mul3A_278 : i32
      %lt3A = arith.constant 2500 : i32
      %lt3A_280 = arith.cmpi slt, %add3A_279, %lt3A : i32
      %convert_element_type3A = arith.extui %lt3A_280 : i1 to i32
      %cond3A = arith.constant 0 : i32
      %cond3A_281 = arith.cmpi ne, %convert_element_type3A, %cond3A : i32
      scf.if %cond3A_281 {
        %dma_wait3A_366 = arith.constant 0 : i32
        %dma_wait3A_367 = arith.constant 0 : i32
        %dma_wait3A_368 = arith.constant 0 : i32
        %dma_wait3A_369 = arith.constant 0 : i32
        %dma_wait3A_370 = tpu.memref_slice %arg2[%dma_wait3A_366, %dma_wait3A_367, %dma_wait3A_368, %dma_wait3A_369] : memref<2x2500x10x128xi32, #tpu.memory_space<hbm>> -> memref<1x1x10x128xi32, #tpu.memory_space<hbm>>
        %dma_wait3A_371 = tpu.memref_squeeze %dma_wait3A_370 : memref<1x1x10x128xi32, #tpu.memory_space<hbm>> -> memref<10x128xi32, #tpu.memory_space<hbm>>
        %dma_wait3A_372 = arith.constant 0 : i32
        %dma_wait3A_373 = arith.constant 0 : i32
        %dma_wait3A_374 = tpu.memref_slice %arg2[%dma_wait3A_366, %dma_wait3A_367, %dma_wait3A_372, %dma_wait3A_373] : memref<2x2500x10x128xi32, #tpu.memory_space<hbm>> -> memref<1x1x10x128xi32, #tpu.memory_space<hbm>>
        %dma_wait3A_375 = tpu.memref_squeeze %dma_wait3A_374 : memref<1x1x10x128xi32, #tpu.memory_space<hbm>> -> memref<10x128xi32, #tpu.memory_space<hbm>>
        tpu.wait_dma2 semaphore(%arg18 : memref<!tpu.dma_semaphore, #tpu.memory_space<semaphore_mem>>) src(%dma_wait3A_375 : memref<10x128xi32, #tpu.memory_space<hbm>>) dst(%arg6 : memref<10x128xi32, #tpu.memory_space<vmem>>)
        %dma_wait3A_376 = arith.constant 0 : i32
        %dma_wait3A_377 = arith.constant 0 : i32
        %dma_wait3A_378 = arith.constant 0 : i32
        %dma_wait3A_379 = arith.constant 0 : i32
        %dma_wait3A_380 = tpu.memref_slice %arg2[%dma_wait3A_376, %dma_wait3A_377, %dma_wait3A_378, %dma_wait3A_379] : memref<2x2500x10x128xi32, #tpu.memory_space<hbm>> -> memref<1x1x10x128xi32, #tpu.memory_space<hbm>>
        %dma_wait3A_381 = tpu.memref_squeeze %dma_wait3A_380 : memref<1x1x10x128xi32, #tpu.memory_space<hbm>> -> memref<10x128xi32, #tpu.memory_space<hbm>>
        %dma_wait3A_382 = arith.constant 0 : i32
        %dma_wait3A_383 = arith.constant 0 : i32
        %dma_wait3A_384 = tpu.memref_slice %arg2[%dma_wait3A_376, %dma_wait3A_377, %dma_wait3A_382, %dma_wait3A_383] : memref<2x2500x10x128xi32, #tpu.memory_space<hbm>> -> memref<1x1x10x128xi32, #tpu.memory_space<hbm>>
        %dma_wait3A_385 = tpu.memref_squeeze %dma_wait3A_384 : memref<1x1x10x128xi32, #tpu.memory_space<hbm>> -> memref<10x128xi32, #tpu.memory_space<hbm>>
        tpu.wait_dma2 semaphore(%arg18 : memref<!tpu.dma_semaphore, #tpu.memory_space<semaphore_mem>>) src(%dma_wait3A_385 : memref<10x128xi32, #tpu.memory_space<hbm>>) dst(%arg8 : memref<10x128xi32, #tpu.memory_space<vmem>>)
        %dma_start3A_386 = arith.constant 0 : i32
        %dma_start3A_387 = arith.constant 0 : i32
        %dma_start3A_388 = arith.constant 0 : i32
        %dma_start3A_389 = tpu.memref_slice %arg10[%dma_start3A_387, %dma_start3A_388] : memref<1280x16xf32, #tpu.memory_space<vmem>> -> memref<128x16xf32, #tpu.memory_space<vmem>>
        %dma_start3A_390 = arith.constant 0 : i32
        %dma_start3A_391 = tpu.memref_slice %arg6[%dma_start3A_386, %dma_start3A_390] : memref<10x128xi32, #tpu.memory_space<vmem>> -> memref<1x128xi32, #tpu.memory_space<vmem>>
        %dma_start3A_392 = tpu.memref_squeeze %dma_start3A_391 : memref<1x128xi32, #tpu.memory_space<vmem>> -> memref<128xi32, #tpu.memory_space<vmem>>
        %dma_start3A_393 = arith.constant 0 : i32
        %dma_start3A_394 = arith.constant 0 : i32
        %dma_start3A_395 = tpu.memref_slice %arg3[%dma_start3A_393, %dma_start3A_394] : memref<100000x16xf32, #tpu.memory_space<hbm>> -> memref<100000x16xf32, #tpu.memory_space<hbm>>
        tpu.enqueue_indirect_dma source(%dma_start3A_395 : memref<100000x16xf32, #tpu.memory_space<hbm>>) target(%dma_start3A_389 : memref<128x16xf32, #tpu.memory_space<vmem>>) offsets(%dma_start3A_392 : memref<128xi32, #tpu.memory_space<vmem>>) semaphore(%arg16 : memref<!tpu.dma_semaphore, #tpu.memory_space<semaphore_mem>>)
        %dma_start3A_396 = arith.constant 0 : i32
        %dma_start3A_397 = arith.constant 0 : i32
        %dma_start3A_398 = arith.constant 0 : i32
        %dma_start3A_399 = tpu.memref_slice %arg12[%dma_start3A_397, %dma_start3A_398] : memref<1280x16xf32, #tpu.memory_space<vmem>> -> memref<128x16xf32, #tpu.memory_space<vmem>>
        %dma_start3A_400 = arith.constant 0 : i32
        %dma_start3A_401 = tpu.memref_slice %arg8[%dma_start3A_396, %dma_start3A_400] : memref<10x128xi32, #tpu.memory_space<vmem>> -> memref<1x128xi32, #tpu.memory_space<vmem>>
        %dma_start3A_402 = tpu.memref_squeeze %dma_start3A_401 : memref<1x128xi32, #tpu.memory_space<vmem>> -> memref<128xi32, #tpu.memory_space<vmem>>
        %dma_start3A_403 = arith.constant 0 : i32
        %dma_start3A_404 = arith.constant 0 : i32
        %dma_start3A_405 = tpu.memref_slice %arg3[%dma_start3A_403, %dma_start3A_404] : memref<100000x16xf32, #tpu.memory_space<hbm>> -> memref<100000x16xf32, #tpu.memory_space<hbm>>
        tpu.enqueue_indirect_dma source(%dma_start3A_405 : memref<100000x16xf32, #tpu.memory_space<hbm>>) target(%dma_start3A_399 : memref<128x16xf32, #tpu.memory_space<vmem>>) offsets(%dma_start3A_402 : memref<128xi32, #tpu.memory_space<vmem>>) semaphore(%arg16 : memref<!tpu.dma_semaphore, #tpu.memory_space<semaphore_mem>>)
        %dma_start3A_406 = arith.constant 1 : i32
        %dma_start3A_407 = arith.constant 128 : i32
        %dma_start3A_408 = arith.constant 0 : i32
        %dma_start3A_409 = tpu.memref_slice %arg10[%dma_start3A_407, %dma_start3A_408] : memref<1280x16xf32, #tpu.memory_space<vmem>> -> memref<128x16xf32, #tpu.memory_space<vmem>>
        %dma_start3A_410 = arith.constant 0 : i32
        %dma_start3A_411 = tpu.memref_slice %arg6[%dma_start3A_406, %dma_start3A_410] : memref<10x128xi32, #tpu.memory_space<vmem>> -> memref<1x128xi32, #tpu.memory_space<vmem>>
        %dma_start3A_412 = tpu.memref_squeeze %dma_start3A_411 : memref<1x128xi32, #tpu.memory_space<vmem>> -> memref<128xi32, #tpu.memory_space<vmem>>
        %dma_start3A_413 = arith.constant 0 : i32
        %dma_start3A_414 = arith.constant 0 : i32
        %dma_start3A_415 = tpu.memref_slice %arg3[%dma_start3A_413, %dma_start3A_414] : memref<100000x16xf32, #tpu.memory_space<hbm>> -> memref<100000x16xf32, #tpu.memory_space<hbm>>
        tpu.enqueue_indirect_dma source(%dma_start3A_415 : memref<100000x16xf32, #tpu.memory_space<hbm>>) target(%dma_start3A_409 : memref<128x16xf32, #tpu.memory_space<vmem>>) offsets(%dma_start3A_412 : memref<128xi32, #tpu.memory_space<vmem>>) semaphore(%arg16 : memref<!tpu.dma_semaphore, #tpu.memory_space<semaphore_mem>>)
        %dma_start3A_416 = arith.constant 1 : i32
        %dma_start3A_417 = arith.constant 128 : i32
        %dma_start3A_418 = arith.constant 0 : i32
        %dma_start3A_419 = tpu.memref_slice %arg12[%dma_start3A_417, %dma_start3A_418] : memref<1280x16xf32, #tpu.memory_space<vmem>> -> memref<128x16xf32, #tpu.memory_space<vmem>>
        %dma_start3A_420 = arith.constant 0 : i32
        %dma_start3A_421 = tpu.memref_slice %arg8[%dma_start3A_416, %dma_start3A_420] : memref<10x128xi32, #tpu.memory_space<vmem>> -> memref<1x128xi32, #tpu.memory_space<vmem>>
        %dma_start3A_422 = tpu.memref_squeeze %dma_start3A_421 : memref<1x128xi32, #tpu.memory_space<vmem>> -> memref<128xi32, #tpu.memory_space<vmem>>
        %dma_start3A_423 = arith.constant 0 : i32
        %dma_start3A_424 = arith.constant 0 : i32
        %dma_start3A_425 = tpu.memref_slice %arg3[%dma_start3A_423, %dma_start3A_424] : memref<100000x16xf32, #tpu.memory_space<hbm>> -> memref<100000x16xf32, #tpu.memory_space<hbm>>
        tpu.enqueue_indirect_dma source(%dma_start3A_425 : memref<100000x16xf32, #tpu.memory_space<hbm>>) target(%dma_start3A_419 : memref<128x16xf32, #tpu.memory_space<vmem>>) offsets(%dma_start3A_422 : memref<128xi32, #tpu.memory_space<vmem>>) semaphore(%arg16 : memref<!tpu.dma_semaphore, #tpu.memory_space<semaphore_mem>>)
        %dma_start3A_426 = arith.constant 2 : i32
        %dma_start3A_427 = arith.constant 256 : i32
        %dma_start3A_428 = arith.constant 0 : i32
        %dma_start3A_429 = tpu.memref_slice %arg10[%dma_start3A_427, %dma_start3A_428] : memref<1280x16xf32, #tpu.memory_space<vmem>> -> memref<128x16xf32, #tpu.memory_space<vmem>>
        %dma_start3A_430 = arith.constant 0 : i32
        %dma_start3A_431 = tpu.memref_slice %arg6[%dma_start3A_426, %dma_start3A_430] : memref<10x128xi32, #tpu.memory_space<vmem>> -> memref<1x128xi32, #tpu.memory_space<vmem>>
        %dma_start3A_432 = tpu.memref_squeeze %dma_start3A_431 : memref<1x128xi32, #tpu.memory_space<vmem>> -> memref<128xi32, #tpu.memory_space<vmem>>
        %dma_start3A_433 = arith.constant 0 : i32
        %dma_start3A_434 = arith.constant 0 : i32
        %dma_start3A_435 = tpu.memref_slice %arg3[%dma_start3A_433, %dma_start3A_434] : memref<100000x16xf32, #tpu.memory_space<hbm>> -> memref<100000x16xf32, #tpu.memory_space<hbm>>
        tpu.enqueue_indirect_dma source(%dma_start3A_435 : memref<100000x16xf32, #tpu.memory_space<hbm>>) target(%dma_start3A_429 : memref<128x16xf32, #tpu.memory_space<vmem>>) offsets(%dma_start3A_432 : memref<128xi32, #tpu.memory_space<vmem>>) semaphore(%arg16 : memref<!tpu.dma_semaphore, #tpu.memory_space<semaphore_mem>>)
        %dma_start3A_436 = arith.constant 2 : i32
        %dma_start3A_437 = arith.constant 256 : i32
        %dma_start3A_438 = arith.constant 0 : i32
        %dma_start3A_439 = tpu.memref_slice %arg12[%dma_start3A_437, %dma_start3A_438] : memref<1280x16xf32, #tpu.memory_space<vmem>> -> memref<128x16xf32, #tpu.memory_space<vmem>>
        %dma_start3A_440 = arith.constant 0 : i32
        %dma_start3A_441 = tpu.memref_slice %arg8[%dma_start3A_436, %dma_start3A_440] : memref<10x128xi32, #tpu.memory_space<vmem>> -> memref<1x128xi32, #tpu.memory_space<vmem>>
        %dma_start3A_442 = tpu.memref_squeeze %dma_start3A_441 : memref<1x128xi32, #tpu.memory_space<vmem>> -> memref<128xi32, #tpu.memory_space<vmem>>
        %dma_start3A_443 = arith.constant 0 : i32
        %dma_start3A_444 = arith.constant 0 : i32
        %dma_start3A_445 = tpu.memref_slice %arg3[%dma_start3A_443, %dma_start3A_444] : memref<100000x16xf32, #tpu.memory_space<hbm>> -> memref<100000x16xf32, #tpu.memory_space<hbm>>
        tpu.enqueue_indirect_dma source(%dma_start3A_445 : memref<100000x16xf32, #tpu.memory_space<hbm>>) target(%dma_start3A_439 : memref<128x16xf32, #tpu.memory_space<vmem>>) offsets(%dma_start3A_442 : memref<128xi32, #tpu.memory_space<vmem>>) semaphore(%arg16 : memref<!tpu.dma_semaphore, #tpu.memory_space<semaphore_mem>>)
        %dma_start3A_446 = arith.constant 3 : i32
        %dma_start3A_447 = arith.constant 384 : i32
        %dma_start3A_448 = arith.constant 0 : i32
        %dma_start3A_449 = tpu.memref_slice %arg10[%dma_start3A_447, %dma_start3A_448] : memref<1280x16xf32, #tpu.memory_space<vmem>> -> memref<128x16xf32, #tpu.memory_space<vmem>>
        %dma_start3A_450 = arith.constant 0 : i32
        %dma_start3A_451 = tpu.memref_slice %arg6[%dma_start3A_446, %dma_start3A_450] : memref<10x128xi32, #tpu.memory_space<vmem>> -> memref<1x128xi32, #tpu.memory_space<vmem>>
        %dma_start3A_452 = tpu.memref_squeeze %dma_start3A_451 : memref<1x128xi32, #tpu.memory_space<vmem>> -> memref<128xi32, #tpu.memory_space<vmem>>
        %dma_start3A_453 = arith.constant 0 : i32
        %dma_start3A_454 = arith.constant 0 : i32
        %dma_start3A_455 = tpu.memref_slice %arg3[%dma_start3A_453, %dma_start3A_454] : memref<100000x16xf32, #tpu.memory_space<hbm>> -> memref<100000x16xf32, #tpu.memory_space<hbm>>
        tpu.enqueue_indirect_dma source(%dma_start3A_455 : memref<100000x16xf32, #tpu.memory_space<hbm>>) target(%dma_start3A_449 : memref<128x16xf32, #tpu.memory_space<vmem>>) offsets(%dma_start3A_452 : memref<128xi32, #tpu.memory_space<vmem>>) semaphore(%arg16 : memref<!tpu.dma_semaphore, #tpu.memory_space<semaphore_mem>>)
        %dma_start3A_456 = arith.constant 3 : i32
        %dma_start3A_457 = arith.constant 384 : i32
        %dma_start3A_458 = arith.constant 0 : i32
        %dma_start3A_459 = tpu.memref_slice %arg12[%dma_start3A_457, %dma_start3A_458] : memref<1280x16xf32, #tpu.memory_space<vmem>> -> memref<128x16xf32, #tpu.memory_space<vmem>>
        %dma_start3A_460 = arith.constant 0 : i32
        %dma_start3A_461 = tpu.memref_slice %arg8[%dma_start3A_456, %dma_start3A_460] : memref<10x128xi32, #tpu.memory_space<vmem>> -> memref<1x128xi32, #tpu.memory_space<vmem>>
        %dma_start3A_462 = tpu.memref_squeeze %dma_start3A_461 : memref<1x128xi32, #tpu.memory_space<vmem>> -> memref<128xi32, #tpu.memory_space<vmem>>
        %dma_start3A_463 = arith.constant 0 : i32
        %dma_start3A_464 = arith.constant 0 : i32
        %dma_start3A_465 = tpu.memref_slice %arg3[%dma_start3A_463, %dma_start3A_464] : memref<100000x16xf32, #tpu.memory_space<hbm>> -> memref<100000x16xf32, #tpu.memory_space<hbm>>
        tpu.enqueue_indirect_dma source(%dma_start3A_465 : memref<100000x16xf32, #tpu.memory_space<hbm>>) target(%dma_start3A_459 : memref<128x16xf32, #tpu.memory_space<vmem>>) offsets(%dma_start3A_462 : memref<128xi32, #tpu.memory_space<vmem>>) semaphore(%arg16 : memref<!tpu.dma_semaphore, #tpu.memory_space<semaphore_mem>>)
        %dma_start3A_466 = arith.constant 4 : i32
        %dma_start3A_467 = arith.constant 512 : i32
        %dma_start3A_468 = arith.constant 0 : i32
        %dma_start3A_469 = tpu.memref_slice %arg10[%dma_start3A_467, %dma_start3A_468] : memref<1280x16xf32, #tpu.memory_space<vmem>> -> memref<128x16xf32, #tpu.memory_space<vmem>>
        %dma_start3A_470 = arith.constant 0 : i32
        %dma_start3A_471 = tpu.memref_slice %arg6[%dma_start3A_466, %dma_start3A_470] : memref<10x128xi32, #tpu.memory_space<vmem>> -> memref<1x128xi32, #tpu.memory_space<vmem>>
        %dma_start3A_472 = tpu.memref_squeeze %dma_start3A_471 : memref<1x128xi32, #tpu.memory_space<vmem>> -> memref<128xi32, #tpu.memory_space<vmem>>
        %dma_start3A_473 = arith.constant 0 : i32
        %dma_start3A_474 = arith.constant 0 : i32
        %dma_start3A_475 = tpu.memref_slice %arg3[%dma_start3A_473, %dma_start3A_474] : memref<100000x16xf32, #tpu.memory_space<hbm>> -> memref<100000x16xf32, #tpu.memory_space<hbm>>
        tpu.enqueue_indirect_dma source(%dma_start3A_475 : memref<100000x16xf32, #tpu.memory_space<hbm>>) target(%dma_start3A_469 : memref<128x16xf32, #tpu.memory_space<vmem>>) offsets(%dma_start3A_472 : memref<128xi32, #tpu.memory_space<vmem>>) semaphore(%arg16 : memref<!tpu.dma_semaphore, #tpu.memory_space<semaphore_mem>>)
        %dma_start3A_476 = arith.constant 4 : i32
        %dma_start3A_477 = arith.constant 512 : i32
        %dma_start3A_478 = arith.constant 0 : i32
        %dma_start3A_479 = tpu.memref_slice %arg12[%dma_start3A_477, %dma_start3A_478] : memref<1280x16xf32, #tpu.memory_space<vmem>> -> memref<128x16xf32, #tpu.memory_space<vmem>>
        %dma_start3A_480 = arith.constant 0 : i32
        %dma_start3A_481 = tpu.memref_slice %arg8[%dma_start3A_476, %dma_start3A_480] : memref<10x128xi32, #tpu.memory_space<vmem>> -> memref<1x128xi32, #tpu.memory_space<vmem>>
        %dma_start3A_482 = tpu.memref_squeeze %dma_start3A_481 : memref<1x128xi32, #tpu.memory_space<vmem>> -> memref<128xi32, #tpu.memory_space<vmem>>
        %dma_start3A_483 = arith.constant 0 : i32
        %dma_start3A_484 = arith.constant 0 : i32
        %dma_start3A_485 = tpu.memref_slice %arg3[%dma_start3A_483, %dma_start3A_484] : memref<100000x16xf32, #tpu.memory_space<hbm>> -> memref<100000x16xf32, #tpu.memory_space<hbm>>
        tpu.enqueue_indirect_dma source(%dma_start3A_485 : memref<100000x16xf32, #tpu.memory_space<hbm>>) target(%dma_start3A_479 : memref<128x16xf32, #tpu.memory_space<vmem>>) offsets(%dma_start3A_482 : memref<128xi32, #tpu.memory_space<vmem>>) semaphore(%arg16 : memref<!tpu.dma_semaphore, #tpu.memory_space<semaphore_mem>>)
        %dma_start3A_486 = arith.constant 5 : i32
        %dma_start3A_487 = arith.constant 640 : i32
        %dma_start3A_488 = arith.constant 0 : i32
        %dma_start3A_489 = tpu.memref_slice %arg10[%dma_start3A_487, %dma_start3A_488] : memref<1280x16xf32, #tpu.memory_space<vmem>> -> memref<128x16xf32, #tpu.memory_space<vmem>>
        %dma_start3A_490 = arith.constant 0 : i32
        %dma_start3A_491 = tpu.memref_slice %arg6[%dma_start3A_486, %dma_start3A_490] : memref<10x128xi32, #tpu.memory_space<vmem>> -> memref<1x128xi32, #tpu.memory_space<vmem>>
        %dma_start3A_492 = tpu.memref_squeeze %dma_start3A_491 : memref<1x128xi32, #tpu.memory_space<vmem>> -> memref<128xi32, #tpu.memory_space<vmem>>
        %dma_start3A_493 = arith.constant 0 : i32
        %dma_start3A_494 = arith.constant 0 : i32
        %dma_start3A_495 = tpu.memref_slice %arg3[%dma_start3A_493, %dma_start3A_494] : memref<100000x16xf32, #tpu.memory_space<hbm>> -> memref<100000x16xf32, #tpu.memory_space<hbm>>
        tpu.enqueue_indirect_dma source(%dma_start3A_495 : memref<100000x16xf32, #tpu.memory_space<hbm>>) target(%dma_start3A_489 : memref<128x16xf32, #tpu.memory_space<vmem>>) offsets(%dma_start3A_492 : memref<128xi32, #tpu.memory_space<vmem>>) semaphore(%arg16 : memref<!tpu.dma_semaphore, #tpu.memory_space<semaphore_mem>>)
        %dma_start3A_496 = arith.constant 5 : i32
        %dma_start3A_497 = arith.constant 640 : i32
        %dma_start3A_498 = arith.constant 0 : i32
        %dma_start3A_499 = tpu.memref_slice %arg12[%dma_start3A_497, %dma_start3A_498] : memref<1280x16xf32, #tpu.memory_space<vmem>> -> memref<128x16xf32, #tpu.memory_space<vmem>>
        %dma_start3A_500 = arith.constant 0 : i32
        %dma_start3A_501 = tpu.memref_slice %arg8[%dma_start3A_496, %dma_start3A_500] : memref<10x128xi32, #tpu.memory_space<vmem>> -> memref<1x128xi32, #tpu.memory_space<vmem>>
        %dma_start3A_502 = tpu.memref_squeeze %dma_start3A_501 : memref<1x128xi32, #tpu.memory_space<vmem>> -> memref<128xi32, #tpu.memory_space<vmem>>
        %dma_start3A_503 = arith.constant 0 : i32
        %dma_start3A_504 = arith.constant 0 : i32
        %dma_start3A_505 = tpu.memref_slice %arg3[%dma_start3A_503, %dma_start3A_504] : memref<100000x16xf32, #tpu.memory_space<hbm>> -> memref<100000x16xf32, #tpu.memory_space<hbm>>
        tpu.enqueue_indirect_dma source(%dma_start3A_505 : memref<100000x16xf32, #tpu.memory_space<hbm>>) target(%dma_start3A_499 : memref<128x16xf32, #tpu.memory_space<vmem>>) offsets(%dma_start3A_502 : memref<128xi32, #tpu.memory_space<vmem>>) semaphore(%arg16 : memref<!tpu.dma_semaphore, #tpu.memory_space<semaphore_mem>>)
        %dma_start3A_506 = arith.constant 6 : i32
        %dma_start3A_507 = arith.constant 768 : i32
        %dma_start3A_508 = arith.constant 0 : i32
        %dma_start3A_509 = tpu.memref_slice %arg10[%dma_start3A_507, %dma_start3A_508] : memref<1280x16xf32, #tpu.memory_space<vmem>> -> memref<128x16xf32, #tpu.memory_space<vmem>>
        %dma_start3A_510 = arith.constant 0 : i32
        %dma_start3A_511 = tpu.memref_slice %arg6[%dma_start3A_506, %dma_start3A_510] : memref<10x128xi32, #tpu.memory_space<vmem>> -> memref<1x128xi32, #tpu.memory_space<vmem>>
        %dma_start3A_512 = tpu.memref_squeeze %dma_start3A_511 : memref<1x128xi32, #tpu.memory_space<vmem>> -> memref<128xi32, #tpu.memory_space<vmem>>
        %dma_start3A_513 = arith.constant 0 : i32
        %dma_start3A_514 = arith.constant 0 : i32
        %dma_start3A_515 = tpu.memref_slice %arg3[%dma_start3A_513, %dma_start3A_514] : memref<100000x16xf32, #tpu.memory_space<hbm>> -> memref<100000x16xf32, #tpu.memory_space<hbm>>
        tpu.enqueue_indirect_dma source(%dma_start3A_515 : memref<100000x16xf32, #tpu.memory_space<hbm>>) target(%dma_start3A_509 : memref<128x16xf32, #tpu.memory_space<vmem>>) offsets(%dma_start3A_512 : memref<128xi32, #tpu.memory_space<vmem>>) semaphore(%arg16 : memref<!tpu.dma_semaphore, #tpu.memory_space<semaphore_mem>>)
        %dma_start3A_516 = arith.constant 6 : i32
        %dma_start3A_517 = arith.constant 768 : i32
        %dma_start3A_518 = arith.constant 0 : i32
        %dma_start3A_519 = tpu.memref_slice %arg12[%dma_start3A_517, %dma_start3A_518] : memref<1280x16xf32, #tpu.memory_space<vmem>> -> memref<128x16xf32, #tpu.memory_space<vmem>>
        %dma_start3A_520 = arith.constant 0 : i32
        %dma_start3A_521 = tpu.memref_slice %arg8[%dma_start3A_516, %dma_start3A_520] : memref<10x128xi32, #tpu.memory_space<vmem>> -> memref<1x128xi32, #tpu.memory_space<vmem>>
        %dma_start3A_522 = tpu.memref_squeeze %dma_start3A_521 : memref<1x128xi32, #tpu.memory_space<vmem>> -> memref<128xi32, #tpu.memory_space<vmem>>
        %dma_start3A_523 = arith.constant 0 : i32
        %dma_start3A_524 = arith.constant 0 : i32
        %dma_start3A_525 = tpu.memref_slice %arg3[%dma_start3A_523, %dma_start3A_524] : memref<100000x16xf32, #tpu.memory_space<hbm>> -> memref<100000x16xf32, #tpu.memory_space<hbm>>
        tpu.enqueue_indirect_dma source(%dma_start3A_525 : memref<100000x16xf32, #tpu.memory_space<hbm>>) target(%dma_start3A_519 : memref<128x16xf32, #tpu.memory_space<vmem>>) offsets(%dma_start3A_522 : memref<128xi32, #tpu.memory_space<vmem>>) semaphore(%arg16 : memref<!tpu.dma_semaphore, #tpu.memory_space<semaphore_mem>>)
        %dma_start3A_526 = arith.constant 7 : i32
        %dma_start3A_527 = arith.constant 896 : i32
        %dma_start3A_528 = arith.constant 0 : i32
        %dma_start3A_529 = tpu.memref_slice %arg10[%dma_start3A_527, %dma_start3A_528] : memref<1280x16xf32, #tpu.memory_space<vmem>> -> memref<128x16xf32, #tpu.memory_space<vmem>>
        %dma_start3A_530 = arith.constant 0 : i32
        %dma_start3A_531 = tpu.memref_slice %arg6[%dma_start3A_526, %dma_start3A_530] : memref<10x128xi32, #tpu.memory_space<vmem>> -> memref<1x128xi32, #tpu.memory_space<vmem>>
        %dma_start3A_532 = tpu.memref_squeeze %dma_start3A_531 : memref<1x128xi32, #tpu.memory_space<vmem>> -> memref<128xi32, #tpu.memory_space<vmem>>
        %dma_start3A_533 = arith.constant 0 : i32
        %dma_start3A_534 = arith.constant 0 : i32
        %dma_start3A_535 = tpu.memref_slice %arg3[%dma_start3A_533, %dma_start3A_534] : memref<100000x16xf32, #tpu.memory_space<hbm>> -> memref<100000x16xf32, #tpu.memory_space<hbm>>
        tpu.enqueue_indirect_dma source(%dma_start3A_535 : memref<100000x16xf32, #tpu.memory_space<hbm>>) target(%dma_start3A_529 : memref<128x16xf32, #tpu.memory_space<vmem>>) offsets(%dma_start3A_532 : memref<128xi32, #tpu.memory_space<vmem>>) semaphore(%arg16 : memref<!tpu.dma_semaphore, #tpu.memory_space<semaphore_mem>>)
        %dma_start3A_536 = arith.constant 7 : i32
        %dma_start3A_537 = arith.constant 896 : i32
        %dma_start3A_538 = arith.constant 0 : i32
        %dma_start3A_539 = tpu.memref_slice %arg12[%dma_start3A_537, %dma_start3A_538] : memref<1280x16xf32, #tpu.memory_space<vmem>> -> memref<128x16xf32, #tpu.memory_space<vmem>>
        %dma_start3A_540 = arith.constant 0 : i32
        %dma_start3A_541 = tpu.memref_slice %arg8[%dma_start3A_536, %dma_start3A_540] : memref<10x128xi32, #tpu.memory_space<vmem>> -> memref<1x128xi32, #tpu.memory_space<vmem>>
        %dma_start3A_542 = tpu.memref_squeeze %dma_start3A_541 : memref<1x128xi32, #tpu.memory_space<vmem>> -> memref<128xi32, #tpu.memory_space<vmem>>
        %dma_start3A_543 = arith.constant 0 : i32
        %dma_start3A_544 = arith.constant 0 : i32
        %dma_start3A_545 = tpu.memref_slice %arg3[%dma_start3A_543, %dma_start3A_544] : memref<100000x16xf32, #tpu.memory_space<hbm>> -> memref<100000x16xf32, #tpu.memory_space<hbm>>
        tpu.enqueue_indirect_dma source(%dma_start3A_545 : memref<100000x16xf32, #tpu.memory_space<hbm>>) target(%dma_start3A_539 : memref<128x16xf32, #tpu.memory_space<vmem>>) offsets(%dma_start3A_542 : memref<128xi32, #tpu.memory_space<vmem>>) semaphore(%arg16 : memref<!tpu.dma_semaphore, #tpu.memory_space<semaphore_mem>>)
        %dma_start3A_546 = arith.constant 8 : i32
        %dma_start3A_547 = arith.constant 1024 : i32
        %dma_start3A_548 = arith.constant 0 : i32
        %dma_start3A_549 = tpu.memref_slice %arg10[%dma_start3A_547, %dma_start3A_548] : memref<1280x16xf32, #tpu.memory_space<vmem>> -> memref<128x16xf32, #tpu.memory_space<vmem>>
        %dma_start3A_550 = arith.constant 0 : i32
        %dma_start3A_551 = tpu.memref_slice %arg6[%dma_start3A_546, %dma_start3A_550] : memref<10x128xi32, #tpu.memory_space<vmem>> -> memref<1x128xi32, #tpu.memory_space<vmem>>
        %dma_start3A_552 = tpu.memref_squeeze %dma_start3A_551 : memref<1x128xi32, #tpu.memory_space<vmem>> -> memref<128xi32, #tpu.memory_space<vmem>>
        %dma_start3A_553 = arith.constant 0 : i32
        %dma_start3A_554 = arith.constant 0 : i32
        %dma_start3A_555 = tpu.memref_slice %arg3[%dma_start3A_553, %dma_start3A_554] : memref<100000x16xf32, #tpu.memory_space<hbm>> -> memref<100000x16xf32, #tpu.memory_space<hbm>>
        tpu.enqueue_indirect_dma source(%dma_start3A_555 : memref<100000x16xf32, #tpu.memory_space<hbm>>) target(%dma_start3A_549 : memref<128x16xf32, #tpu.memory_space<vmem>>) offsets(%dma_start3A_552 : memref<128xi32, #tpu.memory_space<vmem>>) semaphore(%arg16 : memref<!tpu.dma_semaphore, #tpu.memory_space<semaphore_mem>>)
        %dma_start3A_556 = arith.constant 8 : i32
        %dma_start3A_557 = arith.constant 1024 : i32
        %dma_start3A_558 = arith.constant 0 : i32
        %dma_start3A_559 = tpu.memref_slice %arg12[%dma_start3A_557, %dma_start3A_558] : memref<1280x16xf32, #tpu.memory_space<vmem>> -> memref<128x16xf32, #tpu.memory_space<vmem>>
        %dma_start3A_560 = arith.constant 0 : i32
        %dma_start3A_561 = tpu.memref_slice %arg8[%dma_start3A_556, %dma_start3A_560] : memref<10x128xi32, #tpu.memory_space<vmem>> -> memref<1x128xi32, #tpu.memory_space<vmem>>
        %dma_start3A_562 = tpu.memref_squeeze %dma_start3A_561 : memref<1x128xi32, #tpu.memory_space<vmem>> -> memref<128xi32, #tpu.memory_space<vmem>>
        %dma_start3A_563 = arith.constant 0 : i32
        %dma_start3A_564 = arith.constant 0 : i32
        %dma_start3A_565 = tpu.memref_slice %arg3[%dma_start3A_563, %dma_start3A_564] : memref<100000x16xf32, #tpu.memory_space<hbm>> -> memref<100000x16xf32, #tpu.memory_space<hbm>>
        tpu.enqueue_indirect_dma source(%dma_start3A_565 : memref<100000x16xf32, #tpu.memory_space<hbm>>) target(%dma_start3A_559 : memref<128x16xf32, #tpu.memory_space<vmem>>) offsets(%dma_start3A_562 : memref<128xi32, #tpu.memory_space<vmem>>) semaphore(%arg16 : memref<!tpu.dma_semaphore, #tpu.memory_space<semaphore_mem>>)
        %dma_start3A_566 = arith.constant 9 : i32
        %dma_start3A_567 = arith.constant 1152 : i32
        %dma_start3A_568 = arith.constant 0 : i32
        %dma_start3A_569 = tpu.memref_slice %arg10[%dma_start3A_567, %dma_start3A_568] : memref<1280x16xf32, #tpu.memory_space<vmem>> -> memref<128x16xf32, #tpu.memory_space<vmem>>
        %dma_start3A_570 = arith.constant 0 : i32
        %dma_start3A_571 = tpu.memref_slice %arg6[%dma_start3A_566, %dma_start3A_570] : memref<10x128xi32, #tpu.memory_space<vmem>> -> memref<1x128xi32, #tpu.memory_space<vmem>>
        %dma_start3A_572 = tpu.memref_squeeze %dma_start3A_571 : memref<1x128xi32, #tpu.memory_space<vmem>> -> memref<128xi32, #tpu.memory_space<vmem>>
        %dma_start3A_573 = arith.constant 0 : i32
        %dma_start3A_574 = arith.constant 0 : i32
        %dma_start3A_575 = tpu.memref_slice %arg3[%dma_start3A_573, %dma_start3A_574] : memref<100000x16xf32, #tpu.memory_space<hbm>> -> memref<100000x16xf32, #tpu.memory_space<hbm>>
        tpu.enqueue_indirect_dma source(%dma_start3A_575 : memref<100000x16xf32, #tpu.memory_space<hbm>>) target(%dma_start3A_569 : memref<128x16xf32, #tpu.memory_space<vmem>>) offsets(%dma_start3A_572 : memref<128xi32, #tpu.memory_space<vmem>>) semaphore(%arg16 : memref<!tpu.dma_semaphore, #tpu.memory_space<semaphore_mem>>)
        %dma_start3A_576 = arith.constant 9 : i32
        %dma_start3A_577 = arith.constant 1152 : i32
        %dma_start3A_578 = arith.constant 0 : i32
        %dma_start3A_579 = tpu.memref_slice %arg12[%dma_start3A_577, %dma_start3A_578] : memref<1280x16xf32, #tpu.memory_space<vmem>> -> memref<128x16xf32, #tpu.memory_space<vmem>>
        %dma_start3A_580 = arith.constant 0 : i32
        %dma_start3A_581 = tpu.memref_slice %arg8[%dma_start3A_576, %dma_start3A_580] : memref<10x128xi32, #tpu.memory_space<vmem>> -> memref<1x128xi32, #tpu.memory_space<vmem>>
        %dma_start3A_582 = tpu.memref_squeeze %dma_start3A_581 : memref<1x128xi32, #tpu.memory_space<vmem>> -> memref<128xi32, #tpu.memory_space<vmem>>
        %dma_start3A_583 = arith.constant 0 : i32
        %dma_start3A_584 = arith.constant 0 : i32
        %dma_start3A_585 = tpu.memref_slice %arg3[%dma_start3A_583, %dma_start3A_584] : memref<100000x16xf32, #tpu.memory_space<hbm>> -> memref<100000x16xf32, #tpu.memory_space<hbm>>
        tpu.enqueue_indirect_dma source(%dma_start3A_585 : memref<100000x16xf32, #tpu.memory_space<hbm>>) target(%dma_start3A_579 : memref<128x16xf32, #tpu.memory_space<vmem>>) offsets(%dma_start3A_582 : memref<128xi32, #tpu.memory_space<vmem>>) semaphore(%arg16 : memref<!tpu.dma_semaphore, #tpu.memory_space<semaphore_mem>>)
      } else {
      }
      %mul3A_282 = arith.constant 32 : i32
      %mul3A_283 = arith.muli %mul3A_274, %mul3A_282 : i32
      %add3A_284 = arith.addi %add3A, %mul3A_283 : i32
      %lt3A_285 = arith.constant 2500 : i32
      %lt3A_286 = arith.cmpi slt, %add3A_284, %lt3A_285 : i32
      %convert_element_type3A_287 = arith.extui %lt3A_286 : i1 to i32
      %cond3A_288 = arith.constant 0 : i32
      %cond3A_289 = arith.cmpi ne, %convert_element_type3A_287, %cond3A_288 : i32
      scf.if %cond3A_289 {
        %dma_wait3A_366 = arith.constant 0 : i32
        %dma_wait3A_367 = arith.constant 0 : i32
        %dma_wait3A_368 = tpu.memref_slice %arg3[%dma_wait3A_366, %dma_wait3A_367] : memref<100000x16xf32, #tpu.memory_space<hbm>> -> memref<1280x16xf32, #tpu.memory_space<hbm>>
        %dma_wait3A_369 = arith.constant 0 : i32
        %dma_wait3A_370 = arith.constant 0 : i32
        %dma_wait3A_371 = tpu.memref_slice %arg3[%dma_wait3A_369, %dma_wait3A_370] : memref<100000x16xf32, #tpu.memory_space<hbm>> -> memref<1280x16xf32, #tpu.memory_space<hbm>>
        tpu.wait_dma2 semaphore(%arg15 : memref<!tpu.dma_semaphore, #tpu.memory_space<semaphore_mem>>) src(%dma_wait3A_371 : memref<1280x16xf32, #tpu.memory_space<hbm>>) dst(%arg9 : memref<1280x16xf32, #tpu.memory_space<vmem>>)
        %dma_wait3A_372 = arith.constant 0 : i32
        %dma_wait3A_373 = arith.constant 0 : i32
        %dma_wait3A_374 = tpu.memref_slice %arg3[%dma_wait3A_372, %dma_wait3A_373] : memref<100000x16xf32, #tpu.memory_space<hbm>> -> memref<1280x16xf32, #tpu.memory_space<hbm>>
        %dma_wait3A_375 = arith.constant 0 : i32
        %dma_wait3A_376 = arith.constant 0 : i32
        %dma_wait3A_377 = tpu.memref_slice %arg3[%dma_wait3A_375, %dma_wait3A_376] : memref<100000x16xf32, #tpu.memory_space<hbm>> -> memref<1280x16xf32, #tpu.memory_space<hbm>>
        tpu.wait_dma2 semaphore(%arg15 : memref<!tpu.dma_semaphore, #tpu.memory_space<semaphore_mem>>) src(%dma_wait3A_377 : memref<1280x16xf32, #tpu.memory_space<hbm>>) dst(%arg11 : memref<1280x16xf32, #tpu.memory_space<vmem>>)
      } else {
      }
      %add3A_290 = arith.constant 2 : i32
      %add3A_291 = arith.addi %mul3A_274, %add3A_290 : i32
      %mul3A_292 = arith.constant 32 : i32
      %mul3A_293 = arith.muli %add3A_291, %mul3A_292 : i32
      %add3A_294 = arith.addi %add3A, %mul3A_293 : i32
      %lt3A_295 = arith.constant 2500 : i32
      %lt3A_296 = arith.cmpi slt, %add3A_294, %lt3A_295 : i32
      %convert_element_type3A_297 = arith.extui %lt3A_296 : i1 to i32
      %cond3A_298 = arith.constant 0 : i32
      %cond3A_299 = arith.cmpi ne, %convert_element_type3A_297, %cond3A_298 : i32
      scf.if %cond3A_299 {
        %add3A_366 = arith.constant 2 : i32
        %add3A_367 = arith.addi %mul3A_274, %add3A_366 : i32
        %mul3A_368 = arith.constant 32 : i32
        %mul3A_369 = arith.muli %add3A_367, %mul3A_368 : i32
        %add3A_370 = arith.addi %add3A, %mul3A_369 : i32
        %dma_start3A_371 = arith.constant 0 : i32
        %dma_start3A_372 = arith.constant 0 : i32
        %dma_start3A_373 = arith.constant 0 : i32
        %dma_start3A_374 = tpu.memref_slice %arg2[%dma_start3A_371, %add3A_370, %dma_start3A_372, %dma_start3A_373] : memref<2x2500x10x128xi32, #tpu.memory_space<hbm>> -> memref<1x1x10x128xi32, #tpu.memory_space<hbm>>
        %dma_start3A_375 = tpu.memref_squeeze %dma_start3A_374 : memref<1x1x10x128xi32, #tpu.memory_space<hbm>> -> memref<10x128xi32, #tpu.memory_space<hbm>>
        %dma_start3A_376 = arith.constant 0 : i32
        %dma_start3A_377 = arith.constant 0 : i32
        %dma_start3A_378 = tpu.memref_slice %arg2[%dma_start3A_371, %add3A_370, %dma_start3A_376, %dma_start3A_377] : memref<2x2500x10x128xi32, #tpu.memory_space<hbm>> -> memref<1x1x10x128xi32, #tpu.memory_space<hbm>>
        %dma_start3A_379 = tpu.memref_squeeze %dma_start3A_378 : memref<1x1x10x128xi32, #tpu.memory_space<hbm>> -> memref<10x128xi32, #tpu.memory_space<hbm>>
        tpu.enqueue_dma source(%dma_start3A_379 : memref<10x128xi32, #tpu.memory_space<hbm>>) target(%arg5 : memref<10x128xi32, #tpu.memory_space<vmem>>) target_semaphore(%arg17 : memref<!tpu.dma_semaphore, #tpu.memory_space<semaphore_mem>>)
        %dma_start3A_380 = arith.constant 1 : i32
        %dma_start3A_381 = arith.constant 0 : i32
        %dma_start3A_382 = arith.constant 0 : i32
        %dma_start3A_383 = tpu.memref_slice %arg2[%dma_start3A_380, %add3A_370, %dma_start3A_381, %dma_start3A_382] : memref<2x2500x10x128xi32, #tpu.memory_space<hbm>> -> memref<1x1x10x128xi32, #tpu.memory_space<hbm>>
        %dma_start3A_384 = tpu.memref_squeeze %dma_start3A_383 : memref<1x1x10x128xi32, #tpu.memory_space<hbm>> -> memref<10x128xi32, #tpu.memory_space<hbm>>
        %dma_start3A_385 = arith.constant 0 : i32
        %dma_start3A_386 = arith.constant 0 : i32
        %dma_start3A_387 = tpu.memref_slice %arg2[%dma_start3A_380, %add3A_370, %dma_start3A_385, %dma_start3A_386] : memref<2x2500x10x128xi32, #tpu.memory_space<hbm>> -> memref<1x1x10x128xi32, #tpu.memory_space<hbm>>
        %dma_start3A_388 = tpu.memref_squeeze %dma_start3A_387 : memref<1x1x10x128xi32, #tpu.memory_space<hbm>> -> memref<10x128xi32, #tpu.memory_space<hbm>>
        tpu.enqueue_dma source(%dma_start3A_388 : memref<10x128xi32, #tpu.memory_space<hbm>>) target(%arg7 : memref<10x128xi32, #tpu.memory_space<vmem>>) target_semaphore(%arg17 : memref<!tpu.dma_semaphore, #tpu.memory_space<semaphore_mem>>)
      } else {
      }
      %ge3A = arith.constant 2 : i32
      %ge3A_300 = arith.cmpi sge, %mul3A_274, %ge3A : i32
      %mul3A_301 = arith.constant 32 : i32
      %mul3A_302 = arith.muli %mul3A_274, %mul3A_301 : i32
      %add3A_303 = arith.addi %add3A, %mul3A_302 : i32
      %lt3A_304 = arith.constant 2500 : i32
      %lt3A_305 = arith.cmpi slt, %add3A_303, %lt3A_304 : i32
      %and3A = arith.andi %ge3A_300, %lt3A_305 : i1
      %convert_element_type3A_306 = arith.extui %and3A : i1 to i32
      %cond3A_307 = arith.constant 0 : i32
      %cond3A_308 = arith.cmpi ne, %convert_element_type3A_306, %cond3A_307 : i32
      scf.if %cond3A_308 {
        %dma_wait3A_366 = arith.constant 0 : i32
        %dma_wait3A_367 = tpu.memref_slice %arg4[%dma_wait3A_366] : memref<3200000xf32, #tpu.memory_space<hbm>> -> memref<1280xf32, #tpu.memory_space<hbm>>
        %dma_wait3A_368 = arith.constant 0 : i32
        %dma_wait3A_369 = tpu.memref_slice %arg4[%dma_wait3A_368] : memref<3200000xf32, #tpu.memory_space<hbm>> -> memref<1280xf32, #tpu.memory_space<hbm>>
        tpu.wait_dma2 semaphore(%arg19 : memref<!tpu.dma_semaphore, #tpu.memory_space<semaphore_mem>>) src(%dma_wait3A_369 : memref<1280xf32, #tpu.memory_space<hbm>>) dst(%arg13 : memref<1280xf32, #tpu.memory_space<vmem>>)
      } else {
      }
      %mul3A_309 = arith.constant 32 : i32
      %mul3A_310 = arith.muli %mul3A_274, %mul3A_309 : i32
      %add3A_311 = arith.addi %add3A, %mul3A_310 : i32
      %lt3A_312 = arith.constant 2500 : i32
      %lt3A_313 = arith.cmpi slt, %add3A_311, %lt3A_312 : i32
      %convert_element_type3A_314 = arith.extui %lt3A_313 : i1 to i32
      %cond3A_315 = arith.constant 0 : i32
      %cond3A_316 = arith.cmpi ne, %convert_element_type3A_314, %cond3A_315 : i32
      scf.if %cond3A_316 {
        %mul3A_366 = arith.constant 32 : i32
        %mul3A_367 = arith.muli %mul3A_274, %mul3A_366 : i32
        %add3A_368 = arith.addi %add3A, %mul3A_367 : i32
        %scan3A_369 = arith.constant 0 : i32
        %scan3A_370 = arith.constant 0 : i32
        %scan3A_371 = arith.constant 16 : i32
        %scan3A_372 = arith.addi %scan3A_370, %scan3A_371 : i32
        %scan3A_373 = arith.constant 1 : i32
        scf.for %scan3A_379 = %scan3A_370 to %scan3A_372 step %scan3A_373  : i32 {
          %mul3A_380 = arith.constant 5 : i32
          %mul3A_381 = arith.muli %scan3A_379, %mul3A_380 : i32
          %add3A_382 = arith.constant 0 : i32
          %add3A_383 = arith.addi %mul3A_381, %add3A_382 : i32
          %mul3A_384 = arith.constant 16 : i32
          %mul3A_385 = arith.muli %add3A_383, %mul3A_384 : i32
          %multiple_of3A_386 = tpu.assume_multiple %mul3A_385, 16 : i32
          %add3A_387 = vector.broadcast %multiple_of3A_386 : i32 to vector<16xi32>
          %add3A_388 = arith.addi %add3A_387, %iota3A : vector<16xi32>
          %broadcast_in_dim3A = arith.constant 0.000000e+00 : f32
          %broadcast_in_dim3A_389 = vector.broadcast %broadcast_in_dim3A : f32 to vector<16xf32>
          %broadcast_in_dim3A_390 = arith.constant 0.000000e+00 : f32
          %broadcast_in_dim3A_391 = vector.broadcast %broadcast_in_dim3A_390 : f32 to vector<16xf32>
          %broadcast_in_dim3A_392 = arith.constant 0.000000e+00 : f32
          %broadcast_in_dim3A_393 = vector.broadcast %broadcast_in_dim3A_392 : f32 to vector<16xf32>
          %broadcast_in_dim3A_394 = arith.constant 0.000000e+00 : f32
          %broadcast_in_dim3A_395 = vector.broadcast %broadcast_in_dim3A_394 : f32 to vector<16xf32>
          %add3A_396 = arith.constant 0 : i32
          %add3A_397 = vector.broadcast %add3A_396 : i32 to vector<16xi32>
          %add3A_398 = arith.addi %iota3A, %add3A_397 : vector<16xi32>
          %and3A_399 = arith.constant 15 : i32
          %and3A_400 = vector.broadcast %and3A_399 : i32 to vector<16xi32>
          %and3A_401 = arith.andi %add3A_398, %and3A_400 : vector<16xi32>
          %gather3A = tpu.vector_load_idx %arg9[%add3A_388, %and3A_401] : memref<1280x16xf32, #tpu.memory_space<vmem>>[vector<16xi32>, vector<16xi32>], vector<16xf32>,
          %gather3A_402 = tpu.vector_load_idx %arg11[%add3A_388, %and3A_401] : memref<1280x16xf32, #tpu.memory_space<vmem>>[vector<16xi32>, vector<16xi32>], vector<16xf32>,
          %sub3A = arith.subf %gather3A, %gather3A_402 : vector<16xf32>
          %mul3A_403 = arith.mulf %sub3A, %sub3A : vector<16xf32>
          %add3A_404 = arith.addf %broadcast_in_dim3A_389, %mul3A_403 : vector<16xf32>
          %add3A_405 = arith.constant 1 : i32
          %add3A_406 = vector.broadcast %add3A_405 : i32 to vector<16xi32>
          %add3A_407 = arith.addi %iota3A, %add3A_406 : vector<16xi32>
          %and3A_408 = arith.constant 15 : i32
          %and3A_409 = vector.broadcast %and3A_408 : i32 to vector<16xi32>
          %and3A_410 = arith.andi %add3A_407, %and3A_409 : vector<16xi32>
          %gather3A_411 = tpu.vector_load_idx %arg9[%add3A_388, %and3A_410] : memref<1280x16xf32, #tpu.memory_space<vmem>>[vector<16xi32>, vector<16xi32>], vector<16xf32>,
          %gather3A_412 = tpu.vector_load_idx %arg11[%add3A_388, %and3A_410] : memref<1280x16xf32, #tpu.memory_space<vmem>>[vector<16xi32>, vector<16xi32>], vector<16xf32>,
          %sub3A_413 = arith.subf %gather3A_411, %gather3A_412 : vector<16xf32>
          %mul3A_414 = arith.mulf %sub3A_413, %sub3A_413 : vector<16xf32>
          %add3A_415 = arith.addf %broadcast_in_dim3A_391, %mul3A_414 : vector<16xf32>
          %add3A_416 = arith.constant 2 : i32
          %add3A_417 = vector.broadcast %add3A_416 : i32 to vector<16xi32>
          %add3A_418 = arith.addi %iota3A, %add3A_417 : vector<16xi32>
          %and3A_419 = arith.constant 15 : i32
          %and3A_420 = vector.broadcast %and3A_419 : i32 to vector<16xi32>
          %and3A_421 = arith.andi %add3A_418, %and3A_420 : vector<16xi32>
          %gather3A_422 = tpu.vector_load_idx %arg9[%add3A_388, %and3A_421] : memref<1280x16xf32, #tpu.memory_space<vmem>>[vector<16xi32>, vector<16xi32>], vector<16xf32>,
          %gather3A_423 = tpu.vector_load_idx %arg11[%add3A_388, %and3A_421] : memref<1280x16xf32, #tpu.memory_space<vmem>>[vector<16xi32>, vector<16xi32>], vector<16xf32>,
          %sub3A_424 = arith.subf %gather3A_422, %gather3A_423 : vector<16xf32>
          %mul3A_425 = arith.mulf %sub3A_424, %sub3A_424 : vector<16xf32>
          %add3A_426 = arith.addf %broadcast_in_dim3A_393, %mul3A_425 : vector<16xf32>
          %add3A_427 = arith.constant 3 : i32
          %add3A_428 = vector.broadcast %add3A_427 : i32 to vector<16xi32>
          %add3A_429 = arith.addi %iota3A, %add3A_428 : vector<16xi32>
          %and3A_430 = arith.constant 15 : i32
          %and3A_431 = vector.broadcast %and3A_430 : i32 to vector<16xi32>
          %and3A_432 = arith.andi %add3A_429, %and3A_431 : vector<16xi32>
          %gather3A_433 = tpu.vector_load_idx %arg9[%add3A_388, %and3A_432] : memref<1280x16xf32, #tpu.memory_space<vmem>>[vector<16xi32>, vector<16xi32>], vector<16xf32>,
          %gather3A_434 = tpu.vector_load_idx %arg11[%add3A_388, %and3A_432] : memref<1280x16xf32, #tpu.memory_space<vmem>>[vector<16xi32>, vector<16xi32>], vector<16xf32>,
          %sub3A_435 = arith.subf %gather3A_433, %gather3A_434 : vector<16xf32>
          %mul3A_436 = arith.mulf %sub3A_435, %sub3A_435 : vector<16xf32>
          %add3A_437 = arith.addf %broadcast_in_dim3A_395, %mul3A_436 : vector<16xf32>
          %add3A_438 = arith.constant 4 : i32
          %add3A_439 = vector.broadcast %add3A_438 : i32 to vector<16xi32>
          %add3A_440 = arith.addi %iota3A, %add3A_439 : vector<16xi32>
          %and3A_441 = arith.constant 15 : i32
          %and3A_442 = vector.broadcast %and3A_441 : i32 to vector<16xi32>
          %and3A_443 = arith.andi %add3A_440, %and3A_442 : vector<16xi32>
          %gather3A_444 = tpu.vector_load_idx %arg9[%add3A_388, %and3A_443] : memref<1280x16xf32, #tpu.memory_space<vmem>>[vector<16xi32>, vector<16xi32>], vector<16xf32>,
          %gather3A_445 = tpu.vector_load_idx %arg11[%add3A_388, %and3A_443] : memref<1280x16xf32, #tpu.memory_space<vmem>>[vector<16xi32>, vector<16xi32>], vector<16xf32>,
          %sub3A_446 = arith.subf %gather3A_444, %gather3A_445 : vector<16xf32>
          %mul3A_447 = arith.mulf %sub3A_446, %sub3A_446 : vector<16xf32>
          %add3A_448 = arith.addf %add3A_404, %mul3A_447 : vector<16xf32>
          %add3A_449 = arith.constant 5 : i32
          %add3A_450 = vector.broadcast %add3A_449 : i32 to vector<16xi32>
          %add3A_451 = arith.addi %iota3A, %add3A_450 : vector<16xi32>
          %and3A_452 = arith.constant 15 : i32
          %and3A_453 = vector.broadcast %and3A_452 : i32 to vector<16xi32>
          %and3A_454 = arith.andi %add3A_451, %and3A_453 : vector<16xi32>
          %gather3A_455 = tpu.vector_load_idx %arg9[%add3A_388, %and3A_454] : memref<1280x16xf32, #tpu.memory_space<vmem>>[vector<16xi32>, vector<16xi32>], vector<16xf32>,
          %gather3A_456 = tpu.vector_load_idx %arg11[%add3A_388, %and3A_454] : memref<1280x16xf32, #tpu.memory_space<vmem>>[vector<16xi32>, vector<16xi32>], vector<16xf32>,
          %sub3A_457 = arith.subf %gather3A_455, %gather3A_456 : vector<16xf32>
          %mul3A_458 = arith.mulf %sub3A_457, %sub3A_457 : vector<16xf32>
          %add3A_459 = arith.addf %add3A_415, %mul3A_458 : vector<16xf32>
          %add3A_460 = arith.constant 6 : i32
          %add3A_461 = vector.broadcast %add3A_460 : i32 to vector<16xi32>
          %add3A_462 = arith.addi %iota3A, %add3A_461 : vector<16xi32>
          %and3A_463 = arith.constant 15 : i32
          %and3A_464 = vector.broadcast %and3A_463 : i32 to vector<16xi32>
          %and3A_465 = arith.andi %add3A_462, %and3A_464 : vector<16xi32>
          %gather3A_466 = tpu.vector_load_idx %arg9[%add3A_388, %and3A_465] : memref<1280x16xf32, #tpu.memory_space<vmem>>[vector<16xi32>, vector<16xi32>], vector<16xf32>,
          %gather3A_467 = tpu.vector_load_idx %arg11[%add3A_388, %and3A_465] : memref<1280x16xf32, #tpu.memory_space<vmem>>[vector<16xi32>, vector<16xi32>], vector<16xf32>,
          %sub3A_468 = arith.subf %gather3A_466, %gather3A_467 : vector<16xf32>
          %mul3A_469 = arith.mulf %sub3A_468, %sub3A_468 : vector<16xf32>
          %add3A_470 = arith.addf %add3A_426, %mul3A_469 : vector<16xf32>
          %add3A_471 = arith.constant 7 : i32
          %add3A_472 = vector.broadcast %add3A_471 : i32 to vector<16xi32>
          %add3A_473 = arith.addi %iota3A, %add3A_472 : vector<16xi32>
          %and3A_474 = arith.constant 15 : i32
          %and3A_475 = vector.broadcast %and3A_474 : i32 to vector<16xi32>
          %and3A_476 = arith.andi %add3A_473, %and3A_475 : vector<16xi32>
          %gather3A_477 = tpu.vector_load_idx %arg9[%add3A_388, %and3A_476] : memref<1280x16xf32, #tpu.memory_space<vmem>>[vector<16xi32>, vector<16xi32>], vector<16xf32>,
          %gather3A_478 = tpu.vector_load_idx %arg11[%add3A_388, %and3A_476] : memref<1280x16xf32, #tpu.memory_space<vmem>>[vector<16xi32>, vector<16xi32>], vector<16xf32>,
          %sub3A_479 = arith.subf %gather3A_477, %gather3A_478 : vector<16xf32>
          %mul3A_480 = arith.mulf %sub3A_479, %sub3A_479 : vector<16xf32>
          %add3A_481 = arith.addf %add3A_437, %mul3A_480 : vector<16xf32>
          %add3A_482 = arith.constant 8 : i32
          %add3A_483 = vector.broadcast %add3A_482 : i32 to vector<16xi32>
          %add3A_484 = arith.addi %iota3A, %add3A_483 : vector<16xi32>
          %and3A_485 = arith.constant 15 : i32
          %and3A_486 = vector.broadcast %and3A_485 : i32 to vector<16xi32>
          %and3A_487 = arith.andi %add3A_484, %and3A_486 : vector<16xi32>
          %gather3A_488 = tpu.vector_load_idx %arg9[%add3A_388, %and3A_487] : memref<1280x16xf32, #tpu.memory_space<vmem>>[vector<16xi32>, vector<16xi32>], vector<16xf32>,
          %gather3A_489 = tpu.vector_load_idx %arg11[%add3A_388, %and3A_487] : memref<1280x16xf32, #tpu.memory_space<vmem>>[vector<16xi32>, vector<16xi32>], vector<16xf32>,
          %sub3A_490 = arith.subf %gather3A_488, %gather3A_489 : vector<16xf32>
          %mul3A_491 = arith.mulf %sub3A_490, %sub3A_490 : vector<16xf32>
          %add3A_492 = arith.addf %add3A_448, %mul3A_491 : vector<16xf32>
          %add3A_493 = arith.constant 9 : i32
          %add3A_494 = vector.broadcast %add3A_493 : i32 to vector<16xi32>
          %add3A_495 = arith.addi %iota3A, %add3A_494 : vector<16xi32>
          %and3A_496 = arith.constant 15 : i32
          %and3A_497 = vector.broadcast %and3A_496 : i32 to vector<16xi32>
          %and3A_498 = arith.andi %add3A_495, %and3A_497 : vector<16xi32>
          %gather3A_499 = tpu.vector_load_idx %arg9[%add3A_388, %and3A_498] : memref<1280x16xf32, #tpu.memory_space<vmem>>[vector<16xi32>, vector<16xi32>], vector<16xf32>,
          %gather3A_500 = tpu.vector_load_idx %arg11[%add3A_388, %and3A_498] : memref<1280x16xf32, #tpu.memory_space<vmem>>[vector<16xi32>, vector<16xi32>], vector<16xf32>,
          %sub3A_501 = arith.subf %gather3A_499, %gather3A_500 : vector<16xf32>
          %mul3A_502 = arith.mulf %sub3A_501, %sub3A_501 : vector<16xf32>
          %add3A_503 = arith.addf %add3A_459, %mul3A_502 : vector<16xf32>
          %add3A_504 = arith.constant 10 : i32
          %add3A_505 = vector.broadcast %add3A_504 : i32 to vector<16xi32>
          %add3A_506 = arith.addi %iota3A, %add3A_505 : vector<16xi32>
          %and3A_507 = arith.constant 15 : i32
          %and3A_508 = vector.broadcast %and3A_507 : i32 to vector<16xi32>
          %and3A_509 = arith.andi %add3A_506, %and3A_508 : vector<16xi32>
          %gather3A_510 = tpu.vector_load_idx %arg9[%add3A_388, %and3A_509] : memref<1280x16xf32, #tpu.memory_space<vmem>>[vector<16xi32>, vector<16xi32>], vector<16xf32>,
          %gather3A_511 = tpu.vector_load_idx %arg11[%add3A_388, %and3A_509] : memref<1280x16xf32, #tpu.memory_space<vmem>>[vector<16xi32>, vector<16xi32>], vector<16xf32>,
          %sub3A_512 = arith.subf %gather3A_510, %gather3A_511 : vector<16xf32>
          %mul3A_513 = arith.mulf %sub3A_512, %sub3A_512 : vector<16xf32>
          %add3A_514 = arith.addf %add3A_470, %mul3A_513 : vector<16xf32>
          %add3A_515 = arith.constant 11 : i32
          %add3A_516 = vector.broadcast %add3A_515 : i32 to vector<16xi32>
          %add3A_517 = arith.addi %iota3A, %add3A_516 : vector<16xi32>
          %and3A_518 = arith.constant 15 : i32
          %and3A_519 = vector.broadcast %and3A_518 : i32 to vector<16xi32>
          %and3A_520 = arith.andi %add3A_517, %and3A_519 : vector<16xi32>
          %gather3A_521 = tpu.vector_load_idx %arg9[%add3A_388, %and3A_520] : memref<1280x16xf32, #tpu.memory_space<vmem>>[vector<16xi32>, vector<16xi32>], vector<16xf32>,
          %gather3A_522 = tpu.vector_load_idx %arg11[%add3A_388, %and3A_520] : memref<1280x16xf32, #tpu.memory_space<vmem>>[vector<16xi32>, vector<16xi32>], vector<16xf32>,
          %sub3A_523 = arith.subf %gather3A_521, %gather3A_522 : vector<16xf32>
          %mul3A_524 = arith.mulf %sub3A_523, %sub3A_523 : vector<16xf32>
          %add3A_525 = arith.addf %add3A_481, %mul3A_524 : vector<16xf32>
          %add3A_526 = arith.constant 12 : i32
          %add3A_527 = vector.broadcast %add3A_526 : i32 to vector<16xi32>
          %add3A_528 = arith.addi %iota3A, %add3A_527 : vector<16xi32>
          %and3A_529 = arith.constant 15 : i32
          %and3A_530 = vector.broadcast %and3A_529 : i32 to vector<16xi32>
          %and3A_531 = arith.andi %add3A_528, %and3A_530 : vector<16xi32>
          %gather3A_532 = tpu.vector_load_idx %arg9[%add3A_388, %and3A_531] : memref<1280x16xf32, #tpu.memory_space<vmem>>[vector<16xi32>, vector<16xi32>], vector<16xf32>,
          %gather3A_533 = tpu.vector_load_idx %arg11[%add3A_388, %and3A_531] : memref<1280x16xf32, #tpu.memory_space<vmem>>[vector<16xi32>, vector<16xi32>], vector<16xf32>,
          %sub3A_534 = arith.subf %gather3A_532, %gather3A_533 : vector<16xf32>
          %mul3A_535 = arith.mulf %sub3A_534, %sub3A_534 : vector<16xf32>
          %add3A_536 = arith.addf %add3A_492, %mul3A_535 : vector<16xf32>
          %add3A_537 = arith.constant 13 : i32
          %add3A_538 = vector.broadcast %add3A_537 : i32 to vector<16xi32>
          %add3A_539 = arith.addi %iota3A, %add3A_538 : vector<16xi32>
          %and3A_540 = arith.constant 15 : i32
          %and3A_541 = vector.broadcast %and3A_540 : i32 to vector<16xi32>
          %and3A_542 = arith.andi %add3A_539, %and3A_541 : vector<16xi32>
          %gather3A_543 = tpu.vector_load_idx %arg9[%add3A_388, %and3A_542] : memref<1280x16xf32, #tpu.memory_space<vmem>>[vector<16xi32>, vector<16xi32>], vector<16xf32>,
          %gather3A_544 = tpu.vector_load_idx %arg11[%add3A_388, %and3A_542] : memref<1280x16xf32, #tpu.memory_space<vmem>>[vector<16xi32>, vector<16xi32>], vector<16xf32>,
          %sub3A_545 = arith.subf %gather3A_543, %gather3A_544 : vector<16xf32>
          %mul3A_546 = arith.mulf %sub3A_545, %sub3A_545 : vector<16xf32>
          %add3A_547 = arith.addf %add3A_503, %mul3A_546 : vector<16xf32>
          %add3A_548 = arith.constant 14 : i32
          %add3A_549 = vector.broadcast %add3A_548 : i32 to vector<16xi32>
          %add3A_550 = arith.addi %iota3A, %add3A_549 : vector<16xi32>
          %and3A_551 = arith.constant 15 : i32
          %and3A_552 = vector.broadcast %and3A_551 : i32 to vector<16xi32>
          %and3A_553 = arith.andi %add3A_550, %and3A_552 : vector<16xi32>
          %gather3A_554 = tpu.vector_load_idx %arg9[%add3A_388, %and3A_553] : memref<1280x16xf32, #tpu.memory_space<vmem>>[vector<16xi32>, vector<16xi32>], vector<16xf32>,
          %gather3A_555 = tpu.vector_load_idx %arg11[%add3A_388, %and3A_553] : memref<1280x16xf32, #tpu.memory_space<vmem>>[vector<16xi32>, vector<16xi32>], vector<16xf32>,
          %sub3A_556 = arith.subf %gather3A_554, %gather3A_555 : vector<16xf32>
          %mul3A_557 = arith.mulf %sub3A_556, %sub3A_556 : vector<16xf32>
          %add3A_558 = arith.addf %add3A_514, %mul3A_557 : vector<16xf32>
          %add3A_559 = arith.constant 15 : i32
          %add3A_560 = vector.broadcast %add3A_559 : i32 to vector<16xi32>
          %add3A_561 = arith.addi %iota3A, %add3A_560 : vector<16xi32>
          %and3A_562 = arith.constant 15 : i32
          %and3A_563 = vector.broadcast %and3A_562 : i32 to vector<16xi32>
          %and3A_564 = arith.andi %add3A_561, %and3A_563 : vector<16xi32>
          %gather3A_565 = tpu.vector_load_idx %arg9[%add3A_388, %and3A_564] : memref<1280x16xf32, #tpu.memory_space<vmem>>[vector<16xi32>, vector<16xi32>], vector<16xf32>,
          %gather3A_566 = tpu.vector_load_idx %arg11[%add3A_388, %and3A_564] : memref<1280x16xf32, #tpu.memory_space<vmem>>[vector<16xi32>, vector<16xi32>], vector<16xf32>,
          %sub3A_567 = arith.subf %gather3A_565, %gather3A_566 : vector<16xf32>
          %mul3A_568 = arith.mulf %sub3A_567, %sub3A_567 : vector<16xf32>
          %add3A_569 = arith.addf %add3A_525, %mul3A_568 : vector<16xf32>
          %add3A_570 = arith.addf %add3A_536, %add3A_547 : vector<16xf32>
          %add3A_571 = arith.addf %add3A_558, %add3A_569 : vector<16xf32>
          %add3A_572 = arith.addf %add3A_570, %add3A_571 : vector<16xf32>
          %bitcast_convert_type3A = tpu.bitcast %add3A_572 : vector<16xf32> -> vector<16xi32>
          %shift_right_arithmetic3A = arith.constant 1 : i32
          %shift_right_arithmetic3A_573 = vector.broadcast %shift_right_arithmetic3A : i32 to vector<16xi32>
          %shift_right_arithmetic3A_574 = arith.shrsi %bitcast_convert_type3A, %shift_right_arithmetic3A_573 : vector<16xi32>
          %sub3A_575 = arith.constant 1597463007 : i32
          %sub3A_576 = vector.broadcast %sub3A_575 : i32 to vector<16xi32>
          %sub3A_577 = arith.subi %sub3A_576, %shift_right_arithmetic3A_574 : vector<16xi32>
          %bitcast_convert_type3A_578 = tpu.bitcast %sub3A_577 : vector<16xi32> -> vector<16xf32>
          %mul3A_579 = arith.constant 5.000000e-01 : f32
          %mul3A_580 = vector.broadcast %mul3A_579 : f32 to vector<16xf32>
          %mul3A_581 = arith.mulf %add3A_572, %mul3A_580 : vector<16xf32>
          %mul3A_582 = arith.mulf %mul3A_581, %bitcast_convert_type3A_578 : vector<16xf32>
          %mul3A_583 = arith.mulf %mul3A_582, %bitcast_convert_type3A_578 : vector<16xf32>
          %sub3A_584 = arith.constant 1.500000e+00 : f32
          %sub3A_585 = vector.broadcast %sub3A_584 : f32 to vector<16xf32>
          %sub3A_586 = arith.subf %sub3A_585, %mul3A_583 : vector<16xf32>
          %mul3A_587 = arith.mulf %bitcast_convert_type3A_578, %sub3A_586 : vector<16xf32>
          %mul3A_588 = arith.mulf %mul3A_581, %mul3A_587 : vector<16xf32>
          %mul3A_589 = arith.mulf %mul3A_588, %mul3A_587 : vector<16xf32>
          %sub3A_590 = arith.constant 1.500000e+00 : f32
          %sub3A_591 = vector.broadcast %sub3A_590 : f32 to vector<16xf32>
          %sub3A_592 = arith.subf %sub3A_591, %mul3A_589 : vector<16xf32>
          %mul3A_593 = arith.mulf %mul3A_587, %sub3A_592 : vector<16xf32>
          %mul3A_594 = arith.mulf %add3A_572, %mul3A_593 : vector<16xf32>
          %swap3A = arith.index_cast %multiple_of3A_386 : i32 to index
          %swap3A_595 = tpu.vector_load %arg13[%swap3A] {strides = array<i32>} : memref<1280xf32, #tpu.memory_space<vmem>>, vector<16xf32>,
          tpu.vector_store %arg13[%swap3A], %mul3A_594 {strides = array<i32>} : memref<1280xf32, #tpu.memory_space<vmem>>, vector<16xf32>,
          %mul3A_596 = arith.constant 5 : i32
          %mul3A_597 = arith.muli %scan3A_379, %mul3A_596 : i32
          %add3A_598 = arith.constant 1 : i32
          %add3A_599 = arith.addi %mul3A_597, %add3A_598 : i32
          %mul3A_600 = arith.constant 16 : i32
          %mul3A_601 = arith.muli %add3A_599, %mul3A_600 : i32
          %multiple_of3A_602 = tpu.assume_multiple %mul3A_601, 16 : i32
          %add3A_603 = vector.broadcast %multiple_of3A_602 : i32 to vector<16xi32>
          %add3A_604 = arith.addi %add3A_603, %iota3A : vector<16xi32>
          %broadcast_in_dim3A_605 = arith.constant 0.000000e+00 : f32
          %broadcast_in_dim3A_606 = vector.broadcast %broadcast_in_dim3A_605 : f32 to vector<16xf32>
          %broadcast_in_dim3A_607 = arith.constant 0.000000e+00 : f32
          %broadcast_in_dim3A_608 = vector.broadcast %broadcast_in_dim3A_607 : f32 to vector<16xf32>
          %broadcast_in_dim3A_609 = arith.constant 0.000000e+00 : f32
          %broadcast_in_dim3A_610 = vector.broadcast %broadcast_in_dim3A_609 : f32 to vector<16xf32>
          %broadcast_in_dim3A_611 = arith.constant 0.000000e+00 : f32
          %broadcast_in_dim3A_612 = vector.broadcast %broadcast_in_dim3A_611 : f32 to vector<16xf32>
          %add3A_613 = arith.constant 0 : i32
          %add3A_614 = vector.broadcast %add3A_613 : i32 to vector<16xi32>
          %add3A_615 = arith.addi %iota3A, %add3A_614 : vector<16xi32>
          %and3A_616 = arith.constant 15 : i32
          %and3A_617 = vector.broadcast %and3A_616 : i32 to vector<16xi32>
          %and3A_618 = arith.andi %add3A_615, %and3A_617 : vector<16xi32>
          %gather3A_619 = tpu.vector_load_idx %arg9[%add3A_604, %and3A_618] : memref<1280x16xf32, #tpu.memory_space<vmem>>[vector<16xi32>, vector<16xi32>], vector<16xf32>,
          %gather3A_620 = tpu.vector_load_idx %arg11[%add3A_604, %and3A_618] : memref<1280x16xf32, #tpu.memory_space<vmem>>[vector<16xi32>, vector<16xi32>], vector<16xf32>,
          %sub3A_621 = arith.subf %gather3A_619, %gather3A_620 : vector<16xf32>
          %mul3A_622 = arith.mulf %sub3A_621, %sub3A_621 : vector<16xf32>
          %add3A_623 = arith.addf %broadcast_in_dim3A_606, %mul3A_622 : vector<16xf32>
          %add3A_624 = arith.constant 1 : i32
          %add3A_625 = vector.broadcast %add3A_624 : i32 to vector<16xi32>
          %add3A_626 = arith.addi %iota3A, %add3A_625 : vector<16xi32>
          %and3A_627 = arith.constant 15 : i32
          %and3A_628 = vector.broadcast %and3A_627 : i32 to vector<16xi32>
          %and3A_629 = arith.andi %add3A_626, %and3A_628 : vector<16xi32>
          %gather3A_630 = tpu.vector_load_idx %arg9[%add3A_604, %and3A_629] : memref<1280x16xf32, #tpu.memory_space<vmem>>[vector<16xi32>, vector<16xi32>], vector<16xf32>,
          %gather3A_631 = tpu.vector_load_idx %arg11[%add3A_604, %and3A_629] : memref<1280x16xf32, #tpu.memory_space<vmem>>[vector<16xi32>, vector<16xi32>], vector<16xf32>,
          %sub3A_632 = arith.subf %gather3A_630, %gather3A_631 : vector<16xf32>
          %mul3A_633 = arith.mulf %sub3A_632, %sub3A_632 : vector<16xf32>
          %add3A_634 = arith.addf %broadcast_in_dim3A_608, %mul3A_633 : vector<16xf32>
          %add3A_635 = arith.constant 2 : i32
          %add3A_636 = vector.broadcast %add3A_635 : i32 to vector<16xi32>
          %add3A_637 = arith.addi %iota3A, %add3A_636 : vector<16xi32>
          %and3A_638 = arith.constant 15 : i32
          %and3A_639 = vector.broadcast %and3A_638 : i32 to vector<16xi32>
          %and3A_640 = arith.andi %add3A_637, %and3A_639 : vector<16xi32>
          %gather3A_641 = tpu.vector_load_idx %arg9[%add3A_604, %and3A_640] : memref<1280x16xf32, #tpu.memory_space<vmem>>[vector<16xi32>, vector<16xi32>], vector<16xf32>,
          %gather3A_642 = tpu.vector_load_idx %arg11[%add3A_604, %and3A_640] : memref<1280x16xf32, #tpu.memory_space<vmem>>[vector<16xi32>, vector<16xi32>], vector<16xf32>,
          %sub3A_643 = arith.subf %gather3A_641, %gather3A_642 : vector<16xf32>
          %mul3A_644 = arith.mulf %sub3A_643, %sub3A_643 : vector<16xf32>
          %add3A_645 = arith.addf %broadcast_in_dim3A_610, %mul3A_644 : vector<16xf32>
          %add3A_646 = arith.constant 3 : i32
          %add3A_647 = vector.broadcast %add3A_646 : i32 to vector<16xi32>
          %add3A_648 = arith.addi %iota3A, %add3A_647 : vector<16xi32>
          %and3A_649 = arith.constant 15 : i32
          %and3A_650 = vector.broadcast %and3A_649 : i32 to vector<16xi32>
          %and3A_651 = arith.andi %add3A_648, %and3A_650 : vector<16xi32>
          %gather3A_652 = tpu.vector_load_idx %arg9[%add3A_604, %and3A_651] : memref<1280x16xf32, #tpu.memory_space<vmem>>[vector<16xi32>, vector<16xi32>], vector<16xf32>,
          %gather3A_653 = tpu.vector_load_idx %arg11[%add3A_604, %and3A_651] : memref<1280x16xf32, #tpu.memory_space<vmem>>[vector<16xi32>, vector<16xi32>], vector<16xf32>,
          %sub3A_654 = arith.subf %gather3A_652, %gather3A_653 : vector<16xf32>
          %mul3A_655 = arith.mulf %sub3A_654, %sub3A_654 : vector<16xf32>
          %add3A_656 = arith.addf %broadcast_in_dim3A_612, %mul3A_655 : vector<16xf32>
          %add3A_657 = arith.constant 4 : i32
          %add3A_658 = vector.broadcast %add3A_657 : i32 to vector<16xi32>
          %add3A_659 = arith.addi %iota3A, %add3A_658 : vector<16xi32>
          %and3A_660 = arith.constant 15 : i32
          %and3A_661 = vector.broadcast %and3A_660 : i32 to vector<16xi32>
          %and3A_662 = arith.andi %add3A_659, %and3A_661 : vector<16xi32>
          %gather3A_663 = tpu.vector_load_idx %arg9[%add3A_604, %and3A_662] : memref<1280x16xf32, #tpu.memory_space<vmem>>[vector<16xi32>, vector<16xi32>], vector<16xf32>,
          %gather3A_664 = tpu.vector_load_idx %arg11[%add3A_604, %and3A_662] : memref<1280x16xf32, #tpu.memory_space<vmem>>[vector<16xi32>, vector<16xi32>], vector<16xf32>,
          %sub3A_665 = arith.subf %gather3A_663, %gather3A_664 : vector<16xf32>
          %mul3A_666 = arith.mulf %sub3A_665, %sub3A_665 : vector<16xf32>
          %add3A_667 = arith.addf %add3A_623, %mul3A_666 : vector<16xf32>
          %add3A_668 = arith.constant 5 : i32
          %add3A_669 = vector.broadcast %add3A_668 : i32 to vector<16xi32>
          %add3A_670 = arith.addi %iota3A, %add3A_669 : vector<16xi32>
          %and3A_671 = arith.constant 15 : i32
          %and3A_672 = vector.broadcast %and3A_671 : i32 to vector<16xi32>
          %and3A_673 = arith.andi %add3A_670, %and3A_672 : vector<16xi32>
          %gather3A_674 = tpu.vector_load_idx %arg9[%add3A_604, %and3A_673] : memref<1280x16xf32, #tpu.memory_space<vmem>>[vector<16xi32>, vector<16xi32>], vector<16xf32>,
          %gather3A_675 = tpu.vector_load_idx %arg11[%add3A_604, %and3A_673] : memref<1280x16xf32, #tpu.memory_space<vmem>>[vector<16xi32>, vector<16xi32>], vector<16xf32>,
          %sub3A_676 = arith.subf %gather3A_674, %gather3A_675 : vector<16xf32>
          %mul3A_677 = arith.mulf %sub3A_676, %sub3A_676 : vector<16xf32>
          %add3A_678 = arith.addf %add3A_634, %mul3A_677 : vector<16xf32>
          %add3A_679 = arith.constant 6 : i32
          %add3A_680 = vector.broadcast %add3A_679 : i32 to vector<16xi32>
          %add3A_681 = arith.addi %iota3A, %add3A_680 : vector<16xi32>
          %and3A_682 = arith.constant 15 : i32
          %and3A_683 = vector.broadcast %and3A_682 : i32 to vector<16xi32>
          %and3A_684 = arith.andi %add3A_681, %and3A_683 : vector<16xi32>
          %gather3A_685 = tpu.vector_load_idx %arg9[%add3A_604, %and3A_684] : memref<1280x16xf32, #tpu.memory_space<vmem>>[vector<16xi32>, vector<16xi32>], vector<16xf32>,
          %gather3A_686 = tpu.vector_load_idx %arg11[%add3A_604, %and3A_684] : memref<1280x16xf32, #tpu.memory_space<vmem>>[vector<16xi32>, vector<16xi32>], vector<16xf32>,
          %sub3A_687 = arith.subf %gather3A_685, %gather3A_686 : vector<16xf32>
          %mul3A_688 = arith.mulf %sub3A_687, %sub3A_687 : vector<16xf32>
          %add3A_689 = arith.addf %add3A_645, %mul3A_688 : vector<16xf32>
          %add3A_690 = arith.constant 7 : i32
          %add3A_691 = vector.broadcast %add3A_690 : i32 to vector<16xi32>
          %add3A_692 = arith.addi %iota3A, %add3A_691 : vector<16xi32>
          %and3A_693 = arith.constant 15 : i32
          %and3A_694 = vector.broadcast %and3A_693 : i32 to vector<16xi32>
          %and3A_695 = arith.andi %add3A_692, %and3A_694 : vector<16xi32>
          %gather3A_696 = tpu.vector_load_idx %arg9[%add3A_604, %and3A_695] : memref<1280x16xf32, #tpu.memory_space<vmem>>[vector<16xi32>, vector<16xi32>], vector<16xf32>,
          %gather3A_697 = tpu.vector_load_idx %arg11[%add3A_604, %and3A_695] : memref<1280x16xf32, #tpu.memory_space<vmem>>[vector<16xi32>, vector<16xi32>], vector<16xf32>,
          %sub3A_698 = arith.subf %gather3A_696, %gather3A_697 : vector<16xf32>
          %mul3A_699 = arith.mulf %sub3A_698, %sub3A_698 : vector<16xf32>
          %add3A_700 = arith.addf %add3A_656, %mul3A_699 : vector<16xf32>
          %add3A_701 = arith.constant 8 : i32
          %add3A_702 = vector.broadcast %add3A_701 : i32 to vector<16xi32>
          %add3A_703 = arith.addi %iota3A, %add3A_702 : vector<16xi32>
          %and3A_704 = arith.constant 15 : i32
          %and3A_705 = vector.broadcast %and3A_704 : i32 to vector<16xi32>
          %and3A_706 = arith.andi %add3A_703, %and3A_705 : vector<16xi32>
          %gather3A_707 = tpu.vector_load_idx %arg9[%add3A_604, %and3A_706] : memref<1280x16xf32, #tpu.memory_space<vmem>>[vector<16xi32>, vector<16xi32>], vector<16xf32>,
          %gather3A_708 = tpu.vector_load_idx %arg11[%add3A_604, %and3A_706] : memref<1280x16xf32, #tpu.memory_space<vmem>>[vector<16xi32>, vector<16xi32>], vector<16xf32>,
          %sub3A_709 = arith.subf %gather3A_707, %gather3A_708 : vector<16xf32>
          %mul3A_710 = arith.mulf %sub3A_709, %sub3A_709 : vector<16xf32>
          %add3A_711 = arith.addf %add3A_667, %mul3A_710 : vector<16xf32>
          %add3A_712 = arith.constant 9 : i32
          %add3A_713 = vector.broadcast %add3A_712 : i32 to vector<16xi32>
          %add3A_714 = arith.addi %iota3A, %add3A_713 : vector<16xi32>
          %and3A_715 = arith.constant 15 : i32
          %and3A_716 = vector.broadcast %and3A_715 : i32 to vector<16xi32>
          %and3A_717 = arith.andi %add3A_714, %and3A_716 : vector<16xi32>
          %gather3A_718 = tpu.vector_load_idx %arg9[%add3A_604, %and3A_717] : memref<1280x16xf32, #tpu.memory_space<vmem>>[vector<16xi32>, vector<16xi32>], vector<16xf32>,
          %gather3A_719 = tpu.vector_load_idx %arg11[%add3A_604, %and3A_717] : memref<1280x16xf32, #tpu.memory_space<vmem>>[vector<16xi32>, vector<16xi32>], vector<16xf32>,
          %sub3A_720 = arith.subf %gather3A_718, %gather3A_719 : vector<16xf32>
          %mul3A_721 = arith.mulf %sub3A_720, %sub3A_720 : vector<16xf32>
          %add3A_722 = arith.addf %add3A_678, %mul3A_721 : vector<16xf32>
          %add3A_723 = arith.constant 10 : i32
          %add3A_724 = vector.broadcast %add3A_723 : i32 to vector<16xi32>
          %add3A_725 = arith.addi %iota3A, %add3A_724 : vector<16xi32>
          %and3A_726 = arith.constant 15 : i32
          %and3A_727 = vector.broadcast %and3A_726 : i32 to vector<16xi32>
          %and3A_728 = arith.andi %add3A_725, %and3A_727 : vector<16xi32>
          %gather3A_729 = tpu.vector_load_idx %arg9[%add3A_604, %and3A_728] : memref<1280x16xf32, #tpu.memory_space<vmem>>[vector<16xi32>, vector<16xi32>], vector<16xf32>,
          %gather3A_730 = tpu.vector_load_idx %arg11[%add3A_604, %and3A_728] : memref<1280x16xf32, #tpu.memory_space<vmem>>[vector<16xi32>, vector<16xi32>], vector<16xf32>,
          %sub3A_731 = arith.subf %gather3A_729, %gather3A_730 : vector<16xf32>
          %mul3A_732 = arith.mulf %sub3A_731, %sub3A_731 : vector<16xf32>
          %add3A_733 = arith.addf %add3A_689, %mul3A_732 : vector<16xf32>
          %add3A_734 = arith.constant 11 : i32
          %add3A_735 = vector.broadcast %add3A_734 : i32 to vector<16xi32>
          %add3A_736 = arith.addi %iota3A, %add3A_735 : vector<16xi32>
          %and3A_737 = arith.constant 15 : i32
          %and3A_738 = vector.broadcast %and3A_737 : i32 to vector<16xi32>
          %and3A_739 = arith.andi %add3A_736, %and3A_738 : vector<16xi32>
          %gather3A_740 = tpu.vector_load_idx %arg9[%add3A_604, %and3A_739] : memref<1280x16xf32, #tpu.memory_space<vmem>>[vector<16xi32>, vector<16xi32>], vector<16xf32>,
          %gather3A_741 = tpu.vector_load_idx %arg11[%add3A_604, %and3A_739] : memref<1280x16xf32, #tpu.memory_space<vmem>>[vector<16xi32>, vector<16xi32>], vector<16xf32>,
          %sub3A_742 = arith.subf %gather3A_740, %gather3A_741 : vector<16xf32>
          %mul3A_743 = arith.mulf %sub3A_742, %sub3A_742 : vector<16xf32>
          %add3A_744 = arith.addf %add3A_700, %mul3A_743 : vector<16xf32>
          %add3A_745 = arith.constant 12 : i32
          %add3A_746 = vector.broadcast %add3A_745 : i32 to vector<16xi32>
          %add3A_747 = arith.addi %iota3A, %add3A_746 : vector<16xi32>
          %and3A_748 = arith.constant 15 : i32
          %and3A_749 = vector.broadcast %and3A_748 : i32 to vector<16xi32>
          %and3A_750 = arith.andi %add3A_747, %and3A_749 : vector<16xi32>
          %gather3A_751 = tpu.vector_load_idx %arg9[%add3A_604, %and3A_750] : memref<1280x16xf32, #tpu.memory_space<vmem>>[vector<16xi32>, vector<16xi32>], vector<16xf32>,
          %gather3A_752 = tpu.vector_load_idx %arg11[%add3A_604, %and3A_750] : memref<1280x16xf32, #tpu.memory_space<vmem>>[vector<16xi32>, vector<16xi32>], vector<16xf32>,
          %sub3A_753 = arith.subf %gather3A_751, %gather3A_752 : vector<16xf32>
          %mul3A_754 = arith.mulf %sub3A_753, %sub3A_753 : vector<16xf32>
          %add3A_755 = arith.addf %add3A_711, %mul3A_754 : vector<16xf32>
          %add3A_756 = arith.constant 13 : i32
          %add3A_757 = vector.broadcast %add3A_756 : i32 to vector<16xi32>
          %add3A_758 = arith.addi %iota3A, %add3A_757 : vector<16xi32>
          %and3A_759 = arith.constant 15 : i32
          %and3A_760 = vector.broadcast %and3A_759 : i32 to vector<16xi32>
          %and3A_761 = arith.andi %add3A_758, %and3A_760 : vector<16xi32>
          %gather3A_762 = tpu.vector_load_idx %arg9[%add3A_604, %and3A_761] : memref<1280x16xf32, #tpu.memory_space<vmem>>[vector<16xi32>, vector<16xi32>], vector<16xf32>,
          %gather3A_763 = tpu.vector_load_idx %arg11[%add3A_604, %and3A_761] : memref<1280x16xf32, #tpu.memory_space<vmem>>[vector<16xi32>, vector<16xi32>], vector<16xf32>,
          %sub3A_764 = arith.subf %gather3A_762, %gather3A_763 : vector<16xf32>
          %mul3A_765 = arith.mulf %sub3A_764, %sub3A_764 : vector<16xf32>
          %add3A_766 = arith.addf %add3A_722, %mul3A_765 : vector<16xf32>
          %add3A_767 = arith.constant 14 : i32
          %add3A_768 = vector.broadcast %add3A_767 : i32 to vector<16xi32>
          %add3A_769 = arith.addi %iota3A, %add3A_768 : vector<16xi32>
          %and3A_770 = arith.constant 15 : i32
          %and3A_771 = vector.broadcast %and3A_770 : i32 to vector<16xi32>
          %and3A_772 = arith.andi %add3A_769, %and3A_771 : vector<16xi32>
          %gather3A_773 = tpu.vector_load_idx %arg9[%add3A_604, %and3A_772] : memref<1280x16xf32, #tpu.memory_space<vmem>>[vector<16xi32>, vector<16xi32>], vector<16xf32>,
          %gather3A_774 = tpu.vector_load_idx %arg11[%add3A_604, %and3A_772] : memref<1280x16xf32, #tpu.memory_space<vmem>>[vector<16xi32>, vector<16xi32>], vector<16xf32>,
          %sub3A_775 = arith.subf %gather3A_773, %gather3A_774 : vector<16xf32>
          %mul3A_776 = arith.mulf %sub3A_775, %sub3A_775 : vector<16xf32>
          %add3A_777 = arith.addf %add3A_733, %mul3A_776 : vector<16xf32>
          %add3A_778 = arith.constant 15 : i32
          %add3A_779 = vector.broadcast %add3A_778 : i32 to vector<16xi32>
          %add3A_780 = arith.addi %iota3A, %add3A_779 : vector<16xi32>
          %and3A_781 = arith.constant 15 : i32
          %and3A_782 = vector.broadcast %and3A_781 : i32 to vector<16xi32>
          %and3A_783 = arith.andi %add3A_780, %and3A_782 : vector<16xi32>
          %gather3A_784 = tpu.vector_load_idx %arg9[%add3A_604, %and3A_783] : memref<1280x16xf32, #tpu.memory_space<vmem>>[vector<16xi32>, vector<16xi32>], vector<16xf32>,
          %gather3A_785 = tpu.vector_load_idx %arg11[%add3A_604, %and3A_783] : memref<1280x16xf32, #tpu.memory_space<vmem>>[vector<16xi32>, vector<16xi32>], vector<16xf32>,
          %sub3A_786 = arith.subf %gather3A_784, %gather3A_785 : vector<16xf32>
          %mul3A_787 = arith.mulf %sub3A_786, %sub3A_786 : vector<16xf32>
          %add3A_788 = arith.addf %add3A_744, %mul3A_787 : vector<16xf32>
          %add3A_789 = arith.addf %add3A_755, %add3A_766 : vector<16xf32>
          %add3A_790 = arith.addf %add3A_777, %add3A_788 : vector<16xf32>
          %add3A_791 = arith.addf %add3A_789, %add3A_790 : vector<16xf32>
          %bitcast_convert_type3A_792 = tpu.bitcast %add3A_791 : vector<16xf32> -> vector<16xi32>
          %shift_right_arithmetic3A_793 = arith.constant 1 : i32
          %shift_right_arithmetic3A_794 = vector.broadcast %shift_right_arithmetic3A_793 : i32 to vector<16xi32>
          %shift_right_arithmetic3A_795 = arith.shrsi %bitcast_convert_type3A_792, %shift_right_arithmetic3A_794 : vector<16xi32>
          %sub3A_796 = arith.constant 1597463007 : i32
          %sub3A_797 = vector.broadcast %sub3A_796 : i32 to vector<16xi32>
          %sub3A_798 = arith.subi %sub3A_797, %shift_right_arithmetic3A_795 : vector<16xi32>
          %bitcast_convert_type3A_799 = tpu.bitcast %sub3A_798 : vector<16xi32> -> vector<16xf32>
          %mul3A_800 = arith.constant 5.000000e-01 : f32
          %mul3A_801 = vector.broadcast %mul3A_800 : f32 to vector<16xf32>
          %mul3A_802 = arith.mulf %add3A_791, %mul3A_801 : vector<16xf32>
          %mul3A_803 = arith.mulf %mul3A_802, %bitcast_convert_type3A_799 : vector<16xf32>
          %mul3A_804 = arith.mulf %mul3A_803, %bitcast_convert_type3A_799 : vector<16xf32>
          %sub3A_805 = arith.constant 1.500000e+00 : f32
          %sub3A_806 = vector.broadcast %sub3A_805 : f32 to vector<16xf32>
          %sub3A_807 = arith.subf %sub3A_806, %mul3A_804 : vector<16xf32>
          %mul3A_808 = arith.mulf %bitcast_convert_type3A_799, %sub3A_807 : vector<16xf32>
          %mul3A_809 = arith.mulf %mul3A_802, %mul3A_808 : vector<16xf32>
          %mul3A_810 = arith.mulf %mul3A_809, %mul3A_808 : vector<16xf32>
          %sub3A_811 = arith.constant 1.500000e+00 : f32
          %sub3A_812 = vector.broadcast %sub3A_811 : f32 to vector<16xf32>
          %sub3A_813 = arith.subf %sub3A_812, %mul3A_810 : vector<16xf32>
          %mul3A_814 = arith.mulf %mul3A_808, %sub3A_813 : vector<16xf32>
          %mul3A_815 = arith.mulf %add3A_791, %mul3A_814 : vector<16xf32>
          %swap3A_816 = arith.index_cast %multiple_of3A_602 : i32 to index
          %swap3A_817 = tpu.vector_load %arg13[%swap3A_816] {strides = array<i32>} : memref<1280xf32, #tpu.memory_space<vmem>>, vector<16xf32>,
          tpu.vector_store %arg13[%swap3A_816], %mul3A_815 {strides = array<i32>} : memref<1280xf32, #tpu.memory_space<vmem>>, vector<16xf32>,
          %mul3A_818 = arith.constant 5 : i32
          %mul3A_819 = arith.muli %scan3A_379, %mul3A_818 : i32
          %add3A_820 = arith.constant 2 : i32
          %add3A_821 = arith.addi %mul3A_819, %add3A_820 : i32
          %mul3A_822 = arith.constant 16 : i32
          %mul3A_823 = arith.muli %add3A_821, %mul3A_822 : i32
          %multiple_of3A_824 = tpu.assume_multiple %mul3A_823, 16 : i32
          %add3A_825 = vector.broadcast %multiple_of3A_824 : i32 to vector<16xi32>
          %add3A_826 = arith.addi %add3A_825, %iota3A : vector<16xi32>
          %broadcast_in_dim3A_827 = arith.constant 0.000000e+00 : f32
          %broadcast_in_dim3A_828 = vector.broadcast %broadcast_in_dim3A_827 : f32 to vector<16xf32>
          %broadcast_in_dim3A_829 = arith.constant 0.000000e+00 : f32
          %broadcast_in_dim3A_830 = vector.broadcast %broadcast_in_dim3A_829 : f32 to vector<16xf32>
          %broadcast_in_dim3A_831 = arith.constant 0.000000e+00 : f32
          %broadcast_in_dim3A_832 = vector.broadcast %broadcast_in_dim3A_831 : f32 to vector<16xf32>
          %broadcast_in_dim3A_833 = arith.constant 0.000000e+00 : f32
          %broadcast_in_dim3A_834 = vector.broadcast %broadcast_in_dim3A_833 : f32 to vector<16xf32>
          %add3A_835 = arith.constant 0 : i32
          %add3A_836 = vector.broadcast %add3A_835 : i32 to vector<16xi32>
          %add3A_837 = arith.addi %iota3A, %add3A_836 : vector<16xi32>
          %and3A_838 = arith.constant 15 : i32
          %and3A_839 = vector.broadcast %and3A_838 : i32 to vector<16xi32>
          %and3A_840 = arith.andi %add3A_837, %and3A_839 : vector<16xi32>
          %gather3A_841 = tpu.vector_load_idx %arg9[%add3A_826, %and3A_840] : memref<1280x16xf32, #tpu.memory_space<vmem>>[vector<16xi32>, vector<16xi32>], vector<16xf32>,
          %gather3A_842 = tpu.vector_load_idx %arg11[%add3A_826, %and3A_840] : memref<1280x16xf32, #tpu.memory_space<vmem>>[vector<16xi32>, vector<16xi32>], vector<16xf32>,
          %sub3A_843 = arith.subf %gather3A_841, %gather3A_842 : vector<16xf32>
          %mul3A_844 = arith.mulf %sub3A_843, %sub3A_843 : vector<16xf32>
          %add3A_845 = arith.addf %broadcast_in_dim3A_828, %mul3A_844 : vector<16xf32>
          %add3A_846 = arith.constant 1 : i32
          %add3A_847 = vector.broadcast %add3A_846 : i32 to vector<16xi32>
          %add3A_848 = arith.addi %iota3A, %add3A_847 : vector<16xi32>
          %and3A_849 = arith.constant 15 : i32
          %and3A_850 = vector.broadcast %and3A_849 : i32 to vector<16xi32>
          %and3A_851 = arith.andi %add3A_848, %and3A_850 : vector<16xi32>
          %gather3A_852 = tpu.vector_load_idx %arg9[%add3A_826, %and3A_851] : memref<1280x16xf32, #tpu.memory_space<vmem>>[vector<16xi32>, vector<16xi32>], vector<16xf32>,
          %gather3A_853 = tpu.vector_load_idx %arg11[%add3A_826, %and3A_851] : memref<1280x16xf32, #tpu.memory_space<vmem>>[vector<16xi32>, vector<16xi32>], vector<16xf32>,
          %sub3A_854 = arith.subf %gather3A_852, %gather3A_853 : vector<16xf32>
          %mul3A_855 = arith.mulf %sub3A_854, %sub3A_854 : vector<16xf32>
          %add3A_856 = arith.addf %broadcast_in_dim3A_830, %mul3A_855 : vector<16xf32>
          %add3A_857 = arith.constant 2 : i32
          %add3A_858 = vector.broadcast %add3A_857 : i32 to vector<16xi32>
          %add3A_859 = arith.addi %iota3A, %add3A_858 : vector<16xi32>
          %and3A_860 = arith.constant 15 : i32
          %and3A_861 = vector.broadcast %and3A_860 : i32 to vector<16xi32>
          %and3A_862 = arith.andi %add3A_859, %and3A_861 : vector<16xi32>
          %gather3A_863 = tpu.vector_load_idx %arg9[%add3A_826, %and3A_862] : memref<1280x16xf32, #tpu.memory_space<vmem>>[vector<16xi32>, vector<16xi32>], vector<16xf32>,
          %gather3A_864 = tpu.vector_load_idx %arg11[%add3A_826, %and3A_862] : memref<1280x16xf32, #tpu.memory_space<vmem>>[vector<16xi32>, vector<16xi32>], vector<16xf32>,
          %sub3A_865 = arith.subf %gather3A_863, %gather3A_864 : vector<16xf32>
          %mul3A_866 = arith.mulf %sub3A_865, %sub3A_865 : vector<16xf32>
          %add3A_867 = arith.addf %broadcast_in_dim3A_832, %mul3A_866 : vector<16xf32>
          %add3A_868 = arith.constant 3 : i32
          %add3A_869 = vector.broadcast %add3A_868 : i32 to vector<16xi32>
          %add3A_870 = arith.addi %iota3A, %add3A_869 : vector<16xi32>
          %and3A_871 = arith.constant 15 : i32
          %and3A_872 = vector.broadcast %and3A_871 : i32 to vector<16xi32>
          %and3A_873 = arith.andi %add3A_870, %and3A_872 : vector<16xi32>
          %gather3A_874 = tpu.vector_load_idx %arg9[%add3A_826, %and3A_873] : memref<1280x16xf32, #tpu.memory_space<vmem>>[vector<16xi32>, vector<16xi32>], vector<16xf32>,
          %gather3A_875 = tpu.vector_load_idx %arg11[%add3A_826, %and3A_873] : memref<1280x16xf32, #tpu.memory_space<vmem>>[vector<16xi32>, vector<16xi32>], vector<16xf32>,
          %sub3A_876 = arith.subf %gather3A_874, %gather3A_875 : vector<16xf32>
          %mul3A_877 = arith.mulf %sub3A_876, %sub3A_876 : vector<16xf32>
          %add3A_878 = arith.addf %broadcast_in_dim3A_834, %mul3A_877 : vector<16xf32>
          %add3A_879 = arith.constant 4 : i32
          %add3A_880 = vector.broadcast %add3A_879 : i32 to vector<16xi32>
          %add3A_881 = arith.addi %iota3A, %add3A_880 : vector<16xi32>
          %and3A_882 = arith.constant 15 : i32
          %and3A_883 = vector.broadcast %and3A_882 : i32 to vector<16xi32>
          %and3A_884 = arith.andi %add3A_881, %and3A_883 : vector<16xi32>
          %gather3A_885 = tpu.vector_load_idx %arg9[%add3A_826, %and3A_884] : memref<1280x16xf32, #tpu.memory_space<vmem>>[vector<16xi32>, vector<16xi32>], vector<16xf32>,
          %gather3A_886 = tpu.vector_load_idx %arg11[%add3A_826, %and3A_884] : memref<1280x16xf32, #tpu.memory_space<vmem>>[vector<16xi32>, vector<16xi32>], vector<16xf32>,
          %sub3A_887 = arith.subf %gather3A_885, %gather3A_886 : vector<16xf32>
          %mul3A_888 = arith.mulf %sub3A_887, %sub3A_887 : vector<16xf32>
          %add3A_889 = arith.addf %add3A_845, %mul3A_888 : vector<16xf32>
          %add3A_890 = arith.constant 5 : i32
          %add3A_891 = vector.broadcast %add3A_890 : i32 to vector<16xi32>
          %add3A_892 = arith.addi %iota3A, %add3A_891 : vector<16xi32>
          %and3A_893 = arith.constant 15 : i32
          %and3A_894 = vector.broadcast %and3A_893 : i32 to vector<16xi32>
          %and3A_895 = arith.andi %add3A_892, %and3A_894 : vector<16xi32>
          %gather3A_896 = tpu.vector_load_idx %arg9[%add3A_826, %and3A_895] : memref<1280x16xf32, #tpu.memory_space<vmem>>[vector<16xi32>, vector<16xi32>], vector<16xf32>,
          %gather3A_897 = tpu.vector_load_idx %arg11[%add3A_826, %and3A_895] : memref<1280x16xf32, #tpu.memory_space<vmem>>[vector<16xi32>, vector<16xi32>], vector<16xf32>,
          %sub3A_898 = arith.subf %gather3A_896, %gather3A_897 : vector<16xf32>
          %mul3A_899 = arith.mulf %sub3A_898, %sub3A_898 : vector<16xf32>
          %add3A_900 = arith.addf %add3A_856, %mul3A_899 : vector<16xf32>
          %add3A_901 = arith.constant 6 : i32
          %add3A_902 = vector.broadcast %add3A_901 : i32 to vector<16xi32>
          %add3A_903 = arith.addi %iota3A, %add3A_902 : vector<16xi32>
          %and3A_904 = arith.constant 15 : i32
          %and3A_905 = vector.broadcast %and3A_904 : i32 to vector<16xi32>
          %and3A_906 = arith.andi %add3A_903, %and3A_905 : vector<16xi32>
          %gather3A_907 = tpu.vector_load_idx %arg9[%add3A_826, %and3A_906] : memref<1280x16xf32, #tpu.memory_space<vmem>>[vector<16xi32>, vector<16xi32>], vector<16xf32>,
          %gather3A_908 = tpu.vector_load_idx %arg11[%add3A_826, %and3A_906] : memref<1280x16xf32, #tpu.memory_space<vmem>>[vector<16xi32>, vector<16xi32>], vector<16xf32>,
          %sub3A_909 = arith.subf %gather3A_907, %gather3A_908 : vector<16xf32>
          %mul3A_910 = arith.mulf %sub3A_909, %sub3A_909 : vector<16xf32>
          %add3A_911 = arith.addf %add3A_867, %mul3A_910 : vector<16xf32>
          %add3A_912 = arith.constant 7 : i32
          %add3A_913 = vector.broadcast %add3A_912 : i32 to vector<16xi32>
          %add3A_914 = arith.addi %iota3A, %add3A_913 : vector<16xi32>
          %and3A_915 = arith.constant 15 : i32
          %and3A_916 = vector.broadcast %and3A_915 : i32 to vector<16xi32>
          %and3A_917 = arith.andi %add3A_914, %and3A_916 : vector<16xi32>
          %gather3A_918 = tpu.vector_load_idx %arg9[%add3A_826, %and3A_917] : memref<1280x16xf32, #tpu.memory_space<vmem>>[vector<16xi32>, vector<16xi32>], vector<16xf32>,
          %gather3A_919 = tpu.vector_load_idx %arg11[%add3A_826, %and3A_917] : memref<1280x16xf32, #tpu.memory_space<vmem>>[vector<16xi32>, vector<16xi32>], vector<16xf32>,
          %sub3A_920 = arith.subf %gather3A_918, %gather3A_919 : vector<16xf32>
          %mul3A_921 = arith.mulf %sub3A_920, %sub3A_920 : vector<16xf32>
          %add3A_922 = arith.addf %add3A_878, %mul3A_921 : vector<16xf32>
          %add3A_923 = arith.constant 8 : i32
          %add3A_924 = vector.broadcast %add3A_923 : i32 to vector<16xi32>
          %add3A_925 = arith.addi %iota3A, %add3A_924 : vector<16xi32>
          %and3A_926 = arith.constant 15 : i32
          %and3A_927 = vector.broadcast %and3A_926 : i32 to vector<16xi32>
          %and3A_928 = arith.andi %add3A_925, %and3A_927 : vector<16xi32>
          %gather3A_929 = tpu.vector_load_idx %arg9[%add3A_826, %and3A_928] : memref<1280x16xf32, #tpu.memory_space<vmem>>[vector<16xi32>, vector<16xi32>], vector<16xf32>,
          %gather3A_930 = tpu.vector_load_idx %arg11[%add3A_826, %and3A_928] : memref<1280x16xf32, #tpu.memory_space<vmem>>[vector<16xi32>, vector<16xi32>], vector<16xf32>,
          %sub3A_931 = arith.subf %gather3A_929, %gather3A_930 : vector<16xf32>
          %mul3A_932 = arith.mulf %sub3A_931, %sub3A_931 : vector<16xf32>
          %add3A_933 = arith.addf %add3A_889, %mul3A_932 : vector<16xf32>
          %add3A_934 = arith.constant 9 : i32
          %add3A_935 = vector.broadcast %add3A_934 : i32 to vector<16xi32>
          %add3A_936 = arith.addi %iota3A, %add3A_935 : vector<16xi32>
          %and3A_937 = arith.constant 15 : i32
          %and3A_938 = vector.broadcast %and3A_937 : i32 to vector<16xi32>
          %and3A_939 = arith.andi %add3A_936, %and3A_938 : vector<16xi32>
          %gather3A_940 = tpu.vector_load_idx %arg9[%add3A_826, %and3A_939] : memref<1280x16xf32, #tpu.memory_space<vmem>>[vector<16xi32>, vector<16xi32>], vector<16xf32>,
          %gather3A_941 = tpu.vector_load_idx %arg11[%add3A_826, %and3A_939] : memref<1280x16xf32, #tpu.memory_space<vmem>>[vector<16xi32>, vector<16xi32>], vector<16xf32>,
          %sub3A_942 = arith.subf %gather3A_940, %gather3A_941 : vector<16xf32>
          %mul3A_943 = arith.mulf %sub3A_942, %sub3A_942 : vector<16xf32>
          %add3A_944 = arith.addf %add3A_900, %mul3A_943 : vector<16xf32>
          %add3A_945 = arith.constant 10 : i32
          %add3A_946 = vector.broadcast %add3A_945 : i32 to vector<16xi32>
          %add3A_947 = arith.addi %iota3A, %add3A_946 : vector<16xi32>
          %and3A_948 = arith.constant 15 : i32
          %and3A_949 = vector.broadcast %and3A_948 : i32 to vector<16xi32>
          %and3A_950 = arith.andi %add3A_947, %and3A_949 : vector<16xi32>
          %gather3A_951 = tpu.vector_load_idx %arg9[%add3A_826, %and3A_950] : memref<1280x16xf32, #tpu.memory_space<vmem>>[vector<16xi32>, vector<16xi32>], vector<16xf32>,
          %gather3A_952 = tpu.vector_load_idx %arg11[%add3A_826, %and3A_950] : memref<1280x16xf32, #tpu.memory_space<vmem>>[vector<16xi32>, vector<16xi32>], vector<16xf32>,
          %sub3A_953 = arith.subf %gather3A_951, %gather3A_952 : vector<16xf32>
          %mul3A_954 = arith.mulf %sub3A_953, %sub3A_953 : vector<16xf32>
          %add3A_955 = arith.addf %add3A_911, %mul3A_954 : vector<16xf32>
          %add3A_956 = arith.constant 11 : i32
          %add3A_957 = vector.broadcast %add3A_956 : i32 to vector<16xi32>
          %add3A_958 = arith.addi %iota3A, %add3A_957 : vector<16xi32>
          %and3A_959 = arith.constant 15 : i32
          %and3A_960 = vector.broadcast %and3A_959 : i32 to vector<16xi32>
          %and3A_961 = arith.andi %add3A_958, %and3A_960 : vector<16xi32>
          %gather3A_962 = tpu.vector_load_idx %arg9[%add3A_826, %and3A_961] : memref<1280x16xf32, #tpu.memory_space<vmem>>[vector<16xi32>, vector<16xi32>], vector<16xf32>,
          %gather3A_963 = tpu.vector_load_idx %arg11[%add3A_826, %and3A_961] : memref<1280x16xf32, #tpu.memory_space<vmem>>[vector<16xi32>, vector<16xi32>], vector<16xf32>,
          %sub3A_964 = arith.subf %gather3A_962, %gather3A_963 : vector<16xf32>
          %mul3A_965 = arith.mulf %sub3A_964, %sub3A_964 : vector<16xf32>
          %add3A_966 = arith.addf %add3A_922, %mul3A_965 : vector<16xf32>
          %add3A_967 = arith.constant 12 : i32
          %add3A_968 = vector.broadcast %add3A_967 : i32 to vector<16xi32>
          %add3A_969 = arith.addi %iota3A, %add3A_968 : vector<16xi32>
          %and3A_970 = arith.constant 15 : i32
          %and3A_971 = vector.broadcast %and3A_970 : i32 to vector<16xi32>
          %and3A_972 = arith.andi %add3A_969, %and3A_971 : vector<16xi32>
          %gather3A_973 = tpu.vector_load_idx %arg9[%add3A_826, %and3A_972] : memref<1280x16xf32, #tpu.memory_space<vmem>>[vector<16xi32>, vector<16xi32>], vector<16xf32>,
          %gather3A_974 = tpu.vector_load_idx %arg11[%add3A_826, %and3A_972] : memref<1280x16xf32, #tpu.memory_space<vmem>>[vector<16xi32>, vector<16xi32>], vector<16xf32>,
          %sub3A_975 = arith.subf %gather3A_973, %gather3A_974 : vector<16xf32>
          %mul3A_976 = arith.mulf %sub3A_975, %sub3A_975 : vector<16xf32>
          %add3A_977 = arith.addf %add3A_933, %mul3A_976 : vector<16xf32>
          %add3A_978 = arith.constant 13 : i32
          %add3A_979 = vector.broadcast %add3A_978 : i32 to vector<16xi32>
          %add3A_980 = arith.addi %iota3A, %add3A_979 : vector<16xi32>
          %and3A_981 = arith.constant 15 : i32
          %and3A_982 = vector.broadcast %and3A_981 : i32 to vector<16xi32>
          %and3A_983 = arith.andi %add3A_980, %and3A_982 : vector<16xi32>
          %gather3A_984 = tpu.vector_load_idx %arg9[%add3A_826, %and3A_983] : memref<1280x16xf32, #tpu.memory_space<vmem>>[vector<16xi32>, vector<16xi32>], vector<16xf32>,
          %gather3A_985 = tpu.vector_load_idx %arg11[%add3A_826, %and3A_983] : memref<1280x16xf32, #tpu.memory_space<vmem>>[vector<16xi32>, vector<16xi32>], vector<16xf32>,
          %sub3A_986 = arith.subf %gather3A_984, %gather3A_985 : vector<16xf32>
          %mul3A_987 = arith.mulf %sub3A_986, %sub3A_986 : vector<16xf32>
          %add3A_988 = arith.addf %add3A_944, %mul3A_987 : vector<16xf32>
          %add3A_989 = arith.constant 14 : i32
          %add3A_990 = vector.broadcast %add3A_989 : i32 to vector<16xi32>
          %add3A_991 = arith.addi %iota3A, %add3A_990 : vector<16xi32>
          %and3A_992 = arith.constant 15 : i32
          %and3A_993 = vector.broadcast %and3A_992 : i32 to vector<16xi32>
          %and3A_994 = arith.andi %add3A_991, %and3A_993 : vector<16xi32>
          %gather3A_995 = tpu.vector_load_idx %arg9[%add3A_826, %and3A_994] : memref<1280x16xf32, #tpu.memory_space<vmem>>[vector<16xi32>, vector<16xi32>], vector<16xf32>,
          %gather3A_996 = tpu.vector_load_idx %arg11[%add3A_826, %and3A_994] : memref<1280x16xf32, #tpu.memory_space<vmem>>[vector<16xi32>, vector<16xi32>], vector<16xf32>,
          %sub3A_997 = arith.subf %gather3A_995, %gather3A_996 : vector<16xf32>
          %mul3A_998 = arith.mulf %sub3A_997, %sub3A_997 : vector<16xf32>
          %add3A_999 = arith.addf %add3A_955, %mul3A_998 : vector<16xf32>
          %add3A_1000 = arith.constant 15 : i32
          %add3A_1001 = vector.broadcast %add3A_1000 : i32 to vector<16xi32>
          %add3A_1002 = arith.addi %iota3A, %add3A_1001 : vector<16xi32>
          %and3A_1003 = arith.constant 15 : i32
          %and3A_1004 = vector.broadcast %and3A_1003 : i32 to vector<16xi32>
          %and3A_1005 = arith.andi %add3A_1002, %and3A_1004 : vector<16xi32>
          %gather3A_1006 = tpu.vector_load_idx %arg9[%add3A_826, %and3A_1005] : memref<1280x16xf32, #tpu.memory_space<vmem>>[vector<16xi32>, vector<16xi32>], vector<16xf32>,
          %gather3A_1007 = tpu.vector_load_idx %arg11[%add3A_826, %and3A_1005] : memref<1280x16xf32, #tpu.memory_space<vmem>>[vector<16xi32>, vector<16xi32>], vector<16xf32>,
          %sub3A_1008 = arith.subf %gather3A_1006, %gather3A_1007 : vector<16xf32>
          %mul3A_1009 = arith.mulf %sub3A_1008, %sub3A_1008 : vector<16xf32>
          %add3A_1010 = arith.addf %add3A_966, %mul3A_1009 : vector<16xf32>
          %add3A_1011 = arith.addf %add3A_977, %add3A_988 : vector<16xf32>
          %add3A_1012 = arith.addf %add3A_999, %add3A_1010 : vector<16xf32>
          %add3A_1013 = arith.addf %add3A_1011, %add3A_1012 : vector<16xf32>
          %bitcast_convert_type3A_1014 = tpu.bitcast %add3A_1013 : vector<16xf32> -> vector<16xi32>
          %shift_right_arithmetic3A_1015 = arith.constant 1 : i32
          %shift_right_arithmetic3A_1016 = vector.broadcast %shift_right_arithmetic3A_1015 : i32 to vector<16xi32>
          %shift_right_arithmetic3A_1017 = arith.shrsi %bitcast_convert_type3A_1014, %shift_right_arithmetic3A_1016 : vector<16xi32>
          %sub3A_1018 = arith.constant 1597463007 : i32
          %sub3A_1019 = vector.broadcast %sub3A_1018 : i32 to vector<16xi32>
          %sub3A_1020 = arith.subi %sub3A_1019, %shift_right_arithmetic3A_1017 : vector<16xi32>
          %bitcast_convert_type3A_1021 = tpu.bitcast %sub3A_1020 : vector<16xi32> -> vector<16xf32>
          %mul3A_1022 = arith.constant 5.000000e-01 : f32
          %mul3A_1023 = vector.broadcast %mul3A_1022 : f32 to vector<16xf32>
          %mul3A_1024 = arith.mulf %add3A_1013, %mul3A_1023 : vector<16xf32>
          %mul3A_1025 = arith.mulf %mul3A_1024, %bitcast_convert_type3A_1021 : vector<16xf32>
          %mul3A_1026 = arith.mulf %mul3A_1025, %bitcast_convert_type3A_1021 : vector<16xf32>
          %sub3A_1027 = arith.constant 1.500000e+00 : f32
          %sub3A_1028 = vector.broadcast %sub3A_1027 : f32 to vector<16xf32>
          %sub3A_1029 = arith.subf %sub3A_1028, %mul3A_1026 : vector<16xf32>
          %mul3A_1030 = arith.mulf %bitcast_convert_type3A_1021, %sub3A_1029 : vector<16xf32>
          %mul3A_1031 = arith.mulf %mul3A_1024, %mul3A_1030 : vector<16xf32>
          %mul3A_1032 = arith.mulf %mul3A_1031, %mul3A_1030 : vector<16xf32>
          %sub3A_1033 = arith.constant 1.500000e+00 : f32
          %sub3A_1034 = vector.broadcast %sub3A_1033 : f32 to vector<16xf32>
          %sub3A_1035 = arith.subf %sub3A_1034, %mul3A_1032 : vector<16xf32>
          %mul3A_1036 = arith.mulf %mul3A_1030, %sub3A_1035 : vector<16xf32>
          %mul3A_1037 = arith.mulf %add3A_1013, %mul3A_1036 : vector<16xf32>
          %swap3A_1038 = arith.index_cast %multiple_of3A_824 : i32 to index
          %swap3A_1039 = tpu.vector_load %arg13[%swap3A_1038] {strides = array<i32>} : memref<1280xf32, #tpu.memory_space<vmem>>, vector<16xf32>,
          tpu.vector_store %arg13[%swap3A_1038], %mul3A_1037 {strides = array<i32>} : memref<1280xf32, #tpu.memory_space<vmem>>, vector<16xf32>,
          %mul3A_1040 = arith.constant 5 : i32
          %mul3A_1041 = arith.muli %scan3A_379, %mul3A_1040 : i32
          %add3A_1042 = arith.constant 3 : i32
          %add3A_1043 = arith.addi %mul3A_1041, %add3A_1042 : i32
          %mul3A_1044 = arith.constant 16 : i32
          %mul3A_1045 = arith.muli %add3A_1043, %mul3A_1044 : i32
          %multiple_of3A_1046 = tpu.assume_multiple %mul3A_1045, 16 : i32
          %add3A_1047 = vector.broadcast %multiple_of3A_1046 : i32 to vector<16xi32>
          %add3A_1048 = arith.addi %add3A_1047, %iota3A : vector<16xi32>
          %broadcast_in_dim3A_1049 = arith.constant 0.000000e+00 : f32
          %broadcast_in_dim3A_1050 = vector.broadcast %broadcast_in_dim3A_1049 : f32 to vector<16xf32>
          %broadcast_in_dim3A_1051 = arith.constant 0.000000e+00 : f32
          %broadcast_in_dim3A_1052 = vector.broadcast %broadcast_in_dim3A_1051 : f32 to vector<16xf32>
          %broadcast_in_dim3A_1053 = arith.constant 0.000000e+00 : f32
          %broadcast_in_dim3A_1054 = vector.broadcast %broadcast_in_dim3A_1053 : f32 to vector<16xf32>
          %broadcast_in_dim3A_1055 = arith.constant 0.000000e+00 : f32
          %broadcast_in_dim3A_1056 = vector.broadcast %broadcast_in_dim3A_1055 : f32 to vector<16xf32>
          %add3A_1057 = arith.constant 0 : i32
          %add3A_1058 = vector.broadcast %add3A_1057 : i32 to vector<16xi32>
          %add3A_1059 = arith.addi %iota3A, %add3A_1058 : vector<16xi32>
          %and3A_1060 = arith.constant 15 : i32
          %and3A_1061 = vector.broadcast %and3A_1060 : i32 to vector<16xi32>
          %and3A_1062 = arith.andi %add3A_1059, %and3A_1061 : vector<16xi32>
          %gather3A_1063 = tpu.vector_load_idx %arg9[%add3A_1048, %and3A_1062] : memref<1280x16xf32, #tpu.memory_space<vmem>>[vector<16xi32>, vector<16xi32>], vector<16xf32>,
          %gather3A_1064 = tpu.vector_load_idx %arg11[%add3A_1048, %and3A_1062] : memref<1280x16xf32, #tpu.memory_space<vmem>>[vector<16xi32>, vector<16xi32>], vector<16xf32>,
          %sub3A_1065 = arith.subf %gather3A_1063, %gather3A_1064 : vector<16xf32>
          %mul3A_1066 = arith.mulf %sub3A_1065, %sub3A_1065 : vector<16xf32>
          %add3A_1067 = arith.addf %broadcast_in_dim3A_1050, %mul3A_1066 : vector<16xf32>
          %add3A_1068 = arith.constant 1 : i32
          %add3A_1069 = vector.broadcast %add3A_1068 : i32 to vector<16xi32>
          %add3A_1070 = arith.addi %iota3A, %add3A_1069 : vector<16xi32>
          %and3A_1071 = arith.constant 15 : i32
          %and3A_1072 = vector.broadcast %and3A_1071 : i32 to vector<16xi32>
          %and3A_1073 = arith.andi %add3A_1070, %and3A_1072 : vector<16xi32>
          %gather3A_1074 = tpu.vector_load_idx %arg9[%add3A_1048, %and3A_1073] : memref<1280x16xf32, #tpu.memory_space<vmem>>[vector<16xi32>, vector<16xi32>], vector<16xf32>,
          %gather3A_1075 = tpu.vector_load_idx %arg11[%add3A_1048, %and3A_1073] : memref<1280x16xf32, #tpu.memory_space<vmem>>[vector<16xi32>, vector<16xi32>], vector<16xf32>,
          %sub3A_1076 = arith.subf %gather3A_1074, %gather3A_1075 : vector<16xf32>
          %mul3A_1077 = arith.mulf %sub3A_1076, %sub3A_1076 : vector<16xf32>
          %add3A_1078 = arith.addf %broadcast_in_dim3A_1052, %mul3A_1077 : vector<16xf32>
          %add3A_1079 = arith.constant 2 : i32
          %add3A_1080 = vector.broadcast %add3A_1079 : i32 to vector<16xi32>
          %add3A_1081 = arith.addi %iota3A, %add3A_1080 : vector<16xi32>
          %and3A_1082 = arith.constant 15 : i32
          %and3A_1083 = vector.broadcast %and3A_1082 : i32 to vector<16xi32>
          %and3A_1084 = arith.andi %add3A_1081, %and3A_1083 : vector<16xi32>
          %gather3A_1085 = tpu.vector_load_idx %arg9[%add3A_1048, %and3A_1084] : memref<1280x16xf32, #tpu.memory_space<vmem>>[vector<16xi32>, vector<16xi32>], vector<16xf32>,
          %gather3A_1086 = tpu.vector_load_idx %arg11[%add3A_1048, %and3A_1084] : memref<1280x16xf32, #tpu.memory_space<vmem>>[vector<16xi32>, vector<16xi32>], vector<16xf32>,
          %sub3A_1087 = arith.subf %gather3A_1085, %gather3A_1086 : vector<16xf32>
          %mul3A_1088 = arith.mulf %sub3A_1087, %sub3A_1087 : vector<16xf32>
          %add3A_1089 = arith.addf %broadcast_in_dim3A_1054, %mul3A_1088 : vector<16xf32>
          %add3A_1090 = arith.constant 3 : i32
          %add3A_1091 = vector.broadcast %add3A_1090 : i32 to vector<16xi32>
          %add3A_1092 = arith.addi %iota3A, %add3A_1091 : vector<16xi32>
          %and3A_1093 = arith.constant 15 : i32
          %and3A_1094 = vector.broadcast %and3A_1093 : i32 to vector<16xi32>
          %and3A_1095 = arith.andi %add3A_1092, %and3A_1094 : vector<16xi32>
          %gather3A_1096 = tpu.vector_load_idx %arg9[%add3A_1048, %and3A_1095] : memref<1280x16xf32, #tpu.memory_space<vmem>>[vector<16xi32>, vector<16xi32>], vector<16xf32>,
          %gather3A_1097 = tpu.vector_load_idx %arg11[%add3A_1048, %and3A_1095] : memref<1280x16xf32, #tpu.memory_space<vmem>>[vector<16xi32>, vector<16xi32>], vector<16xf32>,
          %sub3A_1098 = arith.subf %gather3A_1096, %gather3A_1097 : vector<16xf32>
          %mul3A_1099 = arith.mulf %sub3A_1098, %sub3A_1098 : vector<16xf32>
          %add3A_1100 = arith.addf %broadcast_in_dim3A_1056, %mul3A_1099 : vector<16xf32>
          %add3A_1101 = arith.constant 4 : i32
          %add3A_1102 = vector.broadcast %add3A_1101 : i32 to vector<16xi32>
          %add3A_1103 = arith.addi %iota3A, %add3A_1102 : vector<16xi32>
          %and3A_1104 = arith.constant 15 : i32
          %and3A_1105 = vector.broadcast %and3A_1104 : i32 to vector<16xi32>
          %and3A_1106 = arith.andi %add3A_1103, %and3A_1105 : vector<16xi32>
          %gather3A_1107 = tpu.vector_load_idx %arg9[%add3A_1048, %and3A_1106] : memref<1280x16xf32, #tpu.memory_space<vmem>>[vector<16xi32>, vector<16xi32>], vector<16xf32>,
          %gather3A_1108 = tpu.vector_load_idx %arg11[%add3A_1048, %and3A_1106] : memref<1280x16xf32, #tpu.memory_space<vmem>>[vector<16xi32>, vector<16xi32>], vector<16xf32>,
          %sub3A_1109 = arith.subf %gather3A_1107, %gather3A_1108 : vector<16xf32>
          %mul3A_1110 = arith.mulf %sub3A_1109, %sub3A_1109 : vector<16xf32>
          %add3A_1111 = arith.addf %add3A_1067, %mul3A_1110 : vector<16xf32>
          %add3A_1112 = arith.constant 5 : i32
          %add3A_1113 = vector.broadcast %add3A_1112 : i32 to vector<16xi32>
          %add3A_1114 = arith.addi %iota3A, %add3A_1113 : vector<16xi32>
          %and3A_1115 = arith.constant 15 : i32
          %and3A_1116 = vector.broadcast %and3A_1115 : i32 to vector<16xi32>
          %and3A_1117 = arith.andi %add3A_1114, %and3A_1116 : vector<16xi32>
          %gather3A_1118 = tpu.vector_load_idx %arg9[%add3A_1048, %and3A_1117] : memref<1280x16xf32, #tpu.memory_space<vmem>>[vector<16xi32>, vector<16xi32>], vector<16xf32>,
          %gather3A_1119 = tpu.vector_load_idx %arg11[%add3A_1048, %and3A_1117] : memref<1280x16xf32, #tpu.memory_space<vmem>>[vector<16xi32>, vector<16xi32>], vector<16xf32>,
          %sub3A_1120 = arith.subf %gather3A_1118, %gather3A_1119 : vector<16xf32>
          %mul3A_1121 = arith.mulf %sub3A_1120, %sub3A_1120 : vector<16xf32>
          %add3A_1122 = arith.addf %add3A_1078, %mul3A_1121 : vector<16xf32>
          %add3A_1123 = arith.constant 6 : i32
          %add3A_1124 = vector.broadcast %add3A_1123 : i32 to vector<16xi32>
          %add3A_1125 = arith.addi %iota3A, %add3A_1124 : vector<16xi32>
          %and3A_1126 = arith.constant 15 : i32
          %and3A_1127 = vector.broadcast %and3A_1126 : i32 to vector<16xi32>
          %and3A_1128 = arith.andi %add3A_1125, %and3A_1127 : vector<16xi32>
          %gather3A_1129 = tpu.vector_load_idx %arg9[%add3A_1048, %and3A_1128] : memref<1280x16xf32, #tpu.memory_space<vmem>>[vector<16xi32>, vector<16xi32>], vector<16xf32>,
          %gather3A_1130 = tpu.vector_load_idx %arg11[%add3A_1048, %and3A_1128] : memref<1280x16xf32, #tpu.memory_space<vmem>>[vector<16xi32>, vector<16xi32>], vector<16xf32>,
          %sub3A_1131 = arith.subf %gather3A_1129, %gather3A_1130 : vector<16xf32>
          %mul3A_1132 = arith.mulf %sub3A_1131, %sub3A_1131 : vector<16xf32>
          %add3A_1133 = arith.addf %add3A_1089, %mul3A_1132 : vector<16xf32>
          %add3A_1134 = arith.constant 7 : i32
          %add3A_1135 = vector.broadcast %add3A_1134 : i32 to vector<16xi32>
          %add3A_1136 = arith.addi %iota3A, %add3A_1135 : vector<16xi32>
          %and3A_1137 = arith.constant 15 : i32
          %and3A_1138 = vector.broadcast %and3A_1137 : i32 to vector<16xi32>
          %and3A_1139 = arith.andi %add3A_1136, %and3A_1138 : vector<16xi32>
          %gather3A_1140 = tpu.vector_load_idx %arg9[%add3A_1048, %and3A_1139] : memref<1280x16xf32, #tpu.memory_space<vmem>>[vector<16xi32>, vector<16xi32>], vector<16xf32>,
          %gather3A_1141 = tpu.vector_load_idx %arg11[%add3A_1048, %and3A_1139] : memref<1280x16xf32, #tpu.memory_space<vmem>>[vector<16xi32>, vector<16xi32>], vector<16xf32>,
          %sub3A_1142 = arith.subf %gather3A_1140, %gather3A_1141 : vector<16xf32>
          %mul3A_1143 = arith.mulf %sub3A_1142, %sub3A_1142 : vector<16xf32>
          %add3A_1144 = arith.addf %add3A_1100, %mul3A_1143 : vector<16xf32>
          %add3A_1145 = arith.constant 8 : i32
          %add3A_1146 = vector.broadcast %add3A_1145 : i32 to vector<16xi32>
          %add3A_1147 = arith.addi %iota3A, %add3A_1146 : vector<16xi32>
          %and3A_1148 = arith.constant 15 : i32
          %and3A_1149 = vector.broadcast %and3A_1148 : i32 to vector<16xi32>
          %and3A_1150 = arith.andi %add3A_1147, %and3A_1149 : vector<16xi32>
          %gather3A_1151 = tpu.vector_load_idx %arg9[%add3A_1048, %and3A_1150] : memref<1280x16xf32, #tpu.memory_space<vmem>>[vector<16xi32>, vector<16xi32>], vector<16xf32>,
          %gather3A_1152 = tpu.vector_load_idx %arg11[%add3A_1048, %and3A_1150] : memref<1280x16xf32, #tpu.memory_space<vmem>>[vector<16xi32>, vector<16xi32>], vector<16xf32>,
          %sub3A_1153 = arith.subf %gather3A_1151, %gather3A_1152 : vector<16xf32>
          %mul3A_1154 = arith.mulf %sub3A_1153, %sub3A_1153 : vector<16xf32>
          %add3A_1155 = arith.addf %add3A_1111, %mul3A_1154 : vector<16xf32>
          %add3A_1156 = arith.constant 9 : i32
          %add3A_1157 = vector.broadcast %add3A_1156 : i32 to vector<16xi32>
          %add3A_1158 = arith.addi %iota3A, %add3A_1157 : vector<16xi32>
          %and3A_1159 = arith.constant 15 : i32
          %and3A_1160 = vector.broadcast %and3A_1159 : i32 to vector<16xi32>
          %and3A_1161 = arith.andi %add3A_1158, %and3A_1160 : vector<16xi32>
          %gather3A_1162 = tpu.vector_load_idx %arg9[%add3A_1048, %and3A_1161] : memref<1280x16xf32, #tpu.memory_space<vmem>>[vector<16xi32>, vector<16xi32>], vector<16xf32>,
          %gather3A_1163 = tpu.vector_load_idx %arg11[%add3A_1048, %and3A_1161] : memref<1280x16xf32, #tpu.memory_space<vmem>>[vector<16xi32>, vector<16xi32>], vector<16xf32>,
          %sub3A_1164 = arith.subf %gather3A_1162, %gather3A_1163 : vector<16xf32>
          %mul3A_1165 = arith.mulf %sub3A_1164, %sub3A_1164 : vector<16xf32>
          %add3A_1166 = arith.addf %add3A_1122, %mul3A_1165 : vector<16xf32>
          %add3A_1167 = arith.constant 10 : i32
          %add3A_1168 = vector.broadcast %add3A_1167 : i32 to vector<16xi32>
          %add3A_1169 = arith.addi %iota3A, %add3A_1168 : vector<16xi32>
          %and3A_1170 = arith.constant 15 : i32
          %and3A_1171 = vector.broadcast %and3A_1170 : i32 to vector<16xi32>
          %and3A_1172 = arith.andi %add3A_1169, %and3A_1171 : vector<16xi32>
          %gather3A_1173 = tpu.vector_load_idx %arg9[%add3A_1048, %and3A_1172] : memref<1280x16xf32, #tpu.memory_space<vmem>>[vector<16xi32>, vector<16xi32>], vector<16xf32>,
          %gather3A_1174 = tpu.vector_load_idx %arg11[%add3A_1048, %and3A_1172] : memref<1280x16xf32, #tpu.memory_space<vmem>>[vector<16xi32>, vector<16xi32>], vector<16xf32>,
          %sub3A_1175 = arith.subf %gather3A_1173, %gather3A_1174 : vector<16xf32>
          %mul3A_1176 = arith.mulf %sub3A_1175, %sub3A_1175 : vector<16xf32>
          %add3A_1177 = arith.addf %add3A_1133, %mul3A_1176 : vector<16xf32>
          %add3A_1178 = arith.constant 11 : i32
          %add3A_1179 = vector.broadcast %add3A_1178 : i32 to vector<16xi32>
          %add3A_1180 = arith.addi %iota3A, %add3A_1179 : vector<16xi32>
          %and3A_1181 = arith.constant 15 : i32
          %and3A_1182 = vector.broadcast %and3A_1181 : i32 to vector<16xi32>
          %and3A_1183 = arith.andi %add3A_1180, %and3A_1182 : vector<16xi32>
          %gather3A_1184 = tpu.vector_load_idx %arg9[%add3A_1048, %and3A_1183] : memref<1280x16xf32, #tpu.memory_space<vmem>>[vector<16xi32>, vector<16xi32>], vector<16xf32>,
          %gather3A_1185 = tpu.vector_load_idx %arg11[%add3A_1048, %and3A_1183] : memref<1280x16xf32, #tpu.memory_space<vmem>>[vector<16xi32>, vector<16xi32>], vector<16xf32>,
          %sub3A_1186 = arith.subf %gather3A_1184, %gather3A_1185 : vector<16xf32>
          %mul3A_1187 = arith.mulf %sub3A_1186, %sub3A_1186 : vector<16xf32>
          %add3A_1188 = arith.addf %add3A_1144, %mul3A_1187 : vector<16xf32>
          %add3A_1189 = arith.constant 12 : i32
          %add3A_1190 = vector.broadcast %add3A_1189 : i32 to vector<16xi32>
          %add3A_1191 = arith.addi %iota3A, %add3A_1190 : vector<16xi32>
          %and3A_1192 = arith.constant 15 : i32
          %and3A_1193 = vector.broadcast %and3A_1192 : i32 to vector<16xi32>
          %and3A_1194 = arith.andi %add3A_1191, %and3A_1193 : vector<16xi32>
          %gather3A_1195 = tpu.vector_load_idx %arg9[%add3A_1048, %and3A_1194] : memref<1280x16xf32, #tpu.memory_space<vmem>>[vector<16xi32>, vector<16xi32>], vector<16xf32>,
          %gather3A_1196 = tpu.vector_load_idx %arg11[%add3A_1048, %and3A_1194] : memref<1280x16xf32, #tpu.memory_space<vmem>>[vector<16xi32>, vector<16xi32>], vector<16xf32>,
          %sub3A_1197 = arith.subf %gather3A_1195, %gather3A_1196 : vector<16xf32>
          %mul3A_1198 = arith.mulf %sub3A_1197, %sub3A_1197 : vector<16xf32>
          %add3A_1199 = arith.addf %add3A_1155, %mul3A_1198 : vector<16xf32>
          %add3A_1200 = arith.constant 13 : i32
          %add3A_1201 = vector.broadcast %add3A_1200 : i32 to vector<16xi32>
          %add3A_1202 = arith.addi %iota3A, %add3A_1201 : vector<16xi32>
          %and3A_1203 = arith.constant 15 : i32
          %and3A_1204 = vector.broadcast %and3A_1203 : i32 to vector<16xi32>
          %and3A_1205 = arith.andi %add3A_1202, %and3A_1204 : vector<16xi32>
          %gather3A_1206 = tpu.vector_load_idx %arg9[%add3A_1048, %and3A_1205] : memref<1280x16xf32, #tpu.memory_space<vmem>>[vector<16xi32>, vector<16xi32>], vector<16xf32>,
          %gather3A_1207 = tpu.vector_load_idx %arg11[%add3A_1048, %and3A_1205] : memref<1280x16xf32, #tpu.memory_space<vmem>>[vector<16xi32>, vector<16xi32>], vector<16xf32>,
          %sub3A_1208 = arith.subf %gather3A_1206, %gather3A_1207 : vector<16xf32>
          %mul3A_1209 = arith.mulf %sub3A_1208, %sub3A_1208 : vector<16xf32>
          %add3A_1210 = arith.addf %add3A_1166, %mul3A_1209 : vector<16xf32>
          %add3A_1211 = arith.constant 14 : i32
          %add3A_1212 = vector.broadcast %add3A_1211 : i32 to vector<16xi32>
          %add3A_1213 = arith.addi %iota3A, %add3A_1212 : vector<16xi32>
          %and3A_1214 = arith.constant 15 : i32
          %and3A_1215 = vector.broadcast %and3A_1214 : i32 to vector<16xi32>
          %and3A_1216 = arith.andi %add3A_1213, %and3A_1215 : vector<16xi32>
          %gather3A_1217 = tpu.vector_load_idx %arg9[%add3A_1048, %and3A_1216] : memref<1280x16xf32, #tpu.memory_space<vmem>>[vector<16xi32>, vector<16xi32>], vector<16xf32>,
          %gather3A_1218 = tpu.vector_load_idx %arg11[%add3A_1048, %and3A_1216] : memref<1280x16xf32, #tpu.memory_space<vmem>>[vector<16xi32>, vector<16xi32>], vector<16xf32>,
          %sub3A_1219 = arith.subf %gather3A_1217, %gather3A_1218 : vector<16xf32>
          %mul3A_1220 = arith.mulf %sub3A_1219, %sub3A_1219 : vector<16xf32>
          %add3A_1221 = arith.addf %add3A_1177, %mul3A_1220 : vector<16xf32>
          %add3A_1222 = arith.constant 15 : i32
          %add3A_1223 = vector.broadcast %add3A_1222 : i32 to vector<16xi32>
          %add3A_1224 = arith.addi %iota3A, %add3A_1223 : vector<16xi32>
          %and3A_1225 = arith.constant 15 : i32
          %and3A_1226 = vector.broadcast %and3A_1225 : i32 to vector<16xi32>
          %and3A_1227 = arith.andi %add3A_1224, %and3A_1226 : vector<16xi32>
          %gather3A_1228 = tpu.vector_load_idx %arg9[%add3A_1048, %and3A_1227] : memref<1280x16xf32, #tpu.memory_space<vmem>>[vector<16xi32>, vector<16xi32>], vector<16xf32>,
          %gather3A_1229 = tpu.vector_load_idx %arg11[%add3A_1048, %and3A_1227] : memref<1280x16xf32, #tpu.memory_space<vmem>>[vector<16xi32>, vector<16xi32>], vector<16xf32>,
          %sub3A_1230 = arith.subf %gather3A_1228, %gather3A_1229 : vector<16xf32>
          %mul3A_1231 = arith.mulf %sub3A_1230, %sub3A_1230 : vector<16xf32>
          %add3A_1232 = arith.addf %add3A_1188, %mul3A_1231 : vector<16xf32>
          %add3A_1233 = arith.addf %add3A_1199, %add3A_1210 : vector<16xf32>
          %add3A_1234 = arith.addf %add3A_1221, %add3A_1232 : vector<16xf32>
          %add3A_1235 = arith.addf %add3A_1233, %add3A_1234 : vector<16xf32>
          %bitcast_convert_type3A_1236 = tpu.bitcast %add3A_1235 : vector<16xf32> -> vector<16xi32>
          %shift_right_arithmetic3A_1237 = arith.constant 1 : i32
          %shift_right_arithmetic3A_1238 = vector.broadcast %shift_right_arithmetic3A_1237 : i32 to vector<16xi32>
          %shift_right_arithmetic3A_1239 = arith.shrsi %bitcast_convert_type3A_1236, %shift_right_arithmetic3A_1238 : vector<16xi32>
          %sub3A_1240 = arith.constant 1597463007 : i32
          %sub3A_1241 = vector.broadcast %sub3A_1240 : i32 to vector<16xi32>
          %sub3A_1242 = arith.subi %sub3A_1241, %shift_right_arithmetic3A_1239 : vector<16xi32>
          %bitcast_convert_type3A_1243 = tpu.bitcast %sub3A_1242 : vector<16xi32> -> vector<16xf32>
          %mul3A_1244 = arith.constant 5.000000e-01 : f32
          %mul3A_1245 = vector.broadcast %mul3A_1244 : f32 to vector<16xf32>
          %mul3A_1246 = arith.mulf %add3A_1235, %mul3A_1245 : vector<16xf32>
          %mul3A_1247 = arith.mulf %mul3A_1246, %bitcast_convert_type3A_1243 : vector<16xf32>
          %mul3A_1248 = arith.mulf %mul3A_1247, %bitcast_convert_type3A_1243 : vector<16xf32>
          %sub3A_1249 = arith.constant 1.500000e+00 : f32
          %sub3A_1250 = vector.broadcast %sub3A_1249 : f32 to vector<16xf32>
          %sub3A_1251 = arith.subf %sub3A_1250, %mul3A_1248 : vector<16xf32>
          %mul3A_1252 = arith.mulf %bitcast_convert_type3A_1243, %sub3A_1251 : vector<16xf32>
          %mul3A_1253 = arith.mulf %mul3A_1246, %mul3A_1252 : vector<16xf32>
          %mul3A_1254 = arith.mulf %mul3A_1253, %mul3A_1252 : vector<16xf32>
          %sub3A_1255 = arith.constant 1.500000e+00 : f32
          %sub3A_1256 = vector.broadcast %sub3A_1255 : f32 to vector<16xf32>
          %sub3A_1257 = arith.subf %sub3A_1256, %mul3A_1254 : vector<16xf32>
          %mul3A_1258 = arith.mulf %mul3A_1252, %sub3A_1257 : vector<16xf32>
          %mul3A_1259 = arith.mulf %add3A_1235, %mul3A_1258 : vector<16xf32>
          %swap3A_1260 = arith.index_cast %multiple_of3A_1046 : i32 to index
          %swap3A_1261 = tpu.vector_load %arg13[%swap3A_1260] {strides = array<i32>} : memref<1280xf32, #tpu.memory_space<vmem>>, vector<16xf32>,
          tpu.vector_store %arg13[%swap3A_1260], %mul3A_1259 {strides = array<i32>} : memref<1280xf32, #tpu.memory_space<vmem>>, vector<16xf32>,
          %mul3A_1262 = arith.constant 5 : i32
          %mul3A_1263 = arith.muli %scan3A_379, %mul3A_1262 : i32
          %add3A_1264 = arith.constant 4 : i32
          %add3A_1265 = arith.addi %mul3A_1263, %add3A_1264 : i32
          %mul3A_1266 = arith.constant 16 : i32
          %mul3A_1267 = arith.muli %add3A_1265, %mul3A_1266 : i32
          %multiple_of3A_1268 = tpu.assume_multiple %mul3A_1267, 16 : i32
          %add3A_1269 = vector.broadcast %multiple_of3A_1268 : i32 to vector<16xi32>
          %add3A_1270 = arith.addi %add3A_1269, %iota3A : vector<16xi32>
          %broadcast_in_dim3A_1271 = arith.constant 0.000000e+00 : f32
          %broadcast_in_dim3A_1272 = vector.broadcast %broadcast_in_dim3A_1271 : f32 to vector<16xf32>
          %broadcast_in_dim3A_1273 = arith.constant 0.000000e+00 : f32
          %broadcast_in_dim3A_1274 = vector.broadcast %broadcast_in_dim3A_1273 : f32 to vector<16xf32>
          %broadcast_in_dim3A_1275 = arith.constant 0.000000e+00 : f32
          %broadcast_in_dim3A_1276 = vector.broadcast %broadcast_in_dim3A_1275 : f32 to vector<16xf32>
          %broadcast_in_dim3A_1277 = arith.constant 0.000000e+00 : f32
          %broadcast_in_dim3A_1278 = vector.broadcast %broadcast_in_dim3A_1277 : f32 to vector<16xf32>
          %add3A_1279 = arith.constant 0 : i32
          %add3A_1280 = vector.broadcast %add3A_1279 : i32 to vector<16xi32>
          %add3A_1281 = arith.addi %iota3A, %add3A_1280 : vector<16xi32>
          %and3A_1282 = arith.constant 15 : i32
          %and3A_1283 = vector.broadcast %and3A_1282 : i32 to vector<16xi32>
          %and3A_1284 = arith.andi %add3A_1281, %and3A_1283 : vector<16xi32>
          %gather3A_1285 = tpu.vector_load_idx %arg9[%add3A_1270, %and3A_1284] : memref<1280x16xf32, #tpu.memory_space<vmem>>[vector<16xi32>, vector<16xi32>], vector<16xf32>,
          %gather3A_1286 = tpu.vector_load_idx %arg11[%add3A_1270, %and3A_1284] : memref<1280x16xf32, #tpu.memory_space<vmem>>[vector<16xi32>, vector<16xi32>], vector<16xf32>,
          %sub3A_1287 = arith.subf %gather3A_1285, %gather3A_1286 : vector<16xf32>
          %mul3A_1288 = arith.mulf %sub3A_1287, %sub3A_1287 : vector<16xf32>
          %add3A_1289 = arith.addf %broadcast_in_dim3A_1272, %mul3A_1288 : vector<16xf32>
          %add3A_1290 = arith.constant 1 : i32
          %add3A_1291 = vector.broadcast %add3A_1290 : i32 to vector<16xi32>
          %add3A_1292 = arith.addi %iota3A, %add3A_1291 : vector<16xi32>
          %and3A_1293 = arith.constant 15 : i32
          %and3A_1294 = vector.broadcast %and3A_1293 : i32 to vector<16xi32>
          %and3A_1295 = arith.andi %add3A_1292, %and3A_1294 : vector<16xi32>
          %gather3A_1296 = tpu.vector_load_idx %arg9[%add3A_1270, %and3A_1295] : memref<1280x16xf32, #tpu.memory_space<vmem>>[vector<16xi32>, vector<16xi32>], vector<16xf32>,
          %gather3A_1297 = tpu.vector_load_idx %arg11[%add3A_1270, %and3A_1295] : memref<1280x16xf32, #tpu.memory_space<vmem>>[vector<16xi32>, vector<16xi32>], vector<16xf32>,
          %sub3A_1298 = arith.subf %gather3A_1296, %gather3A_1297 : vector<16xf32>
          %mul3A_1299 = arith.mulf %sub3A_1298, %sub3A_1298 : vector<16xf32>
          %add3A_1300 = arith.addf %broadcast_in_dim3A_1274, %mul3A_1299 : vector<16xf32>
          %add3A_1301 = arith.constant 2 : i32
          %add3A_1302 = vector.broadcast %add3A_1301 : i32 to vector<16xi32>
          %add3A_1303 = arith.addi %iota3A, %add3A_1302 : vector<16xi32>
          %and3A_1304 = arith.constant 15 : i32
          %and3A_1305 = vector.broadcast %and3A_1304 : i32 to vector<16xi32>
          %and3A_1306 = arith.andi %add3A_1303, %and3A_1305 : vector<16xi32>
          %gather3A_1307 = tpu.vector_load_idx %arg9[%add3A_1270, %and3A_1306] : memref<1280x16xf32, #tpu.memory_space<vmem>>[vector<16xi32>, vector<16xi32>], vector<16xf32>,
          %gather3A_1308 = tpu.vector_load_idx %arg11[%add3A_1270, %and3A_1306] : memref<1280x16xf32, #tpu.memory_space<vmem>>[vector<16xi32>, vector<16xi32>], vector<16xf32>,
          %sub3A_1309 = arith.subf %gather3A_1307, %gather3A_1308 : vector<16xf32>
          %mul3A_1310 = arith.mulf %sub3A_1309, %sub3A_1309 : vector<16xf32>
          %add3A_1311 = arith.addf %broadcast_in_dim3A_1276, %mul3A_1310 : vector<16xf32>
          %add3A_1312 = arith.constant 3 : i32
          %add3A_1313 = vector.broadcast %add3A_1312 : i32 to vector<16xi32>
          %add3A_1314 = arith.addi %iota3A, %add3A_1313 : vector<16xi32>
          %and3A_1315 = arith.constant 15 : i32
          %and3A_1316 = vector.broadcast %and3A_1315 : i32 to vector<16xi32>
          %and3A_1317 = arith.andi %add3A_1314, %and3A_1316 : vector<16xi32>
          %gather3A_1318 = tpu.vector_load_idx %arg9[%add3A_1270, %and3A_1317] : memref<1280x16xf32, #tpu.memory_space<vmem>>[vector<16xi32>, vector<16xi32>], vector<16xf32>,
          %gather3A_1319 = tpu.vector_load_idx %arg11[%add3A_1270, %and3A_1317] : memref<1280x16xf32, #tpu.memory_space<vmem>>[vector<16xi32>, vector<16xi32>], vector<16xf32>,
          %sub3A_1320 = arith.subf %gather3A_1318, %gather3A_1319 : vector<16xf32>
          %mul3A_1321 = arith.mulf %sub3A_1320, %sub3A_1320 : vector<16xf32>
          %add3A_1322 = arith.addf %broadcast_in_dim3A_1278, %mul3A_1321 : vector<16xf32>
          %add3A_1323 = arith.constant 4 : i32
          %add3A_1324 = vector.broadcast %add3A_1323 : i32 to vector<16xi32>
          %add3A_1325 = arith.addi %iota3A, %add3A_1324 : vector<16xi32>
          %and3A_1326 = arith.constant 15 : i32
          %and3A_1327 = vector.broadcast %and3A_1326 : i32 to vector<16xi32>
          %and3A_1328 = arith.andi %add3A_1325, %and3A_1327 : vector<16xi32>
          %gather3A_1329 = tpu.vector_load_idx %arg9[%add3A_1270, %and3A_1328] : memref<1280x16xf32, #tpu.memory_space<vmem>>[vector<16xi32>, vector<16xi32>], vector<16xf32>,
          %gather3A_1330 = tpu.vector_load_idx %arg11[%add3A_1270, %and3A_1328] : memref<1280x16xf32, #tpu.memory_space<vmem>>[vector<16xi32>, vector<16xi32>], vector<16xf32>,
          %sub3A_1331 = arith.subf %gather3A_1329, %gather3A_1330 : vector<16xf32>
          %mul3A_1332 = arith.mulf %sub3A_1331, %sub3A_1331 : vector<16xf32>
          %add3A_1333 = arith.addf %add3A_1289, %mul3A_1332 : vector<16xf32>
          %add3A_1334 = arith.constant 5 : i32
          %add3A_1335 = vector.broadcast %add3A_1334 : i32 to vector<16xi32>
          %add3A_1336 = arith.addi %iota3A, %add3A_1335 : vector<16xi32>
          %and3A_1337 = arith.constant 15 : i32
          %and3A_1338 = vector.broadcast %and3A_1337 : i32 to vector<16xi32>
          %and3A_1339 = arith.andi %add3A_1336, %and3A_1338 : vector<16xi32>
          %gather3A_1340 = tpu.vector_load_idx %arg9[%add3A_1270, %and3A_1339] : memref<1280x16xf32, #tpu.memory_space<vmem>>[vector<16xi32>, vector<16xi32>], vector<16xf32>,
          %gather3A_1341 = tpu.vector_load_idx %arg11[%add3A_1270, %and3A_1339] : memref<1280x16xf32, #tpu.memory_space<vmem>>[vector<16xi32>, vector<16xi32>], vector<16xf32>,
          %sub3A_1342 = arith.subf %gather3A_1340, %gather3A_1341 : vector<16xf32>
          %mul3A_1343 = arith.mulf %sub3A_1342, %sub3A_1342 : vector<16xf32>
          %add3A_1344 = arith.addf %add3A_1300, %mul3A_1343 : vector<16xf32>
          %add3A_1345 = arith.constant 6 : i32
          %add3A_1346 = vector.broadcast %add3A_1345 : i32 to vector<16xi32>
          %add3A_1347 = arith.addi %iota3A, %add3A_1346 : vector<16xi32>
          %and3A_1348 = arith.constant 15 : i32
          %and3A_1349 = vector.broadcast %and3A_1348 : i32 to vector<16xi32>
          %and3A_1350 = arith.andi %add3A_1347, %and3A_1349 : vector<16xi32>
          %gather3A_1351 = tpu.vector_load_idx %arg9[%add3A_1270, %and3A_1350] : memref<1280x16xf32, #tpu.memory_space<vmem>>[vector<16xi32>, vector<16xi32>], vector<16xf32>,
          %gather3A_1352 = tpu.vector_load_idx %arg11[%add3A_1270, %and3A_1350] : memref<1280x16xf32, #tpu.memory_space<vmem>>[vector<16xi32>, vector<16xi32>], vector<16xf32>,
          %sub3A_1353 = arith.subf %gather3A_1351, %gather3A_1352 : vector<16xf32>
          %mul3A_1354 = arith.mulf %sub3A_1353, %sub3A_1353 : vector<16xf32>
          %add3A_1355 = arith.addf %add3A_1311, %mul3A_1354 : vector<16xf32>
          %add3A_1356 = arith.constant 7 : i32
          %add3A_1357 = vector.broadcast %add3A_1356 : i32 to vector<16xi32>
          %add3A_1358 = arith.addi %iota3A, %add3A_1357 : vector<16xi32>
          %and3A_1359 = arith.constant 15 : i32
          %and3A_1360 = vector.broadcast %and3A_1359 : i32 to vector<16xi32>
          %and3A_1361 = arith.andi %add3A_1358, %and3A_1360 : vector<16xi32>
          %gather3A_1362 = tpu.vector_load_idx %arg9[%add3A_1270, %and3A_1361] : memref<1280x16xf32, #tpu.memory_space<vmem>>[vector<16xi32>, vector<16xi32>], vector<16xf32>,
          %gather3A_1363 = tpu.vector_load_idx %arg11[%add3A_1270, %and3A_1361] : memref<1280x16xf32, #tpu.memory_space<vmem>>[vector<16xi32>, vector<16xi32>], vector<16xf32>,
          %sub3A_1364 = arith.subf %gather3A_1362, %gather3A_1363 : vector<16xf32>
          %mul3A_1365 = arith.mulf %sub3A_1364, %sub3A_1364 : vector<16xf32>
          %add3A_1366 = arith.addf %add3A_1322, %mul3A_1365 : vector<16xf32>
          %add3A_1367 = arith.constant 8 : i32
          %add3A_1368 = vector.broadcast %add3A_1367 : i32 to vector<16xi32>
          %add3A_1369 = arith.addi %iota3A, %add3A_1368 : vector<16xi32>
          %and3A_1370 = arith.constant 15 : i32
          %and3A_1371 = vector.broadcast %and3A_1370 : i32 to vector<16xi32>
          %and3A_1372 = arith.andi %add3A_1369, %and3A_1371 : vector<16xi32>
          %gather3A_1373 = tpu.vector_load_idx %arg9[%add3A_1270, %and3A_1372] : memref<1280x16xf32, #tpu.memory_space<vmem>>[vector<16xi32>, vector<16xi32>], vector<16xf32>,
          %gather3A_1374 = tpu.vector_load_idx %arg11[%add3A_1270, %and3A_1372] : memref<1280x16xf32, #tpu.memory_space<vmem>>[vector<16xi32>, vector<16xi32>], vector<16xf32>,
          %sub3A_1375 = arith.subf %gather3A_1373, %gather3A_1374 : vector<16xf32>
          %mul3A_1376 = arith.mulf %sub3A_1375, %sub3A_1375 : vector<16xf32>
          %add3A_1377 = arith.addf %add3A_1333, %mul3A_1376 : vector<16xf32>
          %add3A_1378 = arith.constant 9 : i32
          %add3A_1379 = vector.broadcast %add3A_1378 : i32 to vector<16xi32>
          %add3A_1380 = arith.addi %iota3A, %add3A_1379 : vector<16xi32>
          %and3A_1381 = arith.constant 15 : i32
          %and3A_1382 = vector.broadcast %and3A_1381 : i32 to vector<16xi32>
          %and3A_1383 = arith.andi %add3A_1380, %and3A_1382 : vector<16xi32>
          %gather3A_1384 = tpu.vector_load_idx %arg9[%add3A_1270, %and3A_1383] : memref<1280x16xf32, #tpu.memory_space<vmem>>[vector<16xi32>, vector<16xi32>], vector<16xf32>,
          %gather3A_1385 = tpu.vector_load_idx %arg11[%add3A_1270, %and3A_1383] : memref<1280x16xf32, #tpu.memory_space<vmem>>[vector<16xi32>, vector<16xi32>], vector<16xf32>,
          %sub3A_1386 = arith.subf %gather3A_1384, %gather3A_1385 : vector<16xf32>
          %mul3A_1387 = arith.mulf %sub3A_1386, %sub3A_1386 : vector<16xf32>
          %add3A_1388 = arith.addf %add3A_1344, %mul3A_1387 : vector<16xf32>
          %add3A_1389 = arith.constant 10 : i32
          %add3A_1390 = vector.broadcast %add3A_1389 : i32 to vector<16xi32>
          %add3A_1391 = arith.addi %iota3A, %add3A_1390 : vector<16xi32>
          %and3A_1392 = arith.constant 15 : i32
          %and3A_1393 = vector.broadcast %and3A_1392 : i32 to vector<16xi32>
          %and3A_1394 = arith.andi %add3A_1391, %and3A_1393 : vector<16xi32>
          %gather3A_1395 = tpu.vector_load_idx %arg9[%add3A_1270, %and3A_1394] : memref<1280x16xf32, #tpu.memory_space<vmem>>[vector<16xi32>, vector<16xi32>], vector<16xf32>,
          %gather3A_1396 = tpu.vector_load_idx %arg11[%add3A_1270, %and3A_1394] : memref<1280x16xf32, #tpu.memory_space<vmem>>[vector<16xi32>, vector<16xi32>], vector<16xf32>,
          %sub3A_1397 = arith.subf %gather3A_1395, %gather3A_1396 : vector<16xf32>
          %mul3A_1398 = arith.mulf %sub3A_1397, %sub3A_1397 : vector<16xf32>
          %add3A_1399 = arith.addf %add3A_1355, %mul3A_1398 : vector<16xf32>
          %add3A_1400 = arith.constant 11 : i32
          %add3A_1401 = vector.broadcast %add3A_1400 : i32 to vector<16xi32>
          %add3A_1402 = arith.addi %iota3A, %add3A_1401 : vector<16xi32>
          %and3A_1403 = arith.constant 15 : i32
          %and3A_1404 = vector.broadcast %and3A_1403 : i32 to vector<16xi32>
          %and3A_1405 = arith.andi %add3A_1402, %and3A_1404 : vector<16xi32>
          %gather3A_1406 = tpu.vector_load_idx %arg9[%add3A_1270, %and3A_1405] : memref<1280x16xf32, #tpu.memory_space<vmem>>[vector<16xi32>, vector<16xi32>], vector<16xf32>,
          %gather3A_1407 = tpu.vector_load_idx %arg11[%add3A_1270, %and3A_1405] : memref<1280x16xf32, #tpu.memory_space<vmem>>[vector<16xi32>, vector<16xi32>], vector<16xf32>,
          %sub3A_1408 = arith.subf %gather3A_1406, %gather3A_1407 : vector<16xf32>
          %mul3A_1409 = arith.mulf %sub3A_1408, %sub3A_1408 : vector<16xf32>
          %add3A_1410 = arith.addf %add3A_1366, %mul3A_1409 : vector<16xf32>
          %add3A_1411 = arith.constant 12 : i32
          %add3A_1412 = vector.broadcast %add3A_1411 : i32 to vector<16xi32>
          %add3A_1413 = arith.addi %iota3A, %add3A_1412 : vector<16xi32>
          %and3A_1414 = arith.constant 15 : i32
          %and3A_1415 = vector.broadcast %and3A_1414 : i32 to vector<16xi32>
          %and3A_1416 = arith.andi %add3A_1413, %and3A_1415 : vector<16xi32>
          %gather3A_1417 = tpu.vector_load_idx %arg9[%add3A_1270, %and3A_1416] : memref<1280x16xf32, #tpu.memory_space<vmem>>[vector<16xi32>, vector<16xi32>], vector<16xf32>,
          %gather3A_1418 = tpu.vector_load_idx %arg11[%add3A_1270, %and3A_1416] : memref<1280x16xf32, #tpu.memory_space<vmem>>[vector<16xi32>, vector<16xi32>], vector<16xf32>,
          %sub3A_1419 = arith.subf %gather3A_1417, %gather3A_1418 : vector<16xf32>
          %mul3A_1420 = arith.mulf %sub3A_1419, %sub3A_1419 : vector<16xf32>
          %add3A_1421 = arith.addf %add3A_1377, %mul3A_1420 : vector<16xf32>
          %add3A_1422 = arith.constant 13 : i32
          %add3A_1423 = vector.broadcast %add3A_1422 : i32 to vector<16xi32>
          %add3A_1424 = arith.addi %iota3A, %add3A_1423 : vector<16xi32>
          %and3A_1425 = arith.constant 15 : i32
          %and3A_1426 = vector.broadcast %and3A_1425 : i32 to vector<16xi32>
          %and3A_1427 = arith.andi %add3A_1424, %and3A_1426 : vector<16xi32>
          %gather3A_1428 = tpu.vector_load_idx %arg9[%add3A_1270, %and3A_1427] : memref<1280x16xf32, #tpu.memory_space<vmem>>[vector<16xi32>, vector<16xi32>], vector<16xf32>,
          %gather3A_1429 = tpu.vector_load_idx %arg11[%add3A_1270, %and3A_1427] : memref<1280x16xf32, #tpu.memory_space<vmem>>[vector<16xi32>, vector<16xi32>], vector<16xf32>,
          %sub3A_1430 = arith.subf %gather3A_1428, %gather3A_1429 : vector<16xf32>
          %mul3A_1431 = arith.mulf %sub3A_1430, %sub3A_1430 : vector<16xf32>
          %add3A_1432 = arith.addf %add3A_1388, %mul3A_1431 : vector<16xf32>
          %add3A_1433 = arith.constant 14 : i32
          %add3A_1434 = vector.broadcast %add3A_1433 : i32 to vector<16xi32>
          %add3A_1435 = arith.addi %iota3A, %add3A_1434 : vector<16xi32>
          %and3A_1436 = arith.constant 15 : i32
          %and3A_1437 = vector.broadcast %and3A_1436 : i32 to vector<16xi32>
          %and3A_1438 = arith.andi %add3A_1435, %and3A_1437 : vector<16xi32>
          %gather3A_1439 = tpu.vector_load_idx %arg9[%add3A_1270, %and3A_1438] : memref<1280x16xf32, #tpu.memory_space<vmem>>[vector<16xi32>, vector<16xi32>], vector<16xf32>,
          %gather3A_1440 = tpu.vector_load_idx %arg11[%add3A_1270, %and3A_1438] : memref<1280x16xf32, #tpu.memory_space<vmem>>[vector<16xi32>, vector<16xi32>], vector<16xf32>,
          %sub3A_1441 = arith.subf %gather3A_1439, %gather3A_1440 : vector<16xf32>
          %mul3A_1442 = arith.mulf %sub3A_1441, %sub3A_1441 : vector<16xf32>
          %add3A_1443 = arith.addf %add3A_1399, %mul3A_1442 : vector<16xf32>
          %add3A_1444 = arith.constant 15 : i32
          %add3A_1445 = vector.broadcast %add3A_1444 : i32 to vector<16xi32>
          %add3A_1446 = arith.addi %iota3A, %add3A_1445 : vector<16xi32>
          %and3A_1447 = arith.constant 15 : i32
          %and3A_1448 = vector.broadcast %and3A_1447 : i32 to vector<16xi32>
          %and3A_1449 = arith.andi %add3A_1446, %and3A_1448 : vector<16xi32>
          %gather3A_1450 = tpu.vector_load_idx %arg9[%add3A_1270, %and3A_1449] : memref<1280x16xf32, #tpu.memory_space<vmem>>[vector<16xi32>, vector<16xi32>], vector<16xf32>,
          %gather3A_1451 = tpu.vector_load_idx %arg11[%add3A_1270, %and3A_1449] : memref<1280x16xf32, #tpu.memory_space<vmem>>[vector<16xi32>, vector<16xi32>], vector<16xf32>,
          %sub3A_1452 = arith.subf %gather3A_1450, %gather3A_1451 : vector<16xf32>
          %mul3A_1453 = arith.mulf %sub3A_1452, %sub3A_1452 : vector<16xf32>
          %add3A_1454 = arith.addf %add3A_1410, %mul3A_1453 : vector<16xf32>
          %add3A_1455 = arith.addf %add3A_1421, %add3A_1432 : vector<16xf32>
          %add3A_1456 = arith.addf %add3A_1443, %add3A_1454 : vector<16xf32>
          %add3A_1457 = arith.addf %add3A_1455, %add3A_1456 : vector<16xf32>
          %bitcast_convert_type3A_1458 = tpu.bitcast %add3A_1457 : vector<16xf32> -> vector<16xi32>
          %shift_right_arithmetic3A_1459 = arith.constant 1 : i32
          %shift_right_arithmetic3A_1460 = vector.broadcast %shift_right_arithmetic3A_1459 : i32 to vector<16xi32>
          %shift_right_arithmetic3A_1461 = arith.shrsi %bitcast_convert_type3A_1458, %shift_right_arithmetic3A_1460 : vector<16xi32>
          %sub3A_1462 = arith.constant 1597463007 : i32
          %sub3A_1463 = vector.broadcast %sub3A_1462 : i32 to vector<16xi32>
          %sub3A_1464 = arith.subi %sub3A_1463, %shift_right_arithmetic3A_1461 : vector<16xi32>
          %bitcast_convert_type3A_1465 = tpu.bitcast %sub3A_1464 : vector<16xi32> -> vector<16xf32>
          %mul3A_1466 = arith.constant 5.000000e-01 : f32
          %mul3A_1467 = vector.broadcast %mul3A_1466 : f32 to vector<16xf32>
          %mul3A_1468 = arith.mulf %add3A_1457, %mul3A_1467 : vector<16xf32>
          %mul3A_1469 = arith.mulf %mul3A_1468, %bitcast_convert_type3A_1465 : vector<16xf32>
          %mul3A_1470 = arith.mulf %mul3A_1469, %bitcast_convert_type3A_1465 : vector<16xf32>
          %sub3A_1471 = arith.constant 1.500000e+00 : f32
          %sub3A_1472 = vector.broadcast %sub3A_1471 : f32 to vector<16xf32>
          %sub3A_1473 = arith.subf %sub3A_1472, %mul3A_1470 : vector<16xf32>
          %mul3A_1474 = arith.mulf %bitcast_convert_type3A_1465, %sub3A_1473 : vector<16xf32>
          %mul3A_1475 = arith.mulf %mul3A_1468, %mul3A_1474 : vector<16xf32>
          %mul3A_1476 = arith.mulf %mul3A_1475, %mul3A_1474 : vector<16xf32>
          %sub3A_1477 = arith.constant 1.500000e+00 : f32
          %sub3A_1478 = vector.broadcast %sub3A_1477 : f32 to vector<16xf32>
          %sub3A_1479 = arith.subf %sub3A_1478, %mul3A_1476 : vector<16xf32>
          %mul3A_1480 = arith.mulf %mul3A_1474, %sub3A_1479 : vector<16xf32>
          %mul3A_1481 = arith.mulf %add3A_1457, %mul3A_1480 : vector<16xf32>
          %swap3A_1482 = arith.index_cast %multiple_of3A_1268 : i32 to index
          %swap3A_1483 = tpu.vector_load %arg13[%swap3A_1482] {strides = array<i32>} : memref<1280xf32, #tpu.memory_space<vmem>>, vector<16xf32>,
          tpu.vector_store %arg13[%swap3A_1482], %mul3A_1481 {strides = array<i32>} : memref<1280xf32, #tpu.memory_space<vmem>>, vector<16xf32>,
        }
        %scan3A_374 = arith.constant 16 : i32
        %mul3A_375 = arith.constant 1280 : i32
        %mul3A_376 = arith.muli %add3A_368, %mul3A_375 : i32
        %multiple_of3A = tpu.assume_multiple %mul3A_376, 1280 : i32
        %dma_start3A_377 = tpu.memref_slice %arg4[%multiple_of3A] : memref<3200000xf32, #tpu.memory_space<hbm>> -> memref<1280xf32, #tpu.memory_space<hbm>>
        %dma_start3A_378 = tpu.memref_slice %arg4[%multiple_of3A] : memref<3200000xf32, #tpu.memory_space<hbm>> -> memref<1280xf32, #tpu.memory_space<hbm>>
        tpu.enqueue_dma source(%arg13 : memref<1280xf32, #tpu.memory_space<vmem>>) target(%dma_start3A_378 : memref<1280xf32, #tpu.memory_space<hbm>>) target_semaphore(%arg19 : memref<!tpu.dma_semaphore, #tpu.memory_space<semaphore_mem>>)
      } else {
      }
      %add3A_317 = arith.constant 1 : i32
      %add3A_318 = arith.addi %mul3A_274, %add3A_317 : i32
      %add3A_319 = arith.constant 1 : i32
      %add3A_320 = arith.addi %add3A_318, %add3A_319 : i32
      %mul3A_321 = arith.constant 32 : i32
      %mul3A_322 = arith.muli %add3A_320, %mul3A_321 : i32
      %add3A_323 = arith.addi %add3A, %mul3A_322 : i32
      %lt3A_324 = arith.constant 2500 : i32
      %lt3A_325 = arith.cmpi slt, %add3A_323, %lt3A_324 : i32
      %convert_element_type3A_326 = arith.extui %lt3A_325 : i1 to i32
      %cond3A_327 = arith.constant 0 : i32
      %cond3A_328 = arith.cmpi ne, %convert_element_type3A_326, %cond3A_327 : i32
      scf.if %cond3A_328 {
        %dma_wait3A_366 = arith.constant 0 : i32
        %dma_wait3A_367 = arith.constant 0 : i32
        %dma_wait3A_368 = arith.constant 0 : i32
        %dma_wait3A_369 = arith.constant 0 : i32
        %dma_wait3A_370 = tpu.memref_slice %arg2[%dma_wait3A_366, %dma_wait3A_367, %dma_wait3A_368, %dma_wait3A_369] : memref<2x2500x10x128xi32, #tpu.memory_space<hbm>> -> memref<1x1x10x128xi32, #tpu.memory_space<hbm>>
        %dma_wait3A_371 = tpu.memref_squeeze %dma_wait3A_370 : memref<1x1x10x128xi32, #tpu.memory_space<hbm>> -> memref<10x128xi32, #tpu.memory_space<hbm>>
        %dma_wait3A_372 = arith.constant 0 : i32
        %dma_wait3A_373 = arith.constant 0 : i32
        %dma_wait3A_374 = tpu.memref_slice %arg2[%dma_wait3A_366, %dma_wait3A_367, %dma_wait3A_372, %dma_wait3A_373] : memref<2x2500x10x128xi32, #tpu.memory_space<hbm>> -> memref<1x1x10x128xi32, #tpu.memory_space<hbm>>
        %dma_wait3A_375 = tpu.memref_squeeze %dma_wait3A_374 : memref<1x1x10x128xi32, #tpu.memory_space<hbm>> -> memref<10x128xi32, #tpu.memory_space<hbm>>
        tpu.wait_dma2 semaphore(%arg17 : memref<!tpu.dma_semaphore, #tpu.memory_space<semaphore_mem>>) src(%dma_wait3A_375 : memref<10x128xi32, #tpu.memory_space<hbm>>) dst(%arg5 : memref<10x128xi32, #tpu.memory_space<vmem>>)
        %dma_wait3A_376 = arith.constant 0 : i32
        %dma_wait3A_377 = arith.constant 0 : i32
        %dma_wait3A_378 = arith.constant 0 : i32
        %dma_wait3A_379 = arith.constant 0 : i32
        %dma_wait3A_380 = tpu.memref_slice %arg2[%dma_wait3A_376, %dma_wait3A_377, %dma_wait3A_378, %dma_wait3A_379] : memref<2x2500x10x128xi32, #tpu.memory_space<hbm>> -> memref<1x1x10x128xi32, #tpu.memory_space<hbm>>
        %dma_wait3A_381 = tpu.memref_squeeze %dma_wait3A_380 : memref<1x1x10x128xi32, #tpu.memory_space<hbm>> -> memref<10x128xi32, #tpu.memory_space<hbm>>
        %dma_wait3A_382 = arith.constant 0 : i32
        %dma_wait3A_383 = arith.constant 0 : i32
        %dma_wait3A_384 = tpu.memref_slice %arg2[%dma_wait3A_376, %dma_wait3A_377, %dma_wait3A_382, %dma_wait3A_383] : memref<2x2500x10x128xi32, #tpu.memory_space<hbm>> -> memref<1x1x10x128xi32, #tpu.memory_space<hbm>>
        %dma_wait3A_385 = tpu.memref_squeeze %dma_wait3A_384 : memref<1x1x10x128xi32, #tpu.memory_space<hbm>> -> memref<10x128xi32, #tpu.memory_space<hbm>>
        tpu.wait_dma2 semaphore(%arg17 : memref<!tpu.dma_semaphore, #tpu.memory_space<semaphore_mem>>) src(%dma_wait3A_385 : memref<10x128xi32, #tpu.memory_space<hbm>>) dst(%arg7 : memref<10x128xi32, #tpu.memory_space<vmem>>)
        %dma_start3A_386 = arith.constant 0 : i32
        %dma_start3A_387 = arith.constant 0 : i32
        %dma_start3A_388 = arith.constant 0 : i32
        %dma_start3A_389 = tpu.memref_slice %arg9[%dma_start3A_387, %dma_start3A_388] : memref<1280x16xf32, #tpu.memory_space<vmem>> -> memref<128x16xf32, #tpu.memory_space<vmem>>
        %dma_start3A_390 = arith.constant 0 : i32
        %dma_start3A_391 = tpu.memref_slice %arg5[%dma_start3A_386, %dma_start3A_390] : memref<10x128xi32, #tpu.memory_space<vmem>> -> memref<1x128xi32, #tpu.memory_space<vmem>>
        %dma_start3A_392 = tpu.memref_squeeze %dma_start3A_391 : memref<1x128xi32, #tpu.memory_space<vmem>> -> memref<128xi32, #tpu.memory_space<vmem>>
        %dma_start3A_393 = arith.constant 0 : i32
        %dma_start3A_394 = arith.constant 0 : i32
        %dma_start3A_395 = tpu.memref_slice %arg3[%dma_start3A_393, %dma_start3A_394] : memref<100000x16xf32, #tpu.memory_space<hbm>> -> memref<100000x16xf32, #tpu.memory_space<hbm>>
        tpu.enqueue_indirect_dma source(%dma_start3A_395 : memref<100000x16xf32, #tpu.memory_space<hbm>>) target(%dma_start3A_389 : memref<128x16xf32, #tpu.memory_space<vmem>>) offsets(%dma_start3A_392 : memref<128xi32, #tpu.memory_space<vmem>>) semaphore(%arg15 : memref<!tpu.dma_semaphore, #tpu.memory_space<semaphore_mem>>)
        %dma_start3A_396 = arith.constant 0 : i32
        %dma_start3A_397 = arith.constant 0 : i32
        %dma_start3A_398 = arith.constant 0 : i32
        %dma_start3A_399 = tpu.memref_slice %arg11[%dma_start3A_397, %dma_start3A_398] : memref<1280x16xf32, #tpu.memory_space<vmem>> -> memref<128x16xf32, #tpu.memory_space<vmem>>
        %dma_start3A_400 = arith.constant 0 : i32
        %dma_start3A_401 = tpu.memref_slice %arg7[%dma_start3A_396, %dma_start3A_400] : memref<10x128xi32, #tpu.memory_space<vmem>> -> memref<1x128xi32, #tpu.memory_space<vmem>>
        %dma_start3A_402 = tpu.memref_squeeze %dma_start3A_401 : memref<1x128xi32, #tpu.memory_space<vmem>> -> memref<128xi32, #tpu.memory_space<vmem>>
        %dma_start3A_403 = arith.constant 0 : i32
        %dma_start3A_404 = arith.constant 0 : i32
        %dma_start3A_405 = tpu.memref_slice %arg3[%dma_start3A_403, %dma_start3A_404] : memref<100000x16xf32, #tpu.memory_space<hbm>> -> memref<100000x16xf32, #tpu.memory_space<hbm>>
        tpu.enqueue_indirect_dma source(%dma_start3A_405 : memref<100000x16xf32, #tpu.memory_space<hbm>>) target(%dma_start3A_399 : memref<128x16xf32, #tpu.memory_space<vmem>>) offsets(%dma_start3A_402 : memref<128xi32, #tpu.memory_space<vmem>>) semaphore(%arg15 : memref<!tpu.dma_semaphore, #tpu.memory_space<semaphore_mem>>)
        %dma_start3A_406 = arith.constant 1 : i32
        %dma_start3A_407 = arith.constant 128 : i32
        %dma_start3A_408 = arith.constant 0 : i32
        %dma_start3A_409 = tpu.memref_slice %arg9[%dma_start3A_407, %dma_start3A_408] : memref<1280x16xf32, #tpu.memory_space<vmem>> -> memref<128x16xf32, #tpu.memory_space<vmem>>
        %dma_start3A_410 = arith.constant 0 : i32
        %dma_start3A_411 = tpu.memref_slice %arg5[%dma_start3A_406, %dma_start3A_410] : memref<10x128xi32, #tpu.memory_space<vmem>> -> memref<1x128xi32, #tpu.memory_space<vmem>>
        %dma_start3A_412 = tpu.memref_squeeze %dma_start3A_411 : memref<1x128xi32, #tpu.memory_space<vmem>> -> memref<128xi32, #tpu.memory_space<vmem>>
        %dma_start3A_413 = arith.constant 0 : i32
        %dma_start3A_414 = arith.constant 0 : i32
        %dma_start3A_415 = tpu.memref_slice %arg3[%dma_start3A_413, %dma_start3A_414] : memref<100000x16xf32, #tpu.memory_space<hbm>> -> memref<100000x16xf32, #tpu.memory_space<hbm>>
        tpu.enqueue_indirect_dma source(%dma_start3A_415 : memref<100000x16xf32, #tpu.memory_space<hbm>>) target(%dma_start3A_409 : memref<128x16xf32, #tpu.memory_space<vmem>>) offsets(%dma_start3A_412 : memref<128xi32, #tpu.memory_space<vmem>>) semaphore(%arg15 : memref<!tpu.dma_semaphore, #tpu.memory_space<semaphore_mem>>)
        %dma_start3A_416 = arith.constant 1 : i32
        %dma_start3A_417 = arith.constant 128 : i32
        %dma_start3A_418 = arith.constant 0 : i32
        %dma_start3A_419 = tpu.memref_slice %arg11[%dma_start3A_417, %dma_start3A_418] : memref<1280x16xf32, #tpu.memory_space<vmem>> -> memref<128x16xf32, #tpu.memory_space<vmem>>
        %dma_start3A_420 = arith.constant 0 : i32
        %dma_start3A_421 = tpu.memref_slice %arg7[%dma_start3A_416, %dma_start3A_420] : memref<10x128xi32, #tpu.memory_space<vmem>> -> memref<1x128xi32, #tpu.memory_space<vmem>>
        %dma_start3A_422 = tpu.memref_squeeze %dma_start3A_421 : memref<1x128xi32, #tpu.memory_space<vmem>> -> memref<128xi32, #tpu.memory_space<vmem>>
        %dma_start3A_423 = arith.constant 0 : i32
        %dma_start3A_424 = arith.constant 0 : i32
        %dma_start3A_425 = tpu.memref_slice %arg3[%dma_start3A_423, %dma_start3A_424] : memref<100000x16xf32, #tpu.memory_space<hbm>> -> memref<100000x16xf32, #tpu.memory_space<hbm>>
        tpu.enqueue_indirect_dma source(%dma_start3A_425 : memref<100000x16xf32, #tpu.memory_space<hbm>>) target(%dma_start3A_419 : memref<128x16xf32, #tpu.memory_space<vmem>>) offsets(%dma_start3A_422 : memref<128xi32, #tpu.memory_space<vmem>>) semaphore(%arg15 : memref<!tpu.dma_semaphore, #tpu.memory_space<semaphore_mem>>)
        %dma_start3A_426 = arith.constant 2 : i32
        %dma_start3A_427 = arith.constant 256 : i32
        %dma_start3A_428 = arith.constant 0 : i32
        %dma_start3A_429 = tpu.memref_slice %arg9[%dma_start3A_427, %dma_start3A_428] : memref<1280x16xf32, #tpu.memory_space<vmem>> -> memref<128x16xf32, #tpu.memory_space<vmem>>
        %dma_start3A_430 = arith.constant 0 : i32
        %dma_start3A_431 = tpu.memref_slice %arg5[%dma_start3A_426, %dma_start3A_430] : memref<10x128xi32, #tpu.memory_space<vmem>> -> memref<1x128xi32, #tpu.memory_space<vmem>>
        %dma_start3A_432 = tpu.memref_squeeze %dma_start3A_431 : memref<1x128xi32, #tpu.memory_space<vmem>> -> memref<128xi32, #tpu.memory_space<vmem>>
        %dma_start3A_433 = arith.constant 0 : i32
        %dma_start3A_434 = arith.constant 0 : i32
        %dma_start3A_435 = tpu.memref_slice %arg3[%dma_start3A_433, %dma_start3A_434] : memref<100000x16xf32, #tpu.memory_space<hbm>> -> memref<100000x16xf32, #tpu.memory_space<hbm>>
        tpu.enqueue_indirect_dma source(%dma_start3A_435 : memref<100000x16xf32, #tpu.memory_space<hbm>>) target(%dma_start3A_429 : memref<128x16xf32, #tpu.memory_space<vmem>>) offsets(%dma_start3A_432 : memref<128xi32, #tpu.memory_space<vmem>>) semaphore(%arg15 : memref<!tpu.dma_semaphore, #tpu.memory_space<semaphore_mem>>)
        %dma_start3A_436 = arith.constant 2 : i32
        %dma_start3A_437 = arith.constant 256 : i32
        %dma_start3A_438 = arith.constant 0 : i32
        %dma_start3A_439 = tpu.memref_slice %arg11[%dma_start3A_437, %dma_start3A_438] : memref<1280x16xf32, #tpu.memory_space<vmem>> -> memref<128x16xf32, #tpu.memory_space<vmem>>
        %dma_start3A_440 = arith.constant 0 : i32
        %dma_start3A_441 = tpu.memref_slice %arg7[%dma_start3A_436, %dma_start3A_440] : memref<10x128xi32, #tpu.memory_space<vmem>> -> memref<1x128xi32, #tpu.memory_space<vmem>>
        %dma_start3A_442 = tpu.memref_squeeze %dma_start3A_441 : memref<1x128xi32, #tpu.memory_space<vmem>> -> memref<128xi32, #tpu.memory_space<vmem>>
        %dma_start3A_443 = arith.constant 0 : i32
        %dma_start3A_444 = arith.constant 0 : i32
        %dma_start3A_445 = tpu.memref_slice %arg3[%dma_start3A_443, %dma_start3A_444] : memref<100000x16xf32, #tpu.memory_space<hbm>> -> memref<100000x16xf32, #tpu.memory_space<hbm>>
        tpu.enqueue_indirect_dma source(%dma_start3A_445 : memref<100000x16xf32, #tpu.memory_space<hbm>>) target(%dma_start3A_439 : memref<128x16xf32, #tpu.memory_space<vmem>>) offsets(%dma_start3A_442 : memref<128xi32, #tpu.memory_space<vmem>>) semaphore(%arg15 : memref<!tpu.dma_semaphore, #tpu.memory_space<semaphore_mem>>)
        %dma_start3A_446 = arith.constant 3 : i32
        %dma_start3A_447 = arith.constant 384 : i32
        %dma_start3A_448 = arith.constant 0 : i32
        %dma_start3A_449 = tpu.memref_slice %arg9[%dma_start3A_447, %dma_start3A_448] : memref<1280x16xf32, #tpu.memory_space<vmem>> -> memref<128x16xf32, #tpu.memory_space<vmem>>
        %dma_start3A_450 = arith.constant 0 : i32
        %dma_start3A_451 = tpu.memref_slice %arg5[%dma_start3A_446, %dma_start3A_450] : memref<10x128xi32, #tpu.memory_space<vmem>> -> memref<1x128xi32, #tpu.memory_space<vmem>>
        %dma_start3A_452 = tpu.memref_squeeze %dma_start3A_451 : memref<1x128xi32, #tpu.memory_space<vmem>> -> memref<128xi32, #tpu.memory_space<vmem>>
        %dma_start3A_453 = arith.constant 0 : i32
        %dma_start3A_454 = arith.constant 0 : i32
        %dma_start3A_455 = tpu.memref_slice %arg3[%dma_start3A_453, %dma_start3A_454] : memref<100000x16xf32, #tpu.memory_space<hbm>> -> memref<100000x16xf32, #tpu.memory_space<hbm>>
        tpu.enqueue_indirect_dma source(%dma_start3A_455 : memref<100000x16xf32, #tpu.memory_space<hbm>>) target(%dma_start3A_449 : memref<128x16xf32, #tpu.memory_space<vmem>>) offsets(%dma_start3A_452 : memref<128xi32, #tpu.memory_space<vmem>>) semaphore(%arg15 : memref<!tpu.dma_semaphore, #tpu.memory_space<semaphore_mem>>)
        %dma_start3A_456 = arith.constant 3 : i32
        %dma_start3A_457 = arith.constant 384 : i32
        %dma_start3A_458 = arith.constant 0 : i32
        %dma_start3A_459 = tpu.memref_slice %arg11[%dma_start3A_457, %dma_start3A_458] : memref<1280x16xf32, #tpu.memory_space<vmem>> -> memref<128x16xf32, #tpu.memory_space<vmem>>
        %dma_start3A_460 = arith.constant 0 : i32
        %dma_start3A_461 = tpu.memref_slice %arg7[%dma_start3A_456, %dma_start3A_460] : memref<10x128xi32, #tpu.memory_space<vmem>> -> memref<1x128xi32, #tpu.memory_space<vmem>>
        %dma_start3A_462 = tpu.memref_squeeze %dma_start3A_461 : memref<1x128xi32, #tpu.memory_space<vmem>> -> memref<128xi32, #tpu.memory_space<vmem>>
        %dma_start3A_463 = arith.constant 0 : i32
        %dma_start3A_464 = arith.constant 0 : i32
        %dma_start3A_465 = tpu.memref_slice %arg3[%dma_start3A_463, %dma_start3A_464] : memref<100000x16xf32, #tpu.memory_space<hbm>> -> memref<100000x16xf32, #tpu.memory_space<hbm>>
        tpu.enqueue_indirect_dma source(%dma_start3A_465 : memref<100000x16xf32, #tpu.memory_space<hbm>>) target(%dma_start3A_459 : memref<128x16xf32, #tpu.memory_space<vmem>>) offsets(%dma_start3A_462 : memref<128xi32, #tpu.memory_space<vmem>>) semaphore(%arg15 : memref<!tpu.dma_semaphore, #tpu.memory_space<semaphore_mem>>)
        %dma_start3A_466 = arith.constant 4 : i32
        %dma_start3A_467 = arith.constant 512 : i32
        %dma_start3A_468 = arith.constant 0 : i32
        %dma_start3A_469 = tpu.memref_slice %arg9[%dma_start3A_467, %dma_start3A_468] : memref<1280x16xf32, #tpu.memory_space<vmem>> -> memref<128x16xf32, #tpu.memory_space<vmem>>
        %dma_start3A_470 = arith.constant 0 : i32
        %dma_start3A_471 = tpu.memref_slice %arg5[%dma_start3A_466, %dma_start3A_470] : memref<10x128xi32, #tpu.memory_space<vmem>> -> memref<1x128xi32, #tpu.memory_space<vmem>>
        %dma_start3A_472 = tpu.memref_squeeze %dma_start3A_471 : memref<1x128xi32, #tpu.memory_space<vmem>> -> memref<128xi32, #tpu.memory_space<vmem>>
        %dma_start3A_473 = arith.constant 0 : i32
        %dma_start3A_474 = arith.constant 0 : i32
        %dma_start3A_475 = tpu.memref_slice %arg3[%dma_start3A_473, %dma_start3A_474] : memref<100000x16xf32, #tpu.memory_space<hbm>> -> memref<100000x16xf32, #tpu.memory_space<hbm>>
        tpu.enqueue_indirect_dma source(%dma_start3A_475 : memref<100000x16xf32, #tpu.memory_space<hbm>>) target(%dma_start3A_469 : memref<128x16xf32, #tpu.memory_space<vmem>>) offsets(%dma_start3A_472 : memref<128xi32, #tpu.memory_space<vmem>>) semaphore(%arg15 : memref<!tpu.dma_semaphore, #tpu.memory_space<semaphore_mem>>)
        %dma_start3A_476 = arith.constant 4 : i32
        %dma_start3A_477 = arith.constant 512 : i32
        %dma_start3A_478 = arith.constant 0 : i32
        %dma_start3A_479 = tpu.memref_slice %arg11[%dma_start3A_477, %dma_start3A_478] : memref<1280x16xf32, #tpu.memory_space<vmem>> -> memref<128x16xf32, #tpu.memory_space<vmem>>
        %dma_start3A_480 = arith.constant 0 : i32
        %dma_start3A_481 = tpu.memref_slice %arg7[%dma_start3A_476, %dma_start3A_480] : memref<10x128xi32, #tpu.memory_space<vmem>> -> memref<1x128xi32, #tpu.memory_space<vmem>>
        %dma_start3A_482 = tpu.memref_squeeze %dma_start3A_481 : memref<1x128xi32, #tpu.memory_space<vmem>> -> memref<128xi32, #tpu.memory_space<vmem>>
        %dma_start3A_483 = arith.constant 0 : i32
        %dma_start3A_484 = arith.constant 0 : i32
        %dma_start3A_485 = tpu.memref_slice %arg3[%dma_start3A_483, %dma_start3A_484] : memref<100000x16xf32, #tpu.memory_space<hbm>> -> memref<100000x16xf32, #tpu.memory_space<hbm>>
        tpu.enqueue_indirect_dma source(%dma_start3A_485 : memref<100000x16xf32, #tpu.memory_space<hbm>>) target(%dma_start3A_479 : memref<128x16xf32, #tpu.memory_space<vmem>>) offsets(%dma_start3A_482 : memref<128xi32, #tpu.memory_space<vmem>>) semaphore(%arg15 : memref<!tpu.dma_semaphore, #tpu.memory_space<semaphore_mem>>)
        %dma_start3A_486 = arith.constant 5 : i32
        %dma_start3A_487 = arith.constant 640 : i32
        %dma_start3A_488 = arith.constant 0 : i32
        %dma_start3A_489 = tpu.memref_slice %arg9[%dma_start3A_487, %dma_start3A_488] : memref<1280x16xf32, #tpu.memory_space<vmem>> -> memref<128x16xf32, #tpu.memory_space<vmem>>
        %dma_start3A_490 = arith.constant 0 : i32
        %dma_start3A_491 = tpu.memref_slice %arg5[%dma_start3A_486, %dma_start3A_490] : memref<10x128xi32, #tpu.memory_space<vmem>> -> memref<1x128xi32, #tpu.memory_space<vmem>>
        %dma_start3A_492 = tpu.memref_squeeze %dma_start3A_491 : memref<1x128xi32, #tpu.memory_space<vmem>> -> memref<128xi32, #tpu.memory_space<vmem>>
        %dma_start3A_493 = arith.constant 0 : i32
        %dma_start3A_494 = arith.constant 0 : i32
        %dma_start3A_495 = tpu.memref_slice %arg3[%dma_start3A_493, %dma_start3A_494] : memref<100000x16xf32, #tpu.memory_space<hbm>> -> memref<100000x16xf32, #tpu.memory_space<hbm>>
        tpu.enqueue_indirect_dma source(%dma_start3A_495 : memref<100000x16xf32, #tpu.memory_space<hbm>>) target(%dma_start3A_489 : memref<128x16xf32, #tpu.memory_space<vmem>>) offsets(%dma_start3A_492 : memref<128xi32, #tpu.memory_space<vmem>>) semaphore(%arg15 : memref<!tpu.dma_semaphore, #tpu.memory_space<semaphore_mem>>)
        %dma_start3A_496 = arith.constant 5 : i32
        %dma_start3A_497 = arith.constant 640 : i32
        %dma_start3A_498 = arith.constant 0 : i32
        %dma_start3A_499 = tpu.memref_slice %arg11[%dma_start3A_497, %dma_start3A_498] : memref<1280x16xf32, #tpu.memory_space<vmem>> -> memref<128x16xf32, #tpu.memory_space<vmem>>
        %dma_start3A_500 = arith.constant 0 : i32
        %dma_start3A_501 = tpu.memref_slice %arg7[%dma_start3A_496, %dma_start3A_500] : memref<10x128xi32, #tpu.memory_space<vmem>> -> memref<1x128xi32, #tpu.memory_space<vmem>>
        %dma_start3A_502 = tpu.memref_squeeze %dma_start3A_501 : memref<1x128xi32, #tpu.memory_space<vmem>> -> memref<128xi32, #tpu.memory_space<vmem>>
        %dma_start3A_503 = arith.constant 0 : i32
        %dma_start3A_504 = arith.constant 0 : i32
        %dma_start3A_505 = tpu.memref_slice %arg3[%dma_start3A_503, %dma_start3A_504] : memref<100000x16xf32, #tpu.memory_space<hbm>> -> memref<100000x16xf32, #tpu.memory_space<hbm>>
        tpu.enqueue_indirect_dma source(%dma_start3A_505 : memref<100000x16xf32, #tpu.memory_space<hbm>>) target(%dma_start3A_499 : memref<128x16xf32, #tpu.memory_space<vmem>>) offsets(%dma_start3A_502 : memref<128xi32, #tpu.memory_space<vmem>>) semaphore(%arg15 : memref<!tpu.dma_semaphore, #tpu.memory_space<semaphore_mem>>)
        %dma_start3A_506 = arith.constant 6 : i32
        %dma_start3A_507 = arith.constant 768 : i32
        %dma_start3A_508 = arith.constant 0 : i32
        %dma_start3A_509 = tpu.memref_slice %arg9[%dma_start3A_507, %dma_start3A_508] : memref<1280x16xf32, #tpu.memory_space<vmem>> -> memref<128x16xf32, #tpu.memory_space<vmem>>
        %dma_start3A_510 = arith.constant 0 : i32
        %dma_start3A_511 = tpu.memref_slice %arg5[%dma_start3A_506, %dma_start3A_510] : memref<10x128xi32, #tpu.memory_space<vmem>> -> memref<1x128xi32, #tpu.memory_space<vmem>>
        %dma_start3A_512 = tpu.memref_squeeze %dma_start3A_511 : memref<1x128xi32, #tpu.memory_space<vmem>> -> memref<128xi32, #tpu.memory_space<vmem>>
        %dma_start3A_513 = arith.constant 0 : i32
        %dma_start3A_514 = arith.constant 0 : i32
        %dma_start3A_515 = tpu.memref_slice %arg3[%dma_start3A_513, %dma_start3A_514] : memref<100000x16xf32, #tpu.memory_space<hbm>> -> memref<100000x16xf32, #tpu.memory_space<hbm>>
        tpu.enqueue_indirect_dma source(%dma_start3A_515 : memref<100000x16xf32, #tpu.memory_space<hbm>>) target(%dma_start3A_509 : memref<128x16xf32, #tpu.memory_space<vmem>>) offsets(%dma_start3A_512 : memref<128xi32, #tpu.memory_space<vmem>>) semaphore(%arg15 : memref<!tpu.dma_semaphore, #tpu.memory_space<semaphore_mem>>)
        %dma_start3A_516 = arith.constant 6 : i32
        %dma_start3A_517 = arith.constant 768 : i32
        %dma_start3A_518 = arith.constant 0 : i32
        %dma_start3A_519 = tpu.memref_slice %arg11[%dma_start3A_517, %dma_start3A_518] : memref<1280x16xf32, #tpu.memory_space<vmem>> -> memref<128x16xf32, #tpu.memory_space<vmem>>
        %dma_start3A_520 = arith.constant 0 : i32
        %dma_start3A_521 = tpu.memref_slice %arg7[%dma_start3A_516, %dma_start3A_520] : memref<10x128xi32, #tpu.memory_space<vmem>> -> memref<1x128xi32, #tpu.memory_space<vmem>>
        %dma_start3A_522 = tpu.memref_squeeze %dma_start3A_521 : memref<1x128xi32, #tpu.memory_space<vmem>> -> memref<128xi32, #tpu.memory_space<vmem>>
        %dma_start3A_523 = arith.constant 0 : i32
        %dma_start3A_524 = arith.constant 0 : i32
        %dma_start3A_525 = tpu.memref_slice %arg3[%dma_start3A_523, %dma_start3A_524] : memref<100000x16xf32, #tpu.memory_space<hbm>> -> memref<100000x16xf32, #tpu.memory_space<hbm>>
        tpu.enqueue_indirect_dma source(%dma_start3A_525 : memref<100000x16xf32, #tpu.memory_space<hbm>>) target(%dma_start3A_519 : memref<128x16xf32, #tpu.memory_space<vmem>>) offsets(%dma_start3A_522 : memref<128xi32, #tpu.memory_space<vmem>>) semaphore(%arg15 : memref<!tpu.dma_semaphore, #tpu.memory_space<semaphore_mem>>)
        %dma_start3A_526 = arith.constant 7 : i32
        %dma_start3A_527 = arith.constant 896 : i32
        %dma_start3A_528 = arith.constant 0 : i32
        %dma_start3A_529 = tpu.memref_slice %arg9[%dma_start3A_527, %dma_start3A_528] : memref<1280x16xf32, #tpu.memory_space<vmem>> -> memref<128x16xf32, #tpu.memory_space<vmem>>
        %dma_start3A_530 = arith.constant 0 : i32
        %dma_start3A_531 = tpu.memref_slice %arg5[%dma_start3A_526, %dma_start3A_530] : memref<10x128xi32, #tpu.memory_space<vmem>> -> memref<1x128xi32, #tpu.memory_space<vmem>>
        %dma_start3A_532 = tpu.memref_squeeze %dma_start3A_531 : memref<1x128xi32, #tpu.memory_space<vmem>> -> memref<128xi32, #tpu.memory_space<vmem>>
        %dma_start3A_533 = arith.constant 0 : i32
        %dma_start3A_534 = arith.constant 0 : i32
        %dma_start3A_535 = tpu.memref_slice %arg3[%dma_start3A_533, %dma_start3A_534] : memref<100000x16xf32, #tpu.memory_space<hbm>> -> memref<100000x16xf32, #tpu.memory_space<hbm>>
        tpu.enqueue_indirect_dma source(%dma_start3A_535 : memref<100000x16xf32, #tpu.memory_space<hbm>>) target(%dma_start3A_529 : memref<128x16xf32, #tpu.memory_space<vmem>>) offsets(%dma_start3A_532 : memref<128xi32, #tpu.memory_space<vmem>>) semaphore(%arg15 : memref<!tpu.dma_semaphore, #tpu.memory_space<semaphore_mem>>)
        %dma_start3A_536 = arith.constant 7 : i32
        %dma_start3A_537 = arith.constant 896 : i32
        %dma_start3A_538 = arith.constant 0 : i32
        %dma_start3A_539 = tpu.memref_slice %arg11[%dma_start3A_537, %dma_start3A_538] : memref<1280x16xf32, #tpu.memory_space<vmem>> -> memref<128x16xf32, #tpu.memory_space<vmem>>
        %dma_start3A_540 = arith.constant 0 : i32
        %dma_start3A_541 = tpu.memref_slice %arg7[%dma_start3A_536, %dma_start3A_540] : memref<10x128xi32, #tpu.memory_space<vmem>> -> memref<1x128xi32, #tpu.memory_space<vmem>>
        %dma_start3A_542 = tpu.memref_squeeze %dma_start3A_541 : memref<1x128xi32, #tpu.memory_space<vmem>> -> memref<128xi32, #tpu.memory_space<vmem>>
        %dma_start3A_543 = arith.constant 0 : i32
        %dma_start3A_544 = arith.constant 0 : i32
        %dma_start3A_545 = tpu.memref_slice %arg3[%dma_start3A_543, %dma_start3A_544] : memref<100000x16xf32, #tpu.memory_space<hbm>> -> memref<100000x16xf32, #tpu.memory_space<hbm>>
        tpu.enqueue_indirect_dma source(%dma_start3A_545 : memref<100000x16xf32, #tpu.memory_space<hbm>>) target(%dma_start3A_539 : memref<128x16xf32, #tpu.memory_space<vmem>>) offsets(%dma_start3A_542 : memref<128xi32, #tpu.memory_space<vmem>>) semaphore(%arg15 : memref<!tpu.dma_semaphore, #tpu.memory_space<semaphore_mem>>)
        %dma_start3A_546 = arith.constant 8 : i32
        %dma_start3A_547 = arith.constant 1024 : i32
        %dma_start3A_548 = arith.constant 0 : i32
        %dma_start3A_549 = tpu.memref_slice %arg9[%dma_start3A_547, %dma_start3A_548] : memref<1280x16xf32, #tpu.memory_space<vmem>> -> memref<128x16xf32, #tpu.memory_space<vmem>>
        %dma_start3A_550 = arith.constant 0 : i32
        %dma_start3A_551 = tpu.memref_slice %arg5[%dma_start3A_546, %dma_start3A_550] : memref<10x128xi32, #tpu.memory_space<vmem>> -> memref<1x128xi32, #tpu.memory_space<vmem>>
        %dma_start3A_552 = tpu.memref_squeeze %dma_start3A_551 : memref<1x128xi32, #tpu.memory_space<vmem>> -> memref<128xi32, #tpu.memory_space<vmem>>
        %dma_start3A_553 = arith.constant 0 : i32
        %dma_start3A_554 = arith.constant 0 : i32
        %dma_start3A_555 = tpu.memref_slice %arg3[%dma_start3A_553, %dma_start3A_554] : memref<100000x16xf32, #tpu.memory_space<hbm>> -> memref<100000x16xf32, #tpu.memory_space<hbm>>
        tpu.enqueue_indirect_dma source(%dma_start3A_555 : memref<100000x16xf32, #tpu.memory_space<hbm>>) target(%dma_start3A_549 : memref<128x16xf32, #tpu.memory_space<vmem>>) offsets(%dma_start3A_552 : memref<128xi32, #tpu.memory_space<vmem>>) semaphore(%arg15 : memref<!tpu.dma_semaphore, #tpu.memory_space<semaphore_mem>>)
        %dma_start3A_556 = arith.constant 8 : i32
        %dma_start3A_557 = arith.constant 1024 : i32
        %dma_start3A_558 = arith.constant 0 : i32
        %dma_start3A_559 = tpu.memref_slice %arg11[%dma_start3A_557, %dma_start3A_558] : memref<1280x16xf32, #tpu.memory_space<vmem>> -> memref<128x16xf32, #tpu.memory_space<vmem>>
        %dma_start3A_560 = arith.constant 0 : i32
        %dma_start3A_561 = tpu.memref_slice %arg7[%dma_start3A_556, %dma_start3A_560] : memref<10x128xi32, #tpu.memory_space<vmem>> -> memref<1x128xi32, #tpu.memory_space<vmem>>
        %dma_start3A_562 = tpu.memref_squeeze %dma_start3A_561 : memref<1x128xi32, #tpu.memory_space<vmem>> -> memref<128xi32, #tpu.memory_space<vmem>>
        %dma_start3A_563 = arith.constant 0 : i32
        %dma_start3A_564 = arith.constant 0 : i32
        %dma_start3A_565 = tpu.memref_slice %arg3[%dma_start3A_563, %dma_start3A_564] : memref<100000x16xf32, #tpu.memory_space<hbm>> -> memref<100000x16xf32, #tpu.memory_space<hbm>>
        tpu.enqueue_indirect_dma source(%dma_start3A_565 : memref<100000x16xf32, #tpu.memory_space<hbm>>) target(%dma_start3A_559 : memref<128x16xf32, #tpu.memory_space<vmem>>) offsets(%dma_start3A_562 : memref<128xi32, #tpu.memory_space<vmem>>) semaphore(%arg15 : memref<!tpu.dma_semaphore, #tpu.memory_space<semaphore_mem>>)
        %dma_start3A_566 = arith.constant 9 : i32
        %dma_start3A_567 = arith.constant 1152 : i32
        %dma_start3A_568 = arith.constant 0 : i32
        %dma_start3A_569 = tpu.memref_slice %arg9[%dma_start3A_567, %dma_start3A_568] : memref<1280x16xf32, #tpu.memory_space<vmem>> -> memref<128x16xf32, #tpu.memory_space<vmem>>
        %dma_start3A_570 = arith.constant 0 : i32
        %dma_start3A_571 = tpu.memref_slice %arg5[%dma_start3A_566, %dma_start3A_570] : memref<10x128xi32, #tpu.memory_space<vmem>> -> memref<1x128xi32, #tpu.memory_space<vmem>>
        %dma_start3A_572 = tpu.memref_squeeze %dma_start3A_571 : memref<1x128xi32, #tpu.memory_space<vmem>> -> memref<128xi32, #tpu.memory_space<vmem>>
        %dma_start3A_573 = arith.constant 0 : i32
        %dma_start3A_574 = arith.constant 0 : i32
        %dma_start3A_575 = tpu.memref_slice %arg3[%dma_start3A_573, %dma_start3A_574] : memref<100000x16xf32, #tpu.memory_space<hbm>> -> memref<100000x16xf32, #tpu.memory_space<hbm>>
        tpu.enqueue_indirect_dma source(%dma_start3A_575 : memref<100000x16xf32, #tpu.memory_space<hbm>>) target(%dma_start3A_569 : memref<128x16xf32, #tpu.memory_space<vmem>>) offsets(%dma_start3A_572 : memref<128xi32, #tpu.memory_space<vmem>>) semaphore(%arg15 : memref<!tpu.dma_semaphore, #tpu.memory_space<semaphore_mem>>)
        %dma_start3A_576 = arith.constant 9 : i32
        %dma_start3A_577 = arith.constant 1152 : i32
        %dma_start3A_578 = arith.constant 0 : i32
        %dma_start3A_579 = tpu.memref_slice %arg11[%dma_start3A_577, %dma_start3A_578] : memref<1280x16xf32, #tpu.memory_space<vmem>> -> memref<128x16xf32, #tpu.memory_space<vmem>>
        %dma_start3A_580 = arith.constant 0 : i32
        %dma_start3A_581 = tpu.memref_slice %arg7[%dma_start3A_576, %dma_start3A_580] : memref<10x128xi32, #tpu.memory_space<vmem>> -> memref<1x128xi32, #tpu.memory_space<vmem>>
        %dma_start3A_582 = tpu.memref_squeeze %dma_start3A_581 : memref<1x128xi32, #tpu.memory_space<vmem>> -> memref<128xi32, #tpu.memory_space<vmem>>
        %dma_start3A_583 = arith.constant 0 : i32
        %dma_start3A_584 = arith.constant 0 : i32
        %dma_start3A_585 = tpu.memref_slice %arg3[%dma_start3A_583, %dma_start3A_584] : memref<100000x16xf32, #tpu.memory_space<hbm>> -> memref<100000x16xf32, #tpu.memory_space<hbm>>
        tpu.enqueue_indirect_dma source(%dma_start3A_585 : memref<100000x16xf32, #tpu.memory_space<hbm>>) target(%dma_start3A_579 : memref<128x16xf32, #tpu.memory_space<vmem>>) offsets(%dma_start3A_582 : memref<128xi32, #tpu.memory_space<vmem>>) semaphore(%arg15 : memref<!tpu.dma_semaphore, #tpu.memory_space<semaphore_mem>>)
      } else {
      }
      %mul3A_329 = arith.constant 32 : i32
      %mul3A_330 = arith.muli %add3A_318, %mul3A_329 : i32
      %add3A_331 = arith.addi %add3A, %mul3A_330 : i32
      %lt3A_332 = arith.constant 2500 : i32
      %lt3A_333 = arith.cmpi slt, %add3A_331, %lt3A_332 : i32
      %convert_element_type3A_334 = arith.extui %lt3A_333 : i1 to i32
      %cond3A_335 = arith.constant 0 : i32
      %cond3A_336 = arith.cmpi ne, %convert_element_type3A_334, %cond3A_335 : i32
      scf.if %cond3A_336 {
        %dma_wait3A_366 = arith.constant 0 : i32
        %dma_wait3A_367 = arith.constant 0 : i32
        %dma_wait3A_368 = tpu.memref_slice %arg3[%dma_wait3A_366, %dma_wait3A_367] : memref<100000x16xf32, #tpu.memory_space<hbm>> -> memref<1280x16xf32, #tpu.memory_space<hbm>>
        %dma_wait3A_369 = arith.constant 0 : i32
        %dma_wait3A_370 = arith.constant 0 : i32
        %dma_wait3A_371 = tpu.memref_slice %arg3[%dma_wait3A_369, %dma_wait3A_370] : memref<100000x16xf32, #tpu.memory_space<hbm>> -> memref<1280x16xf32, #tpu.memory_space<hbm>>
        tpu.wait_dma2 semaphore(%arg16 : memref<!tpu.dma_semaphore, #tpu.memory_space<semaphore_mem>>) src(%dma_wait3A_371 : memref<1280x16xf32, #tpu.memory_space<hbm>>) dst(%arg10 : memref<1280x16xf32, #tpu.memory_space<vmem>>)
        %dma_wait3A_372 = arith.constant 0 : i32
        %dma_wait3A_373 = arith.constant 0 : i32
        %dma_wait3A_374 = tpu.memref_slice %arg3[%dma_wait3A_372, %dma_wait3A_373] : memref<100000x16xf32, #tpu.memory_space<hbm>> -> memref<1280x16xf32, #tpu.memory_space<hbm>>
        %dma_wait3A_375 = arith.constant 0 : i32
        %dma_wait3A_376 = arith.constant 0 : i32
        %dma_wait3A_377 = tpu.memref_slice %arg3[%dma_wait3A_375, %dma_wait3A_376] : memref<100000x16xf32, #tpu.memory_space<hbm>> -> memref<1280x16xf32, #tpu.memory_space<hbm>>
        tpu.wait_dma2 semaphore(%arg16 : memref<!tpu.dma_semaphore, #tpu.memory_space<semaphore_mem>>) src(%dma_wait3A_377 : memref<1280x16xf32, #tpu.memory_space<hbm>>) dst(%arg12 : memref<1280x16xf32, #tpu.memory_space<vmem>>)
      } else {
      }
      %add3A_337 = arith.constant 2 : i32
      %add3A_338 = arith.addi %add3A_318, %add3A_337 : i32
      %mul3A_339 = arith.constant 32 : i32
      %mul3A_340 = arith.muli %add3A_338, %mul3A_339 : i32
      %add3A_341 = arith.addi %add3A, %mul3A_340 : i32
      %lt3A_342 = arith.constant 2500 : i32
      %lt3A_343 = arith.cmpi slt, %add3A_341, %lt3A_342 : i32
      %convert_element_type3A_344 = arith.extui %lt3A_343 : i1 to i32
      %cond3A_345 = arith.constant 0 : i32
      %cond3A_346 = arith.cmpi ne, %convert_element_type3A_344, %cond3A_345 : i32
      scf.if %cond3A_346 {
        %add3A_366 = arith.constant 2 : i32
        %add3A_367 = arith.addi %add3A_318, %add3A_366 : i32
        %mul3A_368 = arith.constant 32 : i32
        %mul3A_369 = arith.muli %add3A_367, %mul3A_368 : i32
        %add3A_370 = arith.addi %add3A, %mul3A_369 : i32
        %dma_start3A_371 = arith.constant 0 : i32
        %dma_start3A_372 = arith.constant 0 : i32
        %dma_start3A_373 = arith.constant 0 : i32
        %dma_start3A_374 = tpu.memref_slice %arg2[%dma_start3A_371, %add3A_370, %dma_start3A_372, %dma_start3A_373] : memref<2x2500x10x128xi32, #tpu.memory_space<hbm>> -> memref<1x1x10x128xi32, #tpu.memory_space<hbm>>
        %dma_start3A_375 = tpu.memref_squeeze %dma_start3A_374 : memref<1x1x10x128xi32, #tpu.memory_space<hbm>> -> memref<10x128xi32, #tpu.memory_space<hbm>>
        %dma_start3A_376 = arith.constant 0 : i32
        %dma_start3A_377 = arith.constant 0 : i32
        %dma_start3A_378 = tpu.memref_slice %arg2[%dma_start3A_371, %add3A_370, %dma_start3A_376, %dma_start3A_377] : memref<2x2500x10x128xi32, #tpu.memory_space<hbm>> -> memref<1x1x10x128xi32, #tpu.memory_space<hbm>>
        %dma_start3A_379 = tpu.memref_squeeze %dma_start3A_378 : memref<1x1x10x128xi32, #tpu.memory_space<hbm>> -> memref<10x128xi32, #tpu.memory_space<hbm>>
        tpu.enqueue_dma source(%dma_start3A_379 : memref<10x128xi32, #tpu.memory_space<hbm>>) target(%arg6 : memref<10x128xi32, #tpu.memory_space<vmem>>) target_semaphore(%arg18 : memref<!tpu.dma_semaphore, #tpu.memory_space<semaphore_mem>>)
        %dma_start3A_380 = arith.constant 1 : i32
        %dma_start3A_381 = arith.constant 0 : i32
        %dma_start3A_382 = arith.constant 0 : i32
        %dma_start3A_383 = tpu.memref_slice %arg2[%dma_start3A_380, %add3A_370, %dma_start3A_381, %dma_start3A_382] : memref<2x2500x10x128xi32, #tpu.memory_space<hbm>> -> memref<1x1x10x128xi32, #tpu.memory_space<hbm>>
        %dma_start3A_384 = tpu.memref_squeeze %dma_start3A_383 : memref<1x1x10x128xi32, #tpu.memory_space<hbm>> -> memref<10x128xi32, #tpu.memory_space<hbm>>
        %dma_start3A_385 = arith.constant 0 : i32
        %dma_start3A_386 = arith.constant 0 : i32
        %dma_start3A_387 = tpu.memref_slice %arg2[%dma_start3A_380, %add3A_370, %dma_start3A_385, %dma_start3A_386] : memref<2x2500x10x128xi32, #tpu.memory_space<hbm>> -> memref<1x1x10x128xi32, #tpu.memory_space<hbm>>
        %dma_start3A_388 = tpu.memref_squeeze %dma_start3A_387 : memref<1x1x10x128xi32, #tpu.memory_space<hbm>> -> memref<10x128xi32, #tpu.memory_space<hbm>>
        tpu.enqueue_dma source(%dma_start3A_388 : memref<10x128xi32, #tpu.memory_space<hbm>>) target(%arg8 : memref<10x128xi32, #tpu.memory_space<vmem>>) target_semaphore(%arg18 : memref<!tpu.dma_semaphore, #tpu.memory_space<semaphore_mem>>)
      } else {
      }
      %ge3A_347 = arith.constant 2 : i32
      %ge3A_348 = arith.cmpi sge, %add3A_318, %ge3A_347 : i32
      %mul3A_349 = arith.constant 32 : i32
      %mul3A_350 = arith.muli %add3A_318, %mul3A_349 : i32
      %add3A_351 = arith.addi %add3A, %mul3A_350 : i32
      %lt3A_352 = arith.constant 2500 : i32
      %lt3A_353 = arith.cmpi slt, %add3A_351, %lt3A_352 : i32
      %and3A_354 = arith.andi %ge3A_348, %lt3A_353 : i1
      %convert_element_type3A_355 = arith.extui %and3A_354 : i1 to i32
      %cond3A_356 = arith.constant 0 : i32
      %cond3A_357 = arith.cmpi ne, %convert_element_type3A_355, %cond3A_356 : i32
      scf.if %cond3A_357 {
        %dma_wait3A_366 = arith.constant 0 : i32
        %dma_wait3A_367 = tpu.memref_slice %arg4[%dma_wait3A_366] : memref<3200000xf32, #tpu.memory_space<hbm>> -> memref<1280xf32, #tpu.memory_space<hbm>>
        %dma_wait3A_368 = arith.constant 0 : i32
        %dma_wait3A_369 = tpu.memref_slice %arg4[%dma_wait3A_368] : memref<3200000xf32, #tpu.memory_space<hbm>> -> memref<1280xf32, #tpu.memory_space<hbm>>
        tpu.wait_dma2 semaphore(%arg20 : memref<!tpu.dma_semaphore, #tpu.memory_space<semaphore_mem>>) src(%dma_wait3A_369 : memref<1280xf32, #tpu.memory_space<hbm>>) dst(%arg14 : memref<1280xf32, #tpu.memory_space<vmem>>)
      } else {
      }
      %mul3A_358 = arith.constant 32 : i32
      %mul3A_359 = arith.muli %add3A_318, %mul3A_358 : i32
      %add3A_360 = arith.addi %add3A, %mul3A_359 : i32
      %lt3A_361 = arith.constant 2500 : i32
      %lt3A_362 = arith.cmpi slt, %add3A_360, %lt3A_361 : i32
      %convert_element_type3A_363 = arith.extui %lt3A_362 : i1 to i32
      %cond3A_364 = arith.constant 0 : i32
      %cond3A_365 = arith.cmpi ne, %convert_element_type3A_363, %cond3A_364 : i32
      scf.if %cond3A_365 {
        %mul3A_366 = arith.constant 32 : i32
        %mul3A_367 = arith.muli %add3A_318, %mul3A_366 : i32
        %add3A_368 = arith.addi %add3A, %mul3A_367 : i32
        %scan3A_369 = arith.constant 0 : i32
        %scan3A_370 = arith.constant 0 : i32
        %scan3A_371 = arith.constant 16 : i32
        %scan3A_372 = arith.addi %scan3A_370, %scan3A_371 : i32
        %scan3A_373 = arith.constant 1 : i32
        scf.for %scan3A_379 = %scan3A_370 to %scan3A_372 step %scan3A_373  : i32 {
          %mul3A_380 = arith.constant 5 : i32
          %mul3A_381 = arith.muli %scan3A_379, %mul3A_380 : i32
          %add3A_382 = arith.constant 0 : i32
          %add3A_383 = arith.addi %mul3A_381, %add3A_382 : i32
          %mul3A_384 = arith.constant 16 : i32
          %mul3A_385 = arith.muli %add3A_383, %mul3A_384 : i32
          %multiple_of3A_386 = tpu.assume_multiple %mul3A_385, 16 : i32
          %add3A_387 = vector.broadcast %multiple_of3A_386 : i32 to vector<16xi32>
          %add3A_388 = arith.addi %add3A_387, %iota3A : vector<16xi32>
          %broadcast_in_dim3A = arith.constant 0.000000e+00 : f32
          %broadcast_in_dim3A_389 = vector.broadcast %broadcast_in_dim3A : f32 to vector<16xf32>
          %broadcast_in_dim3A_390 = arith.constant 0.000000e+00 : f32
          %broadcast_in_dim3A_391 = vector.broadcast %broadcast_in_dim3A_390 : f32 to vector<16xf32>
          %broadcast_in_dim3A_392 = arith.constant 0.000000e+00 : f32
          %broadcast_in_dim3A_393 = vector.broadcast %broadcast_in_dim3A_392 : f32 to vector<16xf32>
          %broadcast_in_dim3A_394 = arith.constant 0.000000e+00 : f32
          %broadcast_in_dim3A_395 = vector.broadcast %broadcast_in_dim3A_394 : f32 to vector<16xf32>
          %add3A_396 = arith.constant 0 : i32
          %add3A_397 = vector.broadcast %add3A_396 : i32 to vector<16xi32>
          %add3A_398 = arith.addi %iota3A, %add3A_397 : vector<16xi32>
          %and3A_399 = arith.constant 15 : i32
          %and3A_400 = vector.broadcast %and3A_399 : i32 to vector<16xi32>
          %and3A_401 = arith.andi %add3A_398, %and3A_400 : vector<16xi32>
          %gather3A = tpu.vector_load_idx %arg10[%add3A_388, %and3A_401] : memref<1280x16xf32, #tpu.memory_space<vmem>>[vector<16xi32>, vector<16xi32>], vector<16xf32>,
          %gather3A_402 = tpu.vector_load_idx %arg12[%add3A_388, %and3A_401] : memref<1280x16xf32, #tpu.memory_space<vmem>>[vector<16xi32>, vector<16xi32>], vector<16xf32>,
          %sub3A = arith.subf %gather3A, %gather3A_402 : vector<16xf32>
          %mul3A_403 = arith.mulf %sub3A, %sub3A : vector<16xf32>
          %add3A_404 = arith.addf %broadcast_in_dim3A_389, %mul3A_403 : vector<16xf32>
          %add3A_405 = arith.constant 1 : i32
          %add3A_406 = vector.broadcast %add3A_405 : i32 to vector<16xi32>
          %add3A_407 = arith.addi %iota3A, %add3A_406 : vector<16xi32>
          %and3A_408 = arith.constant 15 : i32
          %and3A_409 = vector.broadcast %and3A_408 : i32 to vector<16xi32>
          %and3A_410 = arith.andi %add3A_407, %and3A_409 : vector<16xi32>
          %gather3A_411 = tpu.vector_load_idx %arg10[%add3A_388, %and3A_410] : memref<1280x16xf32, #tpu.memory_space<vmem>>[vector<16xi32>, vector<16xi32>], vector<16xf32>,
          %gather3A_412 = tpu.vector_load_idx %arg12[%add3A_388, %and3A_410] : memref<1280x16xf32, #tpu.memory_space<vmem>>[vector<16xi32>, vector<16xi32>], vector<16xf32>,
          %sub3A_413 = arith.subf %gather3A_411, %gather3A_412 : vector<16xf32>
          %mul3A_414 = arith.mulf %sub3A_413, %sub3A_413 : vector<16xf32>
          %add3A_415 = arith.addf %broadcast_in_dim3A_391, %mul3A_414 : vector<16xf32>
          %add3A_416 = arith.constant 2 : i32
          %add3A_417 = vector.broadcast %add3A_416 : i32 to vector<16xi32>
          %add3A_418 = arith.addi %iota3A, %add3A_417 : vector<16xi32>
          %and3A_419 = arith.constant 15 : i32
          %and3A_420 = vector.broadcast %and3A_419 : i32 to vector<16xi32>
          %and3A_421 = arith.andi %add3A_418, %and3A_420 : vector<16xi32>
          %gather3A_422 = tpu.vector_load_idx %arg10[%add3A_388, %and3A_421] : memref<1280x16xf32, #tpu.memory_space<vmem>>[vector<16xi32>, vector<16xi32>], vector<16xf32>,
          %gather3A_423 = tpu.vector_load_idx %arg12[%add3A_388, %and3A_421] : memref<1280x16xf32, #tpu.memory_space<vmem>>[vector<16xi32>, vector<16xi32>], vector<16xf32>,
          %sub3A_424 = arith.subf %gather3A_422, %gather3A_423 : vector<16xf32>
          %mul3A_425 = arith.mulf %sub3A_424, %sub3A_424 : vector<16xf32>
          %add3A_426 = arith.addf %broadcast_in_dim3A_393, %mul3A_425 : vector<16xf32>
          %add3A_427 = arith.constant 3 : i32
          %add3A_428 = vector.broadcast %add3A_427 : i32 to vector<16xi32>
          %add3A_429 = arith.addi %iota3A, %add3A_428 : vector<16xi32>
          %and3A_430 = arith.constant 15 : i32
          %and3A_431 = vector.broadcast %and3A_430 : i32 to vector<16xi32>
          %and3A_432 = arith.andi %add3A_429, %and3A_431 : vector<16xi32>
          %gather3A_433 = tpu.vector_load_idx %arg10[%add3A_388, %and3A_432] : memref<1280x16xf32, #tpu.memory_space<vmem>>[vector<16xi32>, vector<16xi32>], vector<16xf32>,
          %gather3A_434 = tpu.vector_load_idx %arg12[%add3A_388, %and3A_432] : memref<1280x16xf32, #tpu.memory_space<vmem>>[vector<16xi32>, vector<16xi32>], vector<16xf32>,
          %sub3A_435 = arith.subf %gather3A_433, %gather3A_434 : vector<16xf32>
          %mul3A_436 = arith.mulf %sub3A_435, %sub3A_435 : vector<16xf32>
          %add3A_437 = arith.addf %broadcast_in_dim3A_395, %mul3A_436 : vector<16xf32>
          %add3A_438 = arith.constant 4 : i32
          %add3A_439 = vector.broadcast %add3A_438 : i32 to vector<16xi32>
          %add3A_440 = arith.addi %iota3A, %add3A_439 : vector<16xi32>
          %and3A_441 = arith.constant 15 : i32
          %and3A_442 = vector.broadcast %and3A_441 : i32 to vector<16xi32>
          %and3A_443 = arith.andi %add3A_440, %and3A_442 : vector<16xi32>
          %gather3A_444 = tpu.vector_load_idx %arg10[%add3A_388, %and3A_443] : memref<1280x16xf32, #tpu.memory_space<vmem>>[vector<16xi32>, vector<16xi32>], vector<16xf32>,
          %gather3A_445 = tpu.vector_load_idx %arg12[%add3A_388, %and3A_443] : memref<1280x16xf32, #tpu.memory_space<vmem>>[vector<16xi32>, vector<16xi32>], vector<16xf32>,
          %sub3A_446 = arith.subf %gather3A_444, %gather3A_445 : vector<16xf32>
          %mul3A_447 = arith.mulf %sub3A_446, %sub3A_446 : vector<16xf32>
          %add3A_448 = arith.addf %add3A_404, %mul3A_447 : vector<16xf32>
          %add3A_449 = arith.constant 5 : i32
          %add3A_450 = vector.broadcast %add3A_449 : i32 to vector<16xi32>
          %add3A_451 = arith.addi %iota3A, %add3A_450 : vector<16xi32>
          %and3A_452 = arith.constant 15 : i32
          %and3A_453 = vector.broadcast %and3A_452 : i32 to vector<16xi32>
          %and3A_454 = arith.andi %add3A_451, %and3A_453 : vector<16xi32>
          %gather3A_455 = tpu.vector_load_idx %arg10[%add3A_388, %and3A_454] : memref<1280x16xf32, #tpu.memory_space<vmem>>[vector<16xi32>, vector<16xi32>], vector<16xf32>,
          %gather3A_456 = tpu.vector_load_idx %arg12[%add3A_388, %and3A_454] : memref<1280x16xf32, #tpu.memory_space<vmem>>[vector<16xi32>, vector<16xi32>], vector<16xf32>,
          %sub3A_457 = arith.subf %gather3A_455, %gather3A_456 : vector<16xf32>
          %mul3A_458 = arith.mulf %sub3A_457, %sub3A_457 : vector<16xf32>
          %add3A_459 = arith.addf %add3A_415, %mul3A_458 : vector<16xf32>
          %add3A_460 = arith.constant 6 : i32
          %add3A_461 = vector.broadcast %add3A_460 : i32 to vector<16xi32>
          %add3A_462 = arith.addi %iota3A, %add3A_461 : vector<16xi32>
          %and3A_463 = arith.constant 15 : i32
          %and3A_464 = vector.broadcast %and3A_463 : i32 to vector<16xi32>
          %and3A_465 = arith.andi %add3A_462, %and3A_464 : vector<16xi32>
          %gather3A_466 = tpu.vector_load_idx %arg10[%add3A_388, %and3A_465] : memref<1280x16xf32, #tpu.memory_space<vmem>>[vector<16xi32>, vector<16xi32>], vector<16xf32>,
          %gather3A_467 = tpu.vector_load_idx %arg12[%add3A_388, %and3A_465] : memref<1280x16xf32, #tpu.memory_space<vmem>>[vector<16xi32>, vector<16xi32>], vector<16xf32>,
          %sub3A_468 = arith.subf %gather3A_466, %gather3A_467 : vector<16xf32>
          %mul3A_469 = arith.mulf %sub3A_468, %sub3A_468 : vector<16xf32>
          %add3A_470 = arith.addf %add3A_426, %mul3A_469 : vector<16xf32>
          %add3A_471 = arith.constant 7 : i32
          %add3A_472 = vector.broadcast %add3A_471 : i32 to vector<16xi32>
          %add3A_473 = arith.addi %iota3A, %add3A_472 : vector<16xi32>
          %and3A_474 = arith.constant 15 : i32
          %and3A_475 = vector.broadcast %and3A_474 : i32 to vector<16xi32>
          %and3A_476 = arith.andi %add3A_473, %and3A_475 : vector<16xi32>
          %gather3A_477 = tpu.vector_load_idx %arg10[%add3A_388, %and3A_476] : memref<1280x16xf32, #tpu.memory_space<vmem>>[vector<16xi32>, vector<16xi32>], vector<16xf32>,
          %gather3A_478 = tpu.vector_load_idx %arg12[%add3A_388, %and3A_476] : memref<1280x16xf32, #tpu.memory_space<vmem>>[vector<16xi32>, vector<16xi32>], vector<16xf32>,
          %sub3A_479 = arith.subf %gather3A_477, %gather3A_478 : vector<16xf32>
          %mul3A_480 = arith.mulf %sub3A_479, %sub3A_479 : vector<16xf32>
          %add3A_481 = arith.addf %add3A_437, %mul3A_480 : vector<16xf32>
          %add3A_482 = arith.constant 8 : i32
          %add3A_483 = vector.broadcast %add3A_482 : i32 to vector<16xi32>
          %add3A_484 = arith.addi %iota3A, %add3A_483 : vector<16xi32>
          %and3A_485 = arith.constant 15 : i32
          %and3A_486 = vector.broadcast %and3A_485 : i32 to vector<16xi32>
          %and3A_487 = arith.andi %add3A_484, %and3A_486 : vector<16xi32>
          %gather3A_488 = tpu.vector_load_idx %arg10[%add3A_388, %and3A_487] : memref<1280x16xf32, #tpu.memory_space<vmem>>[vector<16xi32>, vector<16xi32>], vector<16xf32>,
          %gather3A_489 = tpu.vector_load_idx %arg12[%add3A_388, %and3A_487] : memref<1280x16xf32, #tpu.memory_space<vmem>>[vector<16xi32>, vector<16xi32>], vector<16xf32>,
          %sub3A_490 = arith.subf %gather3A_488, %gather3A_489 : vector<16xf32>
          %mul3A_491 = arith.mulf %sub3A_490, %sub3A_490 : vector<16xf32>
          %add3A_492 = arith.addf %add3A_448, %mul3A_491 : vector<16xf32>
          %add3A_493 = arith.constant 9 : i32
          %add3A_494 = vector.broadcast %add3A_493 : i32 to vector<16xi32>
          %add3A_495 = arith.addi %iota3A, %add3A_494 : vector<16xi32>
          %and3A_496 = arith.constant 15 : i32
          %and3A_497 = vector.broadcast %and3A_496 : i32 to vector<16xi32>
          %and3A_498 = arith.andi %add3A_495, %and3A_497 : vector<16xi32>
          %gather3A_499 = tpu.vector_load_idx %arg10[%add3A_388, %and3A_498] : memref<1280x16xf32, #tpu.memory_space<vmem>>[vector<16xi32>, vector<16xi32>], vector<16xf32>,
          %gather3A_500 = tpu.vector_load_idx %arg12[%add3A_388, %and3A_498] : memref<1280x16xf32, #tpu.memory_space<vmem>>[vector<16xi32>, vector<16xi32>], vector<16xf32>,
          %sub3A_501 = arith.subf %gather3A_499, %gather3A_500 : vector<16xf32>
          %mul3A_502 = arith.mulf %sub3A_501, %sub3A_501 : vector<16xf32>
          %add3A_503 = arith.addf %add3A_459, %mul3A_502 : vector<16xf32>
          %add3A_504 = arith.constant 10 : i32
          %add3A_505 = vector.broadcast %add3A_504 : i32 to vector<16xi32>
          %add3A_506 = arith.addi %iota3A, %add3A_505 : vector<16xi32>
          %and3A_507 = arith.constant 15 : i32
          %and3A_508 = vector.broadcast %and3A_507 : i32 to vector<16xi32>
          %and3A_509 = arith.andi %add3A_506, %and3A_508 : vector<16xi32>
          %gather3A_510 = tpu.vector_load_idx %arg10[%add3A_388, %and3A_509] : memref<1280x16xf32, #tpu.memory_space<vmem>>[vector<16xi32>, vector<16xi32>], vector<16xf32>,
          %gather3A_511 = tpu.vector_load_idx %arg12[%add3A_388, %and3A_509] : memref<1280x16xf32, #tpu.memory_space<vmem>>[vector<16xi32>, vector<16xi32>], vector<16xf32>,
          %sub3A_512 = arith.subf %gather3A_510, %gather3A_511 : vector<16xf32>
          %mul3A_513 = arith.mulf %sub3A_512, %sub3A_512 : vector<16xf32>
          %add3A_514 = arith.addf %add3A_470, %mul3A_513 : vector<16xf32>
          %add3A_515 = arith.constant 11 : i32
          %add3A_516 = vector.broadcast %add3A_515 : i32 to vector<16xi32>
          %add3A_517 = arith.addi %iota3A, %add3A_516 : vector<16xi32>
          %and3A_518 = arith.constant 15 : i32
          %and3A_519 = vector.broadcast %and3A_518 : i32 to vector<16xi32>
          %and3A_520 = arith.andi %add3A_517, %and3A_519 : vector<16xi32>
          %gather3A_521 = tpu.vector_load_idx %arg10[%add3A_388, %and3A_520] : memref<1280x16xf32, #tpu.memory_space<vmem>>[vector<16xi32>, vector<16xi32>], vector<16xf32>,
          %gather3A_522 = tpu.vector_load_idx %arg12[%add3A_388, %and3A_520] : memref<1280x16xf32, #tpu.memory_space<vmem>>[vector<16xi32>, vector<16xi32>], vector<16xf32>,
          %sub3A_523 = arith.subf %gather3A_521, %gather3A_522 : vector<16xf32>
          %mul3A_524 = arith.mulf %sub3A_523, %sub3A_523 : vector<16xf32>
          %add3A_525 = arith.addf %add3A_481, %mul3A_524 : vector<16xf32>
          %add3A_526 = arith.constant 12 : i32
          %add3A_527 = vector.broadcast %add3A_526 : i32 to vector<16xi32>
          %add3A_528 = arith.addi %iota3A, %add3A_527 : vector<16xi32>
          %and3A_529 = arith.constant 15 : i32
          %and3A_530 = vector.broadcast %and3A_529 : i32 to vector<16xi32>
          %and3A_531 = arith.andi %add3A_528, %and3A_530 : vector<16xi32>
          %gather3A_532 = tpu.vector_load_idx %arg10[%add3A_388, %and3A_531] : memref<1280x16xf32, #tpu.memory_space<vmem>>[vector<16xi32>, vector<16xi32>], vector<16xf32>,
          %gather3A_533 = tpu.vector_load_idx %arg12[%add3A_388, %and3A_531] : memref<1280x16xf32, #tpu.memory_space<vmem>>[vector<16xi32>, vector<16xi32>], vector<16xf32>,
          %sub3A_534 = arith.subf %gather3A_532, %gather3A_533 : vector<16xf32>
          %mul3A_535 = arith.mulf %sub3A_534, %sub3A_534 : vector<16xf32>
          %add3A_536 = arith.addf %add3A_492, %mul3A_535 : vector<16xf32>
          %add3A_537 = arith.constant 13 : i32
          %add3A_538 = vector.broadcast %add3A_537 : i32 to vector<16xi32>
          %add3A_539 = arith.addi %iota3A, %add3A_538 : vector<16xi32>
          %and3A_540 = arith.constant 15 : i32
          %and3A_541 = vector.broadcast %and3A_540 : i32 to vector<16xi32>
          %and3A_542 = arith.andi %add3A_539, %and3A_541 : vector<16xi32>
          %gather3A_543 = tpu.vector_load_idx %arg10[%add3A_388, %and3A_542] : memref<1280x16xf32, #tpu.memory_space<vmem>>[vector<16xi32>, vector<16xi32>], vector<16xf32>,
          %gather3A_544 = tpu.vector_load_idx %arg12[%add3A_388, %and3A_542] : memref<1280x16xf32, #tpu.memory_space<vmem>>[vector<16xi32>, vector<16xi32>], vector<16xf32>,
          %sub3A_545 = arith.subf %gather3A_543, %gather3A_544 : vector<16xf32>
          %mul3A_546 = arith.mulf %sub3A_545, %sub3A_545 : vector<16xf32>
          %add3A_547 = arith.addf %add3A_503, %mul3A_546 : vector<16xf32>
          %add3A_548 = arith.constant 14 : i32
          %add3A_549 = vector.broadcast %add3A_548 : i32 to vector<16xi32>
          %add3A_550 = arith.addi %iota3A, %add3A_549 : vector<16xi32>
          %and3A_551 = arith.constant 15 : i32
          %and3A_552 = vector.broadcast %and3A_551 : i32 to vector<16xi32>
          %and3A_553 = arith.andi %add3A_550, %and3A_552 : vector<16xi32>
          %gather3A_554 = tpu.vector_load_idx %arg10[%add3A_388, %and3A_553] : memref<1280x16xf32, #tpu.memory_space<vmem>>[vector<16xi32>, vector<16xi32>], vector<16xf32>,
          %gather3A_555 = tpu.vector_load_idx %arg12[%add3A_388, %and3A_553] : memref<1280x16xf32, #tpu.memory_space<vmem>>[vector<16xi32>, vector<16xi32>], vector<16xf32>,
          %sub3A_556 = arith.subf %gather3A_554, %gather3A_555 : vector<16xf32>
          %mul3A_557 = arith.mulf %sub3A_556, %sub3A_556 : vector<16xf32>
          %add3A_558 = arith.addf %add3A_514, %mul3A_557 : vector<16xf32>
          %add3A_559 = arith.constant 15 : i32
          %add3A_560 = vector.broadcast %add3A_559 : i32 to vector<16xi32>
          %add3A_561 = arith.addi %iota3A, %add3A_560 : vector<16xi32>
          %and3A_562 = arith.constant 15 : i32
          %and3A_563 = vector.broadcast %and3A_562 : i32 to vector<16xi32>
          %and3A_564 = arith.andi %add3A_561, %and3A_563 : vector<16xi32>
          %gather3A_565 = tpu.vector_load_idx %arg10[%add3A_388, %and3A_564] : memref<1280x16xf32, #tpu.memory_space<vmem>>[vector<16xi32>, vector<16xi32>], vector<16xf32>,
          %gather3A_566 = tpu.vector_load_idx %arg12[%add3A_388, %and3A_564] : memref<1280x16xf32, #tpu.memory_space<vmem>>[vector<16xi32>, vector<16xi32>], vector<16xf32>,
          %sub3A_567 = arith.subf %gather3A_565, %gather3A_566 : vector<16xf32>
          %mul3A_568 = arith.mulf %sub3A_567, %sub3A_567 : vector<16xf32>
          %add3A_569 = arith.addf %add3A_525, %mul3A_568 : vector<16xf32>
          %add3A_570 = arith.addf %add3A_536, %add3A_547 : vector<16xf32>
          %add3A_571 = arith.addf %add3A_558, %add3A_569 : vector<16xf32>
          %add3A_572 = arith.addf %add3A_570, %add3A_571 : vector<16xf32>
          %bitcast_convert_type3A = tpu.bitcast %add3A_572 : vector<16xf32> -> vector<16xi32>
          %shift_right_arithmetic3A = arith.constant 1 : i32
          %shift_right_arithmetic3A_573 = vector.broadcast %shift_right_arithmetic3A : i32 to vector<16xi32>
          %shift_right_arithmetic3A_574 = arith.shrsi %bitcast_convert_type3A, %shift_right_arithmetic3A_573 : vector<16xi32>
          %sub3A_575 = arith.constant 1597463007 : i32
          %sub3A_576 = vector.broadcast %sub3A_575 : i32 to vector<16xi32>
          %sub3A_577 = arith.subi %sub3A_576, %shift_right_arithmetic3A_574 : vector<16xi32>
          %bitcast_convert_type3A_578 = tpu.bitcast %sub3A_577 : vector<16xi32> -> vector<16xf32>
          %mul3A_579 = arith.constant 5.000000e-01 : f32
          %mul3A_580 = vector.broadcast %mul3A_579 : f32 to vector<16xf32>
          %mul3A_581 = arith.mulf %add3A_572, %mul3A_580 : vector<16xf32>
          %mul3A_582 = arith.mulf %mul3A_581, %bitcast_convert_type3A_578 : vector<16xf32>
          %mul3A_583 = arith.mulf %mul3A_582, %bitcast_convert_type3A_578 : vector<16xf32>
          %sub3A_584 = arith.constant 1.500000e+00 : f32
          %sub3A_585 = vector.broadcast %sub3A_584 : f32 to vector<16xf32>
          %sub3A_586 = arith.subf %sub3A_585, %mul3A_583 : vector<16xf32>
          %mul3A_587 = arith.mulf %bitcast_convert_type3A_578, %sub3A_586 : vector<16xf32>
          %mul3A_588 = arith.mulf %mul3A_581, %mul3A_587 : vector<16xf32>
          %mul3A_589 = arith.mulf %mul3A_588, %mul3A_587 : vector<16xf32>
          %sub3A_590 = arith.constant 1.500000e+00 : f32
          %sub3A_591 = vector.broadcast %sub3A_590 : f32 to vector<16xf32>
          %sub3A_592 = arith.subf %sub3A_591, %mul3A_589 : vector<16xf32>
          %mul3A_593 = arith.mulf %mul3A_587, %sub3A_592 : vector<16xf32>
          %mul3A_594 = arith.mulf %add3A_572, %mul3A_593 : vector<16xf32>
          %swap3A = arith.index_cast %multiple_of3A_386 : i32 to index
          %swap3A_595 = tpu.vector_load %arg14[%swap3A] {strides = array<i32>} : memref<1280xf32, #tpu.memory_space<vmem>>, vector<16xf32>,
          tpu.vector_store %arg14[%swap3A], %mul3A_594 {strides = array<i32>} : memref<1280xf32, #tpu.memory_space<vmem>>, vector<16xf32>,
          %mul3A_596 = arith.constant 5 : i32
          %mul3A_597 = arith.muli %scan3A_379, %mul3A_596 : i32
          %add3A_598 = arith.constant 1 : i32
          %add3A_599 = arith.addi %mul3A_597, %add3A_598 : i32
          %mul3A_600 = arith.constant 16 : i32
          %mul3A_601 = arith.muli %add3A_599, %mul3A_600 : i32
          %multiple_of3A_602 = tpu.assume_multiple %mul3A_601, 16 : i32
          %add3A_603 = vector.broadcast %multiple_of3A_602 : i32 to vector<16xi32>
          %add3A_604 = arith.addi %add3A_603, %iota3A : vector<16xi32>
          %broadcast_in_dim3A_605 = arith.constant 0.000000e+00 : f32
          %broadcast_in_dim3A_606 = vector.broadcast %broadcast_in_dim3A_605 : f32 to vector<16xf32>
          %broadcast_in_dim3A_607 = arith.constant 0.000000e+00 : f32
          %broadcast_in_dim3A_608 = vector.broadcast %broadcast_in_dim3A_607 : f32 to vector<16xf32>
          %broadcast_in_dim3A_609 = arith.constant 0.000000e+00 : f32
          %broadcast_in_dim3A_610 = vector.broadcast %broadcast_in_dim3A_609 : f32 to vector<16xf32>
          %broadcast_in_dim3A_611 = arith.constant 0.000000e+00 : f32
          %broadcast_in_dim3A_612 = vector.broadcast %broadcast_in_dim3A_611 : f32 to vector<16xf32>
          %add3A_613 = arith.constant 0 : i32
          %add3A_614 = vector.broadcast %add3A_613 : i32 to vector<16xi32>
          %add3A_615 = arith.addi %iota3A, %add3A_614 : vector<16xi32>
          %and3A_616 = arith.constant 15 : i32
          %and3A_617 = vector.broadcast %and3A_616 : i32 to vector<16xi32>
          %and3A_618 = arith.andi %add3A_615, %and3A_617 : vector<16xi32>
          %gather3A_619 = tpu.vector_load_idx %arg10[%add3A_604, %and3A_618] : memref<1280x16xf32, #tpu.memory_space<vmem>>[vector<16xi32>, vector<16xi32>], vector<16xf32>,
          %gather3A_620 = tpu.vector_load_idx %arg12[%add3A_604, %and3A_618] : memref<1280x16xf32, #tpu.memory_space<vmem>>[vector<16xi32>, vector<16xi32>], vector<16xf32>,
          %sub3A_621 = arith.subf %gather3A_619, %gather3A_620 : vector<16xf32>
          %mul3A_622 = arith.mulf %sub3A_621, %sub3A_621 : vector<16xf32>
          %add3A_623 = arith.addf %broadcast_in_dim3A_606, %mul3A_622 : vector<16xf32>
          %add3A_624 = arith.constant 1 : i32
          %add3A_625 = vector.broadcast %add3A_624 : i32 to vector<16xi32>
          %add3A_626 = arith.addi %iota3A, %add3A_625 : vector<16xi32>
          %and3A_627 = arith.constant 15 : i32
          %and3A_628 = vector.broadcast %and3A_627 : i32 to vector<16xi32>
          %and3A_629 = arith.andi %add3A_626, %and3A_628 : vector<16xi32>
          %gather3A_630 = tpu.vector_load_idx %arg10[%add3A_604, %and3A_629] : memref<1280x16xf32, #tpu.memory_space<vmem>>[vector<16xi32>, vector<16xi32>], vector<16xf32>,
          %gather3A_631 = tpu.vector_load_idx %arg12[%add3A_604, %and3A_629] : memref<1280x16xf32, #tpu.memory_space<vmem>>[vector<16xi32>, vector<16xi32>], vector<16xf32>,
          %sub3A_632 = arith.subf %gather3A_630, %gather3A_631 : vector<16xf32>
          %mul3A_633 = arith.mulf %sub3A_632, %sub3A_632 : vector<16xf32>
          %add3A_634 = arith.addf %broadcast_in_dim3A_608, %mul3A_633 : vector<16xf32>
          %add3A_635 = arith.constant 2 : i32
          %add3A_636 = vector.broadcast %add3A_635 : i32 to vector<16xi32>
          %add3A_637 = arith.addi %iota3A, %add3A_636 : vector<16xi32>
          %and3A_638 = arith.constant 15 : i32
          %and3A_639 = vector.broadcast %and3A_638 : i32 to vector<16xi32>
          %and3A_640 = arith.andi %add3A_637, %and3A_639 : vector<16xi32>
          %gather3A_641 = tpu.vector_load_idx %arg10[%add3A_604, %and3A_640] : memref<1280x16xf32, #tpu.memory_space<vmem>>[vector<16xi32>, vector<16xi32>], vector<16xf32>,
          %gather3A_642 = tpu.vector_load_idx %arg12[%add3A_604, %and3A_640] : memref<1280x16xf32, #tpu.memory_space<vmem>>[vector<16xi32>, vector<16xi32>], vector<16xf32>,
          %sub3A_643 = arith.subf %gather3A_641, %gather3A_642 : vector<16xf32>
          %mul3A_644 = arith.mulf %sub3A_643, %sub3A_643 : vector<16xf32>
          %add3A_645 = arith.addf %broadcast_in_dim3A_610, %mul3A_644 : vector<16xf32>
          %add3A_646 = arith.constant 3 : i32
          %add3A_647 = vector.broadcast %add3A_646 : i32 to vector<16xi32>
          %add3A_648 = arith.addi %iota3A, %add3A_647 : vector<16xi32>
          %and3A_649 = arith.constant 15 : i32
          %and3A_650 = vector.broadcast %and3A_649 : i32 to vector<16xi32>
          %and3A_651 = arith.andi %add3A_648, %and3A_650 : vector<16xi32>
          %gather3A_652 = tpu.vector_load_idx %arg10[%add3A_604, %and3A_651] : memref<1280x16xf32, #tpu.memory_space<vmem>>[vector<16xi32>, vector<16xi32>], vector<16xf32>,
          %gather3A_653 = tpu.vector_load_idx %arg12[%add3A_604, %and3A_651] : memref<1280x16xf32, #tpu.memory_space<vmem>>[vector<16xi32>, vector<16xi32>], vector<16xf32>,
          %sub3A_654 = arith.subf %gather3A_652, %gather3A_653 : vector<16xf32>
          %mul3A_655 = arith.mulf %sub3A_654, %sub3A_654 : vector<16xf32>
          %add3A_656 = arith.addf %broadcast_in_dim3A_612, %mul3A_655 : vector<16xf32>
          %add3A_657 = arith.constant 4 : i32
          %add3A_658 = vector.broadcast %add3A_657 : i32 to vector<16xi32>
          %add3A_659 = arith.addi %iota3A, %add3A_658 : vector<16xi32>
          %and3A_660 = arith.constant 15 : i32
          %and3A_661 = vector.broadcast %and3A_660 : i32 to vector<16xi32>
          %and3A_662 = arith.andi %add3A_659, %and3A_661 : vector<16xi32>
          %gather3A_663 = tpu.vector_load_idx %arg10[%add3A_604, %and3A_662] : memref<1280x16xf32, #tpu.memory_space<vmem>>[vector<16xi32>, vector<16xi32>], vector<16xf32>,
          %gather3A_664 = tpu.vector_load_idx %arg12[%add3A_604, %and3A_662] : memref<1280x16xf32, #tpu.memory_space<vmem>>[vector<16xi32>, vector<16xi32>], vector<16xf32>,
          %sub3A_665 = arith.subf %gather3A_663, %gather3A_664 : vector<16xf32>
          %mul3A_666 = arith.mulf %sub3A_665, %sub3A_665 : vector<16xf32>
          %add3A_667 = arith.addf %add3A_623, %mul3A_666 : vector<16xf32>
          %add3A_668 = arith.constant 5 : i32
          %add3A_669 = vector.broadcast %add3A_668 : i32 to vector<16xi32>
          %add3A_670 = arith.addi %iota3A, %add3A_669 : vector<16xi32>
          %and3A_671 = arith.constant 15 : i32
          %and3A_672 = vector.broadcast %and3A_671 : i32 to vector<16xi32>
          %and3A_673 = arith.andi %add3A_670, %and3A_672 : vector<16xi32>
          %gather3A_674 = tpu.vector_load_idx %arg10[%add3A_604, %and3A_673] : memref<1280x16xf32, #tpu.memory_space<vmem>>[vector<16xi32>, vector<16xi32>], vector<16xf32>,
          %gather3A_675 = tpu.vector_load_idx %arg12[%add3A_604, %and3A_673] : memref<1280x16xf32, #tpu.memory_space<vmem>>[vector<16xi32>, vector<16xi32>], vector<16xf32>,
          %sub3A_676 = arith.subf %gather3A_674, %gather3A_675 : vector<16xf32>
          %mul3A_677 = arith.mulf %sub3A_676, %sub3A_676 : vector<16xf32>
          %add3A_678 = arith.addf %add3A_634, %mul3A_677 : vector<16xf32>
          %add3A_679 = arith.constant 6 : i32
          %add3A_680 = vector.broadcast %add3A_679 : i32 to vector<16xi32>
          %add3A_681 = arith.addi %iota3A, %add3A_680 : vector<16xi32>
          %and3A_682 = arith.constant 15 : i32
          %and3A_683 = vector.broadcast %and3A_682 : i32 to vector<16xi32>
          %and3A_684 = arith.andi %add3A_681, %and3A_683 : vector<16xi32>
          %gather3A_685 = tpu.vector_load_idx %arg10[%add3A_604, %and3A_684] : memref<1280x16xf32, #tpu.memory_space<vmem>>[vector<16xi32>, vector<16xi32>], vector<16xf32>,
          %gather3A_686 = tpu.vector_load_idx %arg12[%add3A_604, %and3A_684] : memref<1280x16xf32, #tpu.memory_space<vmem>>[vector<16xi32>, vector<16xi32>], vector<16xf32>,
          %sub3A_687 = arith.subf %gather3A_685, %gather3A_686 : vector<16xf32>
          %mul3A_688 = arith.mulf %sub3A_687, %sub3A_687 : vector<16xf32>
          %add3A_689 = arith.addf %add3A_645, %mul3A_688 : vector<16xf32>
          %add3A_690 = arith.constant 7 : i32
          %add3A_691 = vector.broadcast %add3A_690 : i32 to vector<16xi32>
          %add3A_692 = arith.addi %iota3A, %add3A_691 : vector<16xi32>
          %and3A_693 = arith.constant 15 : i32
          %and3A_694 = vector.broadcast %and3A_693 : i32 to vector<16xi32>
          %and3A_695 = arith.andi %add3A_692, %and3A_694 : vector<16xi32>
          %gather3A_696 = tpu.vector_load_idx %arg10[%add3A_604, %and3A_695] : memref<1280x16xf32, #tpu.memory_space<vmem>>[vector<16xi32>, vector<16xi32>], vector<16xf32>,
          %gather3A_697 = tpu.vector_load_idx %arg12[%add3A_604, %and3A_695] : memref<1280x16xf32, #tpu.memory_space<vmem>>[vector<16xi32>, vector<16xi32>], vector<16xf32>,
          %sub3A_698 = arith.subf %gather3A_696, %gather3A_697 : vector<16xf32>
          %mul3A_699 = arith.mulf %sub3A_698, %sub3A_698 : vector<16xf32>
          %add3A_700 = arith.addf %add3A_656, %mul3A_699 : vector<16xf32>
          %add3A_701 = arith.constant 8 : i32
          %add3A_702 = vector.broadcast %add3A_701 : i32 to vector<16xi32>
          %add3A_703 = arith.addi %iota3A, %add3A_702 : vector<16xi32>
          %and3A_704 = arith.constant 15 : i32
          %and3A_705 = vector.broadcast %and3A_704 : i32 to vector<16xi32>
          %and3A_706 = arith.andi %add3A_703, %and3A_705 : vector<16xi32>
          %gather3A_707 = tpu.vector_load_idx %arg10[%add3A_604, %and3A_706] : memref<1280x16xf32, #tpu.memory_space<vmem>>[vector<16xi32>, vector<16xi32>], vector<16xf32>,
          %gather3A_708 = tpu.vector_load_idx %arg12[%add3A_604, %and3A_706] : memref<1280x16xf32, #tpu.memory_space<vmem>>[vector<16xi32>, vector<16xi32>], vector<16xf32>,
          %sub3A_709 = arith.subf %gather3A_707, %gather3A_708 : vector<16xf32>
          %mul3A_710 = arith.mulf %sub3A_709, %sub3A_709 : vector<16xf32>
          %add3A_711 = arith.addf %add3A_667, %mul3A_710 : vector<16xf32>
          %add3A_712 = arith.constant 9 : i32
          %add3A_713 = vector.broadcast %add3A_712 : i32 to vector<16xi32>
          %add3A_714 = arith.addi %iota3A, %add3A_713 : vector<16xi32>
          %and3A_715 = arith.constant 15 : i32
          %and3A_716 = vector.broadcast %and3A_715 : i32 to vector<16xi32>
          %and3A_717 = arith.andi %add3A_714, %and3A_716 : vector<16xi32>
          %gather3A_718 = tpu.vector_load_idx %arg10[%add3A_604, %and3A_717] : memref<1280x16xf32, #tpu.memory_space<vmem>>[vector<16xi32>, vector<16xi32>], vector<16xf32>,
          %gather3A_719 = tpu.vector_load_idx %arg12[%add3A_604, %and3A_717] : memref<1280x16xf32, #tpu.memory_space<vmem>>[vector<16xi32>, vector<16xi32>], vector<16xf32>,
          %sub3A_720 = arith.subf %gather3A_718, %gather3A_719 : vector<16xf32>
          %mul3A_721 = arith.mulf %sub3A_720, %sub3A_720 : vector<16xf32>
          %add3A_722 = arith.addf %add3A_678, %mul3A_721 : vector<16xf32>
          %add3A_723 = arith.constant 10 : i32
          %add3A_724 = vector.broadcast %add3A_723 : i32 to vector<16xi32>
          %add3A_725 = arith.addi %iota3A, %add3A_724 : vector<16xi32>
          %and3A_726 = arith.constant 15 : i32
          %and3A_727 = vector.broadcast %and3A_726 : i32 to vector<16xi32>
          %and3A_728 = arith.andi %add3A_725, %and3A_727 : vector<16xi32>
          %gather3A_729 = tpu.vector_load_idx %arg10[%add3A_604, %and3A_728] : memref<1280x16xf32, #tpu.memory_space<vmem>>[vector<16xi32>, vector<16xi32>], vector<16xf32>,
          %gather3A_730 = tpu.vector_load_idx %arg12[%add3A_604, %and3A_728] : memref<1280x16xf32, #tpu.memory_space<vmem>>[vector<16xi32>, vector<16xi32>], vector<16xf32>,
          %sub3A_731 = arith.subf %gather3A_729, %gather3A_730 : vector<16xf32>
          %mul3A_732 = arith.mulf %sub3A_731, %sub3A_731 : vector<16xf32>
          %add3A_733 = arith.addf %add3A_689, %mul3A_732 : vector<16xf32>
          %add3A_734 = arith.constant 11 : i32
          %add3A_735 = vector.broadcast %add3A_734 : i32 to vector<16xi32>
          %add3A_736 = arith.addi %iota3A, %add3A_735 : vector<16xi32>
          %and3A_737 = arith.constant 15 : i32
          %and3A_738 = vector.broadcast %and3A_737 : i32 to vector<16xi32>
          %and3A_739 = arith.andi %add3A_736, %and3A_738 : vector<16xi32>
          %gather3A_740 = tpu.vector_load_idx %arg10[%add3A_604, %and3A_739] : memref<1280x16xf32, #tpu.memory_space<vmem>>[vector<16xi32>, vector<16xi32>], vector<16xf32>,
          %gather3A_741 = tpu.vector_load_idx %arg12[%add3A_604, %and3A_739] : memref<1280x16xf32, #tpu.memory_space<vmem>>[vector<16xi32>, vector<16xi32>], vector<16xf32>,
          %sub3A_742 = arith.subf %gather3A_740, %gather3A_741 : vector<16xf32>
          %mul3A_743 = arith.mulf %sub3A_742, %sub3A_742 : vector<16xf32>
          %add3A_744 = arith.addf %add3A_700, %mul3A_743 : vector<16xf32>
          %add3A_745 = arith.constant 12 : i32
          %add3A_746 = vector.broadcast %add3A_745 : i32 to vector<16xi32>
          %add3A_747 = arith.addi %iota3A, %add3A_746 : vector<16xi32>
          %and3A_748 = arith.constant 15 : i32
          %and3A_749 = vector.broadcast %and3A_748 : i32 to vector<16xi32>
          %and3A_750 = arith.andi %add3A_747, %and3A_749 : vector<16xi32>
          %gather3A_751 = tpu.vector_load_idx %arg10[%add3A_604, %and3A_750] : memref<1280x16xf32, #tpu.memory_space<vmem>>[vector<16xi32>, vector<16xi32>], vector<16xf32>,
          %gather3A_752 = tpu.vector_load_idx %arg12[%add3A_604, %and3A_750] : memref<1280x16xf32, #tpu.memory_space<vmem>>[vector<16xi32>, vector<16xi32>], vector<16xf32>,
          %sub3A_753 = arith.subf %gather3A_751, %gather3A_752 : vector<16xf32>
          %mul3A_754 = arith.mulf %sub3A_753, %sub3A_753 : vector<16xf32>
          %add3A_755 = arith.addf %add3A_711, %mul3A_754 : vector<16xf32>
          %add3A_756 = arith.constant 13 : i32
          %add3A_757 = vector.broadcast %add3A_756 : i32 to vector<16xi32>
          %add3A_758 = arith.addi %iota3A, %add3A_757 : vector<16xi32>
          %and3A_759 = arith.constant 15 : i32
          %and3A_760 = vector.broadcast %and3A_759 : i32 to vector<16xi32>
          %and3A_761 = arith.andi %add3A_758, %and3A_760 : vector<16xi32>
          %gather3A_762 = tpu.vector_load_idx %arg10[%add3A_604, %and3A_761] : memref<1280x16xf32, #tpu.memory_space<vmem>>[vector<16xi32>, vector<16xi32>], vector<16xf32>,
          %gather3A_763 = tpu.vector_load_idx %arg12[%add3A_604, %and3A_761] : memref<1280x16xf32, #tpu.memory_space<vmem>>[vector<16xi32>, vector<16xi32>], vector<16xf32>,
          %sub3A_764 = arith.subf %gather3A_762, %gather3A_763 : vector<16xf32>
          %mul3A_765 = arith.mulf %sub3A_764, %sub3A_764 : vector<16xf32>
          %add3A_766 = arith.addf %add3A_722, %mul3A_765 : vector<16xf32>
          %add3A_767 = arith.constant 14 : i32
          %add3A_768 = vector.broadcast %add3A_767 : i32 to vector<16xi32>
          %add3A_769 = arith.addi %iota3A, %add3A_768 : vector<16xi32>
          %and3A_770 = arith.constant 15 : i32
          %and3A_771 = vector.broadcast %and3A_770 : i32 to vector<16xi32>
          %and3A_772 = arith.andi %add3A_769, %and3A_771 : vector<16xi32>
          %gather3A_773 = tpu.vector_load_idx %arg10[%add3A_604, %and3A_772] : memref<1280x16xf32, #tpu.memory_space<vmem>>[vector<16xi32>, vector<16xi32>], vector<16xf32>,
          %gather3A_774 = tpu.vector_load_idx %arg12[%add3A_604, %and3A_772] : memref<1280x16xf32, #tpu.memory_space<vmem>>[vector<16xi32>, vector<16xi32>], vector<16xf32>,
          %sub3A_775 = arith.subf %gather3A_773, %gather3A_774 : vector<16xf32>
          %mul3A_776 = arith.mulf %sub3A_775, %sub3A_775 : vector<16xf32>
          %add3A_777 = arith.addf %add3A_733, %mul3A_776 : vector<16xf32>
          %add3A_778 = arith.constant 15 : i32
          %add3A_779 = vector.broadcast %add3A_778 : i32 to vector<16xi32>
          %add3A_780 = arith.addi %iota3A, %add3A_779 : vector<16xi32>
          %and3A_781 = arith.constant 15 : i32
          %and3A_782 = vector.broadcast %and3A_781 : i32 to vector<16xi32>
          %and3A_783 = arith.andi %add3A_780, %and3A_782 : vector<16xi32>
          %gather3A_784 = tpu.vector_load_idx %arg10[%add3A_604, %and3A_783] : memref<1280x16xf32, #tpu.memory_space<vmem>>[vector<16xi32>, vector<16xi32>], vector<16xf32>,
          %gather3A_785 = tpu.vector_load_idx %arg12[%add3A_604, %and3A_783] : memref<1280x16xf32, #tpu.memory_space<vmem>>[vector<16xi32>, vector<16xi32>], vector<16xf32>,
          %sub3A_786 = arith.subf %gather3A_784, %gather3A_785 : vector<16xf32>
          %mul3A_787 = arith.mulf %sub3A_786, %sub3A_786 : vector<16xf32>
          %add3A_788 = arith.addf %add3A_744, %mul3A_787 : vector<16xf32>
          %add3A_789 = arith.addf %add3A_755, %add3A_766 : vector<16xf32>
          %add3A_790 = arith.addf %add3A_777, %add3A_788 : vector<16xf32>
          %add3A_791 = arith.addf %add3A_789, %add3A_790 : vector<16xf32>
          %bitcast_convert_type3A_792 = tpu.bitcast %add3A_791 : vector<16xf32> -> vector<16xi32>
          %shift_right_arithmetic3A_793 = arith.constant 1 : i32
          %shift_right_arithmetic3A_794 = vector.broadcast %shift_right_arithmetic3A_793 : i32 to vector<16xi32>
          %shift_right_arithmetic3A_795 = arith.shrsi %bitcast_convert_type3A_792, %shift_right_arithmetic3A_794 : vector<16xi32>
          %sub3A_796 = arith.constant 1597463007 : i32
          %sub3A_797 = vector.broadcast %sub3A_796 : i32 to vector<16xi32>
          %sub3A_798 = arith.subi %sub3A_797, %shift_right_arithmetic3A_795 : vector<16xi32>
          %bitcast_convert_type3A_799 = tpu.bitcast %sub3A_798 : vector<16xi32> -> vector<16xf32>
          %mul3A_800 = arith.constant 5.000000e-01 : f32
          %mul3A_801 = vector.broadcast %mul3A_800 : f32 to vector<16xf32>
          %mul3A_802 = arith.mulf %add3A_791, %mul3A_801 : vector<16xf32>
          %mul3A_803 = arith.mulf %mul3A_802, %bitcast_convert_type3A_799 : vector<16xf32>
          %mul3A_804 = arith.mulf %mul3A_803, %bitcast_convert_type3A_799 : vector<16xf32>
          %sub3A_805 = arith.constant 1.500000e+00 : f32
          %sub3A_806 = vector.broadcast %sub3A_805 : f32 to vector<16xf32>
          %sub3A_807 = arith.subf %sub3A_806, %mul3A_804 : vector<16xf32>
          %mul3A_808 = arith.mulf %bitcast_convert_type3A_799, %sub3A_807 : vector<16xf32>
          %mul3A_809 = arith.mulf %mul3A_802, %mul3A_808 : vector<16xf32>
          %mul3A_810 = arith.mulf %mul3A_809, %mul3A_808 : vector<16xf32>
          %sub3A_811 = arith.constant 1.500000e+00 : f32
          %sub3A_812 = vector.broadcast %sub3A_811 : f32 to vector<16xf32>
          %sub3A_813 = arith.subf %sub3A_812, %mul3A_810 : vector<16xf32>
          %mul3A_814 = arith.mulf %mul3A_808, %sub3A_813 : vector<16xf32>
          %mul3A_815 = arith.mulf %add3A_791, %mul3A_814 : vector<16xf32>
          %swap3A_816 = arith.index_cast %multiple_of3A_602 : i32 to index
          %swap3A_817 = tpu.vector_load %arg14[%swap3A_816] {strides = array<i32>} : memref<1280xf32, #tpu.memory_space<vmem>>, vector<16xf32>,
          tpu.vector_store %arg14[%swap3A_816], %mul3A_815 {strides = array<i32>} : memref<1280xf32, #tpu.memory_space<vmem>>, vector<16xf32>,
          %mul3A_818 = arith.constant 5 : i32
          %mul3A_819 = arith.muli %scan3A_379, %mul3A_818 : i32
          %add3A_820 = arith.constant 2 : i32
          %add3A_821 = arith.addi %mul3A_819, %add3A_820 : i32
          %mul3A_822 = arith.constant 16 : i32
          %mul3A_823 = arith.muli %add3A_821, %mul3A_822 : i32
          %multiple_of3A_824 = tpu.assume_multiple %mul3A_823, 16 : i32
          %add3A_825 = vector.broadcast %multiple_of3A_824 : i32 to vector<16xi32>
          %add3A_826 = arith.addi %add3A_825, %iota3A : vector<16xi32>
          %broadcast_in_dim3A_827 = arith.constant 0.000000e+00 : f32
          %broadcast_in_dim3A_828 = vector.broadcast %broadcast_in_dim3A_827 : f32 to vector<16xf32>
          %broadcast_in_dim3A_829 = arith.constant 0.000000e+00 : f32
          %broadcast_in_dim3A_830 = vector.broadcast %broadcast_in_dim3A_829 : f32 to vector<16xf32>
          %broadcast_in_dim3A_831 = arith.constant 0.000000e+00 : f32
          %broadcast_in_dim3A_832 = vector.broadcast %broadcast_in_dim3A_831 : f32 to vector<16xf32>
          %broadcast_in_dim3A_833 = arith.constant 0.000000e+00 : f32
          %broadcast_in_dim3A_834 = vector.broadcast %broadcast_in_dim3A_833 : f32 to vector<16xf32>
          %add3A_835 = arith.constant 0 : i32
          %add3A_836 = vector.broadcast %add3A_835 : i32 to vector<16xi32>
          %add3A_837 = arith.addi %iota3A, %add3A_836 : vector<16xi32>
          %and3A_838 = arith.constant 15 : i32
          %and3A_839 = vector.broadcast %and3A_838 : i32 to vector<16xi32>
          %and3A_840 = arith.andi %add3A_837, %and3A_839 : vector<16xi32>
          %gather3A_841 = tpu.vector_load_idx %arg10[%add3A_826, %and3A_840] : memref<1280x16xf32, #tpu.memory_space<vmem>>[vector<16xi32>, vector<16xi32>], vector<16xf32>,
          %gather3A_842 = tpu.vector_load_idx %arg12[%add3A_826, %and3A_840] : memref<1280x16xf32, #tpu.memory_space<vmem>>[vector<16xi32>, vector<16xi32>], vector<16xf32>,
          %sub3A_843 = arith.subf %gather3A_841, %gather3A_842 : vector<16xf32>
          %mul3A_844 = arith.mulf %sub3A_843, %sub3A_843 : vector<16xf32>
          %add3A_845 = arith.addf %broadcast_in_dim3A_828, %mul3A_844 : vector<16xf32>
          %add3A_846 = arith.constant 1 : i32
          %add3A_847 = vector.broadcast %add3A_846 : i32 to vector<16xi32>
          %add3A_848 = arith.addi %iota3A, %add3A_847 : vector<16xi32>
          %and3A_849 = arith.constant 15 : i32
          %and3A_850 = vector.broadcast %and3A_849 : i32 to vector<16xi32>
          %and3A_851 = arith.andi %add3A_848, %and3A_850 : vector<16xi32>
          %gather3A_852 = tpu.vector_load_idx %arg10[%add3A_826, %and3A_851] : memref<1280x16xf32, #tpu.memory_space<vmem>>[vector<16xi32>, vector<16xi32>], vector<16xf32>,
          %gather3A_853 = tpu.vector_load_idx %arg12[%add3A_826, %and3A_851] : memref<1280x16xf32, #tpu.memory_space<vmem>>[vector<16xi32>, vector<16xi32>], vector<16xf32>,
          %sub3A_854 = arith.subf %gather3A_852, %gather3A_853 : vector<16xf32>
          %mul3A_855 = arith.mulf %sub3A_854, %sub3A_854 : vector<16xf32>
          %add3A_856 = arith.addf %broadcast_in_dim3A_830, %mul3A_855 : vector<16xf32>
          %add3A_857 = arith.constant 2 : i32
          %add3A_858 = vector.broadcast %add3A_857 : i32 to vector<16xi32>
          %add3A_859 = arith.addi %iota3A, %add3A_858 : vector<16xi32>
          %and3A_860 = arith.constant 15 : i32
          %and3A_861 = vector.broadcast %and3A_860 : i32 to vector<16xi32>
          %and3A_862 = arith.andi %add3A_859, %and3A_861 : vector<16xi32>
          %gather3A_863 = tpu.vector_load_idx %arg10[%add3A_826, %and3A_862] : memref<1280x16xf32, #tpu.memory_space<vmem>>[vector<16xi32>, vector<16xi32>], vector<16xf32>,
          %gather3A_864 = tpu.vector_load_idx %arg12[%add3A_826, %and3A_862] : memref<1280x16xf32, #tpu.memory_space<vmem>>[vector<16xi32>, vector<16xi32>], vector<16xf32>,
          %sub3A_865 = arith.subf %gather3A_863, %gather3A_864 : vector<16xf32>
          %mul3A_866 = arith.mulf %sub3A_865, %sub3A_865 : vector<16xf32>
          %add3A_867 = arith.addf %broadcast_in_dim3A_832, %mul3A_866 : vector<16xf32>
          %add3A_868 = arith.constant 3 : i32
          %add3A_869 = vector.broadcast %add3A_868 : i32 to vector<16xi32>
          %add3A_870 = arith.addi %iota3A, %add3A_869 : vector<16xi32>
          %and3A_871 = arith.constant 15 : i32
          %and3A_872 = vector.broadcast %and3A_871 : i32 to vector<16xi32>
          %and3A_873 = arith.andi %add3A_870, %and3A_872 : vector<16xi32>
          %gather3A_874 = tpu.vector_load_idx %arg10[%add3A_826, %and3A_873] : memref<1280x16xf32, #tpu.memory_space<vmem>>[vector<16xi32>, vector<16xi32>], vector<16xf32>,
          %gather3A_875 = tpu.vector_load_idx %arg12[%add3A_826, %and3A_873] : memref<1280x16xf32, #tpu.memory_space<vmem>>[vector<16xi32>, vector<16xi32>], vector<16xf32>,
          %sub3A_876 = arith.subf %gather3A_874, %gather3A_875 : vector<16xf32>
          %mul3A_877 = arith.mulf %sub3A_876, %sub3A_876 : vector<16xf32>
          %add3A_878 = arith.addf %broadcast_in_dim3A_834, %mul3A_877 : vector<16xf32>
          %add3A_879 = arith.constant 4 : i32
          %add3A_880 = vector.broadcast %add3A_879 : i32 to vector<16xi32>
          %add3A_881 = arith.addi %iota3A, %add3A_880 : vector<16xi32>
          %and3A_882 = arith.constant 15 : i32
          %and3A_883 = vector.broadcast %and3A_882 : i32 to vector<16xi32>
          %and3A_884 = arith.andi %add3A_881, %and3A_883 : vector<16xi32>
          %gather3A_885 = tpu.vector_load_idx %arg10[%add3A_826, %and3A_884] : memref<1280x16xf32, #tpu.memory_space<vmem>>[vector<16xi32>, vector<16xi32>], vector<16xf32>,
          %gather3A_886 = tpu.vector_load_idx %arg12[%add3A_826, %and3A_884] : memref<1280x16xf32, #tpu.memory_space<vmem>>[vector<16xi32>, vector<16xi32>], vector<16xf32>,
          %sub3A_887 = arith.subf %gather3A_885, %gather3A_886 : vector<16xf32>
          %mul3A_888 = arith.mulf %sub3A_887, %sub3A_887 : vector<16xf32>
          %add3A_889 = arith.addf %add3A_845, %mul3A_888 : vector<16xf32>
          %add3A_890 = arith.constant 5 : i32
          %add3A_891 = vector.broadcast %add3A_890 : i32 to vector<16xi32>
          %add3A_892 = arith.addi %iota3A, %add3A_891 : vector<16xi32>
          %and3A_893 = arith.constant 15 : i32
          %and3A_894 = vector.broadcast %and3A_893 : i32 to vector<16xi32>
          %and3A_895 = arith.andi %add3A_892, %and3A_894 : vector<16xi32>
          %gather3A_896 = tpu.vector_load_idx %arg10[%add3A_826, %and3A_895] : memref<1280x16xf32, #tpu.memory_space<vmem>>[vector<16xi32>, vector<16xi32>], vector<16xf32>,
          %gather3A_897 = tpu.vector_load_idx %arg12[%add3A_826, %and3A_895] : memref<1280x16xf32, #tpu.memory_space<vmem>>[vector<16xi32>, vector<16xi32>], vector<16xf32>,
          %sub3A_898 = arith.subf %gather3A_896, %gather3A_897 : vector<16xf32>
          %mul3A_899 = arith.mulf %sub3A_898, %sub3A_898 : vector<16xf32>
          %add3A_900 = arith.addf %add3A_856, %mul3A_899 : vector<16xf32>
          %add3A_901 = arith.constant 6 : i32
          %add3A_902 = vector.broadcast %add3A_901 : i32 to vector<16xi32>
          %add3A_903 = arith.addi %iota3A, %add3A_902 : vector<16xi32>
          %and3A_904 = arith.constant 15 : i32
          %and3A_905 = vector.broadcast %and3A_904 : i32 to vector<16xi32>
          %and3A_906 = arith.andi %add3A_903, %and3A_905 : vector<16xi32>
          %gather3A_907 = tpu.vector_load_idx %arg10[%add3A_826, %and3A_906] : memref<1280x16xf32, #tpu.memory_space<vmem>>[vector<16xi32>, vector<16xi32>], vector<16xf32>,
          %gather3A_908 = tpu.vector_load_idx %arg12[%add3A_826, %and3A_906] : memref<1280x16xf32, #tpu.memory_space<vmem>>[vector<16xi32>, vector<16xi32>], vector<16xf32>,
          %sub3A_909 = arith.subf %gather3A_907, %gather3A_908 : vector<16xf32>
          %mul3A_910 = arith.mulf %sub3A_909, %sub3A_909 : vector<16xf32>
          %add3A_911 = arith.addf %add3A_867, %mul3A_910 : vector<16xf32>
          %add3A_912 = arith.constant 7 : i32
          %add3A_913 = vector.broadcast %add3A_912 : i32 to vector<16xi32>
          %add3A_914 = arith.addi %iota3A, %add3A_913 : vector<16xi32>
          %and3A_915 = arith.constant 15 : i32
          %and3A_916 = vector.broadcast %and3A_915 : i32 to vector<16xi32>
          %and3A_917 = arith.andi %add3A_914, %and3A_916 : vector<16xi32>
          %gather3A_918 = tpu.vector_load_idx %arg10[%add3A_826, %and3A_917] : memref<1280x16xf32, #tpu.memory_space<vmem>>[vector<16xi32>, vector<16xi32>], vector<16xf32>,
          %gather3A_919 = tpu.vector_load_idx %arg12[%add3A_826, %and3A_917] : memref<1280x16xf32, #tpu.memory_space<vmem>>[vector<16xi32>, vector<16xi32>], vector<16xf32>,
          %sub3A_920 = arith.subf %gather3A_918, %gather3A_919 : vector<16xf32>
          %mul3A_921 = arith.mulf %sub3A_920, %sub3A_920 : vector<16xf32>
          %add3A_922 = arith.addf %add3A_878, %mul3A_921 : vector<16xf32>
          %add3A_923 = arith.constant 8 : i32
          %add3A_924 = vector.broadcast %add3A_923 : i32 to vector<16xi32>
          %add3A_925 = arith.addi %iota3A, %add3A_924 : vector<16xi32>
          %and3A_926 = arith.constant 15 : i32
          %and3A_927 = vector.broadcast %and3A_926 : i32 to vector<16xi32>
          %and3A_928 = arith.andi %add3A_925, %and3A_927 : vector<16xi32>
          %gather3A_929 = tpu.vector_load_idx %arg10[%add3A_826, %and3A_928] : memref<1280x16xf32, #tpu.memory_space<vmem>>[vector<16xi32>, vector<16xi32>], vector<16xf32>,
          %gather3A_930 = tpu.vector_load_idx %arg12[%add3A_826, %and3A_928] : memref<1280x16xf32, #tpu.memory_space<vmem>>[vector<16xi32>, vector<16xi32>], vector<16xf32>,
          %sub3A_931 = arith.subf %gather3A_929, %gather3A_930 : vector<16xf32>
          %mul3A_932 = arith.mulf %sub3A_931, %sub3A_931 : vector<16xf32>
          %add3A_933 = arith.addf %add3A_889, %mul3A_932 : vector<16xf32>
          %add3A_934 = arith.constant 9 : i32
          %add3A_935 = vector.broadcast %add3A_934 : i32 to vector<16xi32>
          %add3A_936 = arith.addi %iota3A, %add3A_935 : vector<16xi32>
          %and3A_937 = arith.constant 15 : i32
          %and3A_938 = vector.broadcast %and3A_937 : i32 to vector<16xi32>
          %and3A_939 = arith.andi %add3A_936, %and3A_938 : vector<16xi32>
          %gather3A_940 = tpu.vector_load_idx %arg10[%add3A_826, %and3A_939] : memref<1280x16xf32, #tpu.memory_space<vmem>>[vector<16xi32>, vector<16xi32>], vector<16xf32>,
          %gather3A_941 = tpu.vector_load_idx %arg12[%add3A_826, %and3A_939] : memref<1280x16xf32, #tpu.memory_space<vmem>>[vector<16xi32>, vector<16xi32>], vector<16xf32>,
          %sub3A_942 = arith.subf %gather3A_940, %gather3A_941 : vector<16xf32>
          %mul3A_943 = arith.mulf %sub3A_942, %sub3A_942 : vector<16xf32>
          %add3A_944 = arith.addf %add3A_900, %mul3A_943 : vector<16xf32>
          %add3A_945 = arith.constant 10 : i32
          %add3A_946 = vector.broadcast %add3A_945 : i32 to vector<16xi32>
          %add3A_947 = arith.addi %iota3A, %add3A_946 : vector<16xi32>
          %and3A_948 = arith.constant 15 : i32
          %and3A_949 = vector.broadcast %and3A_948 : i32 to vector<16xi32>
          %and3A_950 = arith.andi %add3A_947, %and3A_949 : vector<16xi32>
          %gather3A_951 = tpu.vector_load_idx %arg10[%add3A_826, %and3A_950] : memref<1280x16xf32, #tpu.memory_space<vmem>>[vector<16xi32>, vector<16xi32>], vector<16xf32>,
          %gather3A_952 = tpu.vector_load_idx %arg12[%add3A_826, %and3A_950] : memref<1280x16xf32, #tpu.memory_space<vmem>>[vector<16xi32>, vector<16xi32>], vector<16xf32>,
          %sub3A_953 = arith.subf %gather3A_951, %gather3A_952 : vector<16xf32>
          %mul3A_954 = arith.mulf %sub3A_953, %sub3A_953 : vector<16xf32>
          %add3A_955 = arith.addf %add3A_911, %mul3A_954 : vector<16xf32>
          %add3A_956 = arith.constant 11 : i32
          %add3A_957 = vector.broadcast %add3A_956 : i32 to vector<16xi32>
          %add3A_958 = arith.addi %iota3A, %add3A_957 : vector<16xi32>
          %and3A_959 = arith.constant 15 : i32
          %and3A_960 = vector.broadcast %and3A_959 : i32 to vector<16xi32>
          %and3A_961 = arith.andi %add3A_958, %and3A_960 : vector<16xi32>
          %gather3A_962 = tpu.vector_load_idx %arg10[%add3A_826, %and3A_961] : memref<1280x16xf32, #tpu.memory_space<vmem>>[vector<16xi32>, vector<16xi32>], vector<16xf32>,
          %gather3A_963 = tpu.vector_load_idx %arg12[%add3A_826, %and3A_961] : memref<1280x16xf32, #tpu.memory_space<vmem>>[vector<16xi32>, vector<16xi32>], vector<16xf32>,
          %sub3A_964 = arith.subf %gather3A_962, %gather3A_963 : vector<16xf32>
          %mul3A_965 = arith.mulf %sub3A_964, %sub3A_964 : vector<16xf32>
          %add3A_966 = arith.addf %add3A_922, %mul3A_965 : vector<16xf32>
          %add3A_967 = arith.constant 12 : i32
          %add3A_968 = vector.broadcast %add3A_967 : i32 to vector<16xi32>
          %add3A_969 = arith.addi %iota3A, %add3A_968 : vector<16xi32>
          %and3A_970 = arith.constant 15 : i32
          %and3A_971 = vector.broadcast %and3A_970 : i32 to vector<16xi32>
          %and3A_972 = arith.andi %add3A_969, %and3A_971 : vector<16xi32>
          %gather3A_973 = tpu.vector_load_idx %arg10[%add3A_826, %and3A_972] : memref<1280x16xf32, #tpu.memory_space<vmem>>[vector<16xi32>, vector<16xi32>], vector<16xf32>,
          %gather3A_974 = tpu.vector_load_idx %arg12[%add3A_826, %and3A_972] : memref<1280x16xf32, #tpu.memory_space<vmem>>[vector<16xi32>, vector<16xi32>], vector<16xf32>,
          %sub3A_975 = arith.subf %gather3A_973, %gather3A_974 : vector<16xf32>
          %mul3A_976 = arith.mulf %sub3A_975, %sub3A_975 : vector<16xf32>
          %add3A_977 = arith.addf %add3A_933, %mul3A_976 : vector<16xf32>
          %add3A_978 = arith.constant 13 : i32
          %add3A_979 = vector.broadcast %add3A_978 : i32 to vector<16xi32>
          %add3A_980 = arith.addi %iota3A, %add3A_979 : vector<16xi32>
          %and3A_981 = arith.constant 15 : i32
          %and3A_982 = vector.broadcast %and3A_981 : i32 to vector<16xi32>
          %and3A_983 = arith.andi %add3A_980, %and3A_982 : vector<16xi32>
          %gather3A_984 = tpu.vector_load_idx %arg10[%add3A_826, %and3A_983] : memref<1280x16xf32, #tpu.memory_space<vmem>>[vector<16xi32>, vector<16xi32>], vector<16xf32>,
          %gather3A_985 = tpu.vector_load_idx %arg12[%add3A_826, %and3A_983] : memref<1280x16xf32, #tpu.memory_space<vmem>>[vector<16xi32>, vector<16xi32>], vector<16xf32>,
          %sub3A_986 = arith.subf %gather3A_984, %gather3A_985 : vector<16xf32>
          %mul3A_987 = arith.mulf %sub3A_986, %sub3A_986 : vector<16xf32>
          %add3A_988 = arith.addf %add3A_944, %mul3A_987 : vector<16xf32>
          %add3A_989 = arith.constant 14 : i32
          %add3A_990 = vector.broadcast %add3A_989 : i32 to vector<16xi32>
          %add3A_991 = arith.addi %iota3A, %add3A_990 : vector<16xi32>
          %and3A_992 = arith.constant 15 : i32
          %and3A_993 = vector.broadcast %and3A_992 : i32 to vector<16xi32>
          %and3A_994 = arith.andi %add3A_991, %and3A_993 : vector<16xi32>
          %gather3A_995 = tpu.vector_load_idx %arg10[%add3A_826, %and3A_994] : memref<1280x16xf32, #tpu.memory_space<vmem>>[vector<16xi32>, vector<16xi32>], vector<16xf32>,
          %gather3A_996 = tpu.vector_load_idx %arg12[%add3A_826, %and3A_994] : memref<1280x16xf32, #tpu.memory_space<vmem>>[vector<16xi32>, vector<16xi32>], vector<16xf32>,
          %sub3A_997 = arith.subf %gather3A_995, %gather3A_996 : vector<16xf32>
          %mul3A_998 = arith.mulf %sub3A_997, %sub3A_997 : vector<16xf32>
          %add3A_999 = arith.addf %add3A_955, %mul3A_998 : vector<16xf32>
          %add3A_1000 = arith.constant 15 : i32
          %add3A_1001 = vector.broadcast %add3A_1000 : i32 to vector<16xi32>
          %add3A_1002 = arith.addi %iota3A, %add3A_1001 : vector<16xi32>
          %and3A_1003 = arith.constant 15 : i32
          %and3A_1004 = vector.broadcast %and3A_1003 : i32 to vector<16xi32>
          %and3A_1005 = arith.andi %add3A_1002, %and3A_1004 : vector<16xi32>
          %gather3A_1006 = tpu.vector_load_idx %arg10[%add3A_826, %and3A_1005] : memref<1280x16xf32, #tpu.memory_space<vmem>>[vector<16xi32>, vector<16xi32>], vector<16xf32>,
          %gather3A_1007 = tpu.vector_load_idx %arg12[%add3A_826, %and3A_1005] : memref<1280x16xf32, #tpu.memory_space<vmem>>[vector<16xi32>, vector<16xi32>], vector<16xf32>,
          %sub3A_1008 = arith.subf %gather3A_1006, %gather3A_1007 : vector<16xf32>
          %mul3A_1009 = arith.mulf %sub3A_1008, %sub3A_1008 : vector<16xf32>
          %add3A_1010 = arith.addf %add3A_966, %mul3A_1009 : vector<16xf32>
          %add3A_1011 = arith.addf %add3A_977, %add3A_988 : vector<16xf32>
          %add3A_1012 = arith.addf %add3A_999, %add3A_1010 : vector<16xf32>
          %add3A_1013 = arith.addf %add3A_1011, %add3A_1012 : vector<16xf32>
          %bitcast_convert_type3A_1014 = tpu.bitcast %add3A_1013 : vector<16xf32> -> vector<16xi32>
          %shift_right_arithmetic3A_1015 = arith.constant 1 : i32
          %shift_right_arithmetic3A_1016 = vector.broadcast %shift_right_arithmetic3A_1015 : i32 to vector<16xi32>
          %shift_right_arithmetic3A_1017 = arith.shrsi %bitcast_convert_type3A_1014, %shift_right_arithmetic3A_1016 : vector<16xi32>
          %sub3A_1018 = arith.constant 1597463007 : i32
          %sub3A_1019 = vector.broadcast %sub3A_1018 : i32 to vector<16xi32>
          %sub3A_1020 = arith.subi %sub3A_1019, %shift_right_arithmetic3A_1017 : vector<16xi32>
          %bitcast_convert_type3A_1021 = tpu.bitcast %sub3A_1020 : vector<16xi32> -> vector<16xf32>
          %mul3A_1022 = arith.constant 5.000000e-01 : f32
          %mul3A_1023 = vector.broadcast %mul3A_1022 : f32 to vector<16xf32>
          %mul3A_1024 = arith.mulf %add3A_1013, %mul3A_1023 : vector<16xf32>
          %mul3A_1025 = arith.mulf %mul3A_1024, %bitcast_convert_type3A_1021 : vector<16xf32>
          %mul3A_1026 = arith.mulf %mul3A_1025, %bitcast_convert_type3A_1021 : vector<16xf32>
          %sub3A_1027 = arith.constant 1.500000e+00 : f32
          %sub3A_1028 = vector.broadcast %sub3A_1027 : f32 to vector<16xf32>
          %sub3A_1029 = arith.subf %sub3A_1028, %mul3A_1026 : vector<16xf32>
          %mul3A_1030 = arith.mulf %bitcast_convert_type3A_1021, %sub3A_1029 : vector<16xf32>
          %mul3A_1031 = arith.mulf %mul3A_1024, %mul3A_1030 : vector<16xf32>
          %mul3A_1032 = arith.mulf %mul3A_1031, %mul3A_1030 : vector<16xf32>
          %sub3A_1033 = arith.constant 1.500000e+00 : f32
          %sub3A_1034 = vector.broadcast %sub3A_1033 : f32 to vector<16xf32>
          %sub3A_1035 = arith.subf %sub3A_1034, %mul3A_1032 : vector<16xf32>
          %mul3A_1036 = arith.mulf %mul3A_1030, %sub3A_1035 : vector<16xf32>
          %mul3A_1037 = arith.mulf %add3A_1013, %mul3A_1036 : vector<16xf32>
          %swap3A_1038 = arith.index_cast %multiple_of3A_824 : i32 to index
          %swap3A_1039 = tpu.vector_load %arg14[%swap3A_1038] {strides = array<i32>} : memref<1280xf32, #tpu.memory_space<vmem>>, vector<16xf32>,
          tpu.vector_store %arg14[%swap3A_1038], %mul3A_1037 {strides = array<i32>} : memref<1280xf32, #tpu.memory_space<vmem>>, vector<16xf32>,
          %mul3A_1040 = arith.constant 5 : i32
          %mul3A_1041 = arith.muli %scan3A_379, %mul3A_1040 : i32
          %add3A_1042 = arith.constant 3 : i32
          %add3A_1043 = arith.addi %mul3A_1041, %add3A_1042 : i32
          %mul3A_1044 = arith.constant 16 : i32
          %mul3A_1045 = arith.muli %add3A_1043, %mul3A_1044 : i32
          %multiple_of3A_1046 = tpu.assume_multiple %mul3A_1045, 16 : i32
          %add3A_1047 = vector.broadcast %multiple_of3A_1046 : i32 to vector<16xi32>
          %add3A_1048 = arith.addi %add3A_1047, %iota3A : vector<16xi32>
          %broadcast_in_dim3A_1049 = arith.constant 0.000000e+00 : f32
          %broadcast_in_dim3A_1050 = vector.broadcast %broadcast_in_dim3A_1049 : f32 to vector<16xf32>
          %broadcast_in_dim3A_1051 = arith.constant 0.000000e+00 : f32
          %broadcast_in_dim3A_1052 = vector.broadcast %broadcast_in_dim3A_1051 : f32 to vector<16xf32>
          %broadcast_in_dim3A_1053 = arith.constant 0.000000e+00 : f32
          %broadcast_in_dim3A_1054 = vector.broadcast %broadcast_in_dim3A_1053 : f32 to vector<16xf32>
          %broadcast_in_dim3A_1055 = arith.constant 0.000000e+00 : f32
          %broadcast_in_dim3A_1056 = vector.broadcast %broadcast_in_dim3A_1055 : f32 to vector<16xf32>
          %add3A_1057 = arith.constant 0 : i32
          %add3A_1058 = vector.broadcast %add3A_1057 : i32 to vector<16xi32>
          %add3A_1059 = arith.addi %iota3A, %add3A_1058 : vector<16xi32>
          %and3A_1060 = arith.constant 15 : i32
          %and3A_1061 = vector.broadcast %and3A_1060 : i32 to vector<16xi32>
          %and3A_1062 = arith.andi %add3A_1059, %and3A_1061 : vector<16xi32>
          %gather3A_1063 = tpu.vector_load_idx %arg10[%add3A_1048, %and3A_1062] : memref<1280x16xf32, #tpu.memory_space<vmem>>[vector<16xi32>, vector<16xi32>], vector<16xf32>,
          %gather3A_1064 = tpu.vector_load_idx %arg12[%add3A_1048, %and3A_1062] : memref<1280x16xf32, #tpu.memory_space<vmem>>[vector<16xi32>, vector<16xi32>], vector<16xf32>,
          %sub3A_1065 = arith.subf %gather3A_1063, %gather3A_1064 : vector<16xf32>
          %mul3A_1066 = arith.mulf %sub3A_1065, %sub3A_1065 : vector<16xf32>
          %add3A_1067 = arith.addf %broadcast_in_dim3A_1050, %mul3A_1066 : vector<16xf32>
          %add3A_1068 = arith.constant 1 : i32
          %add3A_1069 = vector.broadcast %add3A_1068 : i32 to vector<16xi32>
          %add3A_1070 = arith.addi %iota3A, %add3A_1069 : vector<16xi32>
          %and3A_1071 = arith.constant 15 : i32
          %and3A_1072 = vector.broadcast %and3A_1071 : i32 to vector<16xi32>
          %and3A_1073 = arith.andi %add3A_1070, %and3A_1072 : vector<16xi32>
          %gather3A_1074 = tpu.vector_load_idx %arg10[%add3A_1048, %and3A_1073] : memref<1280x16xf32, #tpu.memory_space<vmem>>[vector<16xi32>, vector<16xi32>], vector<16xf32>,
          %gather3A_1075 = tpu.vector_load_idx %arg12[%add3A_1048, %and3A_1073] : memref<1280x16xf32, #tpu.memory_space<vmem>>[vector<16xi32>, vector<16xi32>], vector<16xf32>,
          %sub3A_1076 = arith.subf %gather3A_1074, %gather3A_1075 : vector<16xf32>
          %mul3A_1077 = arith.mulf %sub3A_1076, %sub3A_1076 : vector<16xf32>
          %add3A_1078 = arith.addf %broadcast_in_dim3A_1052, %mul3A_1077 : vector<16xf32>
          %add3A_1079 = arith.constant 2 : i32
          %add3A_1080 = vector.broadcast %add3A_1079 : i32 to vector<16xi32>
          %add3A_1081 = arith.addi %iota3A, %add3A_1080 : vector<16xi32>
          %and3A_1082 = arith.constant 15 : i32
          %and3A_1083 = vector.broadcast %and3A_1082 : i32 to vector<16xi32>
          %and3A_1084 = arith.andi %add3A_1081, %and3A_1083 : vector<16xi32>
          %gather3A_1085 = tpu.vector_load_idx %arg10[%add3A_1048, %and3A_1084] : memref<1280x16xf32, #tpu.memory_space<vmem>>[vector<16xi32>, vector<16xi32>], vector<16xf32>,
          %gather3A_1086 = tpu.vector_load_idx %arg12[%add3A_1048, %and3A_1084] : memref<1280x16xf32, #tpu.memory_space<vmem>>[vector<16xi32>, vector<16xi32>], vector<16xf32>,
          %sub3A_1087 = arith.subf %gather3A_1085, %gather3A_1086 : vector<16xf32>
          %mul3A_1088 = arith.mulf %sub3A_1087, %sub3A_1087 : vector<16xf32>
          %add3A_1089 = arith.addf %broadcast_in_dim3A_1054, %mul3A_1088 : vector<16xf32>
          %add3A_1090 = arith.constant 3 : i32
          %add3A_1091 = vector.broadcast %add3A_1090 : i32 to vector<16xi32>
          %add3A_1092 = arith.addi %iota3A, %add3A_1091 : vector<16xi32>
          %and3A_1093 = arith.constant 15 : i32
          %and3A_1094 = vector.broadcast %and3A_1093 : i32 to vector<16xi32>
          %and3A_1095 = arith.andi %add3A_1092, %and3A_1094 : vector<16xi32>
          %gather3A_1096 = tpu.vector_load_idx %arg10[%add3A_1048, %and3A_1095] : memref<1280x16xf32, #tpu.memory_space<vmem>>[vector<16xi32>, vector<16xi32>], vector<16xf32>,
          %gather3A_1097 = tpu.vector_load_idx %arg12[%add3A_1048, %and3A_1095] : memref<1280x16xf32, #tpu.memory_space<vmem>>[vector<16xi32>, vector<16xi32>], vector<16xf32>,
          %sub3A_1098 = arith.subf %gather3A_1096, %gather3A_1097 : vector<16xf32>
          %mul3A_1099 = arith.mulf %sub3A_1098, %sub3A_1098 : vector<16xf32>
          %add3A_1100 = arith.addf %broadcast_in_dim3A_1056, %mul3A_1099 : vector<16xf32>
          %add3A_1101 = arith.constant 4 : i32
          %add3A_1102 = vector.broadcast %add3A_1101 : i32 to vector<16xi32>
          %add3A_1103 = arith.addi %iota3A, %add3A_1102 : vector<16xi32>
          %and3A_1104 = arith.constant 15 : i32
          %and3A_1105 = vector.broadcast %and3A_1104 : i32 to vector<16xi32>
          %and3A_1106 = arith.andi %add3A_1103, %and3A_1105 : vector<16xi32>
          %gather3A_1107 = tpu.vector_load_idx %arg10[%add3A_1048, %and3A_1106] : memref<1280x16xf32, #tpu.memory_space<vmem>>[vector<16xi32>, vector<16xi32>], vector<16xf32>,
          %gather3A_1108 = tpu.vector_load_idx %arg12[%add3A_1048, %and3A_1106] : memref<1280x16xf32, #tpu.memory_space<vmem>>[vector<16xi32>, vector<16xi32>], vector<16xf32>,
          %sub3A_1109 = arith.subf %gather3A_1107, %gather3A_1108 : vector<16xf32>
          %mul3A_1110 = arith.mulf %sub3A_1109, %sub3A_1109 : vector<16xf32>
          %add3A_1111 = arith.addf %add3A_1067, %mul3A_1110 : vector<16xf32>
          %add3A_1112 = arith.constant 5 : i32
          %add3A_1113 = vector.broadcast %add3A_1112 : i32 to vector<16xi32>
          %add3A_1114 = arith.addi %iota3A, %add3A_1113 : vector<16xi32>
          %and3A_1115 = arith.constant 15 : i32
          %and3A_1116 = vector.broadcast %and3A_1115 : i32 to vector<16xi32>
          %and3A_1117 = arith.andi %add3A_1114, %and3A_1116 : vector<16xi32>
          %gather3A_1118 = tpu.vector_load_idx %arg10[%add3A_1048, %and3A_1117] : memref<1280x16xf32, #tpu.memory_space<vmem>>[vector<16xi32>, vector<16xi32>], vector<16xf32>,
          %gather3A_1119 = tpu.vector_load_idx %arg12[%add3A_1048, %and3A_1117] : memref<1280x16xf32, #tpu.memory_space<vmem>>[vector<16xi32>, vector<16xi32>], vector<16xf32>,
          %sub3A_1120 = arith.subf %gather3A_1118, %gather3A_1119 : vector<16xf32>
          %mul3A_1121 = arith.mulf %sub3A_1120, %sub3A_1120 : vector<16xf32>
          %add3A_1122 = arith.addf %add3A_1078, %mul3A_1121 : vector<16xf32>
          %add3A_1123 = arith.constant 6 : i32
          %add3A_1124 = vector.broadcast %add3A_1123 : i32 to vector<16xi32>
          %add3A_1125 = arith.addi %iota3A, %add3A_1124 : vector<16xi32>
          %and3A_1126 = arith.constant 15 : i32
          %and3A_1127 = vector.broadcast %and3A_1126 : i32 to vector<16xi32>
          %and3A_1128 = arith.andi %add3A_1125, %and3A_1127 : vector<16xi32>
          %gather3A_1129 = tpu.vector_load_idx %arg10[%add3A_1048, %and3A_1128] : memref<1280x16xf32, #tpu.memory_space<vmem>>[vector<16xi32>, vector<16xi32>], vector<16xf32>,
          %gather3A_1130 = tpu.vector_load_idx %arg12[%add3A_1048, %and3A_1128] : memref<1280x16xf32, #tpu.memory_space<vmem>>[vector<16xi32>, vector<16xi32>], vector<16xf32>,
          %sub3A_1131 = arith.subf %gather3A_1129, %gather3A_1130 : vector<16xf32>
          %mul3A_1132 = arith.mulf %sub3A_1131, %sub3A_1131 : vector<16xf32>
          %add3A_1133 = arith.addf %add3A_1089, %mul3A_1132 : vector<16xf32>
          %add3A_1134 = arith.constant 7 : i32
          %add3A_1135 = vector.broadcast %add3A_1134 : i32 to vector<16xi32>
          %add3A_1136 = arith.addi %iota3A, %add3A_1135 : vector<16xi32>
          %and3A_1137 = arith.constant 15 : i32
          %and3A_1138 = vector.broadcast %and3A_1137 : i32 to vector<16xi32>
          %and3A_1139 = arith.andi %add3A_1136, %and3A_1138 : vector<16xi32>
          %gather3A_1140 = tpu.vector_load_idx %arg10[%add3A_1048, %and3A_1139] : memref<1280x16xf32, #tpu.memory_space<vmem>>[vector<16xi32>, vector<16xi32>], vector<16xf32>,
          %gather3A_1141 = tpu.vector_load_idx %arg12[%add3A_1048, %and3A_1139] : memref<1280x16xf32, #tpu.memory_space<vmem>>[vector<16xi32>, vector<16xi32>], vector<16xf32>,
          %sub3A_1142 = arith.subf %gather3A_1140, %gather3A_1141 : vector<16xf32>
          %mul3A_1143 = arith.mulf %sub3A_1142, %sub3A_1142 : vector<16xf32>
          %add3A_1144 = arith.addf %add3A_1100, %mul3A_1143 : vector<16xf32>
          %add3A_1145 = arith.constant 8 : i32
          %add3A_1146 = vector.broadcast %add3A_1145 : i32 to vector<16xi32>
          %add3A_1147 = arith.addi %iota3A, %add3A_1146 : vector<16xi32>
          %and3A_1148 = arith.constant 15 : i32
          %and3A_1149 = vector.broadcast %and3A_1148 : i32 to vector<16xi32>
          %and3A_1150 = arith.andi %add3A_1147, %and3A_1149 : vector<16xi32>
          %gather3A_1151 = tpu.vector_load_idx %arg10[%add3A_1048, %and3A_1150] : memref<1280x16xf32, #tpu.memory_space<vmem>>[vector<16xi32>, vector<16xi32>], vector<16xf32>,
          %gather3A_1152 = tpu.vector_load_idx %arg12[%add3A_1048, %and3A_1150] : memref<1280x16xf32, #tpu.memory_space<vmem>>[vector<16xi32>, vector<16xi32>], vector<16xf32>,
          %sub3A_1153 = arith.subf %gather3A_1151, %gather3A_1152 : vector<16xf32>
          %mul3A_1154 = arith.mulf %sub3A_1153, %sub3A_1153 : vector<16xf32>
          %add3A_1155 = arith.addf %add3A_1111, %mul3A_1154 : vector<16xf32>
          %add3A_1156 = arith.constant 9 : i32
          %add3A_1157 = vector.broadcast %add3A_1156 : i32 to vector<16xi32>
          %add3A_1158 = arith.addi %iota3A, %add3A_1157 : vector<16xi32>
          %and3A_1159 = arith.constant 15 : i32
          %and3A_1160 = vector.broadcast %and3A_1159 : i32 to vector<16xi32>
          %and3A_1161 = arith.andi %add3A_1158, %and3A_1160 : vector<16xi32>
          %gather3A_1162 = tpu.vector_load_idx %arg10[%add3A_1048, %and3A_1161] : memref<1280x16xf32, #tpu.memory_space<vmem>>[vector<16xi32>, vector<16xi32>], vector<16xf32>,
          %gather3A_1163 = tpu.vector_load_idx %arg12[%add3A_1048, %and3A_1161] : memref<1280x16xf32, #tpu.memory_space<vmem>>[vector<16xi32>, vector<16xi32>], vector<16xf32>,
          %sub3A_1164 = arith.subf %gather3A_1162, %gather3A_1163 : vector<16xf32>
          %mul3A_1165 = arith.mulf %sub3A_1164, %sub3A_1164 : vector<16xf32>
          %add3A_1166 = arith.addf %add3A_1122, %mul3A_1165 : vector<16xf32>
          %add3A_1167 = arith.constant 10 : i32
          %add3A_1168 = vector.broadcast %add3A_1167 : i32 to vector<16xi32>
          %add3A_1169 = arith.addi %iota3A, %add3A_1168 : vector<16xi32>
          %and3A_1170 = arith.constant 15 : i32
          %and3A_1171 = vector.broadcast %and3A_1170 : i32 to vector<16xi32>
          %and3A_1172 = arith.andi %add3A_1169, %and3A_1171 : vector<16xi32>
          %gather3A_1173 = tpu.vector_load_idx %arg10[%add3A_1048, %and3A_1172] : memref<1280x16xf32, #tpu.memory_space<vmem>>[vector<16xi32>, vector<16xi32>], vector<16xf32>,
          %gather3A_1174 = tpu.vector_load_idx %arg12[%add3A_1048, %and3A_1172] : memref<1280x16xf32, #tpu.memory_space<vmem>>[vector<16xi32>, vector<16xi32>], vector<16xf32>,
          %sub3A_1175 = arith.subf %gather3A_1173, %gather3A_1174 : vector<16xf32>
          %mul3A_1176 = arith.mulf %sub3A_1175, %sub3A_1175 : vector<16xf32>
          %add3A_1177 = arith.addf %add3A_1133, %mul3A_1176 : vector<16xf32>
          %add3A_1178 = arith.constant 11 : i32
          %add3A_1179 = vector.broadcast %add3A_1178 : i32 to vector<16xi32>
          %add3A_1180 = arith.addi %iota3A, %add3A_1179 : vector<16xi32>
          %and3A_1181 = arith.constant 15 : i32
          %and3A_1182 = vector.broadcast %and3A_1181 : i32 to vector<16xi32>
          %and3A_1183 = arith.andi %add3A_1180, %and3A_1182 : vector<16xi32>
          %gather3A_1184 = tpu.vector_load_idx %arg10[%add3A_1048, %and3A_1183] : memref<1280x16xf32, #tpu.memory_space<vmem>>[vector<16xi32>, vector<16xi32>], vector<16xf32>,
          %gather3A_1185 = tpu.vector_load_idx %arg12[%add3A_1048, %and3A_1183] : memref<1280x16xf32, #tpu.memory_space<vmem>>[vector<16xi32>, vector<16xi32>], vector<16xf32>,
          %sub3A_1186 = arith.subf %gather3A_1184, %gather3A_1185 : vector<16xf32>
          %mul3A_1187 = arith.mulf %sub3A_1186, %sub3A_1186 : vector<16xf32>
          %add3A_1188 = arith.addf %add3A_1144, %mul3A_1187 : vector<16xf32>
          %add3A_1189 = arith.constant 12 : i32
          %add3A_1190 = vector.broadcast %add3A_1189 : i32 to vector<16xi32>
          %add3A_1191 = arith.addi %iota3A, %add3A_1190 : vector<16xi32>
          %and3A_1192 = arith.constant 15 : i32
          %and3A_1193 = vector.broadcast %and3A_1192 : i32 to vector<16xi32>
          %and3A_1194 = arith.andi %add3A_1191, %and3A_1193 : vector<16xi32>
          %gather3A_1195 = tpu.vector_load_idx %arg10[%add3A_1048, %and3A_1194] : memref<1280x16xf32, #tpu.memory_space<vmem>>[vector<16xi32>, vector<16xi32>], vector<16xf32>,
          %gather3A_1196 = tpu.vector_load_idx %arg12[%add3A_1048, %and3A_1194] : memref<1280x16xf32, #tpu.memory_space<vmem>>[vector<16xi32>, vector<16xi32>], vector<16xf32>,
          %sub3A_1197 = arith.subf %gather3A_1195, %gather3A_1196 : vector<16xf32>
          %mul3A_1198 = arith.mulf %sub3A_1197, %sub3A_1197 : vector<16xf32>
          %add3A_1199 = arith.addf %add3A_1155, %mul3A_1198 : vector<16xf32>
          %add3A_1200 = arith.constant 13 : i32
          %add3A_1201 = vector.broadcast %add3A_1200 : i32 to vector<16xi32>
          %add3A_1202 = arith.addi %iota3A, %add3A_1201 : vector<16xi32>
          %and3A_1203 = arith.constant 15 : i32
          %and3A_1204 = vector.broadcast %and3A_1203 : i32 to vector<16xi32>
          %and3A_1205 = arith.andi %add3A_1202, %and3A_1204 : vector<16xi32>
          %gather3A_1206 = tpu.vector_load_idx %arg10[%add3A_1048, %and3A_1205] : memref<1280x16xf32, #tpu.memory_space<vmem>>[vector<16xi32>, vector<16xi32>], vector<16xf32>,
          %gather3A_1207 = tpu.vector_load_idx %arg12[%add3A_1048, %and3A_1205] : memref<1280x16xf32, #tpu.memory_space<vmem>>[vector<16xi32>, vector<16xi32>], vector<16xf32>,
          %sub3A_1208 = arith.subf %gather3A_1206, %gather3A_1207 : vector<16xf32>
          %mul3A_1209 = arith.mulf %sub3A_1208, %sub3A_1208 : vector<16xf32>
          %add3A_1210 = arith.addf %add3A_1166, %mul3A_1209 : vector<16xf32>
          %add3A_1211 = arith.constant 14 : i32
          %add3A_1212 = vector.broadcast %add3A_1211 : i32 to vector<16xi32>
          %add3A_1213 = arith.addi %iota3A, %add3A_1212 : vector<16xi32>
          %and3A_1214 = arith.constant 15 : i32
          %and3A_1215 = vector.broadcast %and3A_1214 : i32 to vector<16xi32>
          %and3A_1216 = arith.andi %add3A_1213, %and3A_1215 : vector<16xi32>
          %gather3A_1217 = tpu.vector_load_idx %arg10[%add3A_1048, %and3A_1216] : memref<1280x16xf32, #tpu.memory_space<vmem>>[vector<16xi32>, vector<16xi32>], vector<16xf32>,
          %gather3A_1218 = tpu.vector_load_idx %arg12[%add3A_1048, %and3A_1216] : memref<1280x16xf32, #tpu.memory_space<vmem>>[vector<16xi32>, vector<16xi32>], vector<16xf32>,
          %sub3A_1219 = arith.subf %gather3A_1217, %gather3A_1218 : vector<16xf32>
          %mul3A_1220 = arith.mulf %sub3A_1219, %sub3A_1219 : vector<16xf32>
          %add3A_1221 = arith.addf %add3A_1177, %mul3A_1220 : vector<16xf32>
          %add3A_1222 = arith.constant 15 : i32
          %add3A_1223 = vector.broadcast %add3A_1222 : i32 to vector<16xi32>
          %add3A_1224 = arith.addi %iota3A, %add3A_1223 : vector<16xi32>
          %and3A_1225 = arith.constant 15 : i32
          %and3A_1226 = vector.broadcast %and3A_1225 : i32 to vector<16xi32>
          %and3A_1227 = arith.andi %add3A_1224, %and3A_1226 : vector<16xi32>
          %gather3A_1228 = tpu.vector_load_idx %arg10[%add3A_1048, %and3A_1227] : memref<1280x16xf32, #tpu.memory_space<vmem>>[vector<16xi32>, vector<16xi32>], vector<16xf32>,
          %gather3A_1229 = tpu.vector_load_idx %arg12[%add3A_1048, %and3A_1227] : memref<1280x16xf32, #tpu.memory_space<vmem>>[vector<16xi32>, vector<16xi32>], vector<16xf32>,
          %sub3A_1230 = arith.subf %gather3A_1228, %gather3A_1229 : vector<16xf32>
          %mul3A_1231 = arith.mulf %sub3A_1230, %sub3A_1230 : vector<16xf32>
          %add3A_1232 = arith.addf %add3A_1188, %mul3A_1231 : vector<16xf32>
          %add3A_1233 = arith.addf %add3A_1199, %add3A_1210 : vector<16xf32>
          %add3A_1234 = arith.addf %add3A_1221, %add3A_1232 : vector<16xf32>
          %add3A_1235 = arith.addf %add3A_1233, %add3A_1234 : vector<16xf32>
          %bitcast_convert_type3A_1236 = tpu.bitcast %add3A_1235 : vector<16xf32> -> vector<16xi32>
          %shift_right_arithmetic3A_1237 = arith.constant 1 : i32
          %shift_right_arithmetic3A_1238 = vector.broadcast %shift_right_arithmetic3A_1237 : i32 to vector<16xi32>
          %shift_right_arithmetic3A_1239 = arith.shrsi %bitcast_convert_type3A_1236, %shift_right_arithmetic3A_1238 : vector<16xi32>
          %sub3A_1240 = arith.constant 1597463007 : i32
          %sub3A_1241 = vector.broadcast %sub3A_1240 : i32 to vector<16xi32>
          %sub3A_1242 = arith.subi %sub3A_1241, %shift_right_arithmetic3A_1239 : vector<16xi32>
          %bitcast_convert_type3A_1243 = tpu.bitcast %sub3A_1242 : vector<16xi32> -> vector<16xf32>
          %mul3A_1244 = arith.constant 5.000000e-01 : f32
          %mul3A_1245 = vector.broadcast %mul3A_1244 : f32 to vector<16xf32>
          %mul3A_1246 = arith.mulf %add3A_1235, %mul3A_1245 : vector<16xf32>
          %mul3A_1247 = arith.mulf %mul3A_1246, %bitcast_convert_type3A_1243 : vector<16xf32>
          %mul3A_1248 = arith.mulf %mul3A_1247, %bitcast_convert_type3A_1243 : vector<16xf32>
          %sub3A_1249 = arith.constant 1.500000e+00 : f32
          %sub3A_1250 = vector.broadcast %sub3A_1249 : f32 to vector<16xf32>
          %sub3A_1251 = arith.subf %sub3A_1250, %mul3A_1248 : vector<16xf32>
          %mul3A_1252 = arith.mulf %bitcast_convert_type3A_1243, %sub3A_1251 : vector<16xf32>
          %mul3A_1253 = arith.mulf %mul3A_1246, %mul3A_1252 : vector<16xf32>
          %mul3A_1254 = arith.mulf %mul3A_1253, %mul3A_1252 : vector<16xf32>
          %sub3A_1255 = arith.constant 1.500000e+00 : f32
          %sub3A_1256 = vector.broadcast %sub3A_1255 : f32 to vector<16xf32>
          %sub3A_1257 = arith.subf %sub3A_1256, %mul3A_1254 : vector<16xf32>
          %mul3A_1258 = arith.mulf %mul3A_1252, %sub3A_1257 : vector<16xf32>
          %mul3A_1259 = arith.mulf %add3A_1235, %mul3A_1258 : vector<16xf32>
          %swap3A_1260 = arith.index_cast %multiple_of3A_1046 : i32 to index
          %swap3A_1261 = tpu.vector_load %arg14[%swap3A_1260] {strides = array<i32>} : memref<1280xf32, #tpu.memory_space<vmem>>, vector<16xf32>,
          tpu.vector_store %arg14[%swap3A_1260], %mul3A_1259 {strides = array<i32>} : memref<1280xf32, #tpu.memory_space<vmem>>, vector<16xf32>,
          %mul3A_1262 = arith.constant 5 : i32
          %mul3A_1263 = arith.muli %scan3A_379, %mul3A_1262 : i32
          %add3A_1264 = arith.constant 4 : i32
          %add3A_1265 = arith.addi %mul3A_1263, %add3A_1264 : i32
          %mul3A_1266 = arith.constant 16 : i32
          %mul3A_1267 = arith.muli %add3A_1265, %mul3A_1266 : i32
          %multiple_of3A_1268 = tpu.assume_multiple %mul3A_1267, 16 : i32
          %add3A_1269 = vector.broadcast %multiple_of3A_1268 : i32 to vector<16xi32>
          %add3A_1270 = arith.addi %add3A_1269, %iota3A : vector<16xi32>
          %broadcast_in_dim3A_1271 = arith.constant 0.000000e+00 : f32
          %broadcast_in_dim3A_1272 = vector.broadcast %broadcast_in_dim3A_1271 : f32 to vector<16xf32>
          %broadcast_in_dim3A_1273 = arith.constant 0.000000e+00 : f32
          %broadcast_in_dim3A_1274 = vector.broadcast %broadcast_in_dim3A_1273 : f32 to vector<16xf32>
          %broadcast_in_dim3A_1275 = arith.constant 0.000000e+00 : f32
          %broadcast_in_dim3A_1276 = vector.broadcast %broadcast_in_dim3A_1275 : f32 to vector<16xf32>
          %broadcast_in_dim3A_1277 = arith.constant 0.000000e+00 : f32
          %broadcast_in_dim3A_1278 = vector.broadcast %broadcast_in_dim3A_1277 : f32 to vector<16xf32>
          %add3A_1279 = arith.constant 0 : i32
          %add3A_1280 = vector.broadcast %add3A_1279 : i32 to vector<16xi32>
          %add3A_1281 = arith.addi %iota3A, %add3A_1280 : vector<16xi32>
          %and3A_1282 = arith.constant 15 : i32
          %and3A_1283 = vector.broadcast %and3A_1282 : i32 to vector<16xi32>
          %and3A_1284 = arith.andi %add3A_1281, %and3A_1283 : vector<16xi32>
          %gather3A_1285 = tpu.vector_load_idx %arg10[%add3A_1270, %and3A_1284] : memref<1280x16xf32, #tpu.memory_space<vmem>>[vector<16xi32>, vector<16xi32>], vector<16xf32>,
          %gather3A_1286 = tpu.vector_load_idx %arg12[%add3A_1270, %and3A_1284] : memref<1280x16xf32, #tpu.memory_space<vmem>>[vector<16xi32>, vector<16xi32>], vector<16xf32>,
          %sub3A_1287 = arith.subf %gather3A_1285, %gather3A_1286 : vector<16xf32>
          %mul3A_1288 = arith.mulf %sub3A_1287, %sub3A_1287 : vector<16xf32>
          %add3A_1289 = arith.addf %broadcast_in_dim3A_1272, %mul3A_1288 : vector<16xf32>
          %add3A_1290 = arith.constant 1 : i32
          %add3A_1291 = vector.broadcast %add3A_1290 : i32 to vector<16xi32>
          %add3A_1292 = arith.addi %iota3A, %add3A_1291 : vector<16xi32>
          %and3A_1293 = arith.constant 15 : i32
          %and3A_1294 = vector.broadcast %and3A_1293 : i32 to vector<16xi32>
          %and3A_1295 = arith.andi %add3A_1292, %and3A_1294 : vector<16xi32>
          %gather3A_1296 = tpu.vector_load_idx %arg10[%add3A_1270, %and3A_1295] : memref<1280x16xf32, #tpu.memory_space<vmem>>[vector<16xi32>, vector<16xi32>], vector<16xf32>,
          %gather3A_1297 = tpu.vector_load_idx %arg12[%add3A_1270, %and3A_1295] : memref<1280x16xf32, #tpu.memory_space<vmem>>[vector<16xi32>, vector<16xi32>], vector<16xf32>,
          %sub3A_1298 = arith.subf %gather3A_1296, %gather3A_1297 : vector<16xf32>
          %mul3A_1299 = arith.mulf %sub3A_1298, %sub3A_1298 : vector<16xf32>
          %add3A_1300 = arith.addf %broadcast_in_dim3A_1274, %mul3A_1299 : vector<16xf32>
          %add3A_1301 = arith.constant 2 : i32
          %add3A_1302 = vector.broadcast %add3A_1301 : i32 to vector<16xi32>
          %add3A_1303 = arith.addi %iota3A, %add3A_1302 : vector<16xi32>
          %and3A_1304 = arith.constant 15 : i32
          %and3A_1305 = vector.broadcast %and3A_1304 : i32 to vector<16xi32>
          %and3A_1306 = arith.andi %add3A_1303, %and3A_1305 : vector<16xi32>
          %gather3A_1307 = tpu.vector_load_idx %arg10[%add3A_1270, %and3A_1306] : memref<1280x16xf32, #tpu.memory_space<vmem>>[vector<16xi32>, vector<16xi32>], vector<16xf32>,
          %gather3A_1308 = tpu.vector_load_idx %arg12[%add3A_1270, %and3A_1306] : memref<1280x16xf32, #tpu.memory_space<vmem>>[vector<16xi32>, vector<16xi32>], vector<16xf32>,
          %sub3A_1309 = arith.subf %gather3A_1307, %gather3A_1308 : vector<16xf32>
          %mul3A_1310 = arith.mulf %sub3A_1309, %sub3A_1309 : vector<16xf32>
          %add3A_1311 = arith.addf %broadcast_in_dim3A_1276, %mul3A_1310 : vector<16xf32>
          %add3A_1312 = arith.constant 3 : i32
          %add3A_1313 = vector.broadcast %add3A_1312 : i32 to vector<16xi32>
          %add3A_1314 = arith.addi %iota3A, %add3A_1313 : vector<16xi32>
          %and3A_1315 = arith.constant 15 : i32
          %and3A_1316 = vector.broadcast %and3A_1315 : i32 to vector<16xi32>
          %and3A_1317 = arith.andi %add3A_1314, %and3A_1316 : vector<16xi32>
          %gather3A_1318 = tpu.vector_load_idx %arg10[%add3A_1270, %and3A_1317] : memref<1280x16xf32, #tpu.memory_space<vmem>>[vector<16xi32>, vector<16xi32>], vector<16xf32>,
          %gather3A_1319 = tpu.vector_load_idx %arg12[%add3A_1270, %and3A_1317] : memref<1280x16xf32, #tpu.memory_space<vmem>>[vector<16xi32>, vector<16xi32>], vector<16xf32>,
          %sub3A_1320 = arith.subf %gather3A_1318, %gather3A_1319 : vector<16xf32>
          %mul3A_1321 = arith.mulf %sub3A_1320, %sub3A_1320 : vector<16xf32>
          %add3A_1322 = arith.addf %broadcast_in_dim3A_1278, %mul3A_1321 : vector<16xf32>
          %add3A_1323 = arith.constant 4 : i32
          %add3A_1324 = vector.broadcast %add3A_1323 : i32 to vector<16xi32>
          %add3A_1325 = arith.addi %iota3A, %add3A_1324 : vector<16xi32>
          %and3A_1326 = arith.constant 15 : i32
          %and3A_1327 = vector.broadcast %and3A_1326 : i32 to vector<16xi32>
          %and3A_1328 = arith.andi %add3A_1325, %and3A_1327 : vector<16xi32>
          %gather3A_1329 = tpu.vector_load_idx %arg10[%add3A_1270, %and3A_1328] : memref<1280x16xf32, #tpu.memory_space<vmem>>[vector<16xi32>, vector<16xi32>], vector<16xf32>,
          %gather3A_1330 = tpu.vector_load_idx %arg12[%add3A_1270, %and3A_1328] : memref<1280x16xf32, #tpu.memory_space<vmem>>[vector<16xi32>, vector<16xi32>], vector<16xf32>,
          %sub3A_1331 = arith.subf %gather3A_1329, %gather3A_1330 : vector<16xf32>
          %mul3A_1332 = arith.mulf %sub3A_1331, %sub3A_1331 : vector<16xf32>
          %add3A_1333 = arith.addf %add3A_1289, %mul3A_1332 : vector<16xf32>
          %add3A_1334 = arith.constant 5 : i32
          %add3A_1335 = vector.broadcast %add3A_1334 : i32 to vector<16xi32>
          %add3A_1336 = arith.addi %iota3A, %add3A_1335 : vector<16xi32>
          %and3A_1337 = arith.constant 15 : i32
          %and3A_1338 = vector.broadcast %and3A_1337 : i32 to vector<16xi32>
          %and3A_1339 = arith.andi %add3A_1336, %and3A_1338 : vector<16xi32>
          %gather3A_1340 = tpu.vector_load_idx %arg10[%add3A_1270, %and3A_1339] : memref<1280x16xf32, #tpu.memory_space<vmem>>[vector<16xi32>, vector<16xi32>], vector<16xf32>,
          %gather3A_1341 = tpu.vector_load_idx %arg12[%add3A_1270, %and3A_1339] : memref<1280x16xf32, #tpu.memory_space<vmem>>[vector<16xi32>, vector<16xi32>], vector<16xf32>,
          %sub3A_1342 = arith.subf %gather3A_1340, %gather3A_1341 : vector<16xf32>
          %mul3A_1343 = arith.mulf %sub3A_1342, %sub3A_1342 : vector<16xf32>
          %add3A_1344 = arith.addf %add3A_1300, %mul3A_1343 : vector<16xf32>
          %add3A_1345 = arith.constant 6 : i32
          %add3A_1346 = vector.broadcast %add3A_1345 : i32 to vector<16xi32>
          %add3A_1347 = arith.addi %iota3A, %add3A_1346 : vector<16xi32>
          %and3A_1348 = arith.constant 15 : i32
          %and3A_1349 = vector.broadcast %and3A_1348 : i32 to vector<16xi32>
          %and3A_1350 = arith.andi %add3A_1347, %and3A_1349 : vector<16xi32>
          %gather3A_1351 = tpu.vector_load_idx %arg10[%add3A_1270, %and3A_1350] : memref<1280x16xf32, #tpu.memory_space<vmem>>[vector<16xi32>, vector<16xi32>], vector<16xf32>,
          %gather3A_1352 = tpu.vector_load_idx %arg12[%add3A_1270, %and3A_1350] : memref<1280x16xf32, #tpu.memory_space<vmem>>[vector<16xi32>, vector<16xi32>], vector<16xf32>,
          %sub3A_1353 = arith.subf %gather3A_1351, %gather3A_1352 : vector<16xf32>
          %mul3A_1354 = arith.mulf %sub3A_1353, %sub3A_1353 : vector<16xf32>
          %add3A_1355 = arith.addf %add3A_1311, %mul3A_1354 : vector<16xf32>
          %add3A_1356 = arith.constant 7 : i32
          %add3A_1357 = vector.broadcast %add3A_1356 : i32 to vector<16xi32>
          %add3A_1358 = arith.addi %iota3A, %add3A_1357 : vector<16xi32>
          %and3A_1359 = arith.constant 15 : i32
          %and3A_1360 = vector.broadcast %and3A_1359 : i32 to vector<16xi32>
          %and3A_1361 = arith.andi %add3A_1358, %and3A_1360 : vector<16xi32>
          %gather3A_1362 = tpu.vector_load_idx %arg10[%add3A_1270, %and3A_1361] : memref<1280x16xf32, #tpu.memory_space<vmem>>[vector<16xi32>, vector<16xi32>], vector<16xf32>,
          %gather3A_1363 = tpu.vector_load_idx %arg12[%add3A_1270, %and3A_1361] : memref<1280x16xf32, #tpu.memory_space<vmem>>[vector<16xi32>, vector<16xi32>], vector<16xf32>,
          %sub3A_1364 = arith.subf %gather3A_1362, %gather3A_1363 : vector<16xf32>
          %mul3A_1365 = arith.mulf %sub3A_1364, %sub3A_1364 : vector<16xf32>
          %add3A_1366 = arith.addf %add3A_1322, %mul3A_1365 : vector<16xf32>
          %add3A_1367 = arith.constant 8 : i32
          %add3A_1368 = vector.broadcast %add3A_1367 : i32 to vector<16xi32>
          %add3A_1369 = arith.addi %iota3A, %add3A_1368 : vector<16xi32>
          %and3A_1370 = arith.constant 15 : i32
          %and3A_1371 = vector.broadcast %and3A_1370 : i32 to vector<16xi32>
          %and3A_1372 = arith.andi %add3A_1369, %and3A_1371 : vector<16xi32>
          %gather3A_1373 = tpu.vector_load_idx %arg10[%add3A_1270, %and3A_1372] : memref<1280x16xf32, #tpu.memory_space<vmem>>[vector<16xi32>, vector<16xi32>], vector<16xf32>,
          %gather3A_1374 = tpu.vector_load_idx %arg12[%add3A_1270, %and3A_1372] : memref<1280x16xf32, #tpu.memory_space<vmem>>[vector<16xi32>, vector<16xi32>], vector<16xf32>,
          %sub3A_1375 = arith.subf %gather3A_1373, %gather3A_1374 : vector<16xf32>
          %mul3A_1376 = arith.mulf %sub3A_1375, %sub3A_1375 : vector<16xf32>
          %add3A_1377 = arith.addf %add3A_1333, %mul3A_1376 : vector<16xf32>
          %add3A_1378 = arith.constant 9 : i32
          %add3A_1379 = vector.broadcast %add3A_1378 : i32 to vector<16xi32>
          %add3A_1380 = arith.addi %iota3A, %add3A_1379 : vector<16xi32>
          %and3A_1381 = arith.constant 15 : i32
          %and3A_1382 = vector.broadcast %and3A_1381 : i32 to vector<16xi32>
          %and3A_1383 = arith.andi %add3A_1380, %and3A_1382 : vector<16xi32>
          %gather3A_1384 = tpu.vector_load_idx %arg10[%add3A_1270, %and3A_1383] : memref<1280x16xf32, #tpu.memory_space<vmem>>[vector<16xi32>, vector<16xi32>], vector<16xf32>,
          %gather3A_1385 = tpu.vector_load_idx %arg12[%add3A_1270, %and3A_1383] : memref<1280x16xf32, #tpu.memory_space<vmem>>[vector<16xi32>, vector<16xi32>], vector<16xf32>,
          %sub3A_1386 = arith.subf %gather3A_1384, %gather3A_1385 : vector<16xf32>
          %mul3A_1387 = arith.mulf %sub3A_1386, %sub3A_1386 : vector<16xf32>
          %add3A_1388 = arith.addf %add3A_1344, %mul3A_1387 : vector<16xf32>
          %add3A_1389 = arith.constant 10 : i32
          %add3A_1390 = vector.broadcast %add3A_1389 : i32 to vector<16xi32>
          %add3A_1391 = arith.addi %iota3A, %add3A_1390 : vector<16xi32>
          %and3A_1392 = arith.constant 15 : i32
          %and3A_1393 = vector.broadcast %and3A_1392 : i32 to vector<16xi32>
          %and3A_1394 = arith.andi %add3A_1391, %and3A_1393 : vector<16xi32>
          %gather3A_1395 = tpu.vector_load_idx %arg10[%add3A_1270, %and3A_1394] : memref<1280x16xf32, #tpu.memory_space<vmem>>[vector<16xi32>, vector<16xi32>], vector<16xf32>,
          %gather3A_1396 = tpu.vector_load_idx %arg12[%add3A_1270, %and3A_1394] : memref<1280x16xf32, #tpu.memory_space<vmem>>[vector<16xi32>, vector<16xi32>], vector<16xf32>,
          %sub3A_1397 = arith.subf %gather3A_1395, %gather3A_1396 : vector<16xf32>
          %mul3A_1398 = arith.mulf %sub3A_1397, %sub3A_1397 : vector<16xf32>
          %add3A_1399 = arith.addf %add3A_1355, %mul3A_1398 : vector<16xf32>
          %add3A_1400 = arith.constant 11 : i32
          %add3A_1401 = vector.broadcast %add3A_1400 : i32 to vector<16xi32>
          %add3A_1402 = arith.addi %iota3A, %add3A_1401 : vector<16xi32>
          %and3A_1403 = arith.constant 15 : i32
          %and3A_1404 = vector.broadcast %and3A_1403 : i32 to vector<16xi32>
          %and3A_1405 = arith.andi %add3A_1402, %and3A_1404 : vector<16xi32>
          %gather3A_1406 = tpu.vector_load_idx %arg10[%add3A_1270, %and3A_1405] : memref<1280x16xf32, #tpu.memory_space<vmem>>[vector<16xi32>, vector<16xi32>], vector<16xf32>,
          %gather3A_1407 = tpu.vector_load_idx %arg12[%add3A_1270, %and3A_1405] : memref<1280x16xf32, #tpu.memory_space<vmem>>[vector<16xi32>, vector<16xi32>], vector<16xf32>,
          %sub3A_1408 = arith.subf %gather3A_1406, %gather3A_1407 : vector<16xf32>
          %mul3A_1409 = arith.mulf %sub3A_1408, %sub3A_1408 : vector<16xf32>
          %add3A_1410 = arith.addf %add3A_1366, %mul3A_1409 : vector<16xf32>
          %add3A_1411 = arith.constant 12 : i32
          %add3A_1412 = vector.broadcast %add3A_1411 : i32 to vector<16xi32>
          %add3A_1413 = arith.addi %iota3A, %add3A_1412 : vector<16xi32>
          %and3A_1414 = arith.constant 15 : i32
          %and3A_1415 = vector.broadcast %and3A_1414 : i32 to vector<16xi32>
          %and3A_1416 = arith.andi %add3A_1413, %and3A_1415 : vector<16xi32>
          %gather3A_1417 = tpu.vector_load_idx %arg10[%add3A_1270, %and3A_1416] : memref<1280x16xf32, #tpu.memory_space<vmem>>[vector<16xi32>, vector<16xi32>], vector<16xf32>,
          %gather3A_1418 = tpu.vector_load_idx %arg12[%add3A_1270, %and3A_1416] : memref<1280x16xf32, #tpu.memory_space<vmem>>[vector<16xi32>, vector<16xi32>], vector<16xf32>,
          %sub3A_1419 = arith.subf %gather3A_1417, %gather3A_1418 : vector<16xf32>
          %mul3A_1420 = arith.mulf %sub3A_1419, %sub3A_1419 : vector<16xf32>
          %add3A_1421 = arith.addf %add3A_1377, %mul3A_1420 : vector<16xf32>
          %add3A_1422 = arith.constant 13 : i32
          %add3A_1423 = vector.broadcast %add3A_1422 : i32 to vector<16xi32>
          %add3A_1424 = arith.addi %iota3A, %add3A_1423 : vector<16xi32>
          %and3A_1425 = arith.constant 15 : i32
          %and3A_1426 = vector.broadcast %and3A_1425 : i32 to vector<16xi32>
          %and3A_1427 = arith.andi %add3A_1424, %and3A_1426 : vector<16xi32>
          %gather3A_1428 = tpu.vector_load_idx %arg10[%add3A_1270, %and3A_1427] : memref<1280x16xf32, #tpu.memory_space<vmem>>[vector<16xi32>, vector<16xi32>], vector<16xf32>,
          %gather3A_1429 = tpu.vector_load_idx %arg12[%add3A_1270, %and3A_1427] : memref<1280x16xf32, #tpu.memory_space<vmem>>[vector<16xi32>, vector<16xi32>], vector<16xf32>,
          %sub3A_1430 = arith.subf %gather3A_1428, %gather3A_1429 : vector<16xf32>
          %mul3A_1431 = arith.mulf %sub3A_1430, %sub3A_1430 : vector<16xf32>
          %add3A_1432 = arith.addf %add3A_1388, %mul3A_1431 : vector<16xf32>
          %add3A_1433 = arith.constant 14 : i32
          %add3A_1434 = vector.broadcast %add3A_1433 : i32 to vector<16xi32>
          %add3A_1435 = arith.addi %iota3A, %add3A_1434 : vector<16xi32>
          %and3A_1436 = arith.constant 15 : i32
          %and3A_1437 = vector.broadcast %and3A_1436 : i32 to vector<16xi32>
          %and3A_1438 = arith.andi %add3A_1435, %and3A_1437 : vector<16xi32>
          %gather3A_1439 = tpu.vector_load_idx %arg10[%add3A_1270, %and3A_1438] : memref<1280x16xf32, #tpu.memory_space<vmem>>[vector<16xi32>, vector<16xi32>], vector<16xf32>,
          %gather3A_1440 = tpu.vector_load_idx %arg12[%add3A_1270, %and3A_1438] : memref<1280x16xf32, #tpu.memory_space<vmem>>[vector<16xi32>, vector<16xi32>], vector<16xf32>,
          %sub3A_1441 = arith.subf %gather3A_1439, %gather3A_1440 : vector<16xf32>
          %mul3A_1442 = arith.mulf %sub3A_1441, %sub3A_1441 : vector<16xf32>
          %add3A_1443 = arith.addf %add3A_1399, %mul3A_1442 : vector<16xf32>
          %add3A_1444 = arith.constant 15 : i32
          %add3A_1445 = vector.broadcast %add3A_1444 : i32 to vector<16xi32>
          %add3A_1446 = arith.addi %iota3A, %add3A_1445 : vector<16xi32>
          %and3A_1447 = arith.constant 15 : i32
          %and3A_1448 = vector.broadcast %and3A_1447 : i32 to vector<16xi32>
          %and3A_1449 = arith.andi %add3A_1446, %and3A_1448 : vector<16xi32>
          %gather3A_1450 = tpu.vector_load_idx %arg10[%add3A_1270, %and3A_1449] : memref<1280x16xf32, #tpu.memory_space<vmem>>[vector<16xi32>, vector<16xi32>], vector<16xf32>,
          %gather3A_1451 = tpu.vector_load_idx %arg12[%add3A_1270, %and3A_1449] : memref<1280x16xf32, #tpu.memory_space<vmem>>[vector<16xi32>, vector<16xi32>], vector<16xf32>,
          %sub3A_1452 = arith.subf %gather3A_1450, %gather3A_1451 : vector<16xf32>
          %mul3A_1453 = arith.mulf %sub3A_1452, %sub3A_1452 : vector<16xf32>
          %add3A_1454 = arith.addf %add3A_1410, %mul3A_1453 : vector<16xf32>
          %add3A_1455 = arith.addf %add3A_1421, %add3A_1432 : vector<16xf32>
          %add3A_1456 = arith.addf %add3A_1443, %add3A_1454 : vector<16xf32>
          %add3A_1457 = arith.addf %add3A_1455, %add3A_1456 : vector<16xf32>
          %bitcast_convert_type3A_1458 = tpu.bitcast %add3A_1457 : vector<16xf32> -> vector<16xi32>
          %shift_right_arithmetic3A_1459 = arith.constant 1 : i32
          %shift_right_arithmetic3A_1460 = vector.broadcast %shift_right_arithmetic3A_1459 : i32 to vector<16xi32>
          %shift_right_arithmetic3A_1461 = arith.shrsi %bitcast_convert_type3A_1458, %shift_right_arithmetic3A_1460 : vector<16xi32>
          %sub3A_1462 = arith.constant 1597463007 : i32
          %sub3A_1463 = vector.broadcast %sub3A_1462 : i32 to vector<16xi32>
          %sub3A_1464 = arith.subi %sub3A_1463, %shift_right_arithmetic3A_1461 : vector<16xi32>
          %bitcast_convert_type3A_1465 = tpu.bitcast %sub3A_1464 : vector<16xi32> -> vector<16xf32>
          %mul3A_1466 = arith.constant 5.000000e-01 : f32
          %mul3A_1467 = vector.broadcast %mul3A_1466 : f32 to vector<16xf32>
          %mul3A_1468 = arith.mulf %add3A_1457, %mul3A_1467 : vector<16xf32>
          %mul3A_1469 = arith.mulf %mul3A_1468, %bitcast_convert_type3A_1465 : vector<16xf32>
          %mul3A_1470 = arith.mulf %mul3A_1469, %bitcast_convert_type3A_1465 : vector<16xf32>
          %sub3A_1471 = arith.constant 1.500000e+00 : f32
          %sub3A_1472 = vector.broadcast %sub3A_1471 : f32 to vector<16xf32>
          %sub3A_1473 = arith.subf %sub3A_1472, %mul3A_1470 : vector<16xf32>
          %mul3A_1474 = arith.mulf %bitcast_convert_type3A_1465, %sub3A_1473 : vector<16xf32>
          %mul3A_1475 = arith.mulf %mul3A_1468, %mul3A_1474 : vector<16xf32>
          %mul3A_1476 = arith.mulf %mul3A_1475, %mul3A_1474 : vector<16xf32>
          %sub3A_1477 = arith.constant 1.500000e+00 : f32
          %sub3A_1478 = vector.broadcast %sub3A_1477 : f32 to vector<16xf32>
          %sub3A_1479 = arith.subf %sub3A_1478, %mul3A_1476 : vector<16xf32>
          %mul3A_1480 = arith.mulf %mul3A_1474, %sub3A_1479 : vector<16xf32>
          %mul3A_1481 = arith.mulf %add3A_1457, %mul3A_1480 : vector<16xf32>
          %swap3A_1482 = arith.index_cast %multiple_of3A_1268 : i32 to index
          %swap3A_1483 = tpu.vector_load %arg14[%swap3A_1482] {strides = array<i32>} : memref<1280xf32, #tpu.memory_space<vmem>>, vector<16xf32>,
          tpu.vector_store %arg14[%swap3A_1482], %mul3A_1481 {strides = array<i32>} : memref<1280xf32, #tpu.memory_space<vmem>>, vector<16xf32>,
        }
        %scan3A_374 = arith.constant 16 : i32
        %mul3A_375 = arith.constant 1280 : i32
        %mul3A_376 = arith.muli %add3A_368, %mul3A_375 : i32
        %multiple_of3A = tpu.assume_multiple %mul3A_376, 1280 : i32
        %dma_start3A_377 = tpu.memref_slice %arg4[%multiple_of3A] : memref<3200000xf32, #tpu.memory_space<hbm>> -> memref<1280xf32, #tpu.memory_space<hbm>>
        %dma_start3A_378 = tpu.memref_slice %arg4[%multiple_of3A] : memref<3200000xf32, #tpu.memory_space<hbm>> -> memref<1280xf32, #tpu.memory_space<hbm>>
        tpu.enqueue_dma source(%arg14 : memref<1280xf32, #tpu.memory_space<vmem>>) target(%dma_start3A_378 : memref<1280xf32, #tpu.memory_space<hbm>>) target_semaphore(%arg20 : memref<!tpu.dma_semaphore, #tpu.memory_space<semaphore_mem>>)
      } else {
      }
    }
    %scan3A_263 = arith.constant 40 : i32
    %dma_wait3A_264 = arith.constant 0 : i32
    %dma_wait3A_265 = tpu.memref_slice %arg4[%dma_wait3A_264] : memref<3200000xf32, #tpu.memory_space<hbm>> -> memref<1280xf32, #tpu.memory_space<hbm>>
    %dma_wait3A_266 = arith.constant 0 : i32
    %dma_wait3A_267 = tpu.memref_slice %arg4[%dma_wait3A_266] : memref<3200000xf32, #tpu.memory_space<hbm>> -> memref<1280xf32, #tpu.memory_space<hbm>>
    tpu.wait_dma2 semaphore(%arg19 : memref<!tpu.dma_semaphore, #tpu.memory_space<semaphore_mem>>) src(%dma_wait3A_267 : memref<1280xf32, #tpu.memory_space<hbm>>) dst(%arg13 : memref<1280xf32, #tpu.memory_space<vmem>>)
    %dma_wait3A_268 = arith.constant 0 : i32
    %dma_wait3A_269 = tpu.memref_slice %arg4[%dma_wait3A_268] : memref<3200000xf32, #tpu.memory_space<hbm>> -> memref<1280xf32, #tpu.memory_space<hbm>>
    %dma_wait3A_270 = arith.constant 0 : i32
    %dma_wait3A_271 = tpu.memref_slice %arg4[%dma_wait3A_270] : memref<3200000xf32, #tpu.memory_space<hbm>> -> memref<1280xf32, #tpu.memory_space<hbm>>
    tpu.wait_dma2 semaphore(%arg20 : memref<!tpu.dma_semaphore, #tpu.memory_space<semaphore_mem>>) src(%dma_wait3A_271 : memref<1280xf32, #tpu.memory_space<hbm>>) dst(%arg14 : memref<1280xf32, #tpu.memory_space<vmem>>)
    return
  }
}

</mosaic_0001>

<sc_bundles>
// kernel: kernel.3.cloned.1.call-start
scs
__scs_entry_jumppad:
0x0: {  	(pc) =	sbr.rel $0x88, $3  }
0x1: {  	(tag) =	ssettag $0x0;
	lr =	simm.s32 $0x1  }
0x2: {  	[smem:$0x3F9F] =	sst lr;
	_ =	strace $0xD0000000  }
0x3: {  	_ = 	snop  }
0x4: {  	_ = 	snop  }
0x5: {  	_ = 	snop  }
0x6: {  	_ = 	snop  }
0x7: {  	_ = 	snop  }
__scs_overlays_trampoline_lowered:
0x8: {  	[smem:$0x3FAE] =	sst s0  }
0x9: {  	[smem:$0x3FAF] =	sst s1  }
0xa: {  	[smem:$0x3FB0] =	sst s2  }
0xb: {  	[smem:$0x3FB1] =	sst s3  }
0xc: {  	[smem:$0x3FB2] =	sst s4  }
0xd: {  	[smem:$0x3FB3] =	sst s5  }
0xe: {  	[smem:$0x3FB4] =	sst s6  }
0xf: {  	[smem:$0x3FB5] =	sst s7  }
0x10: {  	[smem:$0x3FB6] =	sst s8  }
0x11: {  	[smem:$0x3FB7] =	sst s9;
	s0 =	simm.s32 @!p0 $0x0  }
0x12: {  	s1 =	sld [smem:$0x3F9D];
	s0 =	simm.s32 @p0 $0x1  }
0x13: {  	[smem:$0x3FB8] =	sst s0;
	s0 =	simm.s32 @!p1 $0x0  }
0x14: {  	s2 =	sld [smem:$0x3F9C];
	s0 =	simm.s32 @p1 $0x1  }
0x15: {  	[smem:$0x3FB9] =	sst s0;
	s0 =	simm.s32 @!p2 $0x0  }
0x16: {  	s3 =	sld [smem:$0x3FDB];
	s0 =	simm.s32 @p2 $0x1  }
0x17: {  	s4 =	simm.s32 $0x1BF5;
	[smem:$0x3FBB] =	sst s0  }
0x18: {  	s0 =	sld [smem:$0x3F9E];
	_ =	swait.ge [sflag:s4], $0x0  }
0x19: {  	s7 =	sld [smem:$0x3F9F]  }
0x1a: {  	s8 =	sadd.s32 $0xFFFFE003, lr  }
0x1b: {  	s9 =	sadd.s32 $0xFFFFFEF7, lr;
	s5 =	simm.s32 $0xFFFFFFFF;
	p2 =	slt.u32 s8, $0xFFFFF086  }
0x1c: {  	p1 =	slt.u32 s9, $0xF7A;
	s5 =	simm.s32 @!p2 $0x0  }
0x1d: {  	s5 =	simm.s32 @p1 $0x1;
	p0 =	seq.s32 s7, s2  }
0x1e: {  	s7 =	smul.u32 @!p0 $0xF7A, s2;
	p2 =	seq.s32 @!p0 s5, $0x0  }
0x1f: {  	s9 =	smul.u32 $0xF7A, s1;
	s8 =	simm.s32 @!p0 $0x1BF5;
	p2 =	por !p2, p0  }
0x20: {  	[sflag:s8] =	ssyncset.s32 @!p0 $0xFFFFF086;
	s6 =	sadd.s32 @!p0 s3, s7;
	s7 =	simm.s32 @!p0 $0x108  }
0x21: {  	s3 =	sadd.s32 s3, s9;
	s6 =	sadd.s32 @!p0 $0x88, s6;
	s7 =	simm.s32 @p2 $0x1082  }
0x22: {  	[simem:s7], [sflag:s8] =	dma.local @!p0 [hbm:s6], $0xF7A  }
0x23: {  	s9 =	sor.u32 $0xD0000000, s2;
	s6 =	simm.s32 $0x108;
	_ =	swait.ge @!p0 [sflag:s8], $0x0  }
0x24: {  	s3 =	sadd.s32 $0x88, s3;
	s6 =	simm.s32 @!p1 $0x1082;
	[sflag:s4] =	ssyncset.s32 $0xFFFFF086  }
0x25: {  	[simem:s6], [sflag:s4] =	dma.local [hbm:s3], $0xF7A  }
0x26: {  	[smem:$0x3F9F] =	sst s1;
	(tag) =	ssettag s2;
	_ =	strace s9  }
0x27: {  	s1 =	sld [smem:$0x3FAF]  }
0x28: {  	s2 =	sld [smem:$0x3FB0]  }
0x29: {  	s4 =	sld [smem:$0x3FB2]  }
0x2a: {  	p0 =	seq.s32 s5, $0x0;
	s5 =	sld [smem:$0x3FB3]  }
0x2b: {  	s6 =	sld [smem:$0x3FB4]  }
0x2c: {  	s7 =	sld [smem:$0x3FB5]  }
0x2d: {  	s3 =	simm.s32 $0x108;
	s8 =	sld [smem:$0x3FB6]  }
0x2e: {  	s3 =	simm.s32 @!p0 $0x1082;
	s9 =	sld [smem:$0x3FB7]  }
0x2f: {  	lr =	sadd.s32 s0, s3;
	s0 =	sld [smem:$0x3FAE]  }
0x30: {  	s3 =	sld [smem:$0x3FB1]  }
0x31: {  	[smem:$0x3FBA] =	sst s10  }
0x32: {  	s10 =	sld [smem:$0x3FB8];
	_ =	sdelay $0x3  }
0x33: {  	p0 =	seq.s32 s10, $0x1;
	s10 =	sld [smem:$0x3FBA];
	_ =	sdelay $0x3  }
0x34: {  	[smem:$0x3FBA] =	sst s10  }
0x35: {  	s10 =	sld [smem:$0x3FB9];
	_ =	sdelay $0x3  }
0x36: {  	p1 =	seq.s32 s10, $0x1;
	s10 =	sld [smem:$0x3FBA];
	_ =	sdelay $0x3  }
0x37: {  	[smem:$0x3FBA] =	sst s10  }
0x38: {  	s10 =	sld [smem:$0x3FBB]  }
0x39: {  	_ = 	snop;
	(pc) =	sbr.ind lr, $3  }
0x3a: {  	_ = 	snop  }
0x3b: {  	_ = 	snop  }
0x3c: {  	p2 =	seq.s32 s10, $0x1;
	s10 =	sld [smem:$0x3FBA]  }
0x3d: {  	_ =	shalt  }
0x3e: {  	_ =	shalt  }
0x3f: {  	_ =	shalt  }
0x40: {  	_ =	shalt  }
0x41: {  	_ =	shalt  }
0x42: {  	_ =	shalt  }
0x43: {  	_ =	shalt  }
0x44: {  	_ =	shalt  }
0x45: {  	_ =	shalt  }
0x46: {  	_ =	shalt  }
0x47: {  	_ =	shalt  }
0x48: {  	_ =	shalt  }
0x49: {  	_ =	shalt  }
0x4a: {  	_ =	shalt  }
0x4b: {  	_ =	shalt  }
0x4c: {  	_ =	shalt  }
0x4d: {  	_ =	shalt  }
0x4e: {  	_ =	shalt  }
0x4f: {  	_ =	shalt  }
0x50: {  	_ =	shalt  }
0x51: {  	_ =	shalt  }
0x52: {  	_ =	shalt  }
0x53: {  	_ =	shalt  }
0x54: {  	_ =	shalt  }
0x55: {  	_ =	shalt  }
0x56: {  	_ =	shalt  }
0x57: {  	_ =	shalt  }
0x58: {  	_ =	shalt  }
0x59: {  	_ =	shalt  }
0x5a: {  	_ =	shalt  }
0x5b: {  	_ =	shalt  }
0x5c: {  	_ =	shalt  }
0x5d: {  	_ =	shalt  }
0x5e: {  	_ =	shalt  }
0x5f: {  	_ =	shalt  }
0x60: {  	_ =	shalt  }
0x61: {  	_ =	shalt  }
0x62: {  	_ =	shalt  }
0x63: {  	_ =	shalt  }
0x64: {  	_ =	shalt  }
0x65: {  	_ =	shalt  }
0x66: {  	_ =	shalt  }
0x67: {  	_ =	shalt  }
0x68: {  	_ =	shalt  }
0x69: {  	_ =	shalt  }
0x6a: {  	_ =	shalt  }
0x6b: {  	_ =	shalt  }
0x6c: {  	_ =	shalt  }
0x6d: {  	_ =	shalt  }
0x6e: {  	_ =	shalt  }
0x6f: {  	_ =	shalt  }
0x70: {  	_ =	shalt  }
0x71: {  	_ =	shalt  }
0x72: {  	_ =	shalt  }
0x73: {  	_ =	shalt  }
0x74: {  	_ =	shalt  }
0x75: {  	_ =	shalt  }
0x76: {  	_ =	shalt  }
0x77: {  	_ =	shalt  }
0x78: {  	_ =	shalt  }
0x79: {  	_ =	shalt  }
0x7a: {  	_ =	shalt  }
0x7b: {  	_ =	shalt  }
0x7c: {  	_ =	shalt  }
0x7d: {  	_ =	shalt  }
0x7e: {  	_ =	shalt  }
0x7f: {  	_ =	shalt  }
0x80: {  	_ =	shalt  }
0x81: {  	_ =	shalt  }
0x82: {  	_ =	shalt  }
0x83: {  	_ =	shalt  }
0x84: {  	_ =	shalt  }
0x85: {  	_ =	shalt  }
0x86: {  	_ =	shalt  }
0x87: {  	_ =	shalt  }
.Lfunc_end0:
.L_simem_size_0:
called_computation_lowered:
.L_overlay_start_0:
0x88: {  	s2 =	sld [smem:$0x3FD9]  }
0x89: {  	s3 =	sld [smem:$0x3FFE];
	_ =	sdelay $0x1  }
0x8a: {  	s1 =	srdreg.scid  }
0x8b: {  	s0 =	sand.u32 $0x1, s1  }
0x8c: {  	s17 =	sshll.u32 s0, $0xA;
	s2 =	sadd.s32 s3, s2  }
0x8d: {  	s2 =	sadd.s32 s2, s17  }
0x8e: {  	[smem:$0x3FC6] =	sst s2  }
0x8f: {  	_ = 	snop  }
0x90: {  	s2 =	sld [smem:$0x3FD0];
	(tm) =	ssettm $0x1  }
0x91: {  	s18 =	sld [smem:$0x3FFB];
	_ =	sdelay $0x3  }
0x92: {  	_ =	strace s18  }
0x93: {  	s3 =	sld [smem:$0x3FFC];
	_ =	sdelay $0x3  }
0x94: {  	_ =	strace s3  }
0x95: {  	s3 =	sld [smem:$0x3FFD];
	_ =	sdelay $0x3  }
0x96: {  	_ =	strace s3  }
0x97: {  	_ =	strace $0x8FFFFFFF  }
0x98: {  	s19 =	sld [smem:$0x3FDB];
	_ =	sdelay $0x1  }
0x99: {  	s4 =	simm.s32 $_scs_section_size  }
0x9a: {  	s5 =	simm.s32 $_size__tile_overlayer_lowered;
	s6 =	simm.s32 $_tile_overlayer_lowered  }
0x9b: {  	s22 =	simm.s32 $0x1BFF;
	s21 =	sshll.u32 s6, $0x1;
	s3 =	sadd.s32 s4, s19  }
0x9c: {  	s7 =	simm.s32 $0x0;
	s20 =	sshll.u32 s5, $0x1;
	s5 =	sadd.s32 s21, s3  }
0x9d: {  	[timem:s7], [sflag:s22] =	dma.local [hbm:s5], s20  }
0x9e: {  	_ =	swait.ge [sflag:s22], s20  }
0x9f: {  	s4 =	ssub.s32 $0x0, s20;
	[sflag:s22] =	ssyncset.done $0x0  }
0xa0: {  	[sflag:s22] =	ssyncadd.s32 s4;
	_ =	sdelay $0x1  }
0xa1: {  	s23 =	simm.s32 $0x1B8B  }
0xa2: {  	_ =	swait.ge [sflag:s23], $0x1  }
0xa3: {  	[sflag:s23] =	ssyncset.done $0x0  }
0xa4: {  	s25 =	simm.s32 $0x1B8E;
	s24 =	sld [smem:$0x3FFE];
	[sflag:s23] =	ssyncadd.s32 $0xFFFFFFFF  }
0xa5: {  	s26 =	simm.s32 $execute0_lowered;
	[smem:$0x3FD2] =	sst s25  }
0xa6: {  	s5 =	sshll.u32 s26, $0x1;
	_ =	strace $0x80000046;
	[dreg:$0x1] =	wrdreg $0xFFFFFFFF  }
0xa7: {  	s28 =	simm.s32 $_size_execute0_lowered;
	s3 =	sadd.s32 s3, s5;
	[dreg:$0x0] =	wrdreg $0x0  }
0xa8: {  	s5 =	sshll.u32 s28, $0x1;
	[dreg:$0x2] =	wrdreg s3  }
0xa9: {  	[dreg:$0x3] =	wrdreg s5  }
0xaa: {  	[dreg:$0x4] =	wrdreg $0xC0  }
0xab: {  	_ =	task [dreg:s7], $0x5FFFF  }
0xac: {  	[dreg:$0x1] =	wrdreg $0xFFFFFFFF  }
0xad: {  	[dreg:$0x0] =	wrdreg $0x60  }
0xae: {  	[dreg:$0x2] =	wrdreg s24  }
0xaf: {  	[dreg:$0x3] =	wrdreg s2  }
0xb0: {  	[dreg:$0x4] =	wrdreg $0x9  }
0xb1: {  	_ =	task.clear_ibuf [dreg:s7], $0x5FFFF;
	_ =	strace $0x90000046  }
0xb2: {  	s29 =	simm.s32 $0x9;
	_ =	strace $0x80000048  }
0xb3: {  	_ =	swait.ge [sflag:s29], $0x1  }
0xb4: {  	[sflag:s29] =	ssyncadd.s32 $0xFFFFFFFF  }
0xb5: {  	_ =	strace $0x90000048  }
0xb6: {  	_ =	sfence  }
0xb7: {  	s30 =	sld [smem:$0x0];
	_ =	sdelay $0x2  }
0xb8: {  	s31 =	sshll.u32 s1, $0xD;
	s1 =	sshrl.u32 s1, $0x2  }
0xb9: {  	s3 =	sand.u32 $0x4000, s31;
	s1 =	sadd.s32 s1, s30  }
0xba: {  	s0 =	sor.u32 s3, s0;
	s1 =	sshll.u32 s1, $0x11  }
0xbb: {  	s0 =	sor.u32 s1, s0  }
0xbc: {  	s0 =	sadd.s32 $0x8F2B, s0  }
0xbd: {  	[sflag:s0] =	ssyncadd.remote.s32 $0x1  }
0xbe: {  	_ =	sfence.sel $0xFFFF  }
0xbf: {  	[dreg:$0x0] =	wrdreg $0xFFFFFFFF;
	(pc) =	sbr.abs _section_cstart, $3  }
0xc0: {  	[dreg:$0x1] =	wrdreg $0xFFFFFFFF  }
0xc1: {  	_ =	task.clear_ibuf [dreg:s7], $0x2FFFF;
	_ =	strace $0x9FFFFFFF  }
0xc2: {  	(tm) =	ssettm $0x7FFFFFFF  }
0xc3: {  	_ =	shalt  }
tec
execute0_lowered:
.L_overlay_start_1:
0x0: {  	(tag) =	ssettag $0x1  }
0x1: {  	v0 =	vlaneseq.u32;
	v1 =	vimm.s32 $0xFEDCBA9  }
0x2: {  	v2 =	vimm.s32 $0x87654321;
	v3 =	vimm.s32 $0x10FEDCBA;
	v4 =	vimm.s32 $0x98765432  }
0x3: {  	v5 =	vimm.s32 $0x210FEDCB;
	v6 =	vimm.s32 $0xA9876543;
	v16 =	vimm.s32 $0xDCBA9876  }
0x4: {  	v20 =	vimm.s32 $0xFEDCBA98;
	v21 =	vimm.s32 $0x76543210;
	v1 =	vunpack.c.l.s4.s8 v1  }
0x5: {  	v2 =	vunpack.c.l.s4.s8 v2;
	v3 =	vunpack.c.l.s4.s8 v3;
	v4 =	vunpack.c.l.s4.s8 v4  }
0x6: {  	v5 =	vunpack.c.l.s4.s8 v5;
	v6 =	vunpack.c.l.s4.s8 v6;
	v16 =	vunpack.c.l.s4.s8 v16  }
0x7: {  	v20 =	vunpack.c.l.s4.s8 v20;
	v8 =	vunpack.c.0.s8.s32 v1;
	v9 =	vunpack.c.0.s8.s32 v2  }
0x8: {  	v10 =	vunpack.c.0.s8.s32 v3;
	v11 =	vunpack.c.0.s8.s32 v4;
	v1 =	vmul.u32 $0x10, v0  }
0x9: {  	v12 =	vunpack.c.0.s8.s32 v5;
	v13 =	vunpack.c.0.s8.s32 v6;
	v4 =	vimm.s32 $0x3210FEDC  }
0xa: {  	v16 =	vunpack.c.0.s8.s32 v16;
	v6 =	vunpack.c.l.s4.s8 v4;
	v2 =	vcombine.low v9, v8  }
0xb: {  	s0 =	rddreg [dreg:$0x0];
	v4 =	vimm.s32 $0xBA987654;
	v3 =	vcombine.low v11, v10;
	v5 =	vcombine.low v13, v12  }
0xc: {  	s1 =	srdreg.scid;
	s3 =	stileid.u32;
	v7 =	vunpack.c.l.s4.s8 v4;
	v11 =	vcombine.low v10, v11;
	v12 =	vcombine.low v12, v13  }
0xd: {  	s2 =	rddreg [dreg:$0x1];
	s14 =	simm.s32 $0xA00;
	s15 =	simm.s32 $0x3;
	v14 =	vunpack.c.0.s8.s32 v6;
	v6 =	vimm.s32 $0xCBA98765;
	v2 =	vand.u32 $0xF, v2  }
0xe: {  	s16 =	simm.s32 $0x1400;
	s17 =	simm.s32 $0xB400;
	s22 =	simm.s32 $0x80;
	v3 =	vand.u32 $0xF, v3;
	v4 =	vand.u32 $0xF, v5;
	v5 =	vimm.s32 $0x43210FED  }
0xf: {  	s8 =	simm.s32 $0xE80;
	s9 =	simm.s32 $0xFC00;
	s10 =	simm.s32 $0x500;
	v15 =	vunpack.c.0.s8.s32 v7;
	v6 =	vunpack.c.l.s4.s8 v6;
	v7 =	vimm.s32 $0x543210FE  }
0x10: {  	s13 =	simm.s32 $0xF00;
	s18 =	simm.s32 $0x6400;
	s19 =	simm.s32 $0x10400;
	v11 =	vand.u32 $0xF, v11;
	v12 =	vand.u32 $0xF, v12;
	v5 =	vunpack.c.l.s4.s8 v5  }
0x11: {  	s20 =	simm.s32 $0x14C00;
	s1 =	sand.u32 $0x1, s1;
	s4 =	sshll.u32 s3, $0x1;
	v19 =	vunpack.c.0.s8.s32 v6;
	v6 =	vunpack.c.l.s4.s8 v7;
	v7 =	vimm.s32 $0xEDCBA987  }
0x12: {  	s21 =	simm.s32 $0x5;
	s28 =	simm.s32 $0x15400;
	s4 =	sor.u32 s1, s4;
	v13 =	vcombine.low v14, v15;
	v18 =	vunpack.c.0.s8.s32 v5;
	v5 =	vimm.s32 $0x6543210F  }
0x13: {  	s24 =	simm.s32 $0x6;
	s3 =	simm.s32 $0x0;
	s6 =	smul.u32 $0x500, s4;
	v17 =	vcombine.low v15, v14;
	v7 =	vunpack.c.l.s4.s8 v7;
	v5 =	vunpack.c.l.s4.s8 v5  }
0x14: {  	s5 =	sadd.s32 $0x2000, s0;
	[smem:$0x7FF] =	sst s3;
	s1 =	ssub.s32 $0x2, s1;
	v22 =	vunpack.c.0.s8.s32 v6;
	v6 =	vunpack.c.l.s4.s8 v21;
	v13 =	vand.u32 $0xF, v13  }
0x15: {  	_ =	strace $0x80000047;
	s25 =	sshrl.u32 s1, $0x1;
	s7 =	sshrl.u32 s6, $0x3;
	v23 =	vunpack.c.0.s8.s32 v7;
	v7 =	vunpack.c.0.s8.s32 v20;
	v14 =	vcombine.low v18, v19  }
0x16: {  	s6 =	sadd.s32 $0x188A00, s0;
	s0 =	ssub.s32 s1, s25;
	s7 =	sadd.s32 s5, s7;
	v62 =	vunpack.c.0.s8.s32 v5;
	v5 =	vand.u32 $0xF, v17;
	v17 =	vcombine.low v19, v18  }
.Ltmp0:
0x17: {  	s0 =	smax.u32 s0, $0x1;
	[dreg:$0x3] =	wrdreg s7;
	v63 =	vunpack.c.0.s8.s32 v6;
	v24 =	vcombine.low v16, v22;
	v15 =	vcombine.low v22, v16;
	(pc) =	sbr.rel .LBB2_1-.Ltmp0, $4  }
0x18: {  	s29 =	simm.s32 $0x15900;
	s26 =	sadd.s32 $0x61A80, s7;
	[dreg:$0x7] =	wrdreg s0;
	v7 =	vand.u32 $0xF, v7;
	v14 =	vand.u32 $0xF, v14;
	v25 =	vcombine.low v23, v62  }
0x19: {  	s11 =	sor.u32 $0x40, s4;
	s30 =	sadd.s32 $0x1400, s7;
	[dreg:$0x4] =	wrdreg s26;
	v6 =	vand.u32 $0xF, v17;
	v17 =	vcombine.low v8, v9;
	v16 =	vcombine.low v62, v23  }
0x1a: {  	s12 =	sor.u32 $0x60, s4;
	s31 =	sadd.s32 $0x62E80, s7;
	[dreg:$0x5] =	wrdreg s30;
	v7 =	vcombine.low v7, v63;
	v8 =	vand.u32 $0xF, v24;
	v15 =	vand.u32 $0xF, v15  }
0x1b: {  	s1 =	simm.s32 $0x0;
	s7 =	simm.s32 $0x4;
	[dreg:$0x6] =	wrdreg s31;
	v9 =	vand.u32 $0xF, v25;
	v10 =	vand.u32 $0xF, v17;
	v16 =	vand.u32 $0xF, v16  }
.LBB2_19:
0x1c: {  	_ =	swait.ge [sflag:s21], $0x500  }
0x1d: {  	[sflag:s21] =	ssyncset.done $0x0  }
0x1e: {  	[sflag:s21] =	ssyncadd.s32 $0xFFFFFB00  }
0x1f: {  	_ =	swait.ge [sflag:s24], $0x500  }
0x20: {  	s1 =	rddreg [dreg:$0x8]  }
0x21: {  	s0 =	rddreg [dreg:$0x7];
	s1 =	sadd.s32 $0x1, s1  }
0x22: {  	p0 =	sne.s32 s1, s0  }
.Ltmp1:
0x23: {  	_ = 	snop;
	(pc) =	sbr.rel @!p0 .LBB2_20-.Ltmp1, $3  }
0x24: {  	_ =	sdelay $0x1  }
0x25: {  	[sflag:s24] =	ssyncset.done $0x0  }
0x26: {  	[sflag:s24] =	ssyncadd.s32 $0xFFFFFB00  }
.LBB2_1:
0x27: {  	[dreg:$0x8] =	wrdreg s1  }
0x28: {  	s0 =	rddreg [dreg:$0x3]  }
0x29: {  	[tilespmem:s3], [sflag:$0x3] =	stream.linear.gather [hbm4b:s0+s3], $0x500, $0x38;
	[tilespmem:$0x15E00] =	vst v63  }
0x2a: {  	s23 =	rddreg [dreg:$0x4]  }
0x2b: {  	[tilespmem:s14], [sflag:$0x3] =	stream.linear.gather [hbm4b:s23+s3], $0x500, $0x38;
	[tilespmem:$0x15E00] =	vst v63  }
0x2c: {  	_ =	swait.ge [sflag:s15], $0x500  }
0x2d: {  	[sflag:s15] =	ssyncset.done $0x0  }
0x2e: {  	[sflag:s15] =	ssyncadd.s32 $0xFFFFFB00  }
0x2f: {  	_ =	swait.ge [sflag:s15], $0x500  }
0x30: {  	[sflag:s15] =	ssyncset.done $0x0  }
0x31: {  	[sflag:s15] =	ssyncadd.s32 $0xFFFFFB00  }
0x32: {  	[tilespmem:s16], [sflag:$0x1] =	stream.indirect.gather [hbm4b:s6+s22], $0x10, s3, s22, $0xb8;
	[tilespmem:$0x15E00] =	vst v63  }
0x33: {  	_ = 	snop  }
0x34: {  	[tilespmem:s17], [sflag:$0x1] =	stream.indirect.gather [hbm4b:s6+s22], $0x10, s14, s22, $0xb8;
	[tilespmem:$0x15E00] =	vst v63  }
0x35: {  	s25 =	simm.s32 $0x1C00  }
0x36: {  	[tilespmem:s25], [sflag:$0x1] =	stream.indirect.gather [hbm4b:s6+s22], $0x10, s22, s22, $0xb8;
	[tilespmem:$0x15E00] =	vst v63  }
0x37: {  	s26 =	simm.s32 $0xA80;
	s31 =	simm.s32 $0xBC00  }
0x38: {  	[tilespmem:s31], [sflag:$0x1] =	stream.indirect.gather [hbm4b:s6+s22], $0x10, s26, s22, $0xb8;
	[tilespmem:$0x15E00] =	vst v63  }
0x39: {  	s23 =	simm.s32 $0x2400;
	s25 =	simm.s32 $0x100  }
0x3a: {  	[tilespmem:s23], [sflag:$0x1] =	stream.indirect.gather [hbm4b:s6+s22], $0x10, s25, s22, $0xb8;
	[tilespmem:$0x15E00] =	vst v63  }
0x3b: {  	s26 =	simm.s32 $0xB00;
	s31 =	simm.s32 $0xC400  }
0x3c: {  	[tilespmem:s31], [sflag:$0x1] =	stream.indirect.gather [hbm4b:s6+s22], $0x10, s26, s22, $0xb8;
	[tilespmem:$0x15E00] =	vst v63  }
0x3d: {  	s23 =	simm.s32 $0x180;
	s25 =	simm.s32 $0x2C00  }
0x3e: {  	[tilespmem:s25], [sflag:$0x1] =	stream.indirect.gather [hbm4b:s6+s22], $0x10, s23, s22, $0xb8;
	[tilespmem:$0x15E00] =	vst v63  }
0x3f: {  	s26 =	simm.s32 $0xB80;
	s31 =	simm.s32 $0xCC00  }
0x40: {  	[tilespmem:s31], [sflag:$0x1] =	stream.indirect.gather [hbm4b:s6+s22], $0x10, s26, s22, $0xb8;
	[tilespmem:$0x15E00] =	vst v63  }
0x41: {  	s23 =	simm.s32 $0x200;
	s25 =	simm.s32 $0x3400  }
0x42: {  	[tilespmem:s25], [sflag:$0x1] =	stream.indirect.gather [hbm4b:s6+s22], $0x10, s23, s22, $0xb8;
	[tilespmem:$0x15E00] =	vst v63  }
0x43: {  	s26 =	simm.s32 $0xC00;
	s31 =	simm.s32 $0xD400  }
0x44: {  	[tilespmem:s31], [sflag:$0x1] =	stream.indirect.gather [hbm4b:s6+s22], $0x10, s26, s22, $0xb8;
	[tilespmem:$0x15E00] =	vst v63  }
0x45: {  	s23 =	simm.s32 $0x280;
	s25 =	simm.s32 $0x3C00  }
0x46: {  	[tilespmem:s25], [sflag:$0x1] =	stream.indirect.gather [hbm4b:s6+s22], $0x10, s23, s22, $0xb8;
	[tilespmem:$0x15E00] =	vst v63  }
0x47: {  	s26 =	simm.s32 $0xC80;
	s31 =	simm.s32 $0xDC00  }
0x48: {  	[tilespmem:s31], [sflag:$0x1] =	stream.indirect.gather [hbm4b:s6+s22], $0x10, s26, s22, $0xb8;
	[tilespmem:$0x15E00] =	vst v63  }
0x49: {  	s23 =	simm.s32 $0x300;
	s25 =	simm.s32 $0x4400  }
0x4a: {  	[tilespmem:s25], [sflag:$0x1] =	stream.indirect.gather [hbm4b:s6+s22], $0x10, s23, s22, $0xb8;
	[tilespmem:$0x15E00] =	vst v63  }
0x4b: {  	s26 =	simm.s32 $0xD00;
	s31 =	simm.s32 $0xE400  }
0x4c: {  	[tilespmem:s31], [sflag:$0x1] =	stream.indirect.gather [hbm4b:s6+s22], $0x10, s26, s22, $0xb8;
	[tilespmem:$0x15E00] =	vst v63  }
0x4d: {  	s23 =	simm.s32 $0x380;
	s25 =	simm.s32 $0x4C00  }
0x4e: {  	[tilespmem:s25], [sflag:$0x1] =	stream.indirect.gather [hbm4b:s6+s22], $0x10, s23, s22, $0xb8;
	[tilespmem:$0x15E00] =	vst v63  }
0x4f: {  	s26 =	simm.s32 $0xD80;
	s31 =	simm.s32 $0xEC00  }
0x50: {  	[tilespmem:s31], [sflag:$0x1] =	stream.indirect.gather [hbm4b:s6+s22], $0x10, s26, s22, $0xb8;
	[tilespmem:$0x15E00] =	vst v63  }
0x51: {  	s23 =	simm.s32 $0x400;
	s25 =	simm.s32 $0x5400  }
0x52: {  	[tilespmem:s25], [sflag:$0x1] =	stream.indirect.gather [hbm4b:s6+s22], $0x10, s23, s22, $0xb8;
	[tilespmem:$0x15E00] =	vst v63  }
0x53: {  	s26 =	simm.s32 $0xE00;
	s31 =	simm.s32 $0xF400  }
0x54: {  	[tilespmem:s31], [sflag:$0x1] =	stream.indirect.gather [hbm4b:s6+s22], $0x10, s26, s22, $0xb8;
	[tilespmem:$0x15E00] =	vst v63  }
0x55: {  	s23 =	simm.s32 $0x480;
	s25 =	simm.s32 $0x5C00  }
0x56: {  	[tilespmem:s25], [sflag:$0x1] =	stream.indirect.gather [hbm4b:s6+s22], $0x10, s23, s22, $0xb8;
	[tilespmem:$0x15E00] =	vst v63  }
0x57: {  	_ = 	snop  }
0x58: {  	[tilespmem:s9], [sflag:$0x1] =	stream.indirect.gather [hbm4b:s6+s22], $0x10, s8, s22, $0xb8;
	[tilespmem:$0x15E00] =	vst v63  }
.Ltmp2:
0x59: {  	_ = 	snop;
	(pc) =	sbr.rel .LBB2_2-.Ltmp2, $4  }
0x5a: {  	s26 =	rddreg [dreg:$0x5]  }
0x5b: {  	[tilespmem:s10], [sflag:$0x4] =	stream.linear.gather [hbm4b:s26+s3], $0x500, $0x38;
	[tilespmem:$0x15E00] =	vst v63  }
0x5c: {  	s30 =	simm.s32 $0x0;
	s31 =	rddreg [dreg:$0x6]  }
0x5d: {  	[tilespmem:s13], [sflag:$0x4] =	stream.linear.gather [hbm4b:s31+s3], $0x500, $0x38;
	[tilespmem:$0x15E00] =	vst v63  }
.LBB2_17:
0x5e: {  	s0 =	smul.u32 $0xA0, s23;
	_ =	sdelay $0x1  }
0x5f: {  	s0 =	sadd.s32 s2, s0  }
0x60: {  	[hbm4b:s0+s3] =	stream.linear.scatter [tilespmem:s29], [sflag:$0x6], $0x500, $0x38;
	[tilespmem:$0x15E00] =	vst v63  }
.LBB2_18:
0x61: {  	s30 =	sadd.s32 $0x1, s30  }
0x62: {  	p0 =	sne.s32 s30, $0x28  }
.Ltmp3:
0x63: {  	_ = 	snop;
	(pc) =	sbr.rel @!p0 .LBB2_19-.Ltmp3, $1  }
0x64: {  	_ =	sdelay $0x3  }
.LBB2_2:
0x65: {  	s31 =	sshll.u32 s30, $0x6  }
0x66: {  	s25 =	sor.u32 s31, s4  }
0x67: {  	s23 =	sor.u32 $0x20, s25  }
0x68: {  	p0 =	sgt.u32 s23, $0x9C3  }
.Ltmp4:
0x69: {  	_ = 	snop;
	(pc) =	sbr.rel @p0 .LBB2_4-.Ltmp4, $1  }
0x6a: {  	_ =	sdelay $0x3  }
0x6b: {  	_ =	swait.ge [sflag:s7], $0x500  }
0x6c: {  	[sflag:s7] =	ssyncset.done $0x0  }
0x6d: {  	[sflag:s7] =	ssyncadd.s32 $0xFFFFFB00  }
0x6e: {  	_ =	swait.ge [sflag:s7], $0x500  }
0x6f: {  	[sflag:s7] =	ssyncset.done $0x0  }
0x70: {  	[sflag:s7] =	ssyncadd.s32 $0xFFFFFB00  }
0x71: {  	[tilespmem:s18], [sflag:$0x2] =	stream.indirect.gather [hbm4b:s6+s22], $0x10, s10, s22, $0xb8;
	[tilespmem:$0x15E00] =	vst v63  }
0x72: {  	_ = 	snop  }
0x73: {  	[tilespmem:s19], [sflag:$0x2] =	stream.indirect.gather [hbm4b:s6+s22], $0x10, s13, s22, $0xb8;
	[tilespmem:$0x15E00] =	vst v63  }
0x74: {  	s0 =	simm.s32 $0x580;
	s1 =	simm.s32 $0x6C00  }
0x75: {  	[tilespmem:s1], [sflag:$0x2] =	stream.indirect.gather [hbm4b:s6+s22], $0x10, s0, s22, $0xb8;
	[tilespmem:$0x15E00] =	vst v63  }
0x76: {  	s26 =	simm.s32 $0x10C00;
	s1 =	simm.s32 $0xF80  }
0x77: {  	[tilespmem:s26], [sflag:$0x2] =	stream.indirect.gather [hbm4b:s6+s22], $0x10, s1, s22, $0xb8;
	[tilespmem:$0x15E00] =	vst v63  }
0x78: {  	s1 =	simm.s32 $0x600;
	s26 =	simm.s32 $0x7400  }
0x79: {  	[tilespmem:s26], [sflag:$0x2] =	stream.indirect.gather [hbm4b:s6+s22], $0x10, s1, s22, $0xb8;
	[tilespmem:$0x15E00] =	vst v63  }
0x7a: {  	s1 =	simm.s32 $0x1000;
	s26 =	simm.s32 $0x11400  }
0x7b: {  	[tilespmem:s26], [sflag:$0x2] =	stream.indirect.gather [hbm4b:s6+s22], $0x10, s1, s22, $0xb8;
	[tilespmem:$0x15E00] =	vst v63  }
0x7c: {  	s1 =	simm.s32 $0x680;
	s26 =	simm.s32 $0x7C00  }
0x7d: {  	[tilespmem:s26], [sflag:$0x2] =	stream.indirect.gather [hbm4b:s6+s22], $0x10, s1, s22, $0xb8;
	[tilespmem:$0x15E00] =	vst v63  }
0x7e: {  	s1 =	simm.s32 $0x1080;
	s26 =	simm.s32 $0x11C00  }
0x7f: {  	[tilespmem:s26], [sflag:$0x2] =	stream.indirect.gather [hbm4b:s6+s22], $0x10, s1, s22, $0xb8;
	[tilespmem:$0x15E00] =	vst v63  }
0x80: {  	s1 =	simm.s32 $0x700;
	s26 =	simm.s32 $0x8400  }
0x81: {  	[tilespmem:s26], [sflag:$0x2] =	stream.indirect.gather [hbm4b:s6+s22], $0x10, s1, s22, $0xb8;
	[tilespmem:$0x15E00] =	vst v63  }
0x82: {  	s1 =	simm.s32 $0x1100;
	s26 =	simm.s32 $0x12400  }
0x83: {  	[tilespmem:s26], [sflag:$0x2] =	stream.indirect.gather [hbm4b:s6+s22], $0x10, s1, s22, $0xb8;
	[tilespmem:$0x15E00] =	vst v63  }
0x84: {  	s1 =	simm.s32 $0x780;
	s26 =	simm.s32 $0x8C00  }
0x85: {  	[tilespmem:s26], [sflag:$0x2] =	stream.indirect.gather [hbm4b:s6+s22], $0x10, s1, s22, $0xb8;
	[tilespmem:$0x15E00] =	vst v63  }
0x86: {  	s1 =	simm.s32 $0x1180;
	s26 =	simm.s32 $0x12C00  }
0x87: {  	[tilespmem:s26], [sflag:$0x2] =	stream.indirect.gather [hbm4b:s6+s22], $0x10, s1, s22, $0xb8;
	[tilespmem:$0x15E00] =	vst v63  }
0x88: {  	s1 =	simm.s32 $0x800;
	s26 =	simm.s32 $0x9400  }
0x89: {  	[tilespmem:s26], [sflag:$0x2] =	stream.indirect.gather [hbm4b:s6+s22], $0x10, s1, s22, $0xb8;
	[tilespmem:$0x15E00] =	vst v63  }
0x8a: {  	s1 =	simm.s32 $0x1200;
	s26 =	simm.s32 $0x13400  }
0x8b: {  	[tilespmem:s26], [sflag:$0x2] =	stream.indirect.gather [hbm4b:s6+s22], $0x10, s1, s22, $0xb8;
	[tilespmem:$0x15E00] =	vst v63  }
0x8c: {  	s1 =	simm.s32 $0x880;
	s26 =	simm.s32 $0x9C00  }
0x8d: {  	[tilespmem:s26], [sflag:$0x2] =	stream.indirect.gather [hbm4b:s6+s22], $0x10, s1, s22, $0xb8;
	[tilespmem:$0x15E00] =	vst v63  }
0x8e: {  	s1 =	simm.s32 $0x1280;
	s26 =	simm.s32 $0x13C00  }
0x8f: {  	[tilespmem:s26], [sflag:$0x2] =	stream.indirect.gather [hbm4b:s6+s22], $0x10, s1, s22, $0xb8;
	[tilespmem:$0x15E00] =	vst v63  }
0x90: {  	s1 =	simm.s32 $0x900;
	s26 =	simm.s32 $0xA400  }
0x91: {  	[tilespmem:s26], [sflag:$0x2] =	stream.indirect.gather [hbm4b:s6+s22], $0x10, s1, s22, $0xb8;
	[tilespmem:$0x15E00] =	vst v63  }
0x92: {  	s1 =	simm.s32 $0x1300;
	s26 =	simm.s32 $0x14400  }
0x93: {  	[tilespmem:s26], [sflag:$0x2] =	stream.indirect.gather [hbm4b:s6+s22], $0x10, s1, s22, $0xb8;
	[tilespmem:$0x15E00] =	vst v63  }
0x94: {  	s1 =	simm.s32 $0x980;
	s26 =	simm.s32 $0xAC00  }
0x95: {  	[tilespmem:s26], [sflag:$0x2] =	stream.indirect.gather [hbm4b:s6+s22], $0x10, s1, s22, $0xb8;
	[tilespmem:$0x15E00] =	vst v63  }
0x96: {  	s26 =	simm.s32 $0x1380  }
0x97: {  	[tilespmem:s20], [sflag:$0x2] =	stream.indirect.gather [hbm4b:s6+s22], $0x10, s26, s22, $0xb8;
	[tilespmem:$0x15E00] =	vst v63  }
.LBB2_4:
0x98: {  	p3 =	sgt.u32 s25, $0x9C3  }
0x99: {  	s1 =	simm.s32 @!p3 $0x1  }
0x9a: {  	s26 =	sadd.s32 s11, s31;
	_ =	swait.ge @!p3 [sflag:s1], $0x5000  }
0x9b: {  	p1 =	seq.s32 s30, $0x0;
	p2 =	sgt.u32 s26, $0x9C3;
	[sflag:s1] =	ssyncset.done @!p3 $0x0  }
0x9c: {  	p4 =	sgt.u32 @!p1 s25, $0x9C3;
	s26 =	smul.u32 @!p2 $0x500, s26;
	[sflag:s1] =	ssyncadd.s32 @!p3 $0xFFFFB000  }
0x9d: {  	p4 =	por p1, p4;
	_ =	swait.ge @!p3 [sflag:s1], $0x5000  }
.Ltmp5:
0x9e: {  	s26 =	sshrl.u32 @!p2 s26, $0x3;
	[sflag:s1] =	ssyncset.done @!p3 $0x0;
	(pc) =	sbr.rel @p4 .LBB2_6-.Ltmp5, $4  }
0x9f: {  	[sflag:s1] =	ssyncadd.s32 @!p3 $0xFFFFB000;
	s1 =	sadd.s32 @!p2 s5, s26;
	s26 =	simm.s32 @!p2 $0x0  }
0xa0: {  	[tilespmem:s26], [sflag:$0x3] =	stream.linear.gather @!p2 [hbm4b:s1+s26], $0x500, $0x38;
	[tilespmem:$0x15E00] =	vst v63  }
0xa1: {  	s0 =	simm.s32 @!p2 $0xA00;
	s1 =	sadd.s32 @!p2 $0x61A80, s1  }
0xa2: {  	[tilespmem:s0], [sflag:$0x3] =	stream.linear.gather @!p2 [hbm4b:s1+s26], $0x500, $0x38;
	[tilespmem:$0x15E00] =	vst v63  }
0xa3: {  	_ =	swait.ge [sflag:s21], $0x500  }
0xa4: {  	[sflag:s21] =	ssyncset.done $0x0  }
0xa5: {  	[sflag:s21] =	ssyncadd.s32 $0xFFFFFB00  }
.LBB2_7:
0xa6: {  	s1 =	simm.s32 $0x40;
	s26 =	simm.s32 $0x15420  }
.LBB2_8:
0xa7: {  	s0 =	sadd.s32 $0xFFFFFFC0, s1  }
0xa8: {  	v17 =	vmov s0  }
0xa9: {  	v17 =	vshll.u32 v17, $0x4  }
0xaa: {  	v17 =	vor.u32 v1, v17  }
0xab: {  	v18 =	vor.u32 v0, v17;
	_ =	sdelay $0x1  }
0xac: {  	v19 =	vor.u32 v2, v17;
	_ =	sdelay $0x1  }
0xad: {  	v20 =	vor.u32 v3, v17  }
0xae: {  	v21 =	vld.idx.msk [tilespmem:v18+s16+$0x0], $0xffff  }
0xaf: {  	v22 =	vor.u32 v4, v17;
	v18 =	vld.idx.msk [tilespmem:v18+s17+$0x0], $0xffff  }
0xb0: {  	v23 =	vld.idx.msk [tilespmem:v19+s16+$0x0], $0xffff  }
0xb1: {  	v24 =	vor.u32 v5, v17;
	v19 =	vld.idx.msk [tilespmem:v19+s17+$0x0], $0xffff  }
0xb2: {  	v25 =	vld.idx.msk [tilespmem:v20+s16+$0x0], $0xffff  }
0xb3: {  	v26 =	vor.u32 v6, v17;
	v20 =	vld.idx.msk [tilespmem:v20+s17+$0x0], $0xffff  }
0xb4: {  	v27 =	vld.idx.msk [tilespmem:v22+s16+$0x0], $0xffff  }
0xb5: {  	v28 =	vor.u32 v8, v17;
	v22 =	vld.idx.msk [tilespmem:v22+s17+$0x0], $0xffff  }
0xb6: {  	v29 =	vld.idx.msk [tilespmem:v24+s16+$0x0], $0xffff  }
0xb7: {  	v30 =	vor.u32 v9, v17;
	v24 =	vld.idx.msk [tilespmem:v24+s17+$0x0], $0xffff  }
0xb8: {  	v31 =	vld.idx.msk [tilespmem:v26+s16+$0x0], $0xffff  }
0xb9: {  	v32 =	vor.u32 v7, v17;
	v26 =	vld.idx.msk [tilespmem:v26+s17+$0x0], $0xffff  }
0xba: {  	v33 =	vld.idx.msk [tilespmem:v28+s16+$0x0], $0xffff  }
0xbb: {  	v34 =	vor.u32 v10, v17;
	v28 =	vld.idx.msk [tilespmem:v28+s17+$0x0], $0xffff  }
0xbc: {  	v35 =	vld.idx.msk [tilespmem:v30+s16+$0x0], $0xffff  }
0xbd: {  	v36 =	vor.u32 v11, v17;
	v30 =	vld.idx.msk [tilespmem:v30+s17+$0x0], $0xffff  }
0xbe: {  	v37 =	vld.idx.msk [tilespmem:v32+s16+$0x0], $0xffff  }
0xbf: {  	v38 =	vor.u32 v12, v17;
	v32 =	vld.idx.msk [tilespmem:v32+s17+$0x0], $0xffff  }
0xc0: {  	v39 =	vld.idx.msk [tilespmem:v34+s16+$0x0], $0xffff  }
0xc1: {  	v40 =	vor.u32 v13, v17;
	v34 =	vld.idx.msk [tilespmem:v34+s17+$0x0], $0xffff  }
0xc2: {  	v41 =	vld.idx.msk [tilespmem:v36+s16+$0x0], $0xffff  }
0xc3: {  	v42 =	vor.u32 v14, v17;
	v36 =	vld.idx.msk [tilespmem:v36+s17+$0x0], $0xffff  }
0xc4: {  	v43 =	vld.idx.msk [tilespmem:v38+s16+$0x0], $0xffff  }
0xc5: {  	v44 =	vor.u32 v15, v17;
	v38 =	vld.idx.msk [tilespmem:v38+s17+$0x0], $0xffff  }
0xc6: {  	v62 =	vld.idx.msk [tilespmem:v40+s16+$0x0], $0xffff  }
0xc7: {  	v17 =	vor.u32 v16, v17;
	v63 =	vld.idx.msk [tilespmem:v40+s17+$0x0], $0xffff  }
0xc8: {  	v40 =	vld.idx.msk [tilespmem:v42+s16+$0x0], $0xffff;
	v18 =	vsub.f32 v21, v18;
	v19 =	vsub.f32 v23, v19  }
0xc9: {  	v42 =	vld.idx.msk [tilespmem:v42+s17+$0x0], $0xffff;
	v20 =	vsub.f32 v25, v20;
	v22 =	vsub.f32 v27, v22  }
0xca: {  	v46 =	vld.idx.msk [tilespmem:v44+s16+$0x0], $0xffff;
	v24 =	vsub.f32 v29, v24;
	v26 =	vsub.f32 v31, v26  }
0xcb: {  	v48 =	vld.idx.msk [tilespmem:v44+s17+$0x0], $0xffff;
	v28 =	vsub.f32 v33, v28;
	v45 =	vsub.f32 v35, v30  }
0xcc: {  	v50 =	vld.idx.msk [tilespmem:v17+s16+$0x0], $0xffff;
	v47 =	vsub.f32 v37, v32;
	v49 =	vsub.f32 v39, v34  }
0xcd: {  	v17 =	vld.idx.msk [tilespmem:v17+s17+$0x0], $0xffff;
	v53 =	vsub.f32 v41, v36;
	v18 =	vmul.f32 v18, v18;
	v19 =	vmul.f32 v19, v19  }
0xce: {  	v54 =	vsub.f32 v43, v38;
	v20 =	vmul.f32 v20, v20;
	v22 =	vmul.f32 v22, v22  }
0xcf: {  	v21 =	vsub.f32 v62, v63;
	v24 =	vmul.f32 v24, v24;
	v26 =	vmul.f32 v26, v26  }
0xd0: {  	v55 =	vsub.f32 v40, v42;
	v28 =	vmul.f32 v28, v28;
	v29 =	vmul.f32 v45, v45  }
0xd1: {  	v57 =	vsub.f32 v46, v48;
	v51 =	vmul.f32 v47, v47;
	v52 =	vmul.f32 v49, v49  }
0xd2: {  	v17 =	vsub.f32 v50, v17;
	v56 =	vmul.f32 v54, v54;
	v21 =	vmul.f32 v21, v21  }
0xd3: {  	v23 =	vmul.f32 v55, v55;
	v18 =	vadd.f32 v24, v18;
	v19 =	vadd.f32 v26, v19  }
0xd4: {  	v20 =	vadd.f32 v28, v20;
	v22 =	vadd.f32 v29, v22;
	v24 =	vmul.f32 v53, v53  }
0xd5: {  	v58 =	vmul.f32 v57, v57;
	v18 =	vadd.f32 v51, v18;
	v19 =	vadd.f32 v52, v19  }
0xd6: {  	v17 =	vmul.f32 v17, v17;
	v20 =	vadd.f32 v24, v20;
	v22 =	vadd.f32 v56, v22  }
0xd7: {  	v18 =	vadd.f32 v21, v18;
	v19 =	vadd.f32 v23, v19  }
0xd8: {  	v20 =	vadd.f32 v58, v20;
	v17 =	vadd.f32 v17, v22;
	_ =	sdelay $0x1  }
0xd9: {  	v18 =	vadd.f32 v19, v18;
	v17 =	vadd.f32 v17, v20;
	_ =	sdelay $0x1  }
0xda: {  	v17 =	vadd.f32 v17, v18;
	_ =	sdelay $0x1  }
0xdb: {  	v18 =	vshra.s32 v17, $0x1;
	v19 =	vmul.f32 $5.000000000e-01, v17  }
0xdc: {  	v18 =	vsub.s32 $0x5F3759DF, v18  }
0xdd: {  	v59 =	vmul.f32 v18, v19;
	_ =	sdelay $0x1  }
0xde: {  	v20 =	vmul.f32 v18, v59;
	_ =	sdelay $0x1  }
0xdf: {  	v20 =	vsub.f32 $1.500000000e+00, v20;
	_ =	sdelay $0x1  }
0xe0: {  	v18 =	vmul.f32 v18, v20;
	_ =	sdelay $0x1  }
0xe1: {  	v19 =	vmul.f32 v18, v19;
	_ =	sdelay $0x1  }
0xe2: {  	s0 =	sadd.s32 $0xFFFFFFD0, s1;
	v19 =	vmul.f32 v19, v18  }
0xe3: {  	v60 =	vmov s0  }
0xe4: {  	v20 =	vshll.u32 v60, $0x4;
	v19 =	vsub.f32 $1.500000000e+00, v19  }
0xe5: {  	v20 =	vor.u32 v1, v20  }
0xe6: {  	v18 =	vmul.f32 v19, v18;
	v19 =	vor.u32 v0, v20;
	_ =	sdelay $0x1  }
0xe7: {  	v61 =	vor.u32 v4, v20;
	v17 =	vmul.f32 v18, v17;
	_ =	sdelay $0x1  }
0xe8: {  	v62 =	vor.u32 v5, v20;
	[tilespmem:s26+$0xFFFFFFE0] =	vst v17  }
0xe9: {  	v21 =	vld.idx.msk [tilespmem:v19+s16+$0x0], $0xffff  }
0xea: {  	v45 =	vor.u32 v6, v20;
	v19 =	vld.idx.msk [tilespmem:v19+s17+$0x0], $0xffff  }
0xeb: {  	v27 =	vld.idx.msk [tilespmem:v61+s16+$0x0], $0xffff  }
0xec: {  	v46 =	vor.u32 v8, v20;
	v22 =	vld.idx.msk [tilespmem:v61+s17+$0x0], $0xffff  }
0xed: {  	v29 =	vld.idx.msk [tilespmem:v62+s16+$0x0], $0xffff  }
0xee: {  	v47 =	vor.u32 v9, v20;
	v24 =	vld.idx.msk [tilespmem:v62+s17+$0x0], $0xffff  }
0xef: {  	v48 =	vld.idx.msk [tilespmem:v45+s16+$0x0], $0xffff  }
0xf0: {  	v49 =	vor.u32 v7, v20;
	v26 =	vld.idx.msk [tilespmem:v45+s17+$0x0], $0xffff  }
0xf1: {  	v50 =	vld.idx.msk [tilespmem:v46+s16+$0x0], $0xffff  }
0xf2: {  	v51 =	vor.u32 v10, v20;
	v28 =	vld.idx.msk [tilespmem:v46+s17+$0x0], $0xffff  }
0xf3: {  	v52 =	vld.idx.msk [tilespmem:v47+s16+$0x0], $0xffff  }
0xf4: {  	v53 =	vor.u32 v11, v20;
	v30 =	vld.idx.msk [tilespmem:v47+s17+$0x0], $0xffff  }
0xf5: {  	v54 =	vld.idx.msk [tilespmem:v49+s16+$0x0], $0xffff  }
0xf6: {  	v55 =	vor.u32 v12, v20;
	v32 =	vld.idx.msk [tilespmem:v49+s17+$0x0], $0xffff  }
0xf7: {  	v56 =	vld.idx.msk [tilespmem:v51+s16+$0x0], $0xffff  }
0xf8: {  	v59 =	vor.u32 v14, v20;
	v34 =	vld.idx.msk [tilespmem:v51+s17+$0x0], $0xffff  }
0xf9: {  	v58 =	vld.idx.msk [tilespmem:v53+s16+$0x0], $0xffff  }
0xfa: {  	v18 =	vor.u32 v2, v20;
	v36 =	vld.idx.msk [tilespmem:v53+s17+$0x0], $0xffff  }
0xfb: {  	v60 =	vld.idx.msk [tilespmem:v55+s16+$0x0], $0xffff  }
0xfc: {  	v17 =	vor.u32 v3, v20;
	v38 =	vld.idx.msk [tilespmem:v55+s17+$0x0], $0xffff  }
0xfd: {  	v40 =	vld.idx.msk [tilespmem:v59+s16+$0x0], $0xffff  }
0xfe: {  	v61 =	vor.u32 v15, v20;
	v42 =	vld.idx.msk [tilespmem:v59+s17+$0x0], $0xffff  }
0xff: {  	v23 =	vld.idx.msk [tilespmem:v18+s16+$0x0], $0xffff  }
0x100: {  	v57 =	vor.u32 v13, v20;
	v20 =	vor.u32 v16, v20;
	v18 =	vld.idx.msk [tilespmem:v18+s17+$0x0], $0xffff  }
0x101: {  	v63 =	vld.idx.msk [tilespmem:v17+s16+$0x0], $0xffff;
	v19 =	vsub.f32 v21, v19  }
0x102: {  	v17 =	vld.idx.msk [tilespmem:v17+s17+$0x0], $0xffff;
	v22 =	vsub.f32 v27, v22;
	v24 =	vsub.f32 v29, v24  }
0x103: {  	v26 =	vsub.f32 v48, v26;
	v28 =	vsub.f32 v50, v28;
	v46 =	vld.idx.msk [tilespmem:v61+s16+$0x0], $0xffff  }
0x104: {  	v45 =	vsub.f32 v52, v30;
	v47 =	vsub.f32 v54, v32;
	v48 =	vld.idx.msk [tilespmem:v61+s17+$0x0], $0xffff  }
0x105: {  	v49 =	vsub.f32 v56, v34;
	v50 =	vld.idx.msk [tilespmem:v20+s16+$0x0], $0xffff;
	v53 =	vsub.f32 v58, v36;
	v19 =	vmul.f32 v19, v19  }
0x106: {  	v20 =	vld.idx.msk [tilespmem:v20+s17+$0x0], $0xffff;
	v54 =	vsub.f32 v60, v38;
	v22 =	vmul.f32 v22, v22;
	v24 =	vmul.f32 v24, v24  }
0x107: {  	v62 =	vld.idx.msk [tilespmem:v57+s16+$0x0], $0xffff;
	v18 =	vsub.f32 v23, v18;
	v26 =	vmul.f32 v26, v26;
	v28 =	vmul.f32 v28, v28  }
0x108: {  	v29 =	vmul.f32 v45, v45;
	v51 =	vmul.f32 v47, v47;
	v17 =	vsub.f32 v63, v17;
	v63 =	vld.idx.msk [tilespmem:v57+s17+$0x0], $0xffff  }
0x109: {  	v55 =	vsub.f32 v40, v42;
	v52 =	vmul.f32 v49, v49;
	v56 =	vmul.f32 v54, v54  }
0x10a: {  	v18 =	vmul.f32 v18, v18;
	v19 =	vadd.f32 v24, v19;
	v22 =	vadd.f32 v29, v22  }
0x10b: {  	v57 =	vsub.f32 v46, v48;
	v20 =	vsub.f32 v50, v20;
	v17 =	vmul.f32 v17, v17  }
0x10c: {  	v23 =	vmul.f32 v55, v55;
	v18 =	vadd.f32 v26, v18;
	v19 =	vadd.f32 v51, v19  }
0x10d: {  	v24 =	vmul.f32 v53, v53;
	v17 =	vadd.f32 v28, v17;
	v21 =	vsub.f32 v62, v63  }
0x10e: {  	v22 =	vadd.f32 v56, v22;
	v20 =	vmul.f32 v20, v20;
	v18 =	vadd.f32 v52, v18  }
0x10f: {  	v58 =	vmul.f32 v57, v57;
	v17 =	vadd.f32 v24, v17;
	v21 =	vmul.f32 v21, v21  }
0x110: {  	v20 =	vadd.f32 v20, v22;
	v18 =	vadd.f32 v23, v18  }
0x111: {  	v17 =	vadd.f32 v58, v17;
	v19 =	vadd.f32 v21, v19;
	_ =	sdelay $0x1  }
0x112: {  	v17 =	vadd.f32 v20, v17;
	v18 =	vadd.f32 v18, v19;
	_ =	sdelay $0x1  }
0x113: {  	v17 =	vadd.f32 v17, v18;
	_ =	sdelay $0x1  }
0x114: {  	v18 =	vshra.s32 v17, $0x1;
	v19 =	vmul.f32 $5.000000000e-01, v17  }
0x115: {  	v18 =	vsub.s32 $0x5F3759DF, v18  }
0x116: {  	v59 =	vmul.f32 v18, v19;
	_ =	sdelay $0x1  }
0x117: {  	v20 =	vmul.f32 v18, v59;
	_ =	sdelay $0x1  }
0x118: {  	v20 =	vsub.f32 $1.500000000e+00, v20;
	_ =	sdelay $0x1  }
0x119: {  	v18 =	vmul.f32 v18, v20;
	_ =	sdelay $0x1  }
0x11a: {  	v19 =	vmul.f32 v18, v19;
	_ =	sdelay $0x1  }
0x11b: {  	s0 =	sadd.s32 $0xFFFFFFE0, s1;
	v19 =	vmul.f32 v19, v18  }
0x11c: {  	v60 =	vmov s0  }
0x11d: {  	v20 =	vshll.u32 v60, $0x4;
	v19 =	vsub.f32 $1.500000000e+00, v19  }
0x11e: {  	v20 =	vor.u32 v1, v20  }
0x11f: {  	v18 =	vmul.f32 v19, v18;
	v19 =	vor.u32 v0, v20;
	_ =	sdelay $0x1  }
0x120: {  	v61 =	vor.u32 v4, v20;
	v17 =	vmul.f32 v18, v17;
	_ =	sdelay $0x1  }
0x121: {  	v62 =	vor.u32 v5, v20;
	[tilespmem:s26+$0xFFFFFFF0] =	vst v17  }
0x122: {  	v21 =	vld.idx.msk [tilespmem:v19+s16+$0x0], $0xffff  }
0x123: {  	v45 =	vor.u32 v6, v20;
	v19 =	vld.idx.msk [tilespmem:v19+s17+$0x0], $0xffff  }
0x124: {  	v27 =	vld.idx.msk [tilespmem:v61+s16+$0x0], $0xffff  }
0x125: {  	v46 =	vor.u32 v8, v20;
	v22 =	vld.idx.msk [tilespmem:v61+s17+$0x0], $0xffff  }
0x126: {  	v29 =	vld.idx.msk [tilespmem:v62+s16+$0x0], $0xffff  }
0x127: {  	v47 =	vor.u32 v9, v20;
	v24 =	vld.idx.msk [tilespmem:v62+s17+$0x0], $0xffff  }
0x128: {  	v48 =	vld.idx.msk [tilespmem:v45+s16+$0x0], $0xffff  }
0x129: {  	v49 =	vor.u32 v7, v20;
	v26 =	vld.idx.msk [tilespmem:v45+s17+$0x0], $0xffff  }
0x12a: {  	v50 =	vld.idx.msk [tilespmem:v46+s16+$0x0], $0xffff  }
0x12b: {  	v51 =	vor.u32 v10, v20;
	v28 =	vld.idx.msk [tilespmem:v46+s17+$0x0], $0xffff  }
0x12c: {  	v52 =	vld.idx.msk [tilespmem:v47+s16+$0x0], $0xffff  }
0x12d: {  	v53 =	vor.u32 v11, v20;
	v30 =	vld.idx.msk [tilespmem:v47+s17+$0x0], $0xffff  }
0x12e: {  	v54 =	vld.idx.msk [tilespmem:v49+s16+$0x0], $0xffff  }
0x12f: {  	v55 =	vor.u32 v12, v20;
	v32 =	vld.idx.msk [tilespmem:v49+s17+$0x0], $0xffff  }
0x130: {  	v56 =	vld.idx.msk [tilespmem:v51+s16+$0x0], $0xffff  }
0x131: {  	v59 =	vor.u32 v14, v20;
	v34 =	vld.idx.msk [tilespmem:v51+s17+$0x0], $0xffff  }
0x132: {  	v58 =	vld.idx.msk [tilespmem:v53+s16+$0x0], $0xffff  }
0x133: {  	v18 =	vor.u32 v2, v20;
	v36 =	vld.idx.msk [tilespmem:v53+s17+$0x0], $0xffff  }
0x134: {  	v60 =	vld.idx.msk [tilespmem:v55+s16+$0x0], $0xffff  }
0x135: {  	v17 =	vor.u32 v3, v20;
	v38 =	vld.idx.msk [tilespmem:v55+s17+$0x0], $0xffff  }
0x136: {  	v40 =	vld.idx.msk [tilespmem:v59+s16+$0x0], $0xffff  }
0x137: {  	v61 =	vor.u32 v15, v20;
	v42 =	vld.idx.msk [tilespmem:v59+s17+$0x0], $0xffff  }
0x138: {  	v23 =	vld.idx.msk [tilespmem:v18+s16+$0x0], $0xffff  }
0x139: {  	v57 =	vor.u32 v13, v20;
	v20 =	vor.u32 v16, v20;
	v18 =	vld.idx.msk [tilespmem:v18+s17+$0x0], $0xffff  }
0x13a: {  	v63 =	vld.idx.msk [tilespmem:v17+s16+$0x0], $0xffff;
	v19 =	vsub.f32 v21, v19  }
0x13b: {  	v17 =	vld.idx.msk [tilespmem:v17+s17+$0x0], $0xffff;
	v22 =	vsub.f32 v27, v22;
	v24 =	vsub.f32 v29, v24  }
0x13c: {  	v26 =	vsub.f32 v48, v26;
	v28 =	vsub.f32 v50, v28;
	v46 =	vld.idx.msk [tilespmem:v61+s16+$0x0], $0xffff  }
0x13d: {  	v45 =	vsub.f32 v52, v30;
	v47 =	vsub.f32 v54, v32;
	v48 =	vld.idx.msk [tilespmem:v61+s17+$0x0], $0xffff  }
0x13e: {  	v49 =	vsub.f32 v56, v34;
	v50 =	vld.idx.msk [tilespmem:v20+s16+$0x0], $0xffff;
	v53 =	vsub.f32 v58, v36;
	v19 =	vmul.f32 v19, v19  }
0x13f: {  	v20 =	vld.idx.msk [tilespmem:v20+s17+$0x0], $0xffff;
	v54 =	vsub.f32 v60, v38;
	v22 =	vmul.f32 v22, v22;
	v24 =	vmul.f32 v24, v24  }
0x140: {  	v62 =	vld.idx.msk [tilespmem:v57+s16+$0x0], $0xffff;
	v18 =	vsub.f32 v23, v18;
	v26 =	vmul.f32 v26, v26;
	v28 =	vmul.f32 v28, v28  }
0x141: {  	v29 =	vmul.f32 v45, v45;
	v51 =	vmul.f32 v47, v47;
	v17 =	vsub.f32 v63, v17;
	v63 =	vld.idx.msk [tilespmem:v57+s17+$0x0], $0xffff  }
0x142: {  	v55 =	vsub.f32 v40, v42;
	v52 =	vmul.f32 v49, v49;
	v56 =	vmul.f32 v54, v54  }
0x143: {  	v18 =	vmul.f32 v18, v18;
	v19 =	vadd.f32 v24, v19;
	v22 =	vadd.f32 v29, v22  }
0x144: {  	v57 =	vsub.f32 v46, v48;
	v20 =	vsub.f32 v50, v20;
	v17 =	vmul.f32 v17, v17  }
0x145: {  	v23 =	vmul.f32 v55, v55;
	v18 =	vadd.f32 v26, v18;
	v19 =	vadd.f32 v51, v19  }
0x146: {  	v24 =	vmul.f32 v53, v53;
	v17 =	vadd.f32 v28, v17;
	v21 =	vsub.f32 v62, v63  }
0x147: {  	v22 =	vadd.f32 v56, v22;
	v20 =	vmul.f32 v20, v20;
	v18 =	vadd.f32 v52, v18  }
0x148: {  	v58 =	vmul.f32 v57, v57;
	v17 =	vadd.f32 v24, v17;
	v21 =	vmul.f32 v21, v21  }
0x149: {  	v20 =	vadd.f32 v20, v22;
	v18 =	vadd.f32 v23, v18  }
0x14a: {  	v17 =	vadd.f32 v58, v17;
	v19 =	vadd.f32 v21, v19;
	_ =	sdelay $0x1  }
0x14b: {  	v17 =	vadd.f32 v20, v17;
	v18 =	vadd.f32 v18, v19;
	_ =	sdelay $0x1  }
0x14c: {  	v17 =	vadd.f32 v17, v18;
	_ =	sdelay $0x1  }
0x14d: {  	v18 =	vshra.s32 v17, $0x1;
	v19 =	vmul.f32 $5.000000000e-01, v17  }
0x14e: {  	v18 =	vsub.s32 $0x5F3759DF, v18  }
0x14f: {  	v59 =	vmul.f32 v18, v19;
	_ =	sdelay $0x1  }
0x150: {  	v20 =	vmul.f32 v18, v59;
	_ =	sdelay $0x1  }
0x151: {  	v20 =	vsub.f32 $1.500000000e+00, v20;
	_ =	sdelay $0x1  }
0x152: {  	v18 =	vmul.f32 v18, v20;
	_ =	sdelay $0x1  }
0x153: {  	v19 =	vmul.f32 v18, v19;
	_ =	sdelay $0x1  }
0x154: {  	s0 =	sadd.s32 $0xFFFFFFF0, s1;
	v19 =	vmul.f32 v19, v18  }
0x155: {  	v60 =	vmov s0  }
0x156: {  	v20 =	vshll.u32 v60, $0x4;
	v19 =	vsub.f32 $1.500000000e+00, v19  }
0x157: {  	v20 =	vor.u32 v1, v20  }
0x158: {  	v18 =	vmul.f32 v19, v18;
	v19 =	vor.u32 v0, v20;
	_ =	sdelay $0x1  }
0x159: {  	v61 =	vor.u32 v4, v20;
	v17 =	vmul.f32 v18, v17;
	_ =	sdelay $0x1  }
0x15a: {  	v62 =	vor.u32 v5, v20;
	[tilespmem:s26+$0x0] =	vst v17  }
0x15b: {  	v21 =	vld.idx.msk [tilespmem:v19+s16+$0x0], $0xffff  }
0x15c: {  	v45 =	vor.u32 v6, v20;
	v19 =	vld.idx.msk [tilespmem:v19+s17+$0x0], $0xffff  }
0x15d: {  	v27 =	vld.idx.msk [tilespmem:v61+s16+$0x0], $0xffff  }
0x15e: {  	v46 =	vor.u32 v8, v20;
	v22 =	vld.idx.msk [tilespmem:v61+s17+$0x0], $0xffff  }
0x15f: {  	v29 =	vld.idx.msk [tilespmem:v62+s16+$0x0], $0xffff  }
0x160: {  	v47 =	vor.u32 v9, v20;
	v24 =	vld.idx.msk [tilespmem:v62+s17+$0x0], $0xffff  }
0x161: {  	v48 =	vld.idx.msk [tilespmem:v45+s16+$0x0], $0xffff  }
0x162: {  	v49 =	vor.u32 v7, v20;
	v26 =	vld.idx.msk [tilespmem:v45+s17+$0x0], $0xffff  }
0x163: {  	v50 =	vld.idx.msk [tilespmem:v46+s16+$0x0], $0xffff  }
0x164: {  	v51 =	vor.u32 v10, v20;
	v28 =	vld.idx.msk [tilespmem:v46+s17+$0x0], $0xffff  }
0x165: {  	v52 =	vld.idx.msk [tilespmem:v47+s16+$0x0], $0xffff  }
0x166: {  	v53 =	vor.u32 v11, v20;
	v30 =	vld.idx.msk [tilespmem:v47+s17+$0x0], $0xffff  }
0x167: {  	v54 =	vld.idx.msk [tilespmem:v49+s16+$0x0], $0xffff  }
0x168: {  	v55 =	vor.u32 v12, v20;
	v32 =	vld.idx.msk [tilespmem:v49+s17+$0x0], $0xffff  }
0x169: {  	v56 =	vld.idx.msk [tilespmem:v51+s16+$0x0], $0xffff  }
0x16a: {  	v59 =	vor.u32 v14, v20;
	v34 =	vld.idx.msk [tilespmem:v51+s17+$0x0], $0xffff  }
0x16b: {  	v58 =	vld.idx.msk [tilespmem:v53+s16+$0x0], $0xffff  }
0x16c: {  	v18 =	vor.u32 v2, v20;
	v36 =	vld.idx.msk [tilespmem:v53+s17+$0x0], $0xffff  }
0x16d: {  	v60 =	vld.idx.msk [tilespmem:v55+s16+$0x0], $0xffff  }
0x16e: {  	v17 =	vor.u32 v3, v20;
	v38 =	vld.idx.msk [tilespmem:v55+s17+$0x0], $0xffff  }
0x16f: {  	v40 =	vld.idx.msk [tilespmem:v59+s16+$0x0], $0xffff  }
0x170: {  	v61 =	vor.u32 v15, v20;
	v45 =	vld.idx.msk [tilespmem:v59+s17+$0x0], $0xffff  }
0x171: {  	v23 =	vld.idx.msk [tilespmem:v18+s16+$0x0], $0xffff  }
0x172: {  	v57 =	vor.u32 v13, v20;
	v20 =	vor.u32 v16, v20;
	v18 =	vld.idx.msk [tilespmem:v18+s17+$0x0], $0xffff  }
0x173: {  	v63 =	vld.idx.msk [tilespmem:v17+s16+$0x0], $0xffff;
	v19 =	vsub.f32 v21, v19  }
0x174: {  	v17 =	vld.idx.msk [tilespmem:v17+s17+$0x0], $0xffff;
	v22 =	vsub.f32 v27, v22;
	v24 =	vsub.f32 v29, v24  }
0x175: {  	v26 =	vsub.f32 v48, v26;
	v28 =	vsub.f32 v50, v28;
	v47 =	vld.idx.msk [tilespmem:v61+s16+$0x0], $0xffff  }
0x176: {  	v46 =	vsub.f32 v52, v30;
	v48 =	vsub.f32 v54, v32;
	v49 =	vld.idx.msk [tilespmem:v61+s17+$0x0], $0xffff  }
0x177: {  	v50 =	vsub.f32 v56, v34;
	v51 =	vld.idx.msk [tilespmem:v20+s16+$0x0], $0xffff;
	v54 =	vsub.f32 v58, v36;
	v19 =	vmul.f32 v19, v19  }
0x178: {  	v20 =	vld.idx.msk [tilespmem:v20+s17+$0x0], $0xffff;
	v56 =	vsub.f32 v40, v45;
	v22 =	vmul.f32 v22, v22;
	v24 =	vmul.f32 v24, v24  }
0x179: {  	v62 =	vld.idx.msk [tilespmem:v57+s16+$0x0], $0xffff;
	v18 =	vsub.f32 v23, v18;
	v26 =	vmul.f32 v26, v26;
	v28 =	vmul.f32 v28, v28  }
0x17a: {  	v29 =	vmul.f32 v46, v46;
	v52 =	vmul.f32 v48, v48;
	v17 =	vsub.f32 v63, v17;
	v63 =	vld.idx.msk [tilespmem:v57+s17+$0x0], $0xffff  }
0x17b: {  	v55 =	vsub.f32 v60, v38;
	v53 =	vmul.f32 v50, v50;
	v23 =	vmul.f32 v56, v56  }
0x17c: {  	v18 =	vmul.f32 v18, v18;
	v19 =	vadd.f32 v24, v19;
	v22 =	vadd.f32 v29, v22  }
0x17d: {  	v58 =	vsub.f32 v47, v49;
	v20 =	vsub.f32 v51, v20;
	v17 =	vmul.f32 v17, v17  }
0x17e: {  	v57 =	vmul.f32 v55, v55;
	v18 =	vadd.f32 v26, v18;
	v19 =	vadd.f32 v52, v19  }
0x17f: {  	v24 =	vmul.f32 v54, v54;
	v17 =	vadd.f32 v28, v17;
	v21 =	vsub.f32 v62, v63  }
0x180: {  	v22 =	vadd.f32 v57, v22;
	v20 =	vmul.f32 v20, v20;
	v18 =	vadd.f32 v53, v18  }
0x181: {  	v59 =	vmul.f32 v58, v58;
	v17 =	vadd.f32 v24, v17;
	v21 =	vmul.f32 v21, v21  }
0x182: {  	v20 =	vadd.f32 v20, v22;
	v18 =	vadd.f32 v23, v18  }
0x183: {  	v17 =	vadd.f32 v59, v17;
	v19 =	vadd.f32 v21, v19;
	_ =	sdelay $0x1  }
0x184: {  	v17 =	vadd.f32 v20, v17;
	v18 =	vadd.f32 v18, v19;
	_ =	sdelay $0x1  }
0x185: {  	v17 =	vadd.f32 v17, v18;
	_ =	sdelay $0x1  }
0x186: {  	v18 =	vshra.s32 v17, $0x1;
	v19 =	vmul.f32 $5.000000000e-01, v17  }
0x187: {  	v18 =	vsub.s32 $0x5F3759DF, v18  }
0x188: {  	v60 =	vmul.f32 v18, v19;
	_ =	sdelay $0x1  }
0x189: {  	v20 =	vmul.f32 v18, v60;
	_ =	sdelay $0x1  }
0x18a: {  	v20 =	vsub.f32 $1.500000000e+00, v20;
	_ =	sdelay $0x1  }
0x18b: {  	v18 =	vmul.f32 v18, v20;
	_ =	sdelay $0x1  }
0x18c: {  	v19 =	vmul.f32 v18, v19;
	_ =	sdelay $0x1  }
0x18d: {  	v19 =	vmul.f32 v19, v18  }
0x18e: {  	v61 =	vmov s1  }
0x18f: {  	v20 =	vshll.u32 v61, $0x4;
	v19 =	vsub.f32 $1.500000000e+00, v19  }
0x190: {  	v20 =	vor.u32 v1, v20  }
0x191: {  	v18 =	vmul.f32 v19, v18;
	v19 =	vor.u32 v0, v20;
	_ =	sdelay $0x1  }
0x192: {  	v62 =	vor.u32 v4, v20;
	v17 =	vmul.f32 v18, v17;
	_ =	sdelay $0x1  }
0x193: {  	v45 =	vor.u32 v5, v20;
	[tilespmem:s26+$0x10] =	vst v17  }
0x194: {  	v21 =	vld.idx.msk [tilespmem:v19+s16+$0x0], $0xffff  }
0x195: {  	v46 =	vor.u32 v6, v20;
	v19 =	vld.idx.msk [tilespmem:v19+s17+$0x0], $0xffff  }
0x196: {  	v27 =	vld.idx.msk [tilespmem:v62+s16+$0x0], $0xffff  }
0x197: {  	v47 =	vor.u32 v8, v20;
	v22 =	vld.idx.msk [tilespmem:v62+s17+$0x0], $0xffff  }
0x198: {  	v29 =	vld.idx.msk [tilespmem:v45+s16+$0x0], $0xffff  }
0x199: {  	v48 =	vor.u32 v9, v20;
	v24 =	vld.idx.msk [tilespmem:v45+s17+$0x0], $0xffff  }
0x19a: {  	v49 =	vld.idx.msk [tilespmem:v46+s16+$0x0], $0xffff  }
0x19b: {  	v50 =	vor.u32 v7, v20;
	v26 =	vld.idx.msk [tilespmem:v46+s17+$0x0], $0xffff  }
0x19c: {  	v51 =	vld.idx.msk [tilespmem:v47+s16+$0x0], $0xffff  }
0x19d: {  	v52 =	vor.u32 v10, v20;
	v28 =	vld.idx.msk [tilespmem:v47+s17+$0x0], $0xffff  }
0x19e: {  	v53 =	vld.idx.msk [tilespmem:v48+s16+$0x0], $0xffff  }
0x19f: {  	v54 =	vor.u32 v11, v20;
	v30 =	vld.idx.msk [tilespmem:v48+s17+$0x0], $0xffff  }
0x1a0: {  	v55 =	vld.idx.msk [tilespmem:v50+s16+$0x0], $0xffff  }
0x1a1: {  	v56 =	vor.u32 v12, v20;
	v32 =	vld.idx.msk [tilespmem:v50+s17+$0x0], $0xffff  }
0x1a2: {  	v57 =	vld.idx.msk [tilespmem:v52+s16+$0x0], $0xffff  }
0x1a3: {  	v58 =	vor.u32 v13, v20;
	v34 =	vld.idx.msk [tilespmem:v52+s17+$0x0], $0xffff  }
0x1a4: {  	v60 =	vor.u32 v14, v20;
	v59 =	vld.idx.msk [tilespmem:v54+s16+$0x0], $0xffff  }
0x1a5: {  	v18 =	vor.u32 v2, v20;
	v36 =	vld.idx.msk [tilespmem:v54+s17+$0x0], $0xffff  }
0x1a6: {  	v61 =	vld.idx.msk [tilespmem:v56+s16+$0x0], $0xffff  }
0x1a7: {  	v17 =	vor.u32 v3, v20;
	v38 =	vld.idx.msk [tilespmem:v56+s17+$0x0], $0xffff  }
0x1a8: {  	v45 =	vld.idx.msk [tilespmem:v58+s17+$0x0], $0xffff  }
0x1a9: {  	v47 =	vld.idx.msk [tilespmem:v60+s16+$0x0], $0xffff  }
0x1aa: {  	v62 =	vor.u32 v15, v20;
	v63 =	vld.idx.msk [tilespmem:v18+s16+$0x0], $0xffff  }
0x1ab: {  	v18 =	vld.idx.msk [tilespmem:v18+s17+$0x0], $0xffff  }
0x1ac: {  	v20 =	vor.u32 v16, v20;
	v25 =	vld.idx.msk [tilespmem:v17+s16+$0x0], $0xffff  }
0x1ad: {  	v17 =	vld.idx.msk [tilespmem:v17+s17+$0x0], $0xffff;
	v19 =	vsub.f32 v21, v19  }
0x1ae: {  	v22 =	vsub.f32 v27, v22;
	v46 =	vsub.f32 v49, v26;
	v49 =	vld.idx.msk [tilespmem:v60+s17+$0x0], $0xffff  }
0x1af: {  	v24 =	vsub.f32 v29, v24;
	v48 =	vsub.f32 v51, v28;
	v51 =	vld.idx.msk [tilespmem:v62+s16+$0x0], $0xffff  }
0x1b0: {  	v50 =	vsub.f32 v53, v30;
	v52 =	vsub.f32 v55, v32;
	v53 =	vld.idx.msk [tilespmem:v62+s17+$0x0], $0xffff  }
0x1b1: {  	v54 =	vsub.f32 v57, v34;
	v55 =	vld.idx.msk [tilespmem:v20+s16+$0x0], $0xffff;
	v19 =	vmul.f32 v19, v19;
	v22 =	vmul.f32 v22, v22  }
0x1b2: {  	v20 =	vld.idx.msk [tilespmem:v20+s17+$0x0], $0xffff;
	v18 =	vsub.f32 v63, v18;
	v24 =	vmul.f32 v24, v24;
	v27 =	vmul.f32 v48, v48  }
0x1b3: {  	v63 =	vld.idx.msk [tilespmem:v58+s16+$0x0], $0xffff;
	v29 =	vmul.f32 v50, v50;
	v56 =	vmul.f32 v52, v52;
	v58 =	vsub.f32 v59, v36  }
0x1b4: {  	v57 =	vmul.f32 v54, v54;
	v59 =	vsub.f32 v61, v38;
	v17 =	vsub.f32 v25, v17  }
0x1b5: {  	v18 =	vmul.f32 v18, v18;
	v25 =	vmul.f32 v46, v46;
	v19 =	vadd.f32 v24, v19  }
0x1b6: {  	v22 =	vadd.f32 v29, v22;
	v24 =	vmul.f32 v58, v58;
	v60 =	vsub.f32 v47, v49  }
0x1b7: {  	v61 =	vsub.f32 v51, v53;
	v20 =	vsub.f32 v55, v20;
	v17 =	vmul.f32 v17, v17  }
0x1b8: {  	v18 =	vadd.f32 v25, v18;
	v19 =	vadd.f32 v56, v19;
	v25 =	vmul.f32 v59, v59  }
0x1b9: {  	v21 =	vsub.f32 v63, v45;
	v23 =	vmul.f32 v60, v60;
	v17 =	vadd.f32 v27, v17  }
0x1ba: {  	v20 =	vmul.f32 v20, v20;
	v18 =	vadd.f32 v57, v18;
	v22 =	vadd.f32 v25, v22  }
0x1bb: {  	v62 =	vmul.f32 v61, v61;
	v21 =	vmul.f32 v21, v21;
	v17 =	vadd.f32 v24, v17  }
0x1bc: {  	v18 =	vadd.f32 v23, v18;
	v20 =	vadd.f32 v20, v22  }
0x1bd: {  	v19 =	vadd.f32 v21, v19;
	v17 =	vadd.f32 v62, v17;
	_ =	sdelay $0x1  }
0x1be: {  	v18 =	vadd.f32 v18, v19;
	v17 =	vadd.f32 v20, v17;
	_ =	sdelay $0x1  }
0x1bf: {  	v17 =	vadd.f32 v17, v18;
	_ =	sdelay $0x1  }
0x1c0: {  	v18 =	vshra.s32 v17, $0x1;
	v19 =	vmul.f32 $5.000000000e-01, v17  }
0x1c1: {  	v18 =	vsub.s32 $0x5F3759DF, v18  }
0x1c2: {  	v63 =	vmul.f32 v18, v19;
	_ =	sdelay $0x1  }
0x1c3: {  	v20 =	vmul.f32 v18, v63;
	_ =	sdelay $0x1  }
0x1c4: {  	v20 =	vsub.f32 $1.500000000e+00, v20;
	_ =	sdelay $0x1  }
0x1c5: {  	v18 =	vmul.f32 v18, v20;
	_ =	sdelay $0x1  }
0x1c6: {  	v19 =	vmul.f32 v18, v19;
	_ =	sdelay $0x1  }
0x1c7: {  	v19 =	vmul.f32 v19, v18;
	_ =	sdelay $0x1  }
0x1c8: {  	v19 =	vsub.f32 $1.500000000e+00, v19  }
0x1c9: {  	p3 =	sne.s32 s1, $0x4F0  }
.Ltmp6:
0x1ca: {  	v18 =	vmul.f32 v19, v18;
	(pc) =	sbr.rel @p3 .LBB2_8-.Ltmp6, $3  }
0x1cb: {  	_ = 	snop  }
0x1cc: {  	v17 =	vmul.f32 v18, v17;
	_ =	sdelay $0x1  }
0x1cd: {  	s1 =	sadd.s32 $0x50, s1;
	[tilespmem:s26+$0x20] =	vst v17;
	s26 =	sadd.s32 $0x50, s26  }
0x1ce: {  	s0 =	smul.u32 $0xA0, s25;
	_ =	sdelay $0x1  }
0x1cf: {  	s0 =	sadd.s32 s2, s0  }
0x1d0: {  	[hbm4b:s0+s3] =	stream.linear.scatter [tilespmem:s28], [sflag:$0x5], $0x500, $0x38;
	[tilespmem:$0x15E00] =	vst v63  }
.LBB2_10:
.Ltmp7:
0x1d1: {  	(pc) =	sbr.rel @p2 .LBB2_12-.Ltmp7, $1  }
0x1d2: {  	_ =	sdelay $0x3  }
0x1d3: {  	_ =	swait.ge [sflag:s15], $0x500  }
0x1d4: {  	[sflag:s15] =	ssyncset.done $0x0  }
0x1d5: {  	[sflag:s15] =	ssyncadd.s32 $0xFFFFFB00  }
0x1d6: {  	_ =	swait.ge [sflag:s15], $0x500  }
0x1d7: {  	[sflag:s15] =	ssyncset.done $0x0  }
0x1d8: {  	[sflag:s15] =	ssyncadd.s32 $0xFFFFFB00  }
0x1d9: {  	[tilespmem:s16], [sflag:$0x1] =	stream.indirect.gather [hbm4b:s6+s22], $0x10, s3, s22, $0xb8;
	[tilespmem:$0x15E00] =	vst v63  }
0x1da: {  	_ = 	snop  }
0x1db: {  	[tilespmem:s17], [sflag:$0x1] =	stream.indirect.gather [hbm4b:s6+s22], $0x10, s14, s22, $0xb8;
	[tilespmem:$0x15E00] =	vst v63  }
0x1dc: {  	s0 =	simm.s32 $0x1C00  }
0x1dd: {  	[tilespmem:s0], [sflag:$0x1] =	stream.indirect.gather [hbm4b:s6+s22], $0x10, s22, s22, $0xb8;
	[tilespmem:$0x15E00] =	vst v63  }
0x1de: {  	s26 =	simm.s32 $0xA80;
	s1 =	simm.s32 $0xBC00  }
0x1df: {  	[tilespmem:s1], [sflag:$0x1] =	stream.indirect.gather [hbm4b:s6+s22], $0x10, s26, s22, $0xb8;
	[tilespmem:$0x15E00] =	vst v63  }
0x1e0: {  	s25 =	simm.s32 $0x2400;
	s26 =	simm.s32 $0x100  }
0x1e1: {  	[tilespmem:s25], [sflag:$0x1] =	stream.indirect.gather [hbm4b:s6+s22], $0x10, s26, s22, $0xb8;
	[tilespmem:$0x15E00] =	vst v63  }
0x1e2: {  	s25 =	simm.s32 $0xB00;
	s26 =	simm.s32 $0xC400  }
0x1e3: {  	[tilespmem:s26], [sflag:$0x1] =	stream.indirect.gather [hbm4b:s6+s22], $0x10, s25, s22, $0xb8;
	[tilespmem:$0x15E00] =	vst v63  }
0x1e4: {  	s25 =	simm.s32 $0x180;
	s26 =	simm.s32 $0x2C00  }
0x1e5: {  	[tilespmem:s26], [sflag:$0x1] =	stream.indirect.gather [hbm4b:s6+s22], $0x10, s25, s22, $0xb8;
	[tilespmem:$0x15E00] =	vst v63  }
0x1e6: {  	s25 =	simm.s32 $0xB80;
	s26 =	simm.s32 $0xCC00  }
0x1e7: {  	[tilespmem:s26], [sflag:$0x1] =	stream.indirect.gather [hbm4b:s6+s22], $0x10, s25, s22, $0xb8;
	[tilespmem:$0x15E00] =	vst v63  }
0x1e8: {  	s25 =	simm.s32 $0x200;
	s26 =	simm.s32 $0x3400  }
0x1e9: {  	[tilespmem:s26], [sflag:$0x1] =	stream.indirect.gather [hbm4b:s6+s22], $0x10, s25, s22, $0xb8;
	[tilespmem:$0x15E00] =	vst v63  }
0x1ea: {  	s25 =	simm.s32 $0xC00;
	s26 =	simm.s32 $0xD400  }
0x1eb: {  	[tilespmem:s26], [sflag:$0x1] =	stream.indirect.gather [hbm4b:s6+s22], $0x10, s25, s22, $0xb8;
	[tilespmem:$0x15E00] =	vst v63  }
0x1ec: {  	s25 =	simm.s32 $0x280;
	s26 =	simm.s32 $0x3C00  }
0x1ed: {  	[tilespmem:s26], [sflag:$0x1] =	stream.indirect.gather [hbm4b:s6+s22], $0x10, s25, s22, $0xb8;
	[tilespmem:$0x15E00] =	vst v63  }
0x1ee: {  	s25 =	simm.s32 $0xC80;
	s26 =	simm.s32 $0xDC00  }
0x1ef: {  	[tilespmem:s26], [sflag:$0x1] =	stream.indirect.gather [hbm4b:s6+s22], $0x10, s25, s22, $0xb8;
	[tilespmem:$0x15E00] =	vst v63  }
0x1f0: {  	s25 =	simm.s32 $0x300;
	s26 =	simm.s32 $0x4400  }
0x1f1: {  	[tilespmem:s26], [sflag:$0x1] =	stream.indirect.gather [hbm4b:s6+s22], $0x10, s25, s22, $0xb8;
	[tilespmem:$0x15E00] =	vst v63  }
0x1f2: {  	s25 =	simm.s32 $0xD00;
	s26 =	simm.s32 $0xE400  }
0x1f3: {  	[tilespmem:s26], [sflag:$0x1] =	stream.indirect.gather [hbm4b:s6+s22], $0x10, s25, s22, $0xb8;
	[tilespmem:$0x15E00] =	vst v63  }
0x1f4: {  	s25 =	simm.s32 $0x380;
	s26 =	simm.s32 $0x4C00  }
0x1f5: {  	[tilespmem:s26], [sflag:$0x1] =	stream.indirect.gather [hbm4b:s6+s22], $0x10, s25, s22, $0xb8;
	[tilespmem:$0x15E00] =	vst v63  }
0x1f6: {  	s25 =	simm.s32 $0xD80;
	s26 =	simm.s32 $0xEC00  }
0x1f7: {  	[tilespmem:s26], [sflag:$0x1] =	stream.indirect.gather [hbm4b:s6+s22], $0x10, s25, s22, $0xb8;
	[tilespmem:$0x15E00] =	vst v63  }
0x1f8: {  	s25 =	simm.s32 $0x400;
	s26 =	simm.s32 $0x5400  }
0x1f9: {  	[tilespmem:s26], [sflag:$0x1] =	stream.indirect.gather [hbm4b:s6+s22], $0x10, s25, s22, $0xb8;
	[tilespmem:$0x15E00] =	vst v63  }
0x1fa: {  	s25 =	simm.s32 $0xE00;
	s26 =	simm.s32 $0xF400  }
0x1fb: {  	[tilespmem:s26], [sflag:$0x1] =	stream.indirect.gather [hbm4b:s6+s22], $0x10, s25, s22, $0xb8;
	[tilespmem:$0x15E00] =	vst v63  }
0x1fc: {  	s25 =	simm.s32 $0x480;
	s26 =	simm.s32 $0x5C00  }
0x1fd: {  	[tilespmem:s26], [sflag:$0x1] =	stream.indirect.gather [hbm4b:s6+s22], $0x10, s25, s22, $0xb8;
	[tilespmem:$0x15E00] =	vst v63  }
0x1fe: {  	_ = 	snop  }
0x1ff: {  	[tilespmem:s9], [sflag:$0x1] =	stream.indirect.gather [hbm4b:s6+s22], $0x10, s8, s22, $0xb8;
	[tilespmem:$0x15E00] =	vst v63  }
.LBB2_12:
0x200: {  	s0 =	simm.s32 @!p0 $0x2  }
0x201: {  	_ =	swait.ge @!p0 [sflag:s0], $0x5000  }
0x202: {  	s1 =	sadd.s32 s12, s31;
	[sflag:s0] =	ssyncset.done @!p0 $0x0  }
0x203: {  	p2 =	sgt.u32 s1, $0x9C3;
	[sflag:s0] =	ssyncadd.s32 @!p0 $0xFFFFB000  }
0x204: {  	s1 =	smul.u32 @!p2 $0x500, s1;
	_ =	swait.ge @!p0 [sflag:s0], $0x5000  }
0x205: {  	[sflag:s0] =	ssyncset.done @!p0 $0x0  }
0x206: {  	[sflag:s0] =	ssyncadd.s32 @!p0 $0xFFFFB000;
	s0 =	sshrl.u32 @!p2 s1, $0x3  }
0x207: {  	s25 =	simm.s32 @!p2 $0x500;
	s1 =	simm.s32 @!p2 $0x0;
	s0 =	sadd.s32 @!p2 s5, s0  }
0x208: {  	[tilespmem:s25], [sflag:$0x4] =	stream.linear.gather @!p2 [hbm4b:s0+s1], $0x500, $0x38;
	[tilespmem:$0x15E00] =	vst v63  }
0x209: {  	s0 =	sadd.s32 @!p2 $0x61A80, s0;
	s25 =	simm.s32 @!p2 $0xF00  }
0x20a: {  	[tilespmem:s25], [sflag:$0x4] =	stream.linear.gather @!p2 [hbm4b:s0+s1], $0x500, $0x38;
	[tilespmem:$0x15E00] =	vst v63  }
0x20b: {  	p2 =	sgt.u32 @!p1 s23, $0x9C3  }
0x20c: {  	p1 =	por p1, p2  }
.Ltmp8:
0x20d: {  	_ = 	snop;
	(pc) =	sbr.rel @p1 .LBB2_14-.Ltmp8, $1  }
0x20e: {  	_ =	sdelay $0x3  }
0x20f: {  	_ =	swait.ge [sflag:s24], $0x500  }
0x210: {  	[sflag:s24] =	ssyncset.done $0x0  }
0x211: {  	[sflag:s24] =	ssyncadd.s32 $0xFFFFFB00  }
.LBB2_15:
0x212: {  	s1 =	simm.s32 $0x40;
	s25 =	simm.s32 $0x15920  }
.LBB2_16:
0x213: {  	s0 =	sadd.s32 $0xFFFFFFC0, s1  }
0x214: {  	v17 =	vmov s0  }
0x215: {  	v17 =	vshll.u32 v17, $0x4  }
0x216: {  	v17 =	vor.u32 v1, v17  }
0x217: {  	v18 =	vor.u32 v0, v17;
	_ =	sdelay $0x1  }
0x218: {  	v19 =	vor.u32 v2, v17;
	_ =	sdelay $0x1  }
0x219: {  	v20 =	vor.u32 v3, v17  }
0x21a: {  	v21 =	vld.idx.msk [tilespmem:v18+s18+$0x0], $0xffff  }
0x21b: {  	v22 =	vor.u32 v4, v17;
	v18 =	vld.idx.msk [tilespmem:v18+s19+$0x0], $0xffff  }
0x21c: {  	v23 =	vld.idx.msk [tilespmem:v19+s18+$0x0], $0xffff  }
0x21d: {  	v24 =	vor.u32 v5, v17;
	v19 =	vld.idx.msk [tilespmem:v19+s19+$0x0], $0xffff  }
0x21e: {  	v25 =	vld.idx.msk [tilespmem:v20+s18+$0x0], $0xffff  }
0x21f: {  	v26 =	vor.u32 v6, v17;
	v20 =	vld.idx.msk [tilespmem:v20+s19+$0x0], $0xffff  }
0x220: {  	v27 =	vld.idx.msk [tilespmem:v22+s18+$0x0], $0xffff  }
0x221: {  	v28 =	vor.u32 v8, v17;
	v22 =	vld.idx.msk [tilespmem:v22+s19+$0x0], $0xffff  }
0x222: {  	v29 =	vld.idx.msk [tilespmem:v24+s18+$0x0], $0xffff  }
0x223: {  	v30 =	vor.u32 v9, v17;
	v24 =	vld.idx.msk [tilespmem:v24+s19+$0x0], $0xffff  }
0x224: {  	v31 =	vld.idx.msk [tilespmem:v26+s18+$0x0], $0xffff  }
0x225: {  	v32 =	vor.u32 v7, v17;
	v26 =	vld.idx.msk [tilespmem:v26+s19+$0x0], $0xffff  }
0x226: {  	v33 =	vld.idx.msk [tilespmem:v28+s18+$0x0], $0xffff  }
0x227: {  	v34 =	vor.u32 v10, v17;
	v28 =	vld.idx.msk [tilespmem:v28+s19+$0x0], $0xffff  }
0x228: {  	v35 =	vld.idx.msk [tilespmem:v30+s18+$0x0], $0xffff  }
0x229: {  	v36 =	vor.u32 v11, v17;
	v30 =	vld.idx.msk [tilespmem:v30+s19+$0x0], $0xffff  }
0x22a: {  	v37 =	vld.idx.msk [tilespmem:v32+s18+$0x0], $0xffff  }
0x22b: {  	v38 =	vor.u32 v12, v17;
	v32 =	vld.idx.msk [tilespmem:v32+s19+$0x0], $0xffff  }
0x22c: {  	v39 =	vld.idx.msk [tilespmem:v34+s18+$0x0], $0xffff  }
0x22d: {  	v40 =	vor.u32 v13, v17;
	v34 =	vld.idx.msk [tilespmem:v34+s19+$0x0], $0xffff  }
0x22e: {  	v41 =	vld.idx.msk [tilespmem:v36+s18+$0x0], $0xffff  }
0x22f: {  	v42 =	vor.u32 v14, v17;
	v36 =	vld.idx.msk [tilespmem:v36+s19+$0x0], $0xffff  }
0x230: {  	v43 =	vld.idx.msk [tilespmem:v38+s18+$0x0], $0xffff  }
0x231: {  	v44 =	vor.u32 v15, v17;
	v38 =	vld.idx.msk [tilespmem:v38+s19+$0x0], $0xffff  }
0x232: {  	v62 =	vld.idx.msk [tilespmem:v40+s18+$0x0], $0xffff  }
0x233: {  	v17 =	vor.u32 v16, v17;
	v63 =	vld.idx.msk [tilespmem:v40+s19+$0x0], $0xffff  }
0x234: {  	v40 =	vld.idx.msk [tilespmem:v42+s18+$0x0], $0xffff;
	v18 =	vsub.f32 v21, v18;
	v19 =	vsub.f32 v23, v19  }
0x235: {  	v42 =	vld.idx.msk [tilespmem:v42+s19+$0x0], $0xffff;
	v20 =	vsub.f32 v25, v20;
	v22 =	vsub.f32 v27, v22  }
0x236: {  	v46 =	vld.idx.msk [tilespmem:v44+s18+$0x0], $0xffff;
	v24 =	vsub.f32 v29, v24;
	v26 =	vsub.f32 v31, v26  }
0x237: {  	v48 =	vld.idx.msk [tilespmem:v44+s19+$0x0], $0xffff;
	v28 =	vsub.f32 v33, v28;
	v45 =	vsub.f32 v35, v30  }
0x238: {  	v50 =	vld.idx.msk [tilespmem:v17+s18+$0x0], $0xffff;
	v47 =	vsub.f32 v37, v32;
	v49 =	vsub.f32 v39, v34  }
0x239: {  	v17 =	vld.idx.msk [tilespmem:v17+s19+$0x0], $0xffff;
	v53 =	vsub.f32 v41, v36;
	v18 =	vmul.f32 v18, v18;
	v19 =	vmul.f32 v19, v19  }
0x23a: {  	v54 =	vsub.f32 v43, v38;
	v20 =	vmul.f32 v20, v20;
	v22 =	vmul.f32 v22, v22  }
0x23b: {  	v21 =	vsub.f32 v62, v63;
	v24 =	vmul.f32 v24, v24;
	v26 =	vmul.f32 v26, v26  }
0x23c: {  	v55 =	vsub.f32 v40, v42;
	v28 =	vmul.f32 v28, v28;
	v29 =	vmul.f32 v45, v45  }
0x23d: {  	v57 =	vsub.f32 v46, v48;
	v51 =	vmul.f32 v47, v47;
	v52 =	vmul.f32 v49, v49  }
0x23e: {  	v17 =	vsub.f32 v50, v17;
	v56 =	vmul.f32 v54, v54;
	v21 =	vmul.f32 v21, v21  }
0x23f: {  	v23 =	vmul.f32 v55, v55;
	v18 =	vadd.f32 v24, v18;
	v19 =	vadd.f32 v26, v19  }
0x240: {  	v20 =	vadd.f32 v28, v20;
	v22 =	vadd.f32 v29, v22;
	v24 =	vmul.f32 v53, v53  }
0x241: {  	v58 =	vmul.f32 v57, v57;
	v18 =	vadd.f32 v51, v18;
	v19 =	vadd.f32 v52, v19  }
0x242: {  	v17 =	vmul.f32 v17, v17;
	v20 =	vadd.f32 v24, v20;
	v22 =	vadd.f32 v56, v22  }
0x243: {  	v18 =	vadd.f32 v21, v18;
	v19 =	vadd.f32 v23, v19  }
0x244: {  	v20 =	vadd.f32 v58, v20;
	v17 =	vadd.f32 v17, v22;
	_ =	sdelay $0x1  }
0x245: {  	v18 =	vadd.f32 v19, v18;
	v17 =	vadd.f32 v17, v20;
	_ =	sdelay $0x1  }
0x246: {  	v17 =	vadd.f32 v17, v18;
	_ =	sdelay $0x1  }
0x247: {  	v18 =	vshra.s32 v17, $0x1;
	v19 =	vmul.f32 $5.000000000e-01, v17  }
0x248: {  	v18 =	vsub.s32 $0x5F3759DF, v18  }
0x249: {  	v59 =	vmul.f32 v18, v19;
	_ =	sdelay $0x1  }
0x24a: {  	v20 =	vmul.f32 v18, v59;
	_ =	sdelay $0x1  }
0x24b: {  	v20 =	vsub.f32 $1.500000000e+00, v20;
	_ =	sdelay $0x1  }
0x24c: {  	v18 =	vmul.f32 v18, v20;
	_ =	sdelay $0x1  }
0x24d: {  	v19 =	vmul.f32 v18, v19;
	_ =	sdelay $0x1  }
0x24e: {  	s31 =	sadd.s32 $0xFFFFFFD0, s1;
	v19 =	vmul.f32 v19, v18  }
0x24f: {  	v60 =	vmov s31  }
0x250: {  	v20 =	vshll.u32 v60, $0x4;
	v19 =	vsub.f32 $1.500000000e+00, v19  }
0x251: {  	v20 =	vor.u32 v1, v20  }
0x252: {  	v18 =	vmul.f32 v19, v18;
	v19 =	vor.u32 v0, v20;
	_ =	sdelay $0x1  }
0x253: {  	v61 =	vor.u32 v4, v20;
	v17 =	vmul.f32 v18, v17;
	_ =	sdelay $0x1  }
0x254: {  	v62 =	vor.u32 v5, v20;
	[tilespmem:s25+$0xFFFFFFE0] =	vst v17  }
0x255: {  	v21 =	vld.idx.msk [tilespmem:v19+s18+$0x0], $0xffff  }
0x256: {  	v45 =	vor.u32 v6, v20;
	v19 =	vld.idx.msk [tilespmem:v19+s19+$0x0], $0xffff  }
0x257: {  	v27 =	vld.idx.msk [tilespmem:v61+s18+$0x0], $0xffff  }
0x258: {  	v46 =	vor.u32 v8, v20;
	v22 =	vld.idx.msk [tilespmem:v61+s19+$0x0], $0xffff  }
0x259: {  	v29 =	vld.idx.msk [tilespmem:v62+s18+$0x0], $0xffff  }
0x25a: {  	v47 =	vor.u32 v9, v20;
	v24 =	vld.idx.msk [tilespmem:v62+s19+$0x0], $0xffff  }
0x25b: {  	v48 =	vld.idx.msk [tilespmem:v45+s18+$0x0], $0xffff  }
0x25c: {  	v49 =	vor.u32 v7, v20;
	v26 =	vld.idx.msk [tilespmem:v45+s19+$0x0], $0xffff  }
0x25d: {  	v50 =	vld.idx.msk [tilespmem:v46+s18+$0x0], $0xffff  }
0x25e: {  	v51 =	vor.u32 v10, v20;
	v28 =	vld.idx.msk [tilespmem:v46+s19+$0x0], $0xffff  }
0x25f: {  	v52 =	vld.idx.msk [tilespmem:v47+s18+$0x0], $0xffff  }
0x260: {  	v53 =	vor.u32 v11, v20;
	v30 =	vld.idx.msk [tilespmem:v47+s19+$0x0], $0xffff  }
0x261: {  	v54 =	vld.idx.msk [tilespmem:v49+s18+$0x0], $0xffff  }
0x262: {  	v55 =	vor.u32 v12, v20;
	v32 =	vld.idx.msk [tilespmem:v49+s19+$0x0], $0xffff  }
0x263: {  	v56 =	vld.idx.msk [tilespmem:v51+s18+$0x0], $0xffff  }
0x264: {  	v59 =	vor.u32 v14, v20;
	v34 =	vld.idx.msk [tilespmem:v51+s19+$0x0], $0xffff  }
0x265: {  	v58 =	vld.idx.msk [tilespmem:v53+s18+$0x0], $0xffff  }
0x266: {  	v18 =	vor.u32 v2, v20;
	v36 =	vld.idx.msk [tilespmem:v53+s19+$0x0], $0xffff  }
0x267: {  	v60 =	vld.idx.msk [tilespmem:v55+s18+$0x0], $0xffff  }
0x268: {  	v17 =	vor.u32 v3, v20;
	v38 =	vld.idx.msk [tilespmem:v55+s19+$0x0], $0xffff  }
0x269: {  	v40 =	vld.idx.msk [tilespmem:v59+s18+$0x0], $0xffff  }
0x26a: {  	v61 =	vor.u32 v15, v20;
	v42 =	vld.idx.msk [tilespmem:v59+s19+$0x0], $0xffff  }
0x26b: {  	v23 =	vld.idx.msk [tilespmem:v18+s18+$0x0], $0xffff  }
0x26c: {  	v57 =	vor.u32 v13, v20;
	v20 =	vor.u32 v16, v20;
	v18 =	vld.idx.msk [tilespmem:v18+s19+$0x0], $0xffff  }
0x26d: {  	v63 =	vld.idx.msk [tilespmem:v17+s18+$0x0], $0xffff;
	v19 =	vsub.f32 v21, v19  }
0x26e: {  	v17 =	vld.idx.msk [tilespmem:v17+s19+$0x0], $0xffff;
	v22 =	vsub.f32 v27, v22;
	v24 =	vsub.f32 v29, v24  }
0x26f: {  	v26 =	vsub.f32 v48, v26;
	v28 =	vsub.f32 v50, v28;
	v46 =	vld.idx.msk [tilespmem:v61+s18+$0x0], $0xffff  }
0x270: {  	v45 =	vsub.f32 v52, v30;
	v47 =	vsub.f32 v54, v32;
	v48 =	vld.idx.msk [tilespmem:v61+s19+$0x0], $0xffff  }
0x271: {  	v49 =	vsub.f32 v56, v34;
	v50 =	vld.idx.msk [tilespmem:v20+s18+$0x0], $0xffff;
	v53 =	vsub.f32 v58, v36;
	v19 =	vmul.f32 v19, v19  }
0x272: {  	v20 =	vld.idx.msk [tilespmem:v20+s19+$0x0], $0xffff;
	v54 =	vsub.f32 v60, v38;
	v22 =	vmul.f32 v22, v22;
	v24 =	vmul.f32 v24, v24  }
0x273: {  	v62 =	vld.idx.msk [tilespmem:v57+s18+$0x0], $0xffff;
	v18 =	vsub.f32 v23, v18;
	v26 =	vmul.f32 v26, v26;
	v28 =	vmul.f32 v28, v28  }
0x274: {  	v29 =	vmul.f32 v45, v45;
	v51 =	vmul.f32 v47, v47;
	v17 =	vsub.f32 v63, v17;
	v63 =	vld.idx.msk [tilespmem:v57+s19+$0x0], $0xffff  }
0x275: {  	v55 =	vsub.f32 v40, v42;
	v52 =	vmul.f32 v49, v49;
	v56 =	vmul.f32 v54, v54  }
0x276: {  	v18 =	vmul.f32 v18, v18;
	v19 =	vadd.f32 v24, v19;
	v22 =	vadd.f32 v29, v22  }
0x277: {  	v57 =	vsub.f32 v46, v48;
	v20 =	vsub.f32 v50, v20;
	v17 =	vmul.f32 v17, v17  }
0x278: {  	v23 =	vmul.f32 v55, v55;
	v18 =	vadd.f32 v26, v18;
	v19 =	vadd.f32 v51, v19  }
0x279: {  	v24 =	vmul.f32 v53, v53;
	v17 =	vadd.f32 v28, v17;
	v21 =	vsub.f32 v62, v63  }
0x27a: {  	v22 =	vadd.f32 v56, v22;
	v20 =	vmul.f32 v20, v20;
	v18 =	vadd.f32 v52, v18  }
0x27b: {  	v58 =	vmul.f32 v57, v57;
	v17 =	vadd.f32 v24, v17;
	v21 =	vmul.f32 v21, v21  }
0x27c: {  	v20 =	vadd.f32 v20, v22;
	v18 =	vadd.f32 v23, v18  }
0x27d: {  	v17 =	vadd.f32 v58, v17;
	v19 =	vadd.f32 v21, v19;
	_ =	sdelay $0x1  }
0x27e: {  	v17 =	vadd.f32 v20, v17;
	v18 =	vadd.f32 v18, v19;
	_ =	sdelay $0x1  }
0x27f: {  	v17 =	vadd.f32 v17, v18;
	_ =	sdelay $0x1  }
0x280: {  	v18 =	vshra.s32 v17, $0x1;
	v19 =	vmul.f32 $5.000000000e-01, v17  }
0x281: {  	v18 =	vsub.s32 $0x5F3759DF, v18  }
0x282: {  	v59 =	vmul.f32 v18, v19;
	_ =	sdelay $0x1  }
0x283: {  	v20 =	vmul.f32 v18, v59;
	_ =	sdelay $0x1  }
0x284: {  	v20 =	vsub.f32 $1.500000000e+00, v20;
	_ =	sdelay $0x1  }
0x285: {  	v18 =	vmul.f32 v18, v20;
	_ =	sdelay $0x1  }
0x286: {  	v19 =	vmul.f32 v18, v19;
	_ =	sdelay $0x1  }
0x287: {  	s26 =	sadd.s32 $0xFFFFFFE0, s1;
	v19 =	vmul.f32 v19, v18  }
0x288: {  	v60 =	vmov s26  }
0x289: {  	v20 =	vshll.u32 v60, $0x4;
	v19 =	vsub.f32 $1.500000000e+00, v19  }
0x28a: {  	v20 =	vor.u32 v1, v20  }
0x28b: {  	v18 =	vmul.f32 v19, v18;
	v19 =	vor.u32 v0, v20;
	_ =	sdelay $0x1  }
0x28c: {  	v61 =	vor.u32 v4, v20;
	v17 =	vmul.f32 v18, v17;
	_ =	sdelay $0x1  }
0x28d: {  	v62 =	vor.u32 v5, v20;
	[tilespmem:s25+$0xFFFFFFF0] =	vst v17  }
0x28e: {  	v21 =	vld.idx.msk [tilespmem:v19+s18+$0x0], $0xffff  }
0x28f: {  	v45 =	vor.u32 v6, v20;
	v19 =	vld.idx.msk [tilespmem:v19+s19+$0x0], $0xffff  }
0x290: {  	v27 =	vld.idx.msk [tilespmem:v61+s18+$0x0], $0xffff  }
0x291: {  	v46 =	vor.u32 v8, v20;
	v22 =	vld.idx.msk [tilespmem:v61+s19+$0x0], $0xffff  }
0x292: {  	v29 =	vld.idx.msk [tilespmem:v62+s18+$0x0], $0xffff  }
0x293: {  	v47 =	vor.u32 v9, v20;
	v24 =	vld.idx.msk [tilespmem:v62+s19+$0x0], $0xffff  }
0x294: {  	v48 =	vld.idx.msk [tilespmem:v45+s18+$0x0], $0xffff  }
0x295: {  	v49 =	vor.u32 v7, v20;
	v26 =	vld.idx.msk [tilespmem:v45+s19+$0x0], $0xffff  }
0x296: {  	v50 =	vld.idx.msk [tilespmem:v46+s18+$0x0], $0xffff  }
0x297: {  	v51 =	vor.u32 v10, v20;
	v28 =	vld.idx.msk [tilespmem:v46+s19+$0x0], $0xffff  }
0x298: {  	v52 =	vld.idx.msk [tilespmem:v47+s18+$0x0], $0xffff  }
0x299: {  	v53 =	vor.u32 v11, v20;
	v30 =	vld.idx.msk [tilespmem:v47+s19+$0x0], $0xffff  }
0x29a: {  	v54 =	vld.idx.msk [tilespmem:v49+s18+$0x0], $0xffff  }
0x29b: {  	v55 =	vor.u32 v12, v20;
	v32 =	vld.idx.msk [tilespmem:v49+s19+$0x0], $0xffff  }
0x29c: {  	v56 =	vld.idx.msk [tilespmem:v51+s18+$0x0], $0xffff  }
0x29d: {  	v59 =	vor.u32 v14, v20;
	v34 =	vld.idx.msk [tilespmem:v51+s19+$0x0], $0xffff  }
0x29e: {  	v58 =	vld.idx.msk [tilespmem:v53+s18+$0x0], $0xffff  }
0x29f: {  	v18 =	vor.u32 v2, v20;
	v36 =	vld.idx.msk [tilespmem:v53+s19+$0x0], $0xffff  }
0x2a0: {  	v60 =	vld.idx.msk [tilespmem:v55+s18+$0x0], $0xffff  }
0x2a1: {  	v17 =	vor.u32 v3, v20;
	v38 =	vld.idx.msk [tilespmem:v55+s19+$0x0], $0xffff  }
0x2a2: {  	v40 =	vld.idx.msk [tilespmem:v59+s18+$0x0], $0xffff  }
0x2a3: {  	v61 =	vor.u32 v15, v20;
	v42 =	vld.idx.msk [tilespmem:v59+s19+$0x0], $0xffff  }
0x2a4: {  	v23 =	vld.idx.msk [tilespmem:v18+s18+$0x0], $0xffff  }
0x2a5: {  	v57 =	vor.u32 v13, v20;
	v20 =	vor.u32 v16, v20;
	v18 =	vld.idx.msk [tilespmem:v18+s19+$0x0], $0xffff  }
0x2a6: {  	v63 =	vld.idx.msk [tilespmem:v17+s18+$0x0], $0xffff;
	v19 =	vsub.f32 v21, v19  }
0x2a7: {  	v17 =	vld.idx.msk [tilespmem:v17+s19+$0x0], $0xffff;
	v22 =	vsub.f32 v27, v22;
	v24 =	vsub.f32 v29, v24  }
0x2a8: {  	v26 =	vsub.f32 v48, v26;
	v28 =	vsub.f32 v50, v28;
	v46 =	vld.idx.msk [tilespmem:v61+s18+$0x0], $0xffff  }
0x2a9: {  	v45 =	vsub.f32 v52, v30;
	v47 =	vsub.f32 v54, v32;
	v48 =	vld.idx.msk [tilespmem:v61+s19+$0x0], $0xffff  }
0x2aa: {  	v49 =	vsub.f32 v56, v34;
	v50 =	vld.idx.msk [tilespmem:v20+s18+$0x0], $0xffff;
	v53 =	vsub.f32 v58, v36;
	v19 =	vmul.f32 v19, v19  }
0x2ab: {  	v20 =	vld.idx.msk [tilespmem:v20+s19+$0x0], $0xffff;
	v54 =	vsub.f32 v60, v38;
	v22 =	vmul.f32 v22, v22;
	v24 =	vmul.f32 v24, v24  }
0x2ac: {  	v62 =	vld.idx.msk [tilespmem:v57+s18+$0x0], $0xffff;
	v18 =	vsub.f32 v23, v18;
	v26 =	vmul.f32 v26, v26;
	v28 =	vmul.f32 v28, v28  }
0x2ad: {  	v29 =	vmul.f32 v45, v45;
	v51 =	vmul.f32 v47, v47;
	v17 =	vsub.f32 v63, v17;
	v63 =	vld.idx.msk [tilespmem:v57+s19+$0x0], $0xffff  }
0x2ae: {  	v55 =	vsub.f32 v40, v42;
	v52 =	vmul.f32 v49, v49;
	v56 =	vmul.f32 v54, v54  }
0x2af: {  	v18 =	vmul.f32 v18, v18;
	v19 =	vadd.f32 v24, v19;
	v22 =	vadd.f32 v29, v22  }
0x2b0: {  	v57 =	vsub.f32 v46, v48;
	v20 =	vsub.f32 v50, v20;
	v17 =	vmul.f32 v17, v17  }
0x2b1: {  	v23 =	vmul.f32 v55, v55;
	v18 =	vadd.f32 v26, v18;
	v19 =	vadd.f32 v51, v19  }
0x2b2: {  	v24 =	vmul.f32 v53, v53;
	v17 =	vadd.f32 v28, v17;
	v21 =	vsub.f32 v62, v63  }
0x2b3: {  	v22 =	vadd.f32 v56, v22;
	v20 =	vmul.f32 v20, v20;
	v18 =	vadd.f32 v52, v18  }
0x2b4: {  	v58 =	vmul.f32 v57, v57;
	v17 =	vadd.f32 v24, v17;
	v21 =	vmul.f32 v21, v21  }
0x2b5: {  	v20 =	vadd.f32 v20, v22;
	v18 =	vadd.f32 v23, v18  }
0x2b6: {  	v17 =	vadd.f32 v58, v17;
	v19 =	vadd.f32 v21, v19;
	_ =	sdelay $0x1  }
0x2b7: {  	v17 =	vadd.f32 v20, v17;
	v18 =	vadd.f32 v18, v19;
	_ =	sdelay $0x1  }
0x2b8: {  	v17 =	vadd.f32 v17, v18;
	_ =	sdelay $0x1  }
0x2b9: {  	v18 =	vshra.s32 v17, $0x1;
	v19 =	vmul.f32 $5.000000000e-01, v17  }
0x2ba: {  	v18 =	vsub.s32 $0x5F3759DF, v18  }
0x2bb: {  	v59 =	vmul.f32 v18, v19;
	_ =	sdelay $0x1  }
0x2bc: {  	v20 =	vmul.f32 v18, v59;
	_ =	sdelay $0x1  }
0x2bd: {  	v20 =	vsub.f32 $1.500000000e+00, v20;
	_ =	sdelay $0x1  }
0x2be: {  	v18 =	vmul.f32 v18, v20;
	_ =	sdelay $0x1  }
0x2bf: {  	v19 =	vmul.f32 v18, v19;
	_ =	sdelay $0x1  }
0x2c0: {  	s31 =	sadd.s32 $0xFFFFFFF0, s1;
	v19 =	vmul.f32 v19, v18  }
0x2c1: {  	v60 =	vmov s31  }
0x2c2: {  	v20 =	vshll.u32 v60, $0x4;
	v19 =	vsub.f32 $1.500000000e+00, v19  }
0x2c3: {  	v20 =	vor.u32 v1, v20  }
0x2c4: {  	v18 =	vmul.f32 v19, v18;
	v19 =	vor.u32 v0, v20;
	_ =	sdelay $0x1  }
0x2c5: {  	v61 =	vor.u32 v4, v20;
	v17 =	vmul.f32 v18, v17;
	_ =	sdelay $0x1  }
0x2c6: {  	v62 =	vor.u32 v5, v20;
	[tilespmem:s25+$0x0] =	vst v17  }
0x2c7: {  	v21 =	vld.idx.msk [tilespmem:v19+s18+$0x0], $0xffff  }
0x2c8: {  	v45 =	vor.u32 v6, v20;
	v19 =	vld.idx.msk [tilespmem:v19+s19+$0x0], $0xffff  }
0x2c9: {  	v27 =	vld.idx.msk [tilespmem:v61+s18+$0x0], $0xffff  }
0x2ca: {  	v46 =	vor.u32 v8, v20;
	v22 =	vld.idx.msk [tilespmem:v61+s19+$0x0], $0xffff  }
0x2cb: {  	v29 =	vld.idx.msk [tilespmem:v62+s18+$0x0], $0xffff  }
0x2cc: {  	v47 =	vor.u32 v9, v20;
	v24 =	vld.idx.msk [tilespmem:v62+s19+$0x0], $0xffff  }
0x2cd: {  	v48 =	vld.idx.msk [tilespmem:v45+s18+$0x0], $0xffff  }
0x2ce: {  	v49 =	vor.u32 v7, v20;
	v26 =	vld.idx.msk [tilespmem:v45+s19+$0x0], $0xffff  }
0x2cf: {  	v50 =	vld.idx.msk [tilespmem:v46+s18+$0x0], $0xffff  }
0x2d0: {  	v51 =	vor.u32 v10, v20;
	v28 =	vld.idx.msk [tilespmem:v46+s19+$0x0], $0xffff  }
0x2d1: {  	v52 =	vld.idx.msk [tilespmem:v47+s18+$0x0], $0xffff  }
0x2d2: {  	v53 =	vor.u32 v11, v20;
	v30 =	vld.idx.msk [tilespmem:v47+s19+$0x0], $0xffff  }
0x2d3: {  	v54 =	vld.idx.msk [tilespmem:v49+s18+$0x0], $0xffff  }
0x2d4: {  	v55 =	vor.u32 v12, v20;
	v32 =	vld.idx.msk [tilespmem:v49+s19+$0x0], $0xffff  }
0x2d5: {  	v56 =	vld.idx.msk [tilespmem:v51+s18+$0x0], $0xffff  }
0x2d6: {  	v59 =	vor.u32 v14, v20;
	v34 =	vld.idx.msk [tilespmem:v51+s19+$0x0], $0xffff  }
0x2d7: {  	v58 =	vld.idx.msk [tilespmem:v53+s18+$0x0], $0xffff  }
0x2d8: {  	v18 =	vor.u32 v2, v20;
	v36 =	vld.idx.msk [tilespmem:v53+s19+$0x0], $0xffff  }
0x2d9: {  	v60 =	vld.idx.msk [tilespmem:v55+s18+$0x0], $0xffff  }
0x2da: {  	v17 =	vor.u32 v3, v20;
	v38 =	vld.idx.msk [tilespmem:v55+s19+$0x0], $0xffff  }
0x2db: {  	v40 =	vld.idx.msk [tilespmem:v59+s18+$0x0], $0xffff  }
0x2dc: {  	v61 =	vor.u32 v15, v20;
	v45 =	vld.idx.msk [tilespmem:v59+s19+$0x0], $0xffff  }
0x2dd: {  	v23 =	vld.idx.msk [tilespmem:v18+s18+$0x0], $0xffff  }
0x2de: {  	v57 =	vor.u32 v13, v20;
	v20 =	vor.u32 v16, v20;
	v18 =	vld.idx.msk [tilespmem:v18+s19+$0x0], $0xffff  }
0x2df: {  	v63 =	vld.idx.msk [tilespmem:v17+s18+$0x0], $0xffff;
	v19 =	vsub.f32 v21, v19  }
0x2e0: {  	v17 =	vld.idx.msk [tilespmem:v17+s19+$0x0], $0xffff;
	v22 =	vsub.f32 v27, v22;
	v24 =	vsub.f32 v29, v24  }
0x2e1: {  	v26 =	vsub.f32 v48, v26;
	v28 =	vsub.f32 v50, v28;
	v47 =	vld.idx.msk [tilespmem:v61+s18+$0x0], $0xffff  }
0x2e2: {  	v46 =	vsub.f32 v52, v30;
	v48 =	vsub.f32 v54, v32;
	v49 =	vld.idx.msk [tilespmem:v61+s19+$0x0], $0xffff  }
0x2e3: {  	v50 =	vsub.f32 v56, v34;
	v51 =	vld.idx.msk [tilespmem:v20+s18+$0x0], $0xffff;
	v54 =	vsub.f32 v58, v36;
	v19 =	vmul.f32 v19, v19  }
0x2e4: {  	v20 =	vld.idx.msk [tilespmem:v20+s19+$0x0], $0xffff;
	v56 =	vsub.f32 v40, v45;
	v22 =	vmul.f32 v22, v22;
	v24 =	vmul.f32 v24, v24  }
0x2e5: {  	v62 =	vld.idx.msk [tilespmem:v57+s18+$0x0], $0xffff;
	v18 =	vsub.f32 v23, v18;
	v26 =	vmul.f32 v26, v26;
	v28 =	vmul.f32 v28, v28  }
0x2e6: {  	v29 =	vmul.f32 v46, v46;
	v52 =	vmul.f32 v48, v48;
	v17 =	vsub.f32 v63, v17;
	v63 =	vld.idx.msk [tilespmem:v57+s19+$0x0], $0xffff  }
0x2e7: {  	v55 =	vsub.f32 v60, v38;
	v53 =	vmul.f32 v50, v50;
	v23 =	vmul.f32 v56, v56  }
0x2e8: {  	v18 =	vmul.f32 v18, v18;
	v19 =	vadd.f32 v24, v19;
	v22 =	vadd.f32 v29, v22  }
0x2e9: {  	v58 =	vsub.f32 v47, v49;
	v20 =	vsub.f32 v51, v20;
	v17 =	vmul.f32 v17, v17  }
0x2ea: {  	v57 =	vmul.f32 v55, v55;
	v18 =	vadd.f32 v26, v18;
	v19 =	vadd.f32 v52, v19  }
0x2eb: {  	v24 =	vmul.f32 v54, v54;
	v17 =	vadd.f32 v28, v17;
	v21 =	vsub.f32 v62, v63  }
0x2ec: {  	v22 =	vadd.f32 v57, v22;
	v20 =	vmul.f32 v20, v20;
	v18 =	vadd.f32 v53, v18  }
0x2ed: {  	v59 =	vmul.f32 v58, v58;
	v17 =	vadd.f32 v24, v17;
	v21 =	vmul.f32 v21, v21  }
0x2ee: {  	v20 =	vadd.f32 v20, v22;
	v18 =	vadd.f32 v23, v18  }
0x2ef: {  	v17 =	vadd.f32 v59, v17;
	v19 =	vadd.f32 v21, v19;
	_ =	sdelay $0x1  }
0x2f0: {  	v17 =	vadd.f32 v20, v17;
	v18 =	vadd.f32 v18, v19;
	_ =	sdelay $0x1  }
0x2f1: {  	v17 =	vadd.f32 v17, v18;
	_ =	sdelay $0x1  }
0x2f2: {  	v18 =	vshra.s32 v17, $0x1;
	v19 =	vmul.f32 $5.000000000e-01, v17  }
0x2f3: {  	v18 =	vsub.s32 $0x5F3759DF, v18  }
0x2f4: {  	v60 =	vmul.f32 v18, v19;
	_ =	sdelay $0x1  }
0x2f5: {  	v20 =	vmul.f32 v18, v60;
	_ =	sdelay $0x1  }
0x2f6: {  	v20 =	vsub.f32 $1.500000000e+00, v20;
	_ =	sdelay $0x1  }
0x2f7: {  	v18 =	vmul.f32 v18, v20;
	_ =	sdelay $0x1  }
0x2f8: {  	v19 =	vmul.f32 v18, v19;
	_ =	sdelay $0x1  }
0x2f9: {  	v19 =	vmul.f32 v19, v18  }
0x2fa: {  	v61 =	vmov s1  }
0x2fb: {  	v20 =	vshll.u32 v61, $0x4;
	v19 =	vsub.f32 $1.500000000e+00, v19  }
0x2fc: {  	v20 =	vor.u32 v1, v20  }
0x2fd: {  	v18 =	vmul.f32 v19, v18;
	v19 =	vor.u32 v0, v20;
	_ =	sdelay $0x1  }
0x2fe: {  	v62 =	vor.u32 v4, v20;
	v17 =	vmul.f32 v18, v17;
	_ =	sdelay $0x1  }
0x2ff: {  	v45 =	vor.u32 v5, v20;
	[tilespmem:s25+$0x10] =	vst v17  }
0x300: {  	v21 =	vld.idx.msk [tilespmem:v19+s18+$0x0], $0xffff  }
0x301: {  	v46 =	vor.u32 v6, v20;
	v19 =	vld.idx.msk [tilespmem:v19+s19+$0x0], $0xffff  }
0x302: {  	v27 =	vld.idx.msk [tilespmem:v62+s18+$0x0], $0xffff  }
0x303: {  	v47 =	vor.u32 v8, v20;
	v22 =	vld.idx.msk [tilespmem:v62+s19+$0x0], $0xffff  }
0x304: {  	v29 =	vld.idx.msk [tilespmem:v45+s18+$0x0], $0xffff  }
0x305: {  	v48 =	vor.u32 v9, v20;
	v24 =	vld.idx.msk [tilespmem:v45+s19+$0x0], $0xffff  }
0x306: {  	v49 =	vld.idx.msk [tilespmem:v46+s18+$0x0], $0xffff  }
0x307: {  	v50 =	vor.u32 v7, v20;
	v26 =	vld.idx.msk [tilespmem:v46+s19+$0x0], $0xffff  }
0x308: {  	v51 =	vld.idx.msk [tilespmem:v47+s18+$0x0], $0xffff  }
0x309: {  	v52 =	vor.u32 v10, v20;
	v28 =	vld.idx.msk [tilespmem:v47+s19+$0x0], $0xffff  }
0x30a: {  	v53 =	vld.idx.msk [tilespmem:v48+s18+$0x0], $0xffff  }
0x30b: {  	v54 =	vor.u32 v11, v20;
	v30 =	vld.idx.msk [tilespmem:v48+s19+$0x0], $0xffff  }
0x30c: {  	v55 =	vld.idx.msk [tilespmem:v50+s18+$0x0], $0xffff  }
0x30d: {  	v56 =	vor.u32 v12, v20;
	v32 =	vld.idx.msk [tilespmem:v50+s19+$0x0], $0xffff  }
0x30e: {  	v57 =	vld.idx.msk [tilespmem:v52+s18+$0x0], $0xffff  }
0x30f: {  	v58 =	vor.u32 v13, v20;
	v34 =	vld.idx.msk [tilespmem:v52+s19+$0x0], $0xffff  }
0x310: {  	v60 =	vor.u32 v14, v20;
	v59 =	vld.idx.msk [tilespmem:v54+s18+$0x0], $0xffff  }
0x311: {  	v18 =	vor.u32 v2, v20;
	v36 =	vld.idx.msk [tilespmem:v54+s19+$0x0], $0xffff  }
0x312: {  	v61 =	vld.idx.msk [tilespmem:v56+s18+$0x0], $0xffff  }
0x313: {  	v17 =	vor.u32 v3, v20;
	v38 =	vld.idx.msk [tilespmem:v56+s19+$0x0], $0xffff  }
0x314: {  	v45 =	vld.idx.msk [tilespmem:v58+s19+$0x0], $0xffff  }
0x315: {  	v47 =	vld.idx.msk [tilespmem:v60+s18+$0x0], $0xffff  }
0x316: {  	v62 =	vor.u32 v15, v20;
	v63 =	vld.idx.msk [tilespmem:v18+s18+$0x0], $0xffff  }
0x317: {  	v18 =	vld.idx.msk [tilespmem:v18+s19+$0x0], $0xffff  }
0x318: {  	v20 =	vor.u32 v16, v20;
	v25 =	vld.idx.msk [tilespmem:v17+s18+$0x0], $0xffff  }
0x319: {  	v17 =	vld.idx.msk [tilespmem:v17+s19+$0x0], $0xffff;
	v19 =	vsub.f32 v21, v19  }
0x31a: {  	v22 =	vsub.f32 v27, v22;
	v46 =	vsub.f32 v49, v26;
	v49 =	vld.idx.msk [tilespmem:v60+s19+$0x0], $0xffff  }
0x31b: {  	v24 =	vsub.f32 v29, v24;
	v48 =	vsub.f32 v51, v28;
	v51 =	vld.idx.msk [tilespmem:v62+s18+$0x0], $0xffff  }
0x31c: {  	v50 =	vsub.f32 v53, v30;
	v52 =	vsub.f32 v55, v32;
	v53 =	vld.idx.msk [tilespmem:v62+s19+$0x0], $0xffff  }
0x31d: {  	v54 =	vsub.f32 v57, v34;
	v55 =	vld.idx.msk [tilespmem:v20+s18+$0x0], $0xffff;
	v19 =	vmul.f32 v19, v19;
	v22 =	vmul.f32 v22, v22  }
0x31e: {  	v20 =	vld.idx.msk [tilespmem:v20+s19+$0x0], $0xffff;
	v18 =	vsub.f32 v63, v18;
	v24 =	vmul.f32 v24, v24;
	v27 =	vmul.f32 v48, v48  }
0x31f: {  	v63 =	vld.idx.msk [tilespmem:v58+s18+$0x0], $0xffff;
	v29 =	vmul.f32 v50, v50;
	v56 =	vmul.f32 v52, v52;
	v58 =	vsub.f32 v59, v36  }
0x320: {  	v57 =	vmul.f32 v54, v54;
	v59 =	vsub.f32 v61, v38;
	v17 =	vsub.f32 v25, v17  }
0x321: {  	v18 =	vmul.f32 v18, v18;
	v25 =	vmul.f32 v46, v46;
	v19 =	vadd.f32 v24, v19  }
0x322: {  	v22 =	vadd.f32 v29, v22;
	v24 =	vmul.f32 v58, v58;
	v60 =	vsub.f32 v47, v49  }
0x323: {  	v61 =	vsub.f32 v51, v53;
	v20 =	vsub.f32 v55, v20;
	v17 =	vmul.f32 v17, v17  }
0x324: {  	v18 =	vadd.f32 v25, v18;
	v19 =	vadd.f32 v56, v19;
	v25 =	vmul.f32 v59, v59  }
0x325: {  	v21 =	vsub.f32 v63, v45;
	v23 =	vmul.f32 v60, v60;
	v17 =	vadd.f32 v27, v17  }
0x326: {  	v20 =	vmul.f32 v20, v20;
	v18 =	vadd.f32 v57, v18;
	v22 =	vadd.f32 v25, v22  }
0x327: {  	v62 =	vmul.f32 v61, v61;
	v21 =	vmul.f32 v21, v21;
	v17 =	vadd.f32 v24, v17  }
0x328: {  	v18 =	vadd.f32 v23, v18;
	v20 =	vadd.f32 v20, v22  }
0x329: {  	v19 =	vadd.f32 v21, v19;
	v17 =	vadd.f32 v62, v17;
	_ =	sdelay $0x1  }
0x32a: {  	v18 =	vadd.f32 v18, v19;
	v17 =	vadd.f32 v20, v17;
	_ =	sdelay $0x1  }
0x32b: {  	v17 =	vadd.f32 v17, v18;
	_ =	sdelay $0x1  }
0x32c: {  	v18 =	vshra.s32 v17, $0x1;
	v19 =	vmul.f32 $5.000000000e-01, v17  }
0x32d: {  	v18 =	vsub.s32 $0x5F3759DF, v18  }
0x32e: {  	v63 =	vmul.f32 v18, v19;
	_ =	sdelay $0x1  }
0x32f: {  	v20 =	vmul.f32 v18, v63;
	_ =	sdelay $0x1  }
0x330: {  	v20 =	vsub.f32 $1.500000000e+00, v20;
	_ =	sdelay $0x1  }
0x331: {  	v18 =	vmul.f32 v18, v20;
	_ =	sdelay $0x1  }
0x332: {  	v19 =	vmul.f32 v18, v19;
	_ =	sdelay $0x1  }
0x333: {  	v19 =	vmul.f32 v19, v18;
	_ =	sdelay $0x1  }
0x334: {  	v19 =	vsub.f32 $1.500000000e+00, v19  }
0x335: {  	p0 =	sne.s32 s1, $0x4F0  }
.Ltmp9:
0x336: {  	v18 =	vmul.f32 v19, v18;
	(pc) =	sbr.rel @p0 .LBB2_16-.Ltmp9, $3  }
0x337: {  	_ = 	snop  }
0x338: {  	v17 =	vmul.f32 v18, v17;
	_ =	sdelay $0x1  }
0x339: {  	s1 =	sadd.s32 $0x50, s1;
	[tilespmem:s25+$0x20] =	vst v17;
	s25 =	sadd.s32 $0x50, s25  }
.Ltmp10:
0x33a: {  	_ = 	snop;
	(pc) =	sbr.rel .LBB2_17-.Ltmp10, $1  }
0x33b: {  	_ =	sdelay $0x3  }
.LBB2_6:
.Ltmp11:
0x33c: {  	(pc) =	sbr.rel @p3 .LBB2_10-.Ltmp11, $4  }
.Ltmp12:
0x33d: {  	(pc) =	sbr.rel @!p3 .LBB2_7-.Ltmp12, $4  }
0x33e: {  	_ = 	snop  }
0x33f: {  	_ = 	snop  }
0x340: {  	_ = 	snop  }
0x341: {  	_ = 	snop  }
.LBB2_14:
.Ltmp13:
0x342: {  	(pc) =	sbr.rel @p0 .LBB2_18-.Ltmp13, $4  }
.Ltmp14:
0x343: {  	(pc) =	sbr.rel @!p0 .LBB2_15-.Ltmp14, $4  }
0x344: {  	_ = 	snop  }
0x345: {  	_ = 	snop  }
0x346: {  	_ = 	snop  }
0x347: {  	_ = 	snop  }
.LBB2_20:
0x348: {  	_ =	sfence.sel $0x180000  }
0x349: {  	[bflag:$0x0] =	sbarrier.arrive $0xFFFF  }
0x34a: {  	_ =	strace $0x90000047  }
0x34b: {  	s0 =	stileid.u32;
	[bflag:$0x2] =	sbarrier.arrive $0xFFFF  }
0x34c: {  	p0 =	sne.s32 s0, $0x0;
	s0 =	rddreg [dreg:$0x2]  }
0x34d: {  	s0 =	sadd.s32 @!p0 $0x100000, s0  }
0x34e: {  	[sflag:s0] =	ssyncadd.tile.s32 @!p0 $0x1;
	_ =	shalt  }
.Lfunc_end2:
_tile_overlayer_lowered:
.L_overlay_start_2:
0x34f: {  	(tag) =	ssettag $0x2  }
0x350: {  	s0 =	rddreg [dreg:$0x0];
	s2 =	stileid.u32  }
0x351: {  	s1 =	rddreg [dreg:$0x1];
	p0 =	sne.s32 s2, $0x0  }
0x352: {  	s3 =	rddreg [dreg:$0x2];
	[bflag:$0x3] =	sbarrier.arrive $0xFFFF;
	s2 =	simm.s32 @!p0 $0x1C07  }
0x353: {  	[timem:s3], [sflag:s2] =	dma.local @!p0 [hbm:s0], s1  }
0x354: {  	s0 =	simm.s32 @!p0 $0x7  }
0x355: {  	_ =	swait.ge @!p0 [sflag:s0], s1  }
0x356: {  	s1 =	ssub.s32 @!p0 $0x0, s1;
	[sflag:s0] =	ssyncset.done @!p0 $0x0  }
0x357: {  	[sflag:s0] =	ssyncadd.s32 @!p0 s1  }
0x358: {  	[bflag:$0x3] =	sbarrier.arrive $0xFFFF  }
0x359: {  	_ =	shalt  }

</sc_bundles>
